<compile_context>
chip_gen: v7x
topology: tpu7x:2x2x1
jax: 0.10.2.dev20260603
libtpu: 0.0.44.dev20260713+nightly
codegen_flags: <defaults>
</compile_context>

<pallas_src>
import functools

import jax
import jax.numpy as jnp
from jax import lax
from jax.experimental import pallas as pl
from jax.experimental.pallas import tpu as pltpu
from jax.experimental.pallas import tpu_sc as plsc

N = 10000
NPAD = 10240
E = 320000
G = 128
F = 16
H = 128
HH = 64
NG = 64
CUTOFF = 10.0

NC = 2
NS = 16
L = 16
NW = NC * NS
EPW = E // NW

f32 = jnp.float32
i32 = jnp.int32


def _relu(x):
    return jnp.maximum(x, 0.0)


def _dot(a, b):
    return jnp.dot(a.astype(jnp.bfloat16), b.astype(jnp.bfloat16),
                   preferred_element_type=f32)


GCH = 2000
GNC = EPW // GCH


def _geom_body(pos4_hbm, posT4_hbm, src_hbm, dst_hbm,
               dx_hbm, dy_hbm, dz_hbm, d2_hbm, d2T_hbm,
               pos_v, posT_v, src_v, dst_v, dx_v, dy_v, dz_v, d2_v, d2T_v):
    c = lax.axis_index("c")
    s = lax.axis_index("s")
    wid = s * NC + c
    base0 = wid * EPW
    pltpu.sync_copy(pos4_hbm, pos_v)
    pltpu.sync_copy(posT4_hbm, posT_v)

    def chunk(k, carry):
        base = base0 + k * GCH
        pltpu.sync_copy(src_hbm.at[pl.ds(base, GCH)], src_v)
        pltpu.sync_copy(dst_hbm.at[pl.ds(base, GCH)], dst_v)

        def vec(i, carry2):
            sl = pl.ds(i * L, L)
            si = src_v[sl] * 4
            di = dst_v[sl] * 4
            ax = plsc.load_gather(pos_v, [si]) - plsc.load_gather(pos_v, [di])
            ay = plsc.load_gather(pos_v, [si + 1]) - plsc.load_gather(pos_v, [di + 1])
            az = plsc.load_gather(pos_v, [si + 2]) - plsc.load_gather(pos_v, [di + 2])
            dx_v[sl] = ax
            dy_v[sl] = ay
            dz_v[sl] = az
            d2_v[sl] = ax * ax + ay * ay + az * az
            bx = plsc.load_gather(posT_v, [si]) - plsc.load_gather(posT_v, [di])
            by = plsc.load_gather(posT_v, [si + 1]) - plsc.load_gather(posT_v, [di + 1])
            bz = plsc.load_gather(posT_v, [si + 2]) - plsc.load_gather(posT_v, [di + 2])
            d2T_v[sl] = bx * bx + by * by + bz * bz
            return carry2

        lax.fori_loop(0, GCH // L, vec, 0)
        pltpu.sync_copy(dx_v, dx_hbm.at[pl.ds(base, GCH)])
        pltpu.sync_copy(dy_v, dy_hbm.at[pl.ds(base, GCH)])
        pltpu.sync_copy(dz_v, dz_hbm.at[pl.ds(base, GCH)])
        pltpu.sync_copy(d2_v, d2_hbm.at[pl.ds(base, GCH)])
        pltpu.sync_copy(d2T_v, d2T_hbm.at[pl.ds(base, GCH)])
        return carry

    lax.fori_loop(0, GNC, chunk, 0)


_geom = pl.kernel(
    _geom_body,
    out_type=[jax.ShapeDtypeStruct((E,), f32)] * 5,
    mesh=plsc.VectorSubcoreMesh(core_axis_name="c", subcore_axis_name="s",
                                num_cores=NC, num_subcores=NS),
    compiler_params=pltpu.CompilerParams(needs_layout_passes=False),
    scratch_types=[
        pltpu.VMEM((NPAD * 4,), f32),
        pltpu.VMEM((NPAD * 4,), f32),
        pltpu.VMEM((GCH,), i32),
        pltpu.VMEM((GCH,), i32),
        pltpu.VMEM((GCH,), f32),
        pltpu.VMEM((GCH,), f32),
        pltpu.VMEM((GCH,), f32),
        pltpu.VMEM((GCH,), f32),
        pltpu.VMEM((GCH,), f32),
    ],
)


MK = 80
NMC = EPW // MK
RPT = NPAD // NS


def _msg_body(hm_hbm, gate_hbm, src_hbm, dst_hbm, out_hbm,
              acc_sh, rows_a, rows_b, gbuf_a, gbuf_b,
              srci_a, srci_b, dsti_a, dsti_b,
              sem_ga, sem_gb, sem_la, sem_lb, sem_ia, sem_ib):
    c = lax.axis_index("c")
    s = lax.axis_index("s")
    wid = s * NC + c
    base0 = wid * EPW

    rows = (rows_a, rows_b)
    gbuf = (gbuf_a, gbuf_b)
    srci = (srci_a, srci_b)
    dsti = (dsti_a, dsti_b)
    sem_g = (sem_ga, sem_gb)
    sem_l = (sem_la, sem_lb)
    sem_i = (sem_ia, sem_ib)

    def zrow(r, carry):
        for j in range(H // L):
            gbuf_a[r, pl.ds(j * L, L)] = jnp.zeros((L,), f32)
        return carry

    lax.fori_loop(0, MK, zrow, 0)
    for t in range(RPT // MK):
        pltpu.sync_copy(gbuf_a, acc_sh.at[pl.ds(s * RPT + t * MK, MK)])
    plsc.subcore_barrier()

    def issue_idx(k, x):
        base = base0 + k * MK
        pltpu.async_copy(src_hbm.at[pl.ds(base, MK)], srci[x], sem_i[x])
        pltpu.async_copy(dst_hbm.at[pl.ds(base, MK)], dsti[x], sem_i[x])

    def wait_idx(k, x):
        base = base0 + k * MK
        pltpu.make_async_copy(src_hbm.at[pl.ds(base, MK)], srci[x], sem_i[x]).wait()
        pltpu.make_async_copy(dst_hbm.at[pl.ds(base, MK)], dsti[x], sem_i[x]).wait()

    def issue_main(k, x):
        base = base0 + k * MK
        pltpu.async_copy(hm_hbm.at[srci[x]], rows[x], sem_g[x])
        pltpu.async_copy(gate_hbm.at[pl.ds(base, MK)], gbuf[x], sem_l[x])

    def wait_main(k, x):
        base = base0 + k * MK
        pltpu.make_async_copy(hm_hbm.at[srci[x]], rows[x], sem_g[x]).wait()
        pltpu.make_async_copy(gate_hbm.at[pl.ds(base, MK)], gbuf[x], sem_l[x]).wait()

    def body(k, x):
        y = 1 - x

        @pl.when(k + 1 < NMC)
        def _():
            wait_idx(k + 1, y)
            issue_main(k + 1, y)

        wait_main(k, x)

        def mrow(r, carry2):
            for j in range(H // L):
                sl = pl.ds(j * L, L)
                rows[x][r, sl] = rows[x][r, sl] * gbuf[x][r, sl]
            return carry2

        lax.fori_loop(0, MK, mrow, 0)
        pltpu.sync_copy(rows[x], acc_sh.at[dsti[x]], add=True)

        @pl.when(k + 2 < NMC)
        def _():
            issue_idx(k + 2, x)

    pltpu.sync_copy(src_hbm.at[pl.ds(base0, MK)], srci_a)
    pltpu.sync_copy(dst_hbm.at[pl.ds(base0, MK)], dsti_a)
    issue_main(0, 0)
    issue_idx(1, 1)
    body(0, 0)

    def pair_body(p, carry):
        body(2 * p + 1, 1)
        body(2 * p + 2, 0)
        return carry

    lax.fori_loop(0, (NMC - 1) // 2, pair_body, 0)

    plsc.subcore_barrier()
    for t in range(RPT // 128):
        pltpu.sync_copy(acc_sh.at[pl.ds(s * RPT + t * 128, 128)],
                        out_hbm.at[c, pl.ds(s * RPT + t * 128, 128)])


_msg = pl.kernel(
    _msg_body,
    out_type=jax.ShapeDtypeStruct((NC, NPAD, H), f32),
    mesh=plsc.VectorSubcoreMesh(core_axis_name="c", subcore_axis_name="s",
                                num_cores=NC, num_subcores=NS),
    compiler_params=pltpu.CompilerParams(needs_layout_passes=False),
    scratch_types=[
        pltpu.VMEM_SHARED((NPAD, H), f32),
        pltpu.VMEM((MK, H), f32),
        pltpu.VMEM((MK, H), f32),
        pltpu.VMEM((MK, H), f32),
        pltpu.VMEM((MK, H), f32),
        pltpu.VMEM((MK,), i32),
        pltpu.VMEM((MK,), i32),
        pltpu.VMEM((MK,), i32),
        pltpu.VMEM((MK,), i32),
        pltpu.SemaphoreType.DMA,
        pltpu.SemaphoreType.DMA,
        pltpu.SemaphoreType.DMA,
        pltpu.SemaphoreType.DMA,
        pltpu.SemaphoreType.DMA,
        pltpu.SemaphoreType.DMA,
    ],
)


PK = 200
NPC = EPW // PK


def _pair_body(h2_hbm, src_hbm, dst_hbm, out_hbm,
               rs_a, rs_b, rd_a, rd_b, srci_a, srci_b, dsti_a, dsti_b,
               sem_sa, sem_sb, sem_da, sem_db, sem_ia, sem_ib):
    c = lax.axis_index("c")
    s = lax.axis_index("s")
    wid = s * NC + c
    base0 = wid * EPW

    rs = (rs_a, rs_b)
    rd = (rd_a, rd_b)
    srci = (srci_a, srci_b)
    dsti = (dsti_a, dsti_b)
    sem_s = (sem_sa, sem_sb)
    sem_d = (sem_da, sem_db)
    sem_i = (sem_ia, sem_ib)

    def issue_idx(k, x):
        base = base0 + k * PK
        pltpu.async_copy(src_hbm.at[pl.ds(base, PK)], srci[x], sem_i[x])
        pltpu.async_copy(dst_hbm.at[pl.ds(base, PK)], dsti[x], sem_i[x])

    def wait_idx(k, x):
        base = base0 + k * PK
        pltpu.make_async_copy(src_hbm.at[pl.ds(base, PK)], srci[x], sem_i[x]).wait()
        pltpu.make_async_copy(dst_hbm.at[pl.ds(base, PK)], dsti[x], sem_i[x]).wait()

    def issue_main(k, x):
        pltpu.async_copy(h2_hbm.at[srci[x]], rs[x], sem_s[x])
        pltpu.async_copy(h2_hbm.at[dsti[x]], rd[x], sem_d[x])

    def wait_main(k, x):
        pltpu.make_async_copy(h2_hbm.at[srci[x]], rs[x], sem_s[x]).wait()
        pltpu.make_async_copy(h2_hbm.at[dsti[x]], rd[x], sem_d[x]).wait()

    def body(k, x):
        y = 1 - x

        @pl.when(k + 1 < NPC)
        def _():
            wait_idx(k + 1, y)
            issue_main(k + 1, y)

        wait_main(k, x)

        def mrow(r, carry2):
            for j in range(H // L):
                sl = pl.ds(j * L, L)
                rs[x][r, sl] = rs[x][r, sl] * rd[x][r, sl]
            return carry2

        lax.fori_loop(0, PK, mrow, 0)
        pltpu.sync_copy(rs[x], out_hbm.at[pl.ds(base0 + k * PK, PK)])

        @pl.when(k + 2 < NPC)
        def _():
            issue_idx(k + 2, x)

    pltpu.sync_copy(src_hbm.at[pl.ds(base0, PK)], srci_a)
    pltpu.sync_copy(dst_hbm.at[pl.ds(base0, PK)], dsti_a)
    issue_main(0, 0)
    issue_idx(1, 1)
    body(0, 0)

    def pair_body(p, carry):
        body(2 * p + 1, 1)
        body(2 * p + 2, 0)
        return carry

    lax.fori_loop(0, (NPC - 2) // 2, pair_body, 0)
    body(NPC - 1, 1)


_pair = pl.kernel(
    _pair_body,
    out_type=jax.ShapeDtypeStruct((E, H), f32),
    mesh=plsc.VectorSubcoreMesh(core_axis_name="c", subcore_axis_name="s",
                                num_cores=NC, num_subcores=NS),
    compiler_params=pltpu.CompilerParams(needs_layout_passes=False),
    scratch_types=[
        pltpu.VMEM((PK, H), f32),
        pltpu.VMEM((PK, H), f32),
        pltpu.VMEM((PK, H), f32),
        pltpu.VMEM((PK, H), f32),
        pltpu.VMEM((PK,), i32),
        pltpu.VMEM((PK,), i32),
        pltpu.VMEM((PK,), i32),
        pltpu.VMEM((PK,), i32),
        pltpu.SemaphoreType.DMA,
        pltpu.SemaphoreType.DMA,
        pltpu.SemaphoreType.DMA,
        pltpu.SemaphoreType.DMA,
        pltpu.SemaphoreType.DMA,
        pltpu.SemaphoreType.DMA,
    ],
)


SK = 400
SNC = EPW // SK


def _score_body(gg_hbm, dx_hbm, dy_hbm, dz_hbm, src_hbm, out_hbm,
                acc_v, gg_v, dx_v, dy_v, dz_v, srci_v):
    c = lax.axis_index("c")
    s = lax.axis_index("s")
    wid = s * NC + c

    def zvec(i, carry):
        acc_v[pl.ds(i * L, L)] = jnp.zeros((L,), f32)
        return carry

    lax.fori_loop(0, NPAD * 4 // L, zvec, 0)

    def chunk(k, carry):
        base = wid * EPW + k * SK
        pltpu.sync_copy(gg_hbm.at[pl.ds(base, SK)], gg_v)
        pltpu.sync_copy(dx_hbm.at[pl.ds(base, SK)], dx_v)
        pltpu.sync_copy(dy_hbm.at[pl.ds(base, SK)], dy_v)
        pltpu.sync_copy(dz_hbm.at[pl.ds(base, SK)], dz_v)
        pltpu.sync_copy(src_hbm.at[pl.ds(base, SK)], srci_v)

        def vec(i, carry2):
            sl = pl.ds(i * L, L)
            gv = gg_v[sl]
            idx = srci_v[sl] * 4
            plsc.addupdate_scatter(acc_v, [idx], gv * dx_v[sl])
            plsc.addupdate_scatter(acc_v, [idx + 1], gv * dy_v[sl])
            plsc.addupdate_scatter(acc_v, [idx + 2], gv * dz_v[sl])
            return carry2

        lax.fori_loop(0, SK // L, vec, 0)
        return carry

    lax.fori_loop(0, SNC, chunk, 0)
    pltpu.sync_copy(acc_v, out_hbm.at[wid])


_score = pl.kernel(
    _score_body,
    out_type=jax.ShapeDtypeStruct((NW, NPAD * 4), f32),
    mesh=plsc.VectorSubcoreMesh(core_axis_name="c", subcore_axis_name="s",
                                num_cores=NC, num_subcores=NS),
    compiler_params=pltpu.CompilerParams(needs_layout_passes=False),
    scratch_types=[
        pltpu.VMEM((NPAD * 4,), f32),
        pltpu.VMEM((SK,), f32),
        pltpu.VMEM((SK,), f32),
        pltpu.VMEM((SK,), f32),
        pltpu.VMEM((SK,), f32),
        pltpu.VMEM((SK,), i32),
    ],
)


BX = 4096
NBX = NPAD * 4 // BX


def _redsum_body(part_r, out_r):
    out_r[...] = jnp.sum(part_r[...], axis=0, keepdims=True)


_redsum = pl.pallas_call(
    _redsum_body,
    grid=(NBX,),
    in_specs=[pl.BlockSpec((NW, BX), lambda i: (0, i))],
    out_specs=[pl.BlockSpec((1, BX), lambda i: (0, i))],
    out_shape=[jax.ShapeDtypeStruct((1, NPAD * 4), f32)],
)


BE = 1280
NBE = E // BE


def _edge1_body(d2_r, d2T_r, etr_r, etp_r,
                rbfW_r, rbfb_r, bemb_r, Wc1_r, bc1_r, Wc2_r, bc2_r,
                We0_r, We1_r, Wg1_r, bg1_r,
                gate0_o, gate1_o, eb_o, invd_o):
    delta = CUTOFF / (NG - 1)
    coeff = -0.5 / (delta * delta)
    offs = lax.broadcasted_iota(i32, (1, NG), 1).astype(f32) * delta
    dd = jnp.sqrt(d2_r[0, 0, :] + 1e-12)
    ddT = jnp.sqrt(d2T_r[0, 0, :] + 1e-12)
    r1 = jnp.exp(coeff * (dd[:, None] - offs) ** 2)
    r2 = jnp.exp(coeff * (ddT[:, None] - offs) ** 2)
    rfeat = jnp.concatenate([r1, r2], axis=1)
    mlp = _relu(_dot(rfeat, rbfW_r[...]) + rbfb_r[...])
    ohr = (etr_r[0, 0, :][:, None] == lax.broadcasted_iota(i32, (1, 32), 1)).astype(f32)
    ohp = (etp_r[0, 0, :][:, None] == lax.broadcasted_iota(i32, (1, 32), 1)).astype(f32)
    br = _dot(ohr, bemb_r[...])
    bp = _dot(ohp, bemb_r[...])
    u = _relu(_dot(mlp * br, Wc1_r[:H]) + _dot(mlp * bp, Wc1_r[H:]) + bc1_r[...])
    ea = _dot(u, Wc2_r[...]) + bc2_r[...]
    gate0_o[...] = _relu(_dot(ea, We0_r[...]))
    gate1_o[...] = _relu(_dot(ea, We1_r[...]))
    eb_o[...] = (_dot(ea, Wg1_r[H:]) + bg1_r[...]).astype(jnp.bfloat16)
    invd_o[0, 0, :] = 1.0 / dd


def _full(shape):
    return pl.BlockSpec(shape, lambda i: tuple(0 for _ in shape))


_edge1 = pl.pallas_call(
    _edge1_body,
    grid=(NBE,),
    in_specs=[
        pl.BlockSpec((1, 1, BE), lambda i: (i, 0, 0)),
        pl.BlockSpec((1, 1, BE), lambda i: (i, 0, 0)),
        pl.BlockSpec((1, 1, BE), lambda i: (i, 0, 0)),
        pl.BlockSpec((1, 1, BE), lambda i: (i, 0, 0)),
        _full((2 * NG, H)), _full((1, H)), _full((32, H)),
        _full((2 * H, H)), _full((1, H)), _full((H, H)), _full((1, H)),
        _full((H, H)), _full((H, H)), _full((2 * H, H)), _full((1, H)),
    ],
    out_specs=[
        pl.BlockSpec((BE, H), lambda i: (i, 0)),
        pl.BlockSpec((BE, H), lambda i: (i, 0)),
        pl.BlockSpec((BE, H), lambda i: (i, 0)),
        pl.BlockSpec((1, 1, BE), lambda i: (i, 0, 0)),
    ],
    out_shape=[
        jax.ShapeDtypeStruct((E, H), f32),
        jax.ShapeDtypeStruct((E, H), f32),
        jax.ShapeDtypeStruct((E, H), jnp.bfloat16),
        jax.ShapeDtypeStruct((NBE, 1, BE), f32),
    ],
)


BN = 1024
NBN = NPAD // BN


def _node0_body(at_r, bat_r, rf_r, pf_r, t_r, aemb_r, fW_r, Wt_r, Wm_r,
                h0_o, hm0_o):
    oha = (at_r[0, 0, :][:, None] == lax.broadcasted_iota(i32, (1, 100), 1)).astype(f32)
    ae = _dot(oha, aemb_r[...])
    fr = _dot(rf_r[...], fW_r[...])
    fp = _dot(pf_r[...], fW_r[...])
    z = jnp.concatenate([ae + fr, fp - fr], axis=1)
    ohb = (bat_r[0, 0, :][:, None] == lax.broadcasted_iota(i32, (1, G), 1)).astype(f32)
    tn = _dot(ohb, t_r[...])
    h0 = z + tn * Wt_r[...]
    h0_o[...] = h0
    hm0_o[...] = _dot(h0, Wm_r[...])


_node0 = pl.pallas_call(
    _node0_body,
    grid=(NBN,),
    in_specs=[
        pl.BlockSpec((1, 1, BN), lambda i: (i, 0, 0)),
        pl.BlockSpec((1, 1, BN), lambda i: (i, 0, 0)),
        pl.BlockSpec((BN, F), lambda i: (i, 0)),
        pl.BlockSpec((BN, F), lambda i: (i, 0)),
        _full((G, 1)), _full((100, HH)), _full((F, HH)), _full((1, H)),
        _full((H, H)),
    ],
    out_specs=[
        pl.BlockSpec((BN, H), lambda i: (i, 0)),
        pl.BlockSpec((BN, H), lambda i: (i, 0)),
    ],
    out_shape=[
        jax.ShapeDtypeStruct((NPAD, H), f32),
        jax.ShapeDtypeStruct((NPAD, H), f32),
    ],
)


def _upd_body(part_r, h_r, Wu_r, Wm_r, h_o, hm_o):
    agg = part_r[0] + part_r[1]
    h = h_r[...] + _relu(_dot(agg, Wu_r[...]))
    h_o[...] = h
    hm_o[...] = _dot(h, Wm_r[...])


_upd = pl.pallas_call(
    _upd_body,
    grid=(NBN,),
    in_specs=[
        pl.BlockSpec((2, BN, H), lambda i: (0, i, 0)),
        pl.BlockSpec((BN, H), lambda i: (i, 0)),
        _full((H, H)), _full((H, H)),
    ],
    out_specs=[
        pl.BlockSpec((BN, H), lambda i: (i, 0)),
        pl.BlockSpec((BN, H), lambda i: (i, 0)),
    ],
    out_shape=[
        jax.ShapeDtypeStruct((NPAD, H), f32),
        jax.ShapeDtypeStruct((NPAD, H), f32),
    ],
)


def _head_body(pair_r, eb_r, invd_r, Wg1_r, Wg2_r, bg2_r, Wg3_r, bg3_r, gg_o):
    g1 = _relu(_dot(pair_r[...], Wg1_r[:H]) + eb_r[...].astype(f32))
    g2 = _relu(_dot(g1, Wg2_r[...]) + bg2_r[...])
    g3 = jnp.sum(g2 * Wg3_r[...], axis=1) + bg3_r[0, 0]
    gg_o[0, 0, :] = g3 * invd_r[0, 0, :]


_head = pl.pallas_call(
    _head_body,
    grid=(NBE,),
    in_specs=[
        pl.BlockSpec((BE, H), lambda i: (i, 0)),
        pl.BlockSpec((BE, H), lambda i: (i, 0)),
        pl.BlockSpec((1, 1, BE), lambda i: (i, 0, 0)),
        _full((2 * H, H)), _full((H, HH)), _full((1, HH)),
        _full((1, HH)), _full((1, 1)),
    ],
    out_specs=[pl.BlockSpec((1, 1, BE), lambda i: (i, 0, 0))],
    out_shape=[jax.ShapeDtypeStruct((NBE, 1, BE), f32)],
)


def kernel(atom_type, r_feat, p_feat, edge_index, edge_type_r, edge_type_p, t,
           pos, pos_T, batch, atom_emb, feat_W, bond_emb, rbf_W, rbf_b,
           Wc1, bc1, Wc2, bc2, Wt, Wedge0, Wmsg0, Wupd0, Wedge1, Wmsg1, Wupd1,
           Wg1, bg1, Wg2, bg2, Wg3, bg3):
    src = edge_index[0].astype(i32)
    dst = edge_index[1].astype(i32)
    pos4 = jnp.pad(pos.astype(f32), ((0, NPAD - N), (0, 1))).reshape(-1)
    posT4 = jnp.pad(pos_T.astype(f32), ((0, NPAD - N), (0, 1))).reshape(-1)

    dx, dy, dz, d2, d2T = _geom(pos4, posT4, src, dst)

    gate0, gate1, eb, invd3 = _edge1(
        d2.reshape(NBE, 1, BE), d2T.reshape(NBE, 1, BE),
        edge_type_r.astype(i32).reshape(NBE, 1, BE),
        edge_type_p.astype(i32).reshape(NBE, 1, BE),
        rbf_W, rbf_b.reshape(1, H), bond_emb, Wc1, bc1.reshape(1, H),
        Wc2, bc2.reshape(1, H), Wedge0, Wedge1, Wg1, bg1.reshape(1, H))

    at_p = jnp.pad(atom_type.astype(i32), (0, NPAD - N)).reshape(NBN, 1, BN)
    bat_p = jnp.pad(batch.astype(i32), (0, NPAD - N)).reshape(NBN, 1, BN)
    rf_p = jnp.pad(r_feat.astype(f32), ((0, NPAD - N), (0, 0)))
    pf_p = jnp.pad(p_feat.astype(f32), ((0, NPAD - N), (0, 0)))
    h0, hm0 = _node0(at_p, bat_p, rf_p, pf_p, t.reshape(G, 1),
                     atom_emb, feat_W, Wt, Wmsg0)

    part0 = _msg(hm0, gate0, src, dst)
    h1, hm1 = _upd(part0, h0, Wupd0, Wmsg1)
    part1 = _msg(hm1, gate1, src, dst)
    h2, _unused = _upd(part1, h1, Wupd1, Wmsg1)

    pairp = _pair(h2, src, dst)
    gg3, = _head(pairp, eb, invd3, Wg1, Wg2, bg2.reshape(1, HH),
                 Wg3.reshape(1, HH), bg3.reshape(1, 1))

    parts = _score(gg3.reshape(E), dx, dy, dz, src)
    tot, = _redsum(parts)
    return tot.reshape(NPAD, 4)[:N, :3]

# --- scband reference (transcript-rebuilt; emitter-appended) ---
"""Pipeline reference for scband-condense-encoder-eps-network-60773787238882 (READ-ONLY COPY).

The authoritative reference and input builder live on the scoring server;
editing this copy changes nothing except your own understanding.
"""

import jax, jax.numpy as jnp
import numpy as np

N = 10000
E = 320000
G = 128
F = 16
H = 128
HH = 64
NG = 64
CUTOFF = 10.0


def _rbf(d):
    # d: [E, 1] -> [E, NG] gaussian smearing
    offsets = jnp.linspace(0.0, CUTOFF, NG)
    coeff = -0.5 / (offsets[1] - offsets[0]) ** 2
    return jnp.exp(coeff * (d - offsets[None, :]) ** 2)


def setup_inputs(seed: int = 0) -> dict:
    key = jax.random.key(seed)
    ks = jax.random.split(key, 40)
    s = 0.05
    inp = {}
    inp['atom_type'] = jax.random.randint(ks[0], (N,), 0, 100)
    inp['r_feat'] = jax.random.normal(ks[1], (N, F), dtype=jnp.float32)
    inp['p_feat'] = jax.random.normal(ks[2], (N, F), dtype=jnp.float32)
    inp['edge_index'] = jax.random.randint(ks[3], (2, E), 0, N)
    inp['edge_type_r'] = jax.random.randint(ks[4], (E,), 0, 5)
    inp['edge_type_p'] = jax.random.randint(ks[5], (E,), 0, 5)
    inp['t'] = jax.random.uniform(ks[6], (G,), dtype=jnp.float32)
    inp['pos'] = jax.random.normal(ks[7], (N, 3), dtype=jnp.float32)
    inp['pos_T'] = jax.random.normal(ks[8], (N, 3), dtype=jnp.float32)
    inp['batch'] = jnp.sort(jax.random.randint(ks[9], (N,), 0, G))
    # learned parameters
    inp['atom_emb'] = jax.random.normal(ks[10], (100, HH), dtype=jnp.float32) * s
    inp['feat_W'] = jax.random.normal(ks[11], (F, HH), dtype=jnp.float32) * s
    inp['bond_emb'] = jax.random.normal(ks[12], (32, H), dtype=jnp.float32) * s
    inp['rbf_W'] = jax.random.normal(ks[13], (2 * NG, H), dtype=jnp.float32) * s
    inp['rbf_b'] = jnp.zeros((H,), dtype=jnp.float32)
    inp['Wc1'] = jax.random.normal(ks[14], (2 * H, H), dtype=jnp.float32) * s
    inp['bc1'] = jnp.zeros((H,), dtype=jnp.float32)
    inp['Wc2'] = jax.random.normal(ks[15], (H, H), dtype=jnp.float32) * s
    inp['bc2'] = jnp.zeros((H,), dtype=jnp.float32)
    inp['Wt'] = jax.random.normal(ks[16], (1, H), dtype=jnp.float32) * s
    inp['Wedge0'] = jax.random.normal(ks[17], (H, H), dtype=jnp.float32) * s
    inp['Wmsg0'] = jax.random.normal(ks[18], (H, H), dtype=jnp.float32) * s
    inp['Wupd0'] = jax.random.normal(ks[19], (H, H), dtype=jnp.float32) * s
    inp['Wedge1'] = jax.random.normal(ks[20], (H, H), dtype=jnp.float32) * s
    inp['Wmsg1'] = jax.random.normal(ks[21], (H, H), dtype=jnp.float32) * s
    inp['Wupd1'] = jax.random.normal(ks[22], (H, H), dtype=jnp.float32) * s
    inp['Wg1'] = jax.random.normal(ks[23], (2 * H, H), dtype=jnp.float32) * s
    inp['bg1'] = jnp.zeros((H,), dtype=jnp.float32)
    inp['Wg2'] = jax.random.normal(ks[24], (H, HH), dtype=jnp.float32) * s
    inp['bg2'] = jnp.zeros((HH,), dtype=jnp.float32)
    inp['Wg3'] = jax.random.normal(ks[25], (HH, 1), dtype=jnp.float32) * s
    inp['bg3'] = jnp.zeros((1,), dtype=jnp.float32)
    return inp


def reference(atom_type, r_feat, p_feat, edge_index, edge_type_r, edge_type_p, t,
              pos, pos_T, batch, atom_emb, feat_W, bond_emb, rbf_W, rbf_b,
              Wc1, bc1, Wc2, bc2, Wt, Wedge0, Wmsg0, Wupd0, Wedge1, Wmsg1, Wupd1,
              Wg1, bg1, Wg2, bg2, Wg3, bg3):
    src = edge_index[0]
    dst = edge_index[1]
    # node embedding: z = cat(atom_emb + feat_emb_r, feat_emb_p - feat_emb_r)
    t_node = jnp.take(t, batch, axis=0)[:, None]
    ae = jnp.take(atom_emb, atom_type, axis=0)
    fr = r_feat @ feat_W
    fp = p_feat @ feat_W
    z = jnp.concatenate([ae + fr, fp - fr], axis=-1)  # [N, H]
    # edge lengths on noisy and initial geometry
    dvec = jnp.take(pos, src, axis=0) - jnp.take(pos, dst, axis=0)
    d = jnp.sqrt(jnp.sum(dvec ** 2, axis=-1, keepdims=True) + 1e-12)  # [E,1]
    dvec_T = jnp.take(pos_T, src, axis=0) - jnp.take(pos_T, dst, axis=0)
    d_T = jnp.sqrt(jnp.sum(dvec_T ** 2, axis=-1, keepdims=True) + 1e-12)
    # condensed edge embedding (bond_w_d): rbf-mlp gated by bond embeddings, then edge_cat
    rfeat = jnp.concatenate([_rbf(d), _rbf(d_T)], axis=-1)  # [E, 2*NG]
    mlp_d = jax.nn.relu(rfeat @ rbf_W + rbf_b)  # [E, H]
    attr_r = mlp_d * jnp.take(bond_emb, edge_type_r, axis=0)
    attr_p = mlp_d * jnp.take(bond_emb, edge_type_p, axis=0)
    ea = jnp.concatenate([attr_r, attr_p], axis=-1)
    edge_attr = jax.nn.relu(ea @ Wc1 + bc1) @ Wc2 + bc2  # [E, H]
    # SchNet-style encoder with time conditioning
    h = z + t_node @ Wt
    for (We, Wm, Wu) in ((Wedge0, Wmsg0, Wupd0), (Wedge1, Wmsg1, Wupd1)):
        gate = jax.nn.relu(edge_attr @ We)  # [E, H]
        msg = jnp.take(h, src, axis=0) @ Wm * gate  # [E, H]
        agg = jax.ops.segment_sum(msg, dst, num_segments=N)  # [N, H]
        h = h + jax.nn.relu(agg @ Wu)
    # grad_dist_mlp: mixture of two nodewise features + edge features -> scalar per edge
    pair = jnp.concatenate([jnp.take(h, src, axis=0) * jnp.take(h, dst, axis=0), edge_attr], axis=-1)  # [E, 2H]
    g = jax.nn.relu(pair @ Wg1 + bg1)
    g = jax.nn.relu(g @ Wg2 + bg2)
    g = g @ Wg3 + bg3  # [E, 1] gradient wrt edge length
    # chain rule to positions: d d / d pos_src = dvec / d
    score_pos = jax.ops.segment_sum(g * (dvec / d), src, num_segments=N)  # [N, 3]
    return score_pos

if __name__ == "__main__":
    import jax
    _d = setup_inputs()
    print(jax.jit(kernel)(*tuple(_d.values())))

</pallas_src>

<mosaic_0001>
#map = affine_map<(d0, d1) -> (0)>
module attributes {stable_mosaic.version = 14 : i64} {
  func.func @_geom_body(%arg0: i32, %arg1: i32, %arg2: memref<40960xf32, #tpu.memory_space<hbm>>, %arg3: memref<40960xf32, #tpu.memory_space<hbm>>, %arg4: memref<320000xi32, #tpu.memory_space<hbm>>, %arg5: memref<320000xi32, #tpu.memory_space<hbm>>, %arg6: memref<320000xf32, #tpu.memory_space<hbm>>, %arg7: memref<320000xf32, #tpu.memory_space<hbm>>, %arg8: memref<320000xf32, #tpu.memory_space<hbm>>, %arg9: memref<320000xf32, #tpu.memory_space<hbm>>, %arg10: memref<320000xf32, #tpu.memory_space<hbm>>, %arg11: memref<40960xf32, #tpu.memory_space<vmem>>, %arg12: memref<40960xf32, #tpu.memory_space<vmem>>, %arg13: memref<2000xi32, #tpu.memory_space<vmem>>, %arg14: memref<2000xi32, #tpu.memory_space<vmem>>, %arg15: memref<2000xf32, #tpu.memory_space<vmem>>, %arg16: memref<2000xf32, #tpu.memory_space<vmem>>, %arg17: memref<2000xf32, #tpu.memory_space<vmem>>, %arg18: memref<2000xf32, #tpu.memory_space<vmem>>, %arg19: memref<2000xf32, #tpu.memory_space<vmem>>) attributes {dimension_semantics = [#tpu.dimension_semantics<core_parallel>, #tpu.dimension_semantics<subcore_parallel>], iteration_bounds = array<i64: 2, 16>, scalar_prefetch = 0 : i64, scratch_operands = 9 : i64, tpu.core_type = #tpu.core_type<sc_vector_subcore>, window_params = [{transform_indices = #map}, {transform_indices = #map}, {transform_indices = #map}, {transform_indices = #map}, {transform_indices = #map}, {transform_indices = #map}, {transform_indices = #map}, {transform_indices = #map}, {transform_indices = #map}]} {
    %mul3A = arith.constant 2 : i32
    %mul3A_0 = arith.muli %arg1, %mul3A : i32
    %add3A = arith.addi %mul3A_0, %arg0 : i32
    %mul3A_1 = arith.constant 10000 : i32
    %mul3A_2 = arith.muli %add3A, %mul3A_1 : i32
    "tpu.region"() ({
      %run_scoped3A = tpu.sem_alloc : memref<!tpu.dma_semaphore, #tpu.memory_space<semaphore_mem>>
      tpu.enqueue_dma source(%arg2 : memref<40960xf32, #tpu.memory_space<hbm>>) target(%arg11 : memref<40960xf32, #tpu.memory_space<vmem>>) target_semaphore(%run_scoped3A : memref<!tpu.dma_semaphore, #tpu.memory_space<semaphore_mem>>)
      tpu.wait_dma2 semaphore(%run_scoped3A : memref<!tpu.dma_semaphore, #tpu.memory_space<semaphore_mem>>) src(%arg2 : memref<40960xf32, #tpu.memory_space<hbm>>) dst(%arg11 : memref<40960xf32, #tpu.memory_space<vmem>>)
      tpu.yield
    }) : () -> ()
    "tpu.region"() ({
      %run_scoped3A = tpu.sem_alloc : memref<!tpu.dma_semaphore, #tpu.memory_space<semaphore_mem>>
      tpu.enqueue_dma source(%arg3 : memref<40960xf32, #tpu.memory_space<hbm>>) target(%arg12 : memref<40960xf32, #tpu.memory_space<vmem>>) target_semaphore(%run_scoped3A : memref<!tpu.dma_semaphore, #tpu.memory_space<semaphore_mem>>)
      tpu.wait_dma2 semaphore(%run_scoped3A : memref<!tpu.dma_semaphore, #tpu.memory_space<semaphore_mem>>) src(%arg3 : memref<40960xf32, #tpu.memory_space<hbm>>) dst(%arg12 : memref<40960xf32, #tpu.memory_space<vmem>>)
      tpu.yield
    }) : () -> ()
    %scan3A = arith.constant 0 : i32
    %scan3A_3 = arith.constant 0 : i32
    %scan3A_4 = arith.constant 5 : i32
    %scan3A_5 = arith.addi %scan3A_3, %scan3A_4 : i32
    %scan3A_6 = arith.constant 1 : i32
    scf.for %scan3A_8 = %scan3A_3 to %scan3A_5 step %scan3A_6  : i32 {
      %mul3A_9 = arith.constant 2000 : i32
      %mul3A_10 = arith.muli %scan3A_8, %mul3A_9 : i32
      %add3A_11 = arith.addi %mul3A_2, %mul3A_10 : i32
      "tpu.region"() ({
        %run_scoped3A = tpu.sem_alloc : memref<!tpu.dma_semaphore, #tpu.memory_space<semaphore_mem>>
        %dma_start3A = tpu.memref_slice %arg4[%add3A_11] : memref<320000xi32, #tpu.memory_space<hbm>> -> memref<2000xi32, #tpu.memory_space<hbm>>
        %dma_start3A_18 = tpu.memref_slice %arg4[%add3A_11] : memref<320000xi32, #tpu.memory_space<hbm>> -> memref<2000xi32, #tpu.memory_space<hbm>>
        tpu.enqueue_dma source(%dma_start3A_18 : memref<2000xi32, #tpu.memory_space<hbm>>) target(%arg13 : memref<2000xi32, #tpu.memory_space<vmem>>) target_semaphore(%run_scoped3A : memref<!tpu.dma_semaphore, #tpu.memory_space<semaphore_mem>>)
        %dma_wait3A = tpu.memref_slice %arg4[%add3A_11] : memref<320000xi32, #tpu.memory_space<hbm>> -> memref<2000xi32, #tpu.memory_space<hbm>>
        %dma_wait3A_19 = tpu.memref_slice %arg4[%add3A_11] : memref<320000xi32, #tpu.memory_space<hbm>> -> memref<2000xi32, #tpu.memory_space<hbm>>
        tpu.wait_dma2 semaphore(%run_scoped3A : memref<!tpu.dma_semaphore, #tpu.memory_space<semaphore_mem>>) src(%dma_wait3A_19 : memref<2000xi32, #tpu.memory_space<hbm>>) dst(%arg13 : memref<2000xi32, #tpu.memory_space<vmem>>)
        tpu.yield
      }) : () -> ()
      "tpu.region"() ({
        %run_scoped3A = tpu.sem_alloc : memref<!tpu.dma_semaphore, #tpu.memory_space<semaphore_mem>>
        %dma_start3A = tpu.memref_slice %arg5[%add3A_11] : memref<320000xi32, #tpu.memory_space<hbm>> -> memref<2000xi32, #tpu.memory_space<hbm>>
        %dma_start3A_18 = tpu.memref_slice %arg5[%add3A_11] : memref<320000xi32, #tpu.memory_space<hbm>> -> memref<2000xi32, #tpu.memory_space<hbm>>
        tpu.enqueue_dma source(%dma_start3A_18 : memref<2000xi32, #tpu.memory_space<hbm>>) target(%arg14 : memref<2000xi32, #tpu.memory_space<vmem>>) target_semaphore(%run_scoped3A : memref<!tpu.dma_semaphore, #tpu.memory_space<semaphore_mem>>)
        %dma_wait3A = tpu.memref_slice %arg5[%add3A_11] : memref<320000xi32, #tpu.memory_space<hbm>> -> memref<2000xi32, #tpu.memory_space<hbm>>
        %dma_wait3A_19 = tpu.memref_slice %arg5[%add3A_11] : memref<320000xi32, #tpu.memory_space<hbm>> -> memref<2000xi32, #tpu.memory_space<hbm>>
        tpu.wait_dma2 semaphore(%run_scoped3A : memref<!tpu.dma_semaphore, #tpu.memory_space<semaphore_mem>>) src(%dma_wait3A_19 : memref<2000xi32, #tpu.memory_space<hbm>>) dst(%arg14 : memref<2000xi32, #tpu.memory_space<vmem>>)
        tpu.yield
      }) : () -> ()
      %scan3A_12 = arith.constant 0 : i32
      %scan3A_13 = arith.constant 0 : i32
      %scan3A_14 = arith.constant 125 : i32
      %scan3A_15 = arith.addi %scan3A_13, %scan3A_14 : i32
      %scan3A_16 = arith.constant 1 : i32
      scf.for %scan3A_18 = %scan3A_13 to %scan3A_15 step %scan3A_16  : i32 {
        %mul3A_19 = arith.constant 16 : i32
        %mul3A_20 = arith.muli %scan3A_18, %mul3A_19 : i32
        %get3A = arith.index_cast %mul3A_20 : i32 to index
        %get3A_21 = tpu.vector_load %arg13[%get3A] {strides = array<i32>} : memref<2000xi32, #tpu.memory_space<vmem>>, vector<16xi32>,
        %mul3A_22 = arith.constant 4 : i32
        %mul3A_23 = vector.broadcast %mul3A_22 : i32 to vector<16xi32>
        %mul3A_24 = arith.muli %get3A_21, %mul3A_23 : vector<16xi32>
        %get3A_25 = arith.index_cast %mul3A_20 : i32 to index
        %get3A_26 = tpu.vector_load %arg14[%get3A_25] {strides = array<i32>} : memref<2000xi32, #tpu.memory_space<vmem>>, vector<16xi32>,
        %mul3A_27 = arith.constant 4 : i32
        %mul3A_28 = vector.broadcast %mul3A_27 : i32 to vector<16xi32>
        %mul3A_29 = arith.muli %get3A_26, %mul3A_28 : vector<16xi32>
        %gather3A = tpu.vector_load_idx %arg11[%mul3A_24] : memref<40960xf32, #tpu.memory_space<vmem>>[vector<16xi32>], vector<16xf32>,
        %gather3A_30 = tpu.vector_load_idx %arg11[%mul3A_29] : memref<40960xf32, #tpu.memory_space<vmem>>[vector<16xi32>], vector<16xf32>,
        %sub3A = arith.subf %gather3A, %gather3A_30 : vector<16xf32>
        %add3A_31 = arith.constant 1 : i32
        %add3A_32 = vector.broadcast %add3A_31 : i32 to vector<16xi32>
        %add3A_33 = arith.addi %mul3A_24, %add3A_32 : vector<16xi32>
        %gather3A_34 = tpu.vector_load_idx %arg11[%add3A_33] : memref<40960xf32, #tpu.memory_space<vmem>>[vector<16xi32>], vector<16xf32>,
        %add3A_35 = arith.constant 1 : i32
        %add3A_36 = vector.broadcast %add3A_35 : i32 to vector<16xi32>
        %add3A_37 = arith.addi %mul3A_29, %add3A_36 : vector<16xi32>
        %gather3A_38 = tpu.vector_load_idx %arg11[%add3A_37] : memref<40960xf32, #tpu.memory_space<vmem>>[vector<16xi32>], vector<16xf32>,
        %sub3A_39 = arith.subf %gather3A_34, %gather3A_38 : vector<16xf32>
        %add3A_40 = arith.constant 2 : i32
        %add3A_41 = vector.broadcast %add3A_40 : i32 to vector<16xi32>
        %add3A_42 = arith.addi %mul3A_24, %add3A_41 : vector<16xi32>
        %gather3A_43 = tpu.vector_load_idx %arg11[%add3A_42] : memref<40960xf32, #tpu.memory_space<vmem>>[vector<16xi32>], vector<16xf32>,
        %add3A_44 = arith.constant 2 : i32
        %add3A_45 = vector.broadcast %add3A_44 : i32 to vector<16xi32>
        %add3A_46 = arith.addi %mul3A_29, %add3A_45 : vector<16xi32>
        %gather3A_47 = tpu.vector_load_idx %arg11[%add3A_46] : memref<40960xf32, #tpu.memory_space<vmem>>[vector<16xi32>], vector<16xf32>,
        %sub3A_48 = arith.subf %gather3A_43, %gather3A_47 : vector<16xf32>
        %swap3A = arith.index_cast %mul3A_20 : i32 to index
        %swap3A_49 = tpu.vector_load %arg15[%swap3A] {strides = array<i32>} : memref<2000xf32, #tpu.memory_space<vmem>>, vector<16xf32>,
        tpu.vector_store %arg15[%swap3A], %sub3A {strides = array<i32>} : memref<2000xf32, #tpu.memory_space<vmem>>, vector<16xf32>,
        %swap3A_50 = arith.index_cast %mul3A_20 : i32 to index
        %swap3A_51 = tpu.vector_load %arg16[%swap3A_50] {strides = array<i32>} : memref<2000xf32, #tpu.memory_space<vmem>>, vector<16xf32>,
        tpu.vector_store %arg16[%swap3A_50], %sub3A_39 {strides = array<i32>} : memref<2000xf32, #tpu.memory_space<vmem>>, vector<16xf32>,
        %swap3A_52 = arith.index_cast %mul3A_20 : i32 to index
        %swap3A_53 = tpu.vector_load %arg17[%swap3A_52] {strides = array<i32>} : memref<2000xf32, #tpu.memory_space<vmem>>, vector<16xf32>,
        tpu.vector_store %arg17[%swap3A_52], %sub3A_48 {strides = array<i32>} : memref<2000xf32, #tpu.memory_space<vmem>>, vector<16xf32>,
        %mul3A_54 = arith.mulf %sub3A, %sub3A : vector<16xf32>
        %mul3A_55 = arith.mulf %sub3A_39, %sub3A_39 : vector<16xf32>
        %add3A_56 = arith.addf %mul3A_54, %mul3A_55 : vector<16xf32>
        %mul3A_57 = arith.mulf %sub3A_48, %sub3A_48 : vector<16xf32>
        %add3A_58 = arith.addf %add3A_56, %mul3A_57 : vector<16xf32>
        %swap3A_59 = arith.index_cast %mul3A_20 : i32 to index
        %swap3A_60 = tpu.vector_load %arg18[%swap3A_59] {strides = array<i32>} : memref<2000xf32, #tpu.memory_space<vmem>>, vector<16xf32>,
        tpu.vector_store %arg18[%swap3A_59], %add3A_58 {strides = array<i32>} : memref<2000xf32, #tpu.memory_space<vmem>>, vector<16xf32>,
        %gather3A_61 = tpu.vector_load_idx %arg12[%mul3A_24] : memref<40960xf32, #tpu.memory_space<vmem>>[vector<16xi32>], vector<16xf32>,
        %gather3A_62 = tpu.vector_load_idx %arg12[%mul3A_29] : memref<40960xf32, #tpu.memory_space<vmem>>[vector<16xi32>], vector<16xf32>,
        %sub3A_63 = arith.subf %gather3A_61, %gather3A_62 : vector<16xf32>
        %add3A_64 = arith.constant 1 : i32
        %add3A_65 = vector.broadcast %add3A_64 : i32 to vector<16xi32>
        %add3A_66 = arith.addi %mul3A_24, %add3A_65 : vector<16xi32>
        %gather3A_67 = tpu.vector_load_idx %arg12[%add3A_66] : memref<40960xf32, #tpu.memory_space<vmem>>[vector<16xi32>], vector<16xf32>,
        %add3A_68 = arith.constant 1 : i32
        %add3A_69 = vector.broadcast %add3A_68 : i32 to vector<16xi32>
        %add3A_70 = arith.addi %mul3A_29, %add3A_69 : vector<16xi32>
        %gather3A_71 = tpu.vector_load_idx %arg12[%add3A_70] : memref<40960xf32, #tpu.memory_space<vmem>>[vector<16xi32>], vector<16xf32>,
        %sub3A_72 = arith.subf %gather3A_67, %gather3A_71 : vector<16xf32>
        %add3A_73 = arith.constant 2 : i32
        %add3A_74 = vector.broadcast %add3A_73 : i32 to vector<16xi32>
        %add3A_75 = arith.addi %mul3A_24, %add3A_74 : vector<16xi32>
        %gather3A_76 = tpu.vector_load_idx %arg12[%add3A_75] : memref<40960xf32, #tpu.memory_space<vmem>>[vector<16xi32>], vector<16xf32>,
        %add3A_77 = arith.constant 2 : i32
        %add3A_78 = vector.broadcast %add3A_77 : i32 to vector<16xi32>
        %add3A_79 = arith.addi %mul3A_29, %add3A_78 : vector<16xi32>
        %gather3A_80 = tpu.vector_load_idx %arg12[%add3A_79] : memref<40960xf32, #tpu.memory_space<vmem>>[vector<16xi32>], vector<16xf32>,
        %sub3A_81 = arith.subf %gather3A_76, %gather3A_80 : vector<16xf32>
        %mul3A_82 = arith.mulf %sub3A_63, %sub3A_63 : vector<16xf32>
        %mul3A_83 = arith.mulf %sub3A_72, %sub3A_72 : vector<16xf32>
        %add3A_84 = arith.addf %mul3A_82, %mul3A_83 : vector<16xf32>
        %mul3A_85 = arith.mulf %sub3A_81, %sub3A_81 : vector<16xf32>
        %add3A_86 = arith.addf %add3A_84, %mul3A_85 : vector<16xf32>
        %swap3A_87 = arith.index_cast %mul3A_20 : i32 to index
        %swap3A_88 = tpu.vector_load %arg19[%swap3A_87] {strides = array<i32>} : memref<2000xf32, #tpu.memory_space<vmem>>, vector<16xf32>,
        tpu.vector_store %arg19[%swap3A_87], %add3A_86 {strides = array<i32>} : memref<2000xf32, #tpu.memory_space<vmem>>, vector<16xf32>,
      }
      %scan3A_17 = arith.constant 125 : i32
      "tpu.region"() ({
        %run_scoped3A = tpu.sem_alloc : memref<!tpu.dma_semaphore, #tpu.memory_space<semaphore_mem>>
        %dma_start3A = tpu.memref_slice %arg6[%add3A_11] : memref<320000xf32, #tpu.memory_space<hbm>> -> memref<2000xf32, #tpu.memory_space<hbm>>
        %dma_start3A_18 = tpu.memref_slice %arg6[%add3A_11] : memref<320000xf32, #tpu.memory_space<hbm>> -> memref<2000xf32, #tpu.memory_space<hbm>>
        tpu.enqueue_dma source(%arg15 : memref<2000xf32, #tpu.memory_space<vmem>>) target(%dma_start3A_18 : memref<2000xf32, #tpu.memory_space<hbm>>) target_semaphore(%run_scoped3A : memref<!tpu.dma_semaphore, #tpu.memory_space<semaphore_mem>>)
        %dma_wait3A = tpu.memref_slice %arg6[%add3A_11] : memref<320000xf32, #tpu.memory_space<hbm>> -> memref<2000xf32, #tpu.memory_space<hbm>>
        %dma_wait3A_19 = tpu.memref_slice %arg6[%add3A_11] : memref<320000xf32, #tpu.memory_space<hbm>> -> memref<2000xf32, #tpu.memory_space<hbm>>
        tpu.wait_dma2 semaphore(%run_scoped3A : memref<!tpu.dma_semaphore, #tpu.memory_space<semaphore_mem>>) src(%arg15 : memref<2000xf32, #tpu.memory_space<vmem>>) dst(%dma_wait3A_19 : memref<2000xf32, #tpu.memory_space<hbm>>)
        tpu.yield
      }) : () -> ()
      "tpu.region"() ({
        %run_scoped3A = tpu.sem_alloc : memref<!tpu.dma_semaphore, #tpu.memory_space<semaphore_mem>>
        %dma_start3A = tpu.memref_slice %arg7[%add3A_11] : memref<320000xf32, #tpu.memory_space<hbm>> -> memref<2000xf32, #tpu.memory_space<hbm>>
        %dma_start3A_18 = tpu.memref_slice %arg7[%add3A_11] : memref<320000xf32, #tpu.memory_space<hbm>> -> memref<2000xf32, #tpu.memory_space<hbm>>
        tpu.enqueue_dma source(%arg16 : memref<2000xf32, #tpu.memory_space<vmem>>) target(%dma_start3A_18 : memref<2000xf32, #tpu.memory_space<hbm>>) target_semaphore(%run_scoped3A : memref<!tpu.dma_semaphore, #tpu.memory_space<semaphore_mem>>)
        %dma_wait3A = tpu.memref_slice %arg7[%add3A_11] : memref<320000xf32, #tpu.memory_space<hbm>> -> memref<2000xf32, #tpu.memory_space<hbm>>
        %dma_wait3A_19 = tpu.memref_slice %arg7[%add3A_11] : memref<320000xf32, #tpu.memory_space<hbm>> -> memref<2000xf32, #tpu.memory_space<hbm>>
        tpu.wait_dma2 semaphore(%run_scoped3A : memref<!tpu.dma_semaphore, #tpu.memory_space<semaphore_mem>>) src(%arg16 : memref<2000xf32, #tpu.memory_space<vmem>>) dst(%dma_wait3A_19 : memref<2000xf32, #tpu.memory_space<hbm>>)
        tpu.yield
      }) : () -> ()
      "tpu.region"() ({
        %run_scoped3A = tpu.sem_alloc : memref<!tpu.dma_semaphore, #tpu.memory_space<semaphore_mem>>
        %dma_start3A = tpu.memref_slice %arg8[%add3A_11] : memref<320000xf32, #tpu.memory_space<hbm>> -> memref<2000xf32, #tpu.memory_space<hbm>>
        %dma_start3A_18 = tpu.memref_slice %arg8[%add3A_11] : memref<320000xf32, #tpu.memory_space<hbm>> -> memref<2000xf32, #tpu.memory_space<hbm>>
        tpu.enqueue_dma source(%arg17 : memref<2000xf32, #tpu.memory_space<vmem>>) target(%dma_start3A_18 : memref<2000xf32, #tpu.memory_space<hbm>>) target_semaphore(%run_scoped3A : memref<!tpu.dma_semaphore, #tpu.memory_space<semaphore_mem>>)
        %dma_wait3A = tpu.memref_slice %arg8[%add3A_11] : memref<320000xf32, #tpu.memory_space<hbm>> -> memref<2000xf32, #tpu.memory_space<hbm>>
        %dma_wait3A_19 = tpu.memref_slice %arg8[%add3A_11] : memref<320000xf32, #tpu.memory_space<hbm>> -> memref<2000xf32, #tpu.memory_space<hbm>>
        tpu.wait_dma2 semaphore(%run_scoped3A : memref<!tpu.dma_semaphore, #tpu.memory_space<semaphore_mem>>) src(%arg17 : memref<2000xf32, #tpu.memory_space<vmem>>) dst(%dma_wait3A_19 : memref<2000xf32, #tpu.memory_space<hbm>>)
        tpu.yield
      }) : () -> ()
      "tpu.region"() ({
        %run_scoped3A = tpu.sem_alloc : memref<!tpu.dma_semaphore, #tpu.memory_space<semaphore_mem>>
        %dma_start3A = tpu.memref_slice %arg9[%add3A_11] : memref<320000xf32, #tpu.memory_space<hbm>> -> memref<2000xf32, #tpu.memory_space<hbm>>
        %dma_start3A_18 = tpu.memref_slice %arg9[%add3A_11] : memref<320000xf32, #tpu.memory_space<hbm>> -> memref<2000xf32, #tpu.memory_space<hbm>>
        tpu.enqueue_dma source(%arg18 : memref<2000xf32, #tpu.memory_space<vmem>>) target(%dma_start3A_18 : memref<2000xf32, #tpu.memory_space<hbm>>) target_semaphore(%run_scoped3A : memref<!tpu.dma_semaphore, #tpu.memory_space<semaphore_mem>>)
        %dma_wait3A = tpu.memref_slice %arg9[%add3A_11] : memref<320000xf32, #tpu.memory_space<hbm>> -> memref<2000xf32, #tpu.memory_space<hbm>>
        %dma_wait3A_19 = tpu.memref_slice %arg9[%add3A_11] : memref<320000xf32, #tpu.memory_space<hbm>> -> memref<2000xf32, #tpu.memory_space<hbm>>
        tpu.wait_dma2 semaphore(%run_scoped3A : memref<!tpu.dma_semaphore, #tpu.memory_space<semaphore_mem>>) src(%arg18 : memref<2000xf32, #tpu.memory_space<vmem>>) dst(%dma_wait3A_19 : memref<2000xf32, #tpu.memory_space<hbm>>)
        tpu.yield
      }) : () -> ()
      "tpu.region"() ({
        %run_scoped3A = tpu.sem_alloc : memref<!tpu.dma_semaphore, #tpu.memory_space<semaphore_mem>>
        %dma_start3A = tpu.memref_slice %arg10[%add3A_11] : memref<320000xf32, #tpu.memory_space<hbm>> -> memref<2000xf32, #tpu.memory_space<hbm>>
        %dma_start3A_18 = tpu.memref_slice %arg10[%add3A_11] : memref<320000xf32, #tpu.memory_space<hbm>> -> memref<2000xf32, #tpu.memory_space<hbm>>
        tpu.enqueue_dma source(%arg19 : memref<2000xf32, #tpu.memory_space<vmem>>) target(%dma_start3A_18 : memref<2000xf32, #tpu.memory_space<hbm>>) target_semaphore(%run_scoped3A : memref<!tpu.dma_semaphore, #tpu.memory_space<semaphore_mem>>)
        %dma_wait3A = tpu.memref_slice %arg10[%add3A_11] : memref<320000xf32, #tpu.memory_space<hbm>> -> memref<2000xf32, #tpu.memory_space<hbm>>
        %dma_wait3A_19 = tpu.memref_slice %arg10[%add3A_11] : memref<320000xf32, #tpu.memory_space<hbm>> -> memref<2000xf32, #tpu.memory_space<hbm>>
        tpu.wait_dma2 semaphore(%run_scoped3A : memref<!tpu.dma_semaphore, #tpu.memory_space<semaphore_mem>>) src(%arg19 : memref<2000xf32, #tpu.memory_space<vmem>>) dst(%dma_wait3A_19 : memref<2000xf32, #tpu.memory_space<hbm>>)
        tpu.yield
      }) : () -> ()
    }
    %scan3A_7 = arith.constant 5 : i32
    return
  }
}

#map = affine_map<(d0, d1) -> (0, 0)>
#map1 = affine_map<(d0, d1) -> (0)>
#map2 = affine_map<(d0, d1) -> (0, 0, 0)>
module attributes {stable_mosaic.version = 14 : i64} {
  func.func @_msg_body(%arg0: i32, %arg1: i32, %arg2: memref<10240x128xf32, #tpu.memory_space<hbm>>, %arg3: memref<320000x128xf32, #tpu.memory_space<hbm>>, %arg4: memref<320000xi32, #tpu.memory_space<hbm>>, %arg5: memref<320000xi32, #tpu.memory_space<hbm>>, %arg6: memref<2x10240x128xf32, #tpu.memory_space<hbm>>, %arg7: memref<10240x128xf32, #tpu.memory_space<vmem_shared>>, %arg8: memref<80x128xf32, #tpu.memory_space<vmem>>, %arg9: memref<80x128xf32, #tpu.memory_space<vmem>>, %arg10: memref<80x128xf32, #tpu.memory_space<vmem>>, %arg11: memref<80x128xf32, #tpu.memory_space<vmem>>, %arg12: memref<80xi32, #tpu.memory_space<vmem>>, %arg13: memref<80xi32, #tpu.memory_space<vmem>>, %arg14: memref<80xi32, #tpu.memory_space<vmem>>, %arg15: memref<80xi32, #tpu.memory_space<vmem>>, %arg16: memref<!tpu.dma_semaphore, #tpu.memory_space<semaphore_mem>>, %arg17: memref<!tpu.dma_semaphore, #tpu.memory_space<semaphore_mem>>, %arg18: memref<!tpu.dma_semaphore, #tpu.memory_space<semaphore_mem>>, %arg19: memref<!tpu.dma_semaphore, #tpu.memory_space<semaphore_mem>>, %arg20: memref<!tpu.dma_semaphore, #tpu.memory_space<semaphore_mem>>, %arg21: memref<!tpu.dma_semaphore, #tpu.memory_space<semaphore_mem>>) attributes {dimension_semantics = [#tpu.dimension_semantics<core_parallel>, #tpu.dimension_semantics<subcore_parallel>], iteration_bounds = array<i64: 2, 16>, scalar_prefetch = 0 : i64, scratch_operands = 15 : i64, tpu.core_type = #tpu.core_type<sc_vector_subcore>, window_params = [{transform_indices = #map}, {transform_indices = #map}, {transform_indices = #map1}, {transform_indices = #map1}, {transform_indices = #map2}]} {
    %mul3A = arith.constant 2 : i32
    %mul3A_0 = arith.muli %arg1, %mul3A : i32
    %add3A = arith.addi %mul3A_0, %arg0 : i32
    %mul3A_1 = arith.constant 10000 : i32
    %mul3A_2 = arith.muli %add3A, %mul3A_1 : i32
    %scan3A = arith.constant 0 : i32
    %scan3A_3 = arith.constant 0 : i32
    %scan3A_4 = arith.constant 80 : i32
    %scan3A_5 = arith.addi %scan3A_3, %scan3A_4 : i32
    %scan3A_6 = arith.constant 1 : i32
    scf.for %scan3A_136 = %scan3A_3 to %scan3A_5 step %scan3A_6  : i32 {
      %broadcast_in_dim3A = arith.constant 0.000000e+00 : f32
      %broadcast_in_dim3A_137 = vector.broadcast %broadcast_in_dim3A : f32 to vector<16xf32>
      %swap3A = arith.index_cast %scan3A_136 : i32 to index
      %swap3A_138 = arith.constant 0 : index
      %swap3A_139 = tpu.vector_load %arg10[%swap3A, %swap3A_138] {strides = array<i32>} : memref<80x128xf32, #tpu.memory_space<vmem>>, vector<16xf32>,
      tpu.vector_store %arg10[%swap3A, %swap3A_138], %broadcast_in_dim3A_137 {strides = array<i32>} : memref<80x128xf32, #tpu.memory_space<vmem>>, vector<16xf32>,
      %broadcast_in_dim3A_140 = arith.constant 0.000000e+00 : f32
      %broadcast_in_dim3A_141 = vector.broadcast %broadcast_in_dim3A_140 : f32 to vector<16xf32>
      %swap3A_142 = arith.index_cast %scan3A_136 : i32 to index
      %swap3A_143 = arith.constant 16 : index
      %swap3A_144 = tpu.vector_load %arg10[%swap3A_142, %swap3A_143] {strides = array<i32>} : memref<80x128xf32, #tpu.memory_space<vmem>>, vector<16xf32>,
      tpu.vector_store %arg10[%swap3A_142, %swap3A_143], %broadcast_in_dim3A_141 {strides = array<i32>} : memref<80x128xf32, #tpu.memory_space<vmem>>, vector<16xf32>,
      %broadcast_in_dim3A_145 = arith.constant 0.000000e+00 : f32
      %broadcast_in_dim3A_146 = vector.broadcast %broadcast_in_dim3A_145 : f32 to vector<16xf32>
      %swap3A_147 = arith.index_cast %scan3A_136 : i32 to index
      %swap3A_148 = arith.constant 32 : index
      %swap3A_149 = tpu.vector_load %arg10[%swap3A_147, %swap3A_148] {strides = array<i32>} : memref<80x128xf32, #tpu.memory_space<vmem>>, vector<16xf32>,
      tpu.vector_store %arg10[%swap3A_147, %swap3A_148], %broadcast_in_dim3A_146 {strides = array<i32>} : memref<80x128xf32, #tpu.memory_space<vmem>>, vector<16xf32>,
      %broadcast_in_dim3A_150 = arith.constant 0.000000e+00 : f32
      %broadcast_in_dim3A_151 = vector.broadcast %broadcast_in_dim3A_150 : f32 to vector<16xf32>
      %swap3A_152 = arith.index_cast %scan3A_136 : i32 to index
      %swap3A_153 = arith.constant 48 : index
      %swap3A_154 = tpu.vector_load %arg10[%swap3A_152, %swap3A_153] {strides = array<i32>} : memref<80x128xf32, #tpu.memory_space<vmem>>, vector<16xf32>,
      tpu.vector_store %arg10[%swap3A_152, %swap3A_153], %broadcast_in_dim3A_151 {strides = array<i32>} : memref<80x128xf32, #tpu.memory_space<vmem>>, vector<16xf32>,
      %broadcast_in_dim3A_155 = arith.constant 0.000000e+00 : f32
      %broadcast_in_dim3A_156 = vector.broadcast %broadcast_in_dim3A_155 : f32 to vector<16xf32>
      %swap3A_157 = arith.index_cast %scan3A_136 : i32 to index
      %swap3A_158 = arith.constant 64 : index
      %swap3A_159 = tpu.vector_load %arg10[%swap3A_157, %swap3A_158] {strides = array<i32>} : memref<80x128xf32, #tpu.memory_space<vmem>>, vector<16xf32>,
      tpu.vector_store %arg10[%swap3A_157, %swap3A_158], %broadcast_in_dim3A_156 {strides = array<i32>} : memref<80x128xf32, #tpu.memory_space<vmem>>, vector<16xf32>,
      %broadcast_in_dim3A_160 = arith.constant 0.000000e+00 : f32
      %broadcast_in_dim3A_161 = vector.broadcast %broadcast_in_dim3A_160 : f32 to vector<16xf32>
      %swap3A_162 = arith.index_cast %scan3A_136 : i32 to index
      %swap3A_163 = arith.constant 80 : index
      %swap3A_164 = tpu.vector_load %arg10[%swap3A_162, %swap3A_163] {strides = array<i32>} : memref<80x128xf32, #tpu.memory_space<vmem>>, vector<16xf32>,
      tpu.vector_store %arg10[%swap3A_162, %swap3A_163], %broadcast_in_dim3A_161 {strides = array<i32>} : memref<80x128xf32, #tpu.memory_space<vmem>>, vector<16xf32>,
      %broadcast_in_dim3A_165 = arith.constant 0.000000e+00 : f32
      %broadcast_in_dim3A_166 = vector.broadcast %broadcast_in_dim3A_165 : f32 to vector<16xf32>
      %swap3A_167 = arith.index_cast %scan3A_136 : i32 to index
      %swap3A_168 = arith.constant 96 : index
      %swap3A_169 = tpu.vector_load %arg10[%swap3A_167, %swap3A_168] {strides = array<i32>} : memref<80x128xf32, #tpu.memory_space<vmem>>, vector<16xf32>,
      tpu.vector_store %arg10[%swap3A_167, %swap3A_168], %broadcast_in_dim3A_166 {strides = array<i32>} : memref<80x128xf32, #tpu.memory_space<vmem>>, vector<16xf32>,
      %broadcast_in_dim3A_170 = arith.constant 0.000000e+00 : f32
      %broadcast_in_dim3A_171 = vector.broadcast %broadcast_in_dim3A_170 : f32 to vector<16xf32>
      %swap3A_172 = arith.index_cast %scan3A_136 : i32 to index
      %swap3A_173 = arith.constant 112 : index
      %swap3A_174 = tpu.vector_load %arg10[%swap3A_172, %swap3A_173] {strides = array<i32>} : memref<80x128xf32, #tpu.memory_space<vmem>>, vector<16xf32>,
      tpu.vector_store %arg10[%swap3A_172, %swap3A_173], %broadcast_in_dim3A_171 {strides = array<i32>} : memref<80x128xf32, #tpu.memory_space<vmem>>, vector<16xf32>,
    }
    %scan3A_7 = arith.constant 80 : i32
    %mul3A_8 = arith.constant 640 : i32
    %mul3A_9 = arith.muli %arg1, %mul3A_8 : i32
    %add3A_10 = arith.constant 0 : i32
    %add3A_11 = arith.addi %mul3A_9, %add3A_10 : i32
    "tpu.region"() ({
      %run_scoped3A = tpu.sem_alloc : memref<!tpu.dma_semaphore, #tpu.memory_space<semaphore_mem>>
      %dma_start3A_136 = arith.constant 0 : i32
      %dma_start3A_137 = tpu.memref_slice %arg7[%add3A_11, %dma_start3A_136] : memref<10240x128xf32, #tpu.memory_space<vmem_shared>> -> memref<80x128xf32, #tpu.memory_space<vmem_shared>>
      %dma_start3A_138 = arith.constant 0 : i32
      %dma_start3A_139 = tpu.memref_slice %arg7[%add3A_11, %dma_start3A_138] : memref<10240x128xf32, #tpu.memory_space<vmem_shared>> -> memref<80x128xf32, #tpu.memory_space<vmem_shared>>
      tpu.enqueue_dma source(%arg10 : memref<80x128xf32, #tpu.memory_space<vmem>>) target(%dma_start3A_139 : memref<80x128xf32, #tpu.memory_space<vmem_shared>>) target_semaphore(%run_scoped3A : memref<!tpu.dma_semaphore, #tpu.memory_space<semaphore_mem>>)
      %dma_wait3A_140 = arith.constant 0 : i32
      %dma_wait3A_141 = tpu.memref_slice %arg7[%add3A_11, %dma_wait3A_140] : memref<10240x128xf32, #tpu.memory_space<vmem_shared>> -> memref<80x128xf32, #tpu.memory_space<vmem_shared>>
      %dma_wait3A_142 = arith.constant 0 : i32
      %dma_wait3A_143 = tpu.memref_slice %arg7[%add3A_11, %dma_wait3A_142] : memref<10240x128xf32, #tpu.memory_space<vmem_shared>> -> memref<80x128xf32, #tpu.memory_space<vmem_shared>>
      tpu.wait_dma2 semaphore(%run_scoped3A : memref<!tpu.dma_semaphore, #tpu.memory_space<semaphore_mem>>) src(%arg10 : memref<80x128xf32, #tpu.memory_space<vmem>>) dst(%dma_wait3A_143 : memref<80x128xf32, #tpu.memory_space<vmem_shared>>)
      tpu.yield
    }) : () -> ()
    %mul3A_12 = arith.constant 640 : i32
    %mul3A_13 = arith.muli %arg1, %mul3A_12 : i32
    %add3A_14 = arith.constant 80 : i32
    %add3A_15 = arith.addi %mul3A_13, %add3A_14 : i32
    "tpu.region"() ({
      %run_scoped3A = tpu.sem_alloc : memref<!tpu.dma_semaphore, #tpu.memory_space<semaphore_mem>>
      %dma_start3A_136 = arith.constant 0 : i32
      %dma_start3A_137 = tpu.memref_slice %arg7[%add3A_15, %dma_start3A_136] : memref<10240x128xf32, #tpu.memory_space<vmem_shared>> -> memref<80x128xf32, #tpu.memory_space<vmem_shared>>
      %dma_start3A_138 = arith.constant 0 : i32
      %dma_start3A_139 = tpu.memref_slice %arg7[%add3A_15, %dma_start3A_138] : memref<10240x128xf32, #tpu.memory_space<vmem_shared>> -> memref<80x128xf32, #tpu.memory_space<vmem_shared>>
      tpu.enqueue_dma source(%arg10 : memref<80x128xf32, #tpu.memory_space<vmem>>) target(%dma_start3A_139 : memref<80x128xf32, #tpu.memory_space<vmem_shared>>) target_semaphore(%run_scoped3A : memref<!tpu.dma_semaphore, #tpu.memory_space<semaphore_mem>>)
      %dma_wait3A_140 = arith.constant 0 : i32
      %dma_wait3A_141 = tpu.memref_slice %arg7[%add3A_15, %dma_wait3A_140] : memref<10240x128xf32, #tpu.memory_space<vmem_shared>> -> memref<80x128xf32, #tpu.memory_space<vmem_shared>>
      %dma_wait3A_142 = arith.constant 0 : i32
      %dma_wait3A_143 = tpu.memref_slice %arg7[%add3A_15, %dma_wait3A_142] : memref<10240x128xf32, #tpu.memory_space<vmem_shared>> -> memref<80x128xf32, #tpu.memory_space<vmem_shared>>
      tpu.wait_dma2 semaphore(%run_scoped3A : memref<!tpu.dma_semaphore, #tpu.memory_space<semaphore_mem>>) src(%arg10 : memref<80x128xf32, #tpu.memory_space<vmem>>) dst(%dma_wait3A_143 : memref<80x128xf32, #tpu.memory_space<vmem_shared>>)
      tpu.yield
    }) : () -> ()
    %mul3A_16 = arith.constant 640 : i32
    %mul3A_17 = arith.muli %arg1, %mul3A_16 : i32
    %add3A_18 = arith.constant 160 : i32
    %add3A_19 = arith.addi %mul3A_17, %add3A_18 : i32
    "tpu.region"() ({
      %run_scoped3A = tpu.sem_alloc : memref<!tpu.dma_semaphore, #tpu.memory_space<semaphore_mem>>
      %dma_start3A_136 = arith.constant 0 : i32
      %dma_start3A_137 = tpu.memref_slice %arg7[%add3A_19, %dma_start3A_136] : memref<10240x128xf32, #tpu.memory_space<vmem_shared>> -> memref<80x128xf32, #tpu.memory_space<vmem_shared>>
      %dma_start3A_138 = arith.constant 0 : i32
      %dma_start3A_139 = tpu.memref_slice %arg7[%add3A_19, %dma_start3A_138] : memref<10240x128xf32, #tpu.memory_space<vmem_shared>> -> memref<80x128xf32, #tpu.memory_space<vmem_shared>>
      tpu.enqueue_dma source(%arg10 : memref<80x128xf32, #tpu.memory_space<vmem>>) target(%dma_start3A_139 : memref<80x128xf32, #tpu.memory_space<vmem_shared>>) target_semaphore(%run_scoped3A : memref<!tpu.dma_semaphore, #tpu.memory_space<semaphore_mem>>)
      %dma_wait3A_140 = arith.constant 0 : i32
      %dma_wait3A_141 = tpu.memref_slice %arg7[%add3A_19, %dma_wait3A_140] : memref<10240x128xf32, #tpu.memory_space<vmem_shared>> -> memref<80x128xf32, #tpu.memory_space<vmem_shared>>
      %dma_wait3A_142 = arith.constant 0 : i32
      %dma_wait3A_143 = tpu.memref_slice %arg7[%add3A_19, %dma_wait3A_142] : memref<10240x128xf32, #tpu.memory_space<vmem_shared>> -> memref<80x128xf32, #tpu.memory_space<vmem_shared>>
      tpu.wait_dma2 semaphore(%run_scoped3A : memref<!tpu.dma_semaphore, #tpu.memory_space<semaphore_mem>>) src(%arg10 : memref<80x128xf32, #tpu.memory_space<vmem>>) dst(%dma_wait3A_143 : memref<80x128xf32, #tpu.memory_space<vmem_shared>>)
      tpu.yield
    }) : () -> ()
    %mul3A_20 = arith.constant 640 : i32
    %mul3A_21 = arith.muli %arg1, %mul3A_20 : i32
    %add3A_22 = arith.constant 240 : i32
    %add3A_23 = arith.addi %mul3A_21, %add3A_22 : i32
    "tpu.region"() ({
      %run_scoped3A = tpu.sem_alloc : memref<!tpu.dma_semaphore, #tpu.memory_space<semaphore_mem>>
      %dma_start3A_136 = arith.constant 0 : i32
      %dma_start3A_137 = tpu.memref_slice %arg7[%add3A_23, %dma_start3A_136] : memref<10240x128xf32, #tpu.memory_space<vmem_shared>> -> memref<80x128xf32, #tpu.memory_space<vmem_shared>>
      %dma_start3A_138 = arith.constant 0 : i32
      %dma_start3A_139 = tpu.memref_slice %arg7[%add3A_23, %dma_start3A_138] : memref<10240x128xf32, #tpu.memory_space<vmem_shared>> -> memref<80x128xf32, #tpu.memory_space<vmem_shared>>
      tpu.enqueue_dma source(%arg10 : memref<80x128xf32, #tpu.memory_space<vmem>>) target(%dma_start3A_139 : memref<80x128xf32, #tpu.memory_space<vmem_shared>>) target_semaphore(%run_scoped3A : memref<!tpu.dma_semaphore, #tpu.memory_space<semaphore_mem>>)
      %dma_wait3A_140 = arith.constant 0 : i32
      %dma_wait3A_141 = tpu.memref_slice %arg7[%add3A_23, %dma_wait3A_140] : memref<10240x128xf32, #tpu.memory_space<vmem_shared>> -> memref<80x128xf32, #tpu.memory_space<vmem_shared>>
      %dma_wait3A_142 = arith.constant 0 : i32
      %dma_wait3A_143 = tpu.memref_slice %arg7[%add3A_23, %dma_wait3A_142] : memref<10240x128xf32, #tpu.memory_space<vmem_shared>> -> memref<80x128xf32, #tpu.memory_space<vmem_shared>>
      tpu.wait_dma2 semaphore(%run_scoped3A : memref<!tpu.dma_semaphore, #tpu.memory_space<semaphore_mem>>) src(%arg10 : memref<80x128xf32, #tpu.memory_space<vmem>>) dst(%dma_wait3A_143 : memref<80x128xf32, #tpu.memory_space<vmem_shared>>)
      tpu.yield
    }) : () -> ()
    %mul3A_24 = arith.constant 640 : i32
    %mul3A_25 = arith.muli %arg1, %mul3A_24 : i32
    %add3A_26 = arith.constant 320 : i32
    %add3A_27 = arith.addi %mul3A_25, %add3A_26 : i32
    "tpu.region"() ({
      %run_scoped3A = tpu.sem_alloc : memref<!tpu.dma_semaphore, #tpu.memory_space<semaphore_mem>>
      %dma_start3A_136 = arith.constant 0 : i32
      %dma_start3A_137 = tpu.memref_slice %arg7[%add3A_27, %dma_start3A_136] : memref<10240x128xf32, #tpu.memory_space<vmem_shared>> -> memref<80x128xf32, #tpu.memory_space<vmem_shared>>
      %dma_start3A_138 = arith.constant 0 : i32
      %dma_start3A_139 = tpu.memref_slice %arg7[%add3A_27, %dma_start3A_138] : memref<10240x128xf32, #tpu.memory_space<vmem_shared>> -> memref<80x128xf32, #tpu.memory_space<vmem_shared>>
      tpu.enqueue_dma source(%arg10 : memref<80x128xf32, #tpu.memory_space<vmem>>) target(%dma_start3A_139 : memref<80x128xf32, #tpu.memory_space<vmem_shared>>) target_semaphore(%run_scoped3A : memref<!tpu.dma_semaphore, #tpu.memory_space<semaphore_mem>>)
      %dma_wait3A_140 = arith.constant 0 : i32
      %dma_wait3A_141 = tpu.memref_slice %arg7[%add3A_27, %dma_wait3A_140] : memref<10240x128xf32, #tpu.memory_space<vmem_shared>> -> memref<80x128xf32, #tpu.memory_space<vmem_shared>>
      %dma_wait3A_142 = arith.constant 0 : i32
      %dma_wait3A_143 = tpu.memref_slice %arg7[%add3A_27, %dma_wait3A_142] : memref<10240x128xf32, #tpu.memory_space<vmem_shared>> -> memref<80x128xf32, #tpu.memory_space<vmem_shared>>
      tpu.wait_dma2 semaphore(%run_scoped3A : memref<!tpu.dma_semaphore, #tpu.memory_space<semaphore_mem>>) src(%arg10 : memref<80x128xf32, #tpu.memory_space<vmem>>) dst(%dma_wait3A_143 : memref<80x128xf32, #tpu.memory_space<vmem_shared>>)
      tpu.yield
    }) : () -> ()
    %mul3A_28 = arith.constant 640 : i32
    %mul3A_29 = arith.muli %arg1, %mul3A_28 : i32
    %add3A_30 = arith.constant 400 : i32
    %add3A_31 = arith.addi %mul3A_29, %add3A_30 : i32
    "tpu.region"() ({
      %run_scoped3A = tpu.sem_alloc : memref<!tpu.dma_semaphore, #tpu.memory_space<semaphore_mem>>
      %dma_start3A_136 = arith.constant 0 : i32
      %dma_start3A_137 = tpu.memref_slice %arg7[%add3A_31, %dma_start3A_136] : memref<10240x128xf32, #tpu.memory_space<vmem_shared>> -> memref<80x128xf32, #tpu.memory_space<vmem_shared>>
      %dma_start3A_138 = arith.constant 0 : i32
      %dma_start3A_139 = tpu.memref_slice %arg7[%add3A_31, %dma_start3A_138] : memref<10240x128xf32, #tpu.memory_space<vmem_shared>> -> memref<80x128xf32, #tpu.memory_space<vmem_shared>>
      tpu.enqueue_dma source(%arg10 : memref<80x128xf32, #tpu.memory_space<vmem>>) target(%dma_start3A_139 : memref<80x128xf32, #tpu.memory_space<vmem_shared>>) target_semaphore(%run_scoped3A : memref<!tpu.dma_semaphore, #tpu.memory_space<semaphore_mem>>)
      %dma_wait3A_140 = arith.constant 0 : i32
      %dma_wait3A_141 = tpu.memref_slice %arg7[%add3A_31, %dma_wait3A_140] : memref<10240x128xf32, #tpu.memory_space<vmem_shared>> -> memref<80x128xf32, #tpu.memory_space<vmem_shared>>
      %dma_wait3A_142 = arith.constant 0 : i32
      %dma_wait3A_143 = tpu.memref_slice %arg7[%add3A_31, %dma_wait3A_142] : memref<10240x128xf32, #tpu.memory_space<vmem_shared>> -> memref<80x128xf32, #tpu.memory_space<vmem_shared>>
      tpu.wait_dma2 semaphore(%run_scoped3A : memref<!tpu.dma_semaphore, #tpu.memory_space<semaphore_mem>>) src(%arg10 : memref<80x128xf32, #tpu.memory_space<vmem>>) dst(%dma_wait3A_143 : memref<80x128xf32, #tpu.memory_space<vmem_shared>>)
      tpu.yield
    }) : () -> ()
    %mul3A_32 = arith.constant 640 : i32
    %mul3A_33 = arith.muli %arg1, %mul3A_32 : i32
    %add3A_34 = arith.constant 480 : i32
    %add3A_35 = arith.addi %mul3A_33, %add3A_34 : i32
    "tpu.region"() ({
      %run_scoped3A = tpu.sem_alloc : memref<!tpu.dma_semaphore, #tpu.memory_space<semaphore_mem>>
      %dma_start3A_136 = arith.constant 0 : i32
      %dma_start3A_137 = tpu.memref_slice %arg7[%add3A_35, %dma_start3A_136] : memref<10240x128xf32, #tpu.memory_space<vmem_shared>> -> memref<80x128xf32, #tpu.memory_space<vmem_shared>>
      %dma_start3A_138 = arith.constant 0 : i32
      %dma_start3A_139 = tpu.memref_slice %arg7[%add3A_35, %dma_start3A_138] : memref<10240x128xf32, #tpu.memory_space<vmem_shared>> -> memref<80x128xf32, #tpu.memory_space<vmem_shared>>
      tpu.enqueue_dma source(%arg10 : memref<80x128xf32, #tpu.memory_space<vmem>>) target(%dma_start3A_139 : memref<80x128xf32, #tpu.memory_space<vmem_shared>>) target_semaphore(%run_scoped3A : memref<!tpu.dma_semaphore, #tpu.memory_space<semaphore_mem>>)
      %dma_wait3A_140 = arith.constant 0 : i32
      %dma_wait3A_141 = tpu.memref_slice %arg7[%add3A_35, %dma_wait3A_140] : memref<10240x128xf32, #tpu.memory_space<vmem_shared>> -> memref<80x128xf32, #tpu.memory_space<vmem_shared>>
      %dma_wait3A_142 = arith.constant 0 : i32
      %dma_wait3A_143 = tpu.memref_slice %arg7[%add3A_35, %dma_wait3A_142] : memref<10240x128xf32, #tpu.memory_space<vmem_shared>> -> memref<80x128xf32, #tpu.memory_space<vmem_shared>>
      tpu.wait_dma2 semaphore(%run_scoped3A : memref<!tpu.dma_semaphore, #tpu.memory_space<semaphore_mem>>) src(%arg10 : memref<80x128xf32, #tpu.memory_space<vmem>>) dst(%dma_wait3A_143 : memref<80x128xf32, #tpu.memory_space<vmem_shared>>)
      tpu.yield
    }) : () -> ()
    %mul3A_36 = arith.constant 640 : i32
    %mul3A_37 = arith.muli %arg1, %mul3A_36 : i32
    %add3A_38 = arith.constant 560 : i32
    %add3A_39 = arith.addi %mul3A_37, %add3A_38 : i32
    "tpu.region"() ({
      %run_scoped3A = tpu.sem_alloc : memref<!tpu.dma_semaphore, #tpu.memory_space<semaphore_mem>>
      %dma_start3A_136 = arith.constant 0 : i32
      %dma_start3A_137 = tpu.memref_slice %arg7[%add3A_39, %dma_start3A_136] : memref<10240x128xf32, #tpu.memory_space<vmem_shared>> -> memref<80x128xf32, #tpu.memory_space<vmem_shared>>
      %dma_start3A_138 = arith.constant 0 : i32
      %dma_start3A_139 = tpu.memref_slice %arg7[%add3A_39, %dma_start3A_138] : memref<10240x128xf32, #tpu.memory_space<vmem_shared>> -> memref<80x128xf32, #tpu.memory_space<vmem_shared>>
      tpu.enqueue_dma source(%arg10 : memref<80x128xf32, #tpu.memory_space<vmem>>) target(%dma_start3A_139 : memref<80x128xf32, #tpu.memory_space<vmem_shared>>) target_semaphore(%run_scoped3A : memref<!tpu.dma_semaphore, #tpu.memory_space<semaphore_mem>>)
      %dma_wait3A_140 = arith.constant 0 : i32
      %dma_wait3A_141 = tpu.memref_slice %arg7[%add3A_39, %dma_wait3A_140] : memref<10240x128xf32, #tpu.memory_space<vmem_shared>> -> memref<80x128xf32, #tpu.memory_space<vmem_shared>>
      %dma_wait3A_142 = arith.constant 0 : i32
      %dma_wait3A_143 = tpu.memref_slice %arg7[%add3A_39, %dma_wait3A_142] : memref<10240x128xf32, #tpu.memory_space<vmem_shared>> -> memref<80x128xf32, #tpu.memory_space<vmem_shared>>
      tpu.wait_dma2 semaphore(%run_scoped3A : memref<!tpu.dma_semaphore, #tpu.memory_space<semaphore_mem>>) src(%arg10 : memref<80x128xf32, #tpu.memory_space<vmem>>) dst(%dma_wait3A_143 : memref<80x128xf32, #tpu.memory_space<vmem_shared>>)
      tpu.yield
    }) : () -> ()
    %barrier3A = arith.constant 0 : index
    tpu.barrier barrier_id(%barrier3A)
    "tpu.region"() ({
      %run_scoped3A = tpu.sem_alloc : memref<!tpu.dma_semaphore, #tpu.memory_space<semaphore_mem>>
      %dma_start3A_136 = tpu.memref_slice %arg4[%mul3A_2] : memref<320000xi32, #tpu.memory_space<hbm>> -> memref<80xi32, #tpu.memory_space<hbm>>
      %dma_start3A_137 = tpu.memref_slice %arg4[%mul3A_2] : memref<320000xi32, #tpu.memory_space<hbm>> -> memref<80xi32, #tpu.memory_space<hbm>>
      tpu.enqueue_dma source(%dma_start3A_137 : memref<80xi32, #tpu.memory_space<hbm>>) target(%arg12 : memref<80xi32, #tpu.memory_space<vmem>>) target_semaphore(%run_scoped3A : memref<!tpu.dma_semaphore, #tpu.memory_space<semaphore_mem>>)
      %dma_wait3A_138 = tpu.memref_slice %arg4[%mul3A_2] : memref<320000xi32, #tpu.memory_space<hbm>> -> memref<80xi32, #tpu.memory_space<hbm>>
      %dma_wait3A_139 = tpu.memref_slice %arg4[%mul3A_2] : memref<320000xi32, #tpu.memory_space<hbm>> -> memref<80xi32, #tpu.memory_space<hbm>>
      tpu.wait_dma2 semaphore(%run_scoped3A : memref<!tpu.dma_semaphore, #tpu.memory_space<semaphore_mem>>) src(%dma_wait3A_139 : memref<80xi32, #tpu.memory_space<hbm>>) dst(%arg12 : memref<80xi32, #tpu.memory_space<vmem>>)
      tpu.yield
    }) : () -> ()
    "tpu.region"() ({
      %run_scoped3A = tpu.sem_alloc : memref<!tpu.dma_semaphore, #tpu.memory_space<semaphore_mem>>
      %dma_start3A_136 = tpu.memref_slice %arg5[%mul3A_2] : memref<320000xi32, #tpu.memory_space<hbm>> -> memref<80xi32, #tpu.memory_space<hbm>>
      %dma_start3A_137 = tpu.memref_slice %arg5[%mul3A_2] : memref<320000xi32, #tpu.memory_space<hbm>> -> memref<80xi32, #tpu.memory_space<hbm>>
      tpu.enqueue_dma source(%dma_start3A_137 : memref<80xi32, #tpu.memory_space<hbm>>) target(%arg14 : memref<80xi32, #tpu.memory_space<vmem>>) target_semaphore(%run_scoped3A : memref<!tpu.dma_semaphore, #tpu.memory_space<semaphore_mem>>)
      %dma_wait3A_138 = tpu.memref_slice %arg5[%mul3A_2] : memref<320000xi32, #tpu.memory_space<hbm>> -> memref<80xi32, #tpu.memory_space<hbm>>
      %dma_wait3A_139 = tpu.memref_slice %arg5[%mul3A_2] : memref<320000xi32, #tpu.memory_space<hbm>> -> memref<80xi32, #tpu.memory_space<hbm>>
      tpu.wait_dma2 semaphore(%run_scoped3A : memref<!tpu.dma_semaphore, #tpu.memory_space<semaphore_mem>>) src(%dma_wait3A_139 : memref<80xi32, #tpu.memory_space<hbm>>) dst(%arg14 : memref<80xi32, #tpu.memory_space<vmem>>)
      tpu.yield
    }) : () -> ()
    %add3A_40 = arith.constant 0 : i32
    %add3A_41 = arith.addi %mul3A_2, %add3A_40 : i32
    %dma_start3A = arith.constant 0 : i32
    %dma_start3A_42 = arith.constant 0 : i32
    %dma_start3A_43 = tpu.memref_slice %arg2[%dma_start3A, %dma_start3A_42] : memref<10240x128xf32, #tpu.memory_space<hbm>> -> memref<10240x128xf32, #tpu.memory_space<hbm>>
    tpu.enqueue_indirect_dma source(%dma_start3A_43 : memref<10240x128xf32, #tpu.memory_space<hbm>>) target(%arg8 : memref<80x128xf32, #tpu.memory_space<vmem>>) offsets(%arg12 : memref<80xi32, #tpu.memory_space<vmem>>) semaphore(%arg16 : memref<!tpu.dma_semaphore, #tpu.memory_space<semaphore_mem>>)
    %dma_start3A_44 = arith.constant 0 : i32
    %dma_start3A_45 = tpu.memref_slice %arg3[%add3A_41, %dma_start3A_44] : memref<320000x128xf32, #tpu.memory_space<hbm>> -> memref<80x128xf32, #tpu.memory_space<hbm>>
    %dma_start3A_46 = arith.constant 0 : i32
    %dma_start3A_47 = tpu.memref_slice %arg3[%add3A_41, %dma_start3A_46] : memref<320000x128xf32, #tpu.memory_space<hbm>> -> memref<80x128xf32, #tpu.memory_space<hbm>>
    tpu.enqueue_dma source(%dma_start3A_47 : memref<80x128xf32, #tpu.memory_space<hbm>>) target(%arg10 : memref<80x128xf32, #tpu.memory_space<vmem>>) target_semaphore(%arg18 : memref<!tpu.dma_semaphore, #tpu.memory_space<semaphore_mem>>)
    %add3A_48 = arith.constant 80 : i32
    %add3A_49 = arith.addi %mul3A_2, %add3A_48 : i32
    %dma_start3A_50 = tpu.memref_slice %arg4[%add3A_49] : memref<320000xi32, #tpu.memory_space<hbm>> -> memref<80xi32, #tpu.memory_space<hbm>>
    %dma_start3A_51 = tpu.memref_slice %arg4[%add3A_49] : memref<320000xi32, #tpu.memory_space<hbm>> -> memref<80xi32, #tpu.memory_space<hbm>>
    tpu.enqueue_dma source(%dma_start3A_51 : memref<80xi32, #tpu.memory_space<hbm>>) target(%arg13 : memref<80xi32, #tpu.memory_space<vmem>>) target_semaphore(%arg21 : memref<!tpu.dma_semaphore, #tpu.memory_space<semaphore_mem>>)
    %dma_start3A_52 = tpu.memref_slice %arg5[%add3A_49] : memref<320000xi32, #tpu.memory_space<hbm>> -> memref<80xi32, #tpu.memory_space<hbm>>
    %dma_start3A_53 = tpu.memref_slice %arg5[%add3A_49] : memref<320000xi32, #tpu.memory_space<hbm>> -> memref<80xi32, #tpu.memory_space<hbm>>
    tpu.enqueue_dma source(%dma_start3A_53 : memref<80xi32, #tpu.memory_space<hbm>>) target(%arg15 : memref<80xi32, #tpu.memory_space<vmem>>) target_semaphore(%arg21 : memref<!tpu.dma_semaphore, #tpu.memory_space<semaphore_mem>>)
    %add3A_54 = arith.constant 80 : i32
    %add3A_55 = arith.addi %mul3A_2, %add3A_54 : i32
    %dma_wait3A = tpu.memref_slice %arg4[%add3A_55] : memref<320000xi32, #tpu.memory_space<hbm>> -> memref<80xi32, #tpu.memory_space<hbm>>
    %dma_wait3A_56 = tpu.memref_slice %arg4[%add3A_55] : memref<320000xi32, #tpu.memory_space<hbm>> -> memref<80xi32, #tpu.memory_space<hbm>>
    tpu.wait_dma2 semaphore(%arg21 : memref<!tpu.dma_semaphore, #tpu.memory_space<semaphore_mem>>) src(%dma_wait3A_56 : memref<80xi32, #tpu.memory_space<hbm>>) dst(%arg13 : memref<80xi32, #tpu.memory_space<vmem>>)
    %dma_wait3A_57 = tpu.memref_slice %arg5[%add3A_55] : memref<320000xi32, #tpu.memory_space<hbm>> -> memref<80xi32, #tpu.memory_space<hbm>>
    %dma_wait3A_58 = tpu.memref_slice %arg5[%add3A_55] : memref<320000xi32, #tpu.memory_space<hbm>> -> memref<80xi32, #tpu.memory_space<hbm>>
    tpu.wait_dma2 semaphore(%arg21 : memref<!tpu.dma_semaphore, #tpu.memory_space<semaphore_mem>>) src(%dma_wait3A_58 : memref<80xi32, #tpu.memory_space<hbm>>) dst(%arg15 : memref<80xi32, #tpu.memory_space<vmem>>)
    %add3A_59 = arith.constant 80 : i32
    %add3A_60 = arith.addi %mul3A_2, %add3A_59 : i32
    %dma_start3A_61 = arith.constant 0 : i32
    %dma_start3A_62 = arith.constant 0 : i32
    %dma_start3A_63 = tpu.memref_slice %arg2[%dma_start3A_61, %dma_start3A_62] : memref<10240x128xf32, #tpu.memory_space<hbm>> -> memref<10240x128xf32, #tpu.memory_space<hbm>>
    tpu.enqueue_indirect_dma source(%dma_start3A_63 : memref<10240x128xf32, #tpu.memory_space<hbm>>) target(%arg9 : memref<80x128xf32, #tpu.memory_space<vmem>>) offsets(%arg13 : memref<80xi32, #tpu.memory_space<vmem>>) semaphore(%arg17 : memref<!tpu.dma_semaphore, #tpu.memory_space<semaphore_mem>>)
    %dma_start3A_64 = arith.constant 0 : i32
    %dma_start3A_65 = tpu.memref_slice %arg3[%add3A_60, %dma_start3A_64] : memref<320000x128xf32, #tpu.memory_space<hbm>> -> memref<80x128xf32, #tpu.memory_space<hbm>>
    %dma_start3A_66 = arith.constant 0 : i32
    %dma_start3A_67 = tpu.memref_slice %arg3[%add3A_60, %dma_start3A_66] : memref<320000x128xf32, #tpu.memory_space<hbm>> -> memref<80x128xf32, #tpu.memory_space<hbm>>
    tpu.enqueue_dma source(%dma_start3A_67 : memref<80x128xf32, #tpu.memory_space<hbm>>) target(%arg11 : memref<80x128xf32, #tpu.memory_space<vmem>>) target_semaphore(%arg19 : memref<!tpu.dma_semaphore, #tpu.memory_space<semaphore_mem>>)
    %add3A_68 = arith.constant 0 : i32
    %add3A_69 = arith.addi %mul3A_2, %add3A_68 : i32
    %dma_wait3A_70 = arith.constant 0 : i32
    %dma_wait3A_71 = arith.constant 0 : i32
    %dma_wait3A_72 = tpu.memref_slice %arg2[%dma_wait3A_70, %dma_wait3A_71] : memref<10240x128xf32, #tpu.memory_space<hbm>> -> memref<10240x128xf32, #tpu.memory_space<hbm>>
    tpu.wait_indirect_dma semaphore(%arg16 : memref<!tpu.dma_semaphore, #tpu.memory_space<semaphore_mem>>) src(%dma_wait3A_72 : memref<10240x128xf32, #tpu.memory_space<hbm>>) dst(%arg8 : memref<80x128xf32, #tpu.memory_space<vmem>>)
    %dma_wait3A_73 = arith.constant 0 : i32
    %dma_wait3A_74 = tpu.memref_slice %arg3[%add3A_69, %dma_wait3A_73] : memref<320000x128xf32, #tpu.memory_space<hbm>> -> memref<80x128xf32, #tpu.memory_space<hbm>>
    %dma_wait3A_75 = arith.constant 0 : i32
    %dma_wait3A_76 = tpu.memref_slice %arg3[%add3A_69, %dma_wait3A_75] : memref<320000x128xf32, #tpu.memory_space<hbm>> -> memref<80x128xf32, #tpu.memory_space<hbm>>
    tpu.wait_dma2 semaphore(%arg18 : memref<!tpu.dma_semaphore, #tpu.memory_space<semaphore_mem>>) src(%dma_wait3A_76 : memref<80x128xf32, #tpu.memory_space<hbm>>) dst(%arg10 : memref<80x128xf32, #tpu.memory_space<vmem>>)
    %scan3A_77 = arith.constant 0 : i32
    %scan3A_78 = arith.constant 0 : i32
    %scan3A_79 = arith.constant 80 : i32
    %scan3A_80 = arith.addi %scan3A_78, %scan3A_79 : i32
    %scan3A_81 = arith.constant 1 : i32
    scf.for %scan3A_136 = %scan3A_78 to %scan3A_80 step %scan3A_81  : i32 {
      %get3A = arith.index_cast %scan3A_136 : i32 to index
      %get3A_137 = arith.constant 0 : index
      %get3A_138 = tpu.vector_load %arg8[%get3A, %get3A_137] {strides = array<i32>} : memref<80x128xf32, #tpu.memory_space<vmem>>, vector<16xf32>,
      %get3A_139 = arith.index_cast %scan3A_136 : i32 to index
      %get3A_140 = arith.constant 0 : index
      %get3A_141 = tpu.vector_load %arg10[%get3A_139, %get3A_140] {strides = array<i32>} : memref<80x128xf32, #tpu.memory_space<vmem>>, vector<16xf32>,
      %mul3A_142 = arith.mulf %get3A_138, %get3A_141 : vector<16xf32>
      %swap3A = arith.index_cast %scan3A_136 : i32 to index
      %swap3A_143 = arith.constant 0 : index
      %swap3A_144 = tpu.vector_load %arg8[%swap3A, %swap3A_143] {strides = array<i32>} : memref<80x128xf32, #tpu.memory_space<vmem>>, vector<16xf32>,
      tpu.vector_store %arg8[%swap3A, %swap3A_143], %mul3A_142 {strides = array<i32>} : memref<80x128xf32, #tpu.memory_space<vmem>>, vector<16xf32>,
      %get3A_145 = arith.index_cast %scan3A_136 : i32 to index
      %get3A_146 = arith.constant 16 : index
      %get3A_147 = tpu.vector_load %arg8[%get3A_145, %get3A_146] {strides = array<i32>} : memref<80x128xf32, #tpu.memory_space<vmem>>, vector<16xf32>,
      %get3A_148 = arith.index_cast %scan3A_136 : i32 to index
      %get3A_149 = arith.constant 16 : index
      %get3A_150 = tpu.vector_load %arg10[%get3A_148, %get3A_149] {strides = array<i32>} : memref<80x128xf32, #tpu.memory_space<vmem>>, vector<16xf32>,
      %mul3A_151 = arith.mulf %get3A_147, %get3A_150 : vector<16xf32>
      %swap3A_152 = arith.index_cast %scan3A_136 : i32 to index
      %swap3A_153 = arith.constant 16 : index
      %swap3A_154 = tpu.vector_load %arg8[%swap3A_152, %swap3A_153] {strides = array<i32>} : memref<80x128xf32, #tpu.memory_space<vmem>>, vector<16xf32>,
      tpu.vector_store %arg8[%swap3A_152, %swap3A_153], %mul3A_151 {strides = array<i32>} : memref<80x128xf32, #tpu.memory_space<vmem>>, vector<16xf32>,
      %get3A_155 = arith.index_cast %scan3A_136 : i32 to index
      %get3A_156 = arith.constant 32 : index
      %get3A_157 = tpu.vector_load %arg8[%get3A_155, %get3A_156] {strides = array<i32>} : memref<80x128xf32, #tpu.memory_space<vmem>>, vector<16xf32>,
      %get3A_158 = arith.index_cast %scan3A_136 : i32 to index
      %get3A_159 = arith.constant 32 : index
      %get3A_160 = tpu.vector_load %arg10[%get3A_158, %get3A_159] {strides = array<i32>} : memref<80x128xf32, #tpu.memory_space<vmem>>, vector<16xf32>,
      %mul3A_161 = arith.mulf %get3A_157, %get3A_160 : vector<16xf32>
      %swap3A_162 = arith.index_cast %scan3A_136 : i32 to index
      %swap3A_163 = arith.constant 32 : index
      %swap3A_164 = tpu.vector_load %arg8[%swap3A_162, %swap3A_163] {strides = array<i32>} : memref<80x128xf32, #tpu.memory_space<vmem>>, vector<16xf32>,
      tpu.vector_store %arg8[%swap3A_162, %swap3A_163], %mul3A_161 {strides = array<i32>} : memref<80x128xf32, #tpu.memory_space<vmem>>, vector<16xf32>,
      %get3A_165 = arith.index_cast %scan3A_136 : i32 to index
      %get3A_166 = arith.constant 48 : index
      %get3A_167 = tpu.vector_load %arg8[%get3A_165, %get3A_166] {strides = array<i32>} : memref<80x128xf32, #tpu.memory_space<vmem>>, vector<16xf32>,
      %get3A_168 = arith.index_cast %scan3A_136 : i32 to index
      %get3A_169 = arith.constant 48 : index
      %get3A_170 = tpu.vector_load %arg10[%get3A_168, %get3A_169] {strides = array<i32>} : memref<80x128xf32, #tpu.memory_space<vmem>>, vector<16xf32>,
      %mul3A_171 = arith.mulf %get3A_167, %get3A_170 : vector<16xf32>
      %swap3A_172 = arith.index_cast %scan3A_136 : i32 to index
      %swap3A_173 = arith.constant 48 : index
      %swap3A_174 = tpu.vector_load %arg8[%swap3A_172, %swap3A_173] {strides = array<i32>} : memref<80x128xf32, #tpu.memory_space<vmem>>, vector<16xf32>,
      tpu.vector_store %arg8[%swap3A_172, %swap3A_173], %mul3A_171 {strides = array<i32>} : memref<80x128xf32, #tpu.memory_space<vmem>>, vector<16xf32>,
      %get3A_175 = arith.index_cast %scan3A_136 : i32 to index
      %get3A_176 = arith.constant 64 : index
      %get3A_177 = tpu.vector_load %arg8[%get3A_175, %get3A_176] {strides = array<i32>} : memref<80x128xf32, #tpu.memory_space<vmem>>, vector<16xf32>,
      %get3A_178 = arith.index_cast %scan3A_136 : i32 to index
      %get3A_179 = arith.constant 64 : index
      %get3A_180 = tpu.vector_load %arg10[%get3A_178, %get3A_179] {strides = array<i32>} : memref<80x128xf32, #tpu.memory_space<vmem>>, vector<16xf32>,
      %mul3A_181 = arith.mulf %get3A_177, %get3A_180 : vector<16xf32>
      %swap3A_182 = arith.index_cast %scan3A_136 : i32 to index
      %swap3A_183 = arith.constant 64 : index
      %swap3A_184 = tpu.vector_load %arg8[%swap3A_182, %swap3A_183] {strides = array<i32>} : memref<80x128xf32, #tpu.memory_space<vmem>>, vector<16xf32>,
      tpu.vector_store %arg8[%swap3A_182, %swap3A_183], %mul3A_181 {strides = array<i32>} : memref<80x128xf32, #tpu.memory_space<vmem>>, vector<16xf32>,
      %get3A_185 = arith.index_cast %scan3A_136 : i32 to index
      %get3A_186 = arith.constant 80 : index
      %get3A_187 = tpu.vector_load %arg8[%get3A_185, %get3A_186] {strides = array<i32>} : memref<80x128xf32, #tpu.memory_space<vmem>>, vector<16xf32>,
      %get3A_188 = arith.index_cast %scan3A_136 : i32 to index
      %get3A_189 = arith.constant 80 : index
      %get3A_190 = tpu.vector_load %arg10[%get3A_188, %get3A_189] {strides = array<i32>} : memref<80x128xf32, #tpu.memory_space<vmem>>, vector<16xf32>,
      %mul3A_191 = arith.mulf %get3A_187, %get3A_190 : vector<16xf32>
      %swap3A_192 = arith.index_cast %scan3A_136 : i32 to index
      %swap3A_193 = arith.constant 80 : index
      %swap3A_194 = tpu.vector_load %arg8[%swap3A_192, %swap3A_193] {strides = array<i32>} : memref<80x128xf32, #tpu.memory_space<vmem>>, vector<16xf32>,
      tpu.vector_store %arg8[%swap3A_192, %swap3A_193], %mul3A_191 {strides = array<i32>} : memref<80x128xf32, #tpu.memory_space<vmem>>, vector<16xf32>,
      %get3A_195 = arith.index_cast %scan3A_136 : i32 to index
      %get3A_196 = arith.constant 96 : index
      %get3A_197 = tpu.vector_load %arg8[%get3A_195, %get3A_196] {strides = array<i32>} : memref<80x128xf32, #tpu.memory_space<vmem>>, vector<16xf32>,
      %get3A_198 = arith.index_cast %scan3A_136 : i32 to index
      %get3A_199 = arith.constant 96 : index
      %get3A_200 = tpu.vector_load %arg10[%get3A_198, %get3A_199] {strides = array<i32>} : memref<80x128xf32, #tpu.memory_space<vmem>>, vector<16xf32>,
      %mul3A_201 = arith.mulf %get3A_197, %get3A_200 : vector<16xf32>
      %swap3A_202 = arith.index_cast %scan3A_136 : i32 to index
      %swap3A_203 = arith.constant 96 : index
      %swap3A_204 = tpu.vector_load %arg8[%swap3A_202, %swap3A_203] {strides = array<i32>} : memref<80x128xf32, #tpu.memory_space<vmem>>, vector<16xf32>,
      tpu.vector_store %arg8[%swap3A_202, %swap3A_203], %mul3A_201 {strides = array<i32>} : memref<80x128xf32, #tpu.memory_space<vmem>>, vector<16xf32>,
      %get3A_205 = arith.index_cast %scan3A_136 : i32 to index
      %get3A_206 = arith.constant 112 : index
      %get3A_207 = tpu.vector_load %arg8[%get3A_205, %get3A_206] {strides = array<i32>} : memref<80x128xf32, #tpu.memory_space<vmem>>, vector<16xf32>,
      %get3A_208 = arith.index_cast %scan3A_136 : i32 to index
      %get3A_209 = arith.constant 112 : index
      %get3A_210 = tpu.vector_load %arg10[%get3A_208, %get3A_209] {strides = array<i32>} : memref<80x128xf32, #tpu.memory_space<vmem>>, vector<16xf32>,
      %mul3A_211 = arith.mulf %get3A_207, %get3A_210 : vector<16xf32>
      %swap3A_212 = arith.index_cast %scan3A_136 : i32 to index
      %swap3A_213 = arith.constant 112 : index
      %swap3A_214 = tpu.vector_load %arg8[%swap3A_212, %swap3A_213] {strides = array<i32>} : memref<80x128xf32, #tpu.memory_space<vmem>>, vector<16xf32>,
      tpu.vector_store %arg8[%swap3A_212, %swap3A_213], %mul3A_211 {strides = array<i32>} : memref<80x128xf32, #tpu.memory_space<vmem>>, vector<16xf32>,
    }
    %scan3A_82 = arith.constant 80 : i32
    "tpu.region"() ({
      %run_scoped3A = tpu.sem_alloc : memref<!tpu.dma_semaphore, #tpu.memory_space<semaphore_mem>>
      %dma_start3A_136 = arith.constant 0 : i32
      %dma_start3A_137 = arith.constant 0 : i32
      %dma_start3A_138 = tpu.memref_slice %arg7[%dma_start3A_136, %dma_start3A_137] : memref<10240x128xf32, #tpu.memory_space<vmem_shared>> -> memref<10240x128xf32, #tpu.memory_space<vmem_shared>>
      tpu.enqueue_indirect_dma source(%arg8 : memref<80x128xf32, #tpu.memory_space<vmem>>) target(%dma_start3A_138 : memref<10240x128xf32, #tpu.memory_space<vmem_shared>>) offsets(%arg14 : memref<80xi32, #tpu.memory_space<vmem>>) semaphore(%run_scoped3A : memref<!tpu.dma_semaphore, #tpu.memory_space<semaphore_mem>>) {add = true}
      %dma_wait3A_139 = arith.constant 0 : i32
      %dma_wait3A_140 = arith.constant 0 : i32
      %dma_wait3A_141 = tpu.memref_slice %arg7[%dma_wait3A_139, %dma_wait3A_140] : memref<10240x128xf32, #tpu.memory_space<vmem_shared>> -> memref<10240x128xf32, #tpu.memory_space<vmem_shared>>
      tpu.wait_indirect_dma semaphore(%run_scoped3A : memref<!tpu.dma_semaphore, #tpu.memory_space<semaphore_mem>>) src(%arg8 : memref<80x128xf32, #tpu.memory_space<vmem>>) dst(%dma_wait3A_141 : memref<10240x128xf32, #tpu.memory_space<vmem_shared>>)
      tpu.yield
    }) : () -> ()
    %add3A_83 = arith.constant 160 : i32
    %add3A_84 = arith.addi %mul3A_2, %add3A_83 : i32
    %dma_start3A_85 = tpu.memref_slice %arg4[%add3A_84] : memref<320000xi32, #tpu.memory_space<hbm>> -> memref<80xi32, #tpu.memory_space<hbm>>
    %dma_start3A_86 = tpu.memref_slice %arg4[%add3A_84] : memref<320000xi32, #tpu.memory_space<hbm>> -> memref<80xi32, #tpu.memory_space<hbm>>
    tpu.enqueue_dma source(%dma_start3A_86 : memref<80xi32, #tpu.memory_space<hbm>>) target(%arg12 : memref<80xi32, #tpu.memory_space<vmem>>) target_semaphore(%arg20 : memref<!tpu.dma_semaphore, #tpu.memory_space<semaphore_mem>>)
    %dma_start3A_87 = tpu.memref_slice %arg5[%add3A_84] : memref<320000xi32, #tpu.memory_space<hbm>> -> memref<80xi32, #tpu.memory_space<hbm>>
    %dma_start3A_88 = tpu.memref_slice %arg5[%add3A_84] : memref<320000xi32, #tpu.memory_space<hbm>> -> memref<80xi32, #tpu.memory_space<hbm>>
    tpu.enqueue_dma source(%dma_start3A_88 : memref<80xi32, #tpu.memory_space<hbm>>) target(%arg14 : memref<80xi32, #tpu.memory_space<vmem>>) target_semaphore(%arg20 : memref<!tpu.dma_semaphore, #tpu.memory_space<semaphore_mem>>)
    %scan3A_89 = arith.constant 0 : i32
    %scan3A_90 = arith.constant 0 : i32
    %scan3A_91 = arith.constant 62 : i32
    %scan3A_92 = arith.addi %scan3A_90, %scan3A_91 : i32
    %scan3A_93 = arith.constant 1 : i32
    scf.for %scan3A_136 = %scan3A_90 to %scan3A_92 step %scan3A_93  : i32 {
      %mul3A_137 = arith.constant 2 : i32
      %mul3A_138 = arith.muli %mul3A_137, %scan3A_136 : i32
      %add3A_139 = arith.constant 1 : i32
      %add3A_140 = arith.addi %mul3A_138, %add3A_139 : i32
      %add3A_141 = arith.constant 1 : i32
      %add3A_142 = arith.addi %add3A_140, %add3A_141 : i32
      %lt3A = arith.constant 125 : i32
      %lt3A_143 = arith.cmpi slt, %add3A_142, %lt3A : i32
      %convert_element_type3A = arith.extui %lt3A_143 : i1 to i32
      %cond3A = arith.constant 0 : i32
      %cond3A_144 = arith.cmpi ne, %convert_element_type3A, %cond3A : i32
      scf.if %cond3A_144 {
        %add3A_202 = arith.constant 1 : i32
        %add3A_203 = arith.addi %add3A_140, %add3A_202 : i32
        %mul3A_204 = arith.constant 80 : i32
        %mul3A_205 = arith.muli %add3A_203, %mul3A_204 : i32
        %add3A_206 = arith.addi %mul3A_2, %mul3A_205 : i32
        %dma_wait3A_207 = tpu.memref_slice %arg4[%add3A_206] : memref<320000xi32, #tpu.memory_space<hbm>> -> memref<80xi32, #tpu.memory_space<hbm>>
        %dma_wait3A_208 = tpu.memref_slice %arg4[%add3A_206] : memref<320000xi32, #tpu.memory_space<hbm>> -> memref<80xi32, #tpu.memory_space<hbm>>
        tpu.wait_dma2 semaphore(%arg20 : memref<!tpu.dma_semaphore, #tpu.memory_space<semaphore_mem>>) src(%dma_wait3A_208 : memref<80xi32, #tpu.memory_space<hbm>>) dst(%arg12 : memref<80xi32, #tpu.memory_space<vmem>>)
        %dma_wait3A_209 = tpu.memref_slice %arg5[%add3A_206] : memref<320000xi32, #tpu.memory_space<hbm>> -> memref<80xi32, #tpu.memory_space<hbm>>
        %dma_wait3A_210 = tpu.memref_slice %arg5[%add3A_206] : memref<320000xi32, #tpu.memory_space<hbm>> -> memref<80xi32, #tpu.memory_space<hbm>>
        tpu.wait_dma2 semaphore(%arg20 : memref<!tpu.dma_semaphore, #tpu.memory_space<semaphore_mem>>) src(%dma_wait3A_210 : memref<80xi32, #tpu.memory_space<hbm>>) dst(%arg14 : memref<80xi32, #tpu.memory_space<vmem>>)
        %add3A_211 = arith.constant 1 : i32
        %add3A_212 = arith.addi %add3A_140, %add3A_211 : i32
        %mul3A_213 = arith.constant 80 : i32
        %mul3A_214 = arith.muli %add3A_212, %mul3A_213 : i32
        %add3A_215 = arith.addi %mul3A_2, %mul3A_214 : i32
        %dma_start3A_216 = arith.constant 0 : i32
        %dma_start3A_217 = arith.constant 0 : i32
        %dma_start3A_218 = tpu.memref_slice %arg2[%dma_start3A_216, %dma_start3A_217] : memref<10240x128xf32, #tpu.memory_space<hbm>> -> memref<10240x128xf32, #tpu.memory_space<hbm>>
        tpu.enqueue_indirect_dma source(%dma_start3A_218 : memref<10240x128xf32, #tpu.memory_space<hbm>>) target(%arg8 : memref<80x128xf32, #tpu.memory_space<vmem>>) offsets(%arg12 : memref<80xi32, #tpu.memory_space<vmem>>) semaphore(%arg16 : memref<!tpu.dma_semaphore, #tpu.memory_space<semaphore_mem>>)
        %dma_start3A_219 = arith.constant 0 : i32
        %dma_start3A_220 = tpu.memref_slice %arg3[%add3A_215, %dma_start3A_219] : memref<320000x128xf32, #tpu.memory_space<hbm>> -> memref<80x128xf32, #tpu.memory_space<hbm>>
        %dma_start3A_221 = arith.constant 0 : i32
        %dma_start3A_222 = tpu.memref_slice %arg3[%add3A_215, %dma_start3A_221] : memref<320000x128xf32, #tpu.memory_space<hbm>> -> memref<80x128xf32, #tpu.memory_space<hbm>>
        tpu.enqueue_dma source(%dma_start3A_222 : memref<80x128xf32, #tpu.memory_space<hbm>>) target(%arg10 : memref<80x128xf32, #tpu.memory_space<vmem>>) target_semaphore(%arg18 : memref<!tpu.dma_semaphore, #tpu.memory_space<semaphore_mem>>)
      } else {
      }
      %mul3A_145 = arith.constant 80 : i32
      %mul3A_146 = arith.muli %add3A_140, %mul3A_145 : i32
      %add3A_147 = arith.addi %mul3A_2, %mul3A_146 : i32
      %dma_wait3A_148 = arith.constant 0 : i32
      %dma_wait3A_149 = arith.constant 0 : i32
      %dma_wait3A_150 = tpu.memref_slice %arg2[%dma_wait3A_148, %dma_wait3A_149] : memref<10240x128xf32, #tpu.memory_space<hbm>> -> memref<10240x128xf32, #tpu.memory_space<hbm>>
      tpu.wait_indirect_dma semaphore(%arg17 : memref<!tpu.dma_semaphore, #tpu.memory_space<semaphore_mem>>) src(%dma_wait3A_150 : memref<10240x128xf32, #tpu.memory_space<hbm>>) dst(%arg9 : memref<80x128xf32, #tpu.memory_space<vmem>>)
      %dma_wait3A_151 = arith.constant 0 : i32
      %dma_wait3A_152 = tpu.memref_slice %arg3[%add3A_147, %dma_wait3A_151] : memref<320000x128xf32, #tpu.memory_space<hbm>> -> memref<80x128xf32, #tpu.memory_space<hbm>>
      %dma_wait3A_153 = arith.constant 0 : i32
      %dma_wait3A_154 = tpu.memref_slice %arg3[%add3A_147, %dma_wait3A_153] : memref<320000x128xf32, #tpu.memory_space<hbm>> -> memref<80x128xf32, #tpu.memory_space<hbm>>
      tpu.wait_dma2 semaphore(%arg19 : memref<!tpu.dma_semaphore, #tpu.memory_space<semaphore_mem>>) src(%dma_wait3A_154 : memref<80x128xf32, #tpu.memory_space<hbm>>) dst(%arg11 : memref<80x128xf32, #tpu.memory_space<vmem>>)
      %scan3A_155 = arith.constant 0 : i32
      %scan3A_156 = arith.constant 0 : i32
      %scan3A_157 = arith.constant 80 : i32
      %scan3A_158 = arith.addi %scan3A_156, %scan3A_157 : i32
      %scan3A_159 = arith.constant 1 : i32
      scf.for %scan3A_202 = %scan3A_156 to %scan3A_158 step %scan3A_159  : i32 {
        %get3A = arith.index_cast %scan3A_202 : i32 to index
        %get3A_203 = arith.constant 0 : index
        %get3A_204 = tpu.vector_load %arg9[%get3A, %get3A_203] {strides = array<i32>} : memref<80x128xf32, #tpu.memory_space<vmem>>, vector<16xf32>,
        %get3A_205 = arith.index_cast %scan3A_202 : i32 to index
        %get3A_206 = arith.constant 0 : index
        %get3A_207 = tpu.vector_load %arg11[%get3A_205, %get3A_206] {strides = array<i32>} : memref<80x128xf32, #tpu.memory_space<vmem>>, vector<16xf32>,
        %mul3A_208 = arith.mulf %get3A_204, %get3A_207 : vector<16xf32>
        %swap3A = arith.index_cast %scan3A_202 : i32 to index
        %swap3A_209 = arith.constant 0 : index
        %swap3A_210 = tpu.vector_load %arg9[%swap3A, %swap3A_209] {strides = array<i32>} : memref<80x128xf32, #tpu.memory_space<vmem>>, vector<16xf32>,
        tpu.vector_store %arg9[%swap3A, %swap3A_209], %mul3A_208 {strides = array<i32>} : memref<80x128xf32, #tpu.memory_space<vmem>>, vector<16xf32>,
        %get3A_211 = arith.index_cast %scan3A_202 : i32 to index
        %get3A_212 = arith.constant 16 : index
        %get3A_213 = tpu.vector_load %arg9[%get3A_211, %get3A_212] {strides = array<i32>} : memref<80x128xf32, #tpu.memory_space<vmem>>, vector<16xf32>,
        %get3A_214 = arith.index_cast %scan3A_202 : i32 to index
        %get3A_215 = arith.constant 16 : index
        %get3A_216 = tpu.vector_load %arg11[%get3A_214, %get3A_215] {strides = array<i32>} : memref<80x128xf32, #tpu.memory_space<vmem>>, vector<16xf32>,
        %mul3A_217 = arith.mulf %get3A_213, %get3A_216 : vector<16xf32>
        %swap3A_218 = arith.index_cast %scan3A_202 : i32 to index
        %swap3A_219 = arith.constant 16 : index
        %swap3A_220 = tpu.vector_load %arg9[%swap3A_218, %swap3A_219] {strides = array<i32>} : memref<80x128xf32, #tpu.memory_space<vmem>>, vector<16xf32>,
        tpu.vector_store %arg9[%swap3A_218, %swap3A_219], %mul3A_217 {strides = array<i32>} : memref<80x128xf32, #tpu.memory_space<vmem>>, vector<16xf32>,
        %get3A_221 = arith.index_cast %scan3A_202 : i32 to index
        %get3A_222 = arith.constant 32 : index
        %get3A_223 = tpu.vector_load %arg9[%get3A_221, %get3A_222] {strides = array<i32>} : memref<80x128xf32, #tpu.memory_space<vmem>>, vector<16xf32>,
        %get3A_224 = arith.index_cast %scan3A_202 : i32 to index
        %get3A_225 = arith.constant 32 : index
        %get3A_226 = tpu.vector_load %arg11[%get3A_224, %get3A_225] {strides = array<i32>} : memref<80x128xf32, #tpu.memory_space<vmem>>, vector<16xf32>,
        %mul3A_227 = arith.mulf %get3A_223, %get3A_226 : vector<16xf32>
        %swap3A_228 = arith.index_cast %scan3A_202 : i32 to index
        %swap3A_229 = arith.constant 32 : index
        %swap3A_230 = tpu.vector_load %arg9[%swap3A_228, %swap3A_229] {strides = array<i32>} : memref<80x128xf32, #tpu.memory_space<vmem>>, vector<16xf32>,
        tpu.vector_store %arg9[%swap3A_228, %swap3A_229], %mul3A_227 {strides = array<i32>} : memref<80x128xf32, #tpu.memory_space<vmem>>, vector<16xf32>,
        %get3A_231 = arith.index_cast %scan3A_202 : i32 to index
        %get3A_232 = arith.constant 48 : index
        %get3A_233 = tpu.vector_load %arg9[%get3A_231, %get3A_232] {strides = array<i32>} : memref<80x128xf32, #tpu.memory_space<vmem>>, vector<16xf32>,
        %get3A_234 = arith.index_cast %scan3A_202 : i32 to index
        %get3A_235 = arith.constant 48 : index
        %get3A_236 = tpu.vector_load %arg11[%get3A_234, %get3A_235] {strides = array<i32>} : memref<80x128xf32, #tpu.memory_space<vmem>>, vector<16xf32>,
        %mul3A_237 = arith.mulf %get3A_233, %get3A_236 : vector<16xf32>
        %swap3A_238 = arith.index_cast %scan3A_202 : i32 to index
        %swap3A_239 = arith.constant 48 : index
        %swap3A_240 = tpu.vector_load %arg9[%swap3A_238, %swap3A_239] {strides = array<i32>} : memref<80x128xf32, #tpu.memory_space<vmem>>, vector<16xf32>,
        tpu.vector_store %arg9[%swap3A_238, %swap3A_239], %mul3A_237 {strides = array<i32>} : memref<80x128xf32, #tpu.memory_space<vmem>>, vector<16xf32>,
        %get3A_241 = arith.index_cast %scan3A_202 : i32 to index
        %get3A_242 = arith.constant 64 : index
        %get3A_243 = tpu.vector_load %arg9[%get3A_241, %get3A_242] {strides = array<i32>} : memref<80x128xf32, #tpu.memory_space<vmem>>, vector<16xf32>,
        %get3A_244 = arith.index_cast %scan3A_202 : i32 to index
        %get3A_245 = arith.constant 64 : index
        %get3A_246 = tpu.vector_load %arg11[%get3A_244, %get3A_245] {strides = array<i32>} : memref<80x128xf32, #tpu.memory_space<vmem>>, vector<16xf32>,
        %mul3A_247 = arith.mulf %get3A_243, %get3A_246 : vector<16xf32>
        %swap3A_248 = arith.index_cast %scan3A_202 : i32 to index
        %swap3A_249 = arith.constant 64 : index
        %swap3A_250 = tpu.vector_load %arg9[%swap3A_248, %swap3A_249] {strides = array<i32>} : memref<80x128xf32, #tpu.memory_space<vmem>>, vector<16xf32>,
        tpu.vector_store %arg9[%swap3A_248, %swap3A_249], %mul3A_247 {strides = array<i32>} : memref<80x128xf32, #tpu.memory_space<vmem>>, vector<16xf32>,
        %get3A_251 = arith.index_cast %scan3A_202 : i32 to index
        %get3A_252 = arith.constant 80 : index
        %get3A_253 = tpu.vector_load %arg9[%get3A_251, %get3A_252] {strides = array<i32>} : memref<80x128xf32, #tpu.memory_space<vmem>>, vector<16xf32>,
        %get3A_254 = arith.index_cast %scan3A_202 : i32 to index
        %get3A_255 = arith.constant 80 : index
        %get3A_256 = tpu.vector_load %arg11[%get3A_254, %get3A_255] {strides = array<i32>} : memref<80x128xf32, #tpu.memory_space<vmem>>, vector<16xf32>,
        %mul3A_257 = arith.mulf %get3A_253, %get3A_256 : vector<16xf32>
        %swap3A_258 = arith.index_cast %scan3A_202 : i32 to index
        %swap3A_259 = arith.constant 80 : index
        %swap3A_260 = tpu.vector_load %arg9[%swap3A_258, %swap3A_259] {strides = array<i32>} : memref<80x128xf32, #tpu.memory_space<vmem>>, vector<16xf32>,
        tpu.vector_store %arg9[%swap3A_258, %swap3A_259], %mul3A_257 {strides = array<i32>} : memref<80x128xf32, #tpu.memory_space<vmem>>, vector<16xf32>,
        %get3A_261 = arith.index_cast %scan3A_202 : i32 to index
        %get3A_262 = arith.constant 96 : index
        %get3A_263 = tpu.vector_load %arg9[%get3A_261, %get3A_262] {strides = array<i32>} : memref<80x128xf32, #tpu.memory_space<vmem>>, vector<16xf32>,
        %get3A_264 = arith.index_cast %scan3A_202 : i32 to index
        %get3A_265 = arith.constant 96 : index
        %get3A_266 = tpu.vector_load %arg11[%get3A_264, %get3A_265] {strides = array<i32>} : memref<80x128xf32, #tpu.memory_space<vmem>>, vector<16xf32>,
        %mul3A_267 = arith.mulf %get3A_263, %get3A_266 : vector<16xf32>
        %swap3A_268 = arith.index_cast %scan3A_202 : i32 to index
        %swap3A_269 = arith.constant 96 : index
        %swap3A_270 = tpu.vector_load %arg9[%swap3A_268, %swap3A_269] {strides = array<i32>} : memref<80x128xf32, #tpu.memory_space<vmem>>, vector<16xf32>,
        tpu.vector_store %arg9[%swap3A_268, %swap3A_269], %mul3A_267 {strides = array<i32>} : memref<80x128xf32, #tpu.memory_space<vmem>>, vector<16xf32>,
        %get3A_271 = arith.index_cast %scan3A_202 : i32 to index
        %get3A_272 = arith.constant 112 : index
        %get3A_273 = tpu.vector_load %arg9[%get3A_271, %get3A_272] {strides = array<i32>} : memref<80x128xf32, #tpu.memory_space<vmem>>, vector<16xf32>,
        %get3A_274 = arith.index_cast %scan3A_202 : i32 to index
        %get3A_275 = arith.constant 112 : index
        %get3A_276 = tpu.vector_load %arg11[%get3A_274, %get3A_275] {strides = array<i32>} : memref<80x128xf32, #tpu.memory_space<vmem>>, vector<16xf32>,
        %mul3A_277 = arith.mulf %get3A_273, %get3A_276 : vector<16xf32>
        %swap3A_278 = arith.index_cast %scan3A_202 : i32 to index
        %swap3A_279 = arith.constant 112 : index
        %swap3A_280 = tpu.vector_load %arg9[%swap3A_278, %swap3A_279] {strides = array<i32>} : memref<80x128xf32, #tpu.memory_space<vmem>>, vector<16xf32>,
        tpu.vector_store %arg9[%swap3A_278, %swap3A_279], %mul3A_277 {strides = array<i32>} : memref<80x128xf32, #tpu.memory_space<vmem>>, vector<16xf32>,
      }
      %scan3A_160 = arith.constant 80 : i32
      "tpu.region"() ({
        %run_scoped3A = tpu.sem_alloc : memref<!tpu.dma_semaphore, #tpu.memory_space<semaphore_mem>>
        %dma_start3A_202 = arith.constant 0 : i32
        %dma_start3A_203 = arith.constant 0 : i32
        %dma_start3A_204 = tpu.memref_slice %arg7[%dma_start3A_202, %dma_start3A_203] : memref<10240x128xf32, #tpu.memory_space<vmem_shared>> -> memref<10240x128xf32, #tpu.memory_space<vmem_shared>>
        tpu.enqueue_indirect_dma source(%arg9 : memref<80x128xf32, #tpu.memory_space<vmem>>) target(%dma_start3A_204 : memref<10240x128xf32, #tpu.memory_space<vmem_shared>>) offsets(%arg15 : memref<80xi32, #tpu.memory_space<vmem>>) semaphore(%run_scoped3A : memref<!tpu.dma_semaphore, #tpu.memory_space<semaphore_mem>>) {add = true}
        %dma_wait3A_205 = arith.constant 0 : i32
        %dma_wait3A_206 = arith.constant 0 : i32
        %dma_wait3A_207 = tpu.memref_slice %arg7[%dma_wait3A_205, %dma_wait3A_206] : memref<10240x128xf32, #tpu.memory_space<vmem_shared>> -> memref<10240x128xf32, #tpu.memory_space<vmem_shared>>
        tpu.wait_indirect_dma semaphore(%run_scoped3A : memref<!tpu.dma_semaphore, #tpu.memory_space<semaphore_mem>>) src(%arg9 : memref<80x128xf32, #tpu.memory_space<vmem>>) dst(%dma_wait3A_207 : memref<10240x128xf32, #tpu.memory_space<vmem_shared>>)
        tpu.yield
      }) : () -> ()
      %add3A_161 = arith.constant 2 : i32
      %add3A_162 = arith.addi %add3A_140, %add3A_161 : i32
      %lt3A_163 = arith.constant 125 : i32
      %lt3A_164 = arith.cmpi slt, %add3A_162, %lt3A_163 : i32
      %convert_element_type3A_165 = arith.extui %lt3A_164 : i1 to i32
      %cond3A_166 = arith.constant 0 : i32
      %cond3A_167 = arith.cmpi ne, %convert_element_type3A_165, %cond3A_166 : i32
      scf.if %cond3A_167 {
        %add3A_202 = arith.constant 2 : i32
        %add3A_203 = arith.addi %add3A_140, %add3A_202 : i32
        %mul3A_204 = arith.constant 80 : i32
        %mul3A_205 = arith.muli %add3A_203, %mul3A_204 : i32
        %add3A_206 = arith.addi %mul3A_2, %mul3A_205 : i32
        %dma_start3A_207 = tpu.memref_slice %arg4[%add3A_206] : memref<320000xi32, #tpu.memory_space<hbm>> -> memref<80xi32, #tpu.memory_space<hbm>>
        %dma_start3A_208 = tpu.memref_slice %arg4[%add3A_206] : memref<320000xi32, #tpu.memory_space<hbm>> -> memref<80xi32, #tpu.memory_space<hbm>>
        tpu.enqueue_dma source(%dma_start3A_208 : memref<80xi32, #tpu.memory_space<hbm>>) target(%arg13 : memref<80xi32, #tpu.memory_space<vmem>>) target_semaphore(%arg21 : memref<!tpu.dma_semaphore, #tpu.memory_space<semaphore_mem>>)
        %dma_start3A_209 = tpu.memref_slice %arg5[%add3A_206] : memref<320000xi32, #tpu.memory_space<hbm>> -> memref<80xi32, #tpu.memory_space<hbm>>
        %dma_start3A_210 = tpu.memref_slice %arg5[%add3A_206] : memref<320000xi32, #tpu.memory_space<hbm>> -> memref<80xi32, #tpu.memory_space<hbm>>
        tpu.enqueue_dma source(%dma_start3A_210 : memref<80xi32, #tpu.memory_space<hbm>>) target(%arg15 : memref<80xi32, #tpu.memory_space<vmem>>) target_semaphore(%arg21 : memref<!tpu.dma_semaphore, #tpu.memory_space<semaphore_mem>>)
      } else {
      }
      %mul3A_168 = arith.constant 2 : i32
      %mul3A_169 = arith.muli %mul3A_168, %scan3A_136 : i32
      %add3A_170 = arith.constant 2 : i32
      %add3A_171 = arith.addi %mul3A_169, %add3A_170 : i32
      %add3A_172 = arith.constant 1 : i32
      %add3A_173 = arith.addi %add3A_171, %add3A_172 : i32
      %lt3A_174 = arith.constant 125 : i32
      %lt3A_175 = arith.cmpi slt, %add3A_173, %lt3A_174 : i32
      %convert_element_type3A_176 = arith.extui %lt3A_175 : i1 to i32
      %cond3A_177 = arith.constant 0 : i32
      %cond3A_178 = arith.cmpi ne, %convert_element_type3A_176, %cond3A_177 : i32
      scf.if %cond3A_178 {
        %add3A_202 = arith.constant 1 : i32
        %add3A_203 = arith.addi %add3A_171, %add3A_202 : i32
        %mul3A_204 = arith.constant 80 : i32
        %mul3A_205 = arith.muli %add3A_203, %mul3A_204 : i32
        %add3A_206 = arith.addi %mul3A_2, %mul3A_205 : i32
        %dma_wait3A_207 = tpu.memref_slice %arg4[%add3A_206] : memref<320000xi32, #tpu.memory_space<hbm>> -> memref<80xi32, #tpu.memory_space<hbm>>
        %dma_wait3A_208 = tpu.memref_slice %arg4[%add3A_206] : memref<320000xi32, #tpu.memory_space<hbm>> -> memref<80xi32, #tpu.memory_space<hbm>>
        tpu.wait_dma2 semaphore(%arg21 : memref<!tpu.dma_semaphore, #tpu.memory_space<semaphore_mem>>) src(%dma_wait3A_208 : memref<80xi32, #tpu.memory_space<hbm>>) dst(%arg13 : memref<80xi32, #tpu.memory_space<vmem>>)
        %dma_wait3A_209 = tpu.memref_slice %arg5[%add3A_206] : memref<320000xi32, #tpu.memory_space<hbm>> -> memref<80xi32, #tpu.memory_space<hbm>>
        %dma_wait3A_210 = tpu.memref_slice %arg5[%add3A_206] : memref<320000xi32, #tpu.memory_space<hbm>> -> memref<80xi32, #tpu.memory_space<hbm>>
        tpu.wait_dma2 semaphore(%arg21 : memref<!tpu.dma_semaphore, #tpu.memory_space<semaphore_mem>>) src(%dma_wait3A_210 : memref<80xi32, #tpu.memory_space<hbm>>) dst(%arg15 : memref<80xi32, #tpu.memory_space<vmem>>)
        %add3A_211 = arith.constant 1 : i32
        %add3A_212 = arith.addi %add3A_171, %add3A_211 : i32
        %mul3A_213 = arith.constant 80 : i32
        %mul3A_214 = arith.muli %add3A_212, %mul3A_213 : i32
        %add3A_215 = arith.addi %mul3A_2, %mul3A_214 : i32
        %dma_start3A_216 = arith.constant 0 : i32
        %dma_start3A_217 = arith.constant 0 : i32
        %dma_start3A_218 = tpu.memref_slice %arg2[%dma_start3A_216, %dma_start3A_217] : memref<10240x128xf32, #tpu.memory_space<hbm>> -> memref<10240x128xf32, #tpu.memory_space<hbm>>
        tpu.enqueue_indirect_dma source(%dma_start3A_218 : memref<10240x128xf32, #tpu.memory_space<hbm>>) target(%arg9 : memref<80x128xf32, #tpu.memory_space<vmem>>) offsets(%arg13 : memref<80xi32, #tpu.memory_space<vmem>>) semaphore(%arg17 : memref<!tpu.dma_semaphore, #tpu.memory_space<semaphore_mem>>)
        %dma_start3A_219 = arith.constant 0 : i32
        %dma_start3A_220 = tpu.memref_slice %arg3[%add3A_215, %dma_start3A_219] : memref<320000x128xf32, #tpu.memory_space<hbm>> -> memref<80x128xf32, #tpu.memory_space<hbm>>
        %dma_start3A_221 = arith.constant 0 : i32
        %dma_start3A_222 = tpu.memref_slice %arg3[%add3A_215, %dma_start3A_221] : memref<320000x128xf32, #tpu.memory_space<hbm>> -> memref<80x128xf32, #tpu.memory_space<hbm>>
        tpu.enqueue_dma source(%dma_start3A_222 : memref<80x128xf32, #tpu.memory_space<hbm>>) target(%arg11 : memref<80x128xf32, #tpu.memory_space<vmem>>) target_semaphore(%arg19 : memref<!tpu.dma_semaphore, #tpu.memory_space<semaphore_mem>>)
      } else {
      }
      %mul3A_179 = arith.constant 80 : i32
      %mul3A_180 = arith.muli %add3A_171, %mul3A_179 : i32
      %add3A_181 = arith.addi %mul3A_2, %mul3A_180 : i32
      %dma_wait3A_182 = arith.constant 0 : i32
      %dma_wait3A_183 = arith.constant 0 : i32
      %dma_wait3A_184 = tpu.memref_slice %arg2[%dma_wait3A_182, %dma_wait3A_183] : memref<10240x128xf32, #tpu.memory_space<hbm>> -> memref<10240x128xf32, #tpu.memory_space<hbm>>
      tpu.wait_indirect_dma semaphore(%arg16 : memref<!tpu.dma_semaphore, #tpu.memory_space<semaphore_mem>>) src(%dma_wait3A_184 : memref<10240x128xf32, #tpu.memory_space<hbm>>) dst(%arg8 : memref<80x128xf32, #tpu.memory_space<vmem>>)
      %dma_wait3A_185 = arith.constant 0 : i32
      %dma_wait3A_186 = tpu.memref_slice %arg3[%add3A_181, %dma_wait3A_185] : memref<320000x128xf32, #tpu.memory_space<hbm>> -> memref<80x128xf32, #tpu.memory_space<hbm>>
      %dma_wait3A_187 = arith.constant 0 : i32
      %dma_wait3A_188 = tpu.memref_slice %arg3[%add3A_181, %dma_wait3A_187] : memref<320000x128xf32, #tpu.memory_space<hbm>> -> memref<80x128xf32, #tpu.memory_space<hbm>>
      tpu.wait_dma2 semaphore(%arg18 : memref<!tpu.dma_semaphore, #tpu.memory_space<semaphore_mem>>) src(%dma_wait3A_188 : memref<80x128xf32, #tpu.memory_space<hbm>>) dst(%arg10 : memref<80x128xf32, #tpu.memory_space<vmem>>)
      %scan3A_189 = arith.constant 0 : i32
      %scan3A_190 = arith.constant 0 : i32
      %scan3A_191 = arith.constant 80 : i32
      %scan3A_192 = arith.addi %scan3A_190, %scan3A_191 : i32
      %scan3A_193 = arith.constant 1 : i32
      scf.for %scan3A_202 = %scan3A_190 to %scan3A_192 step %scan3A_193  : i32 {
        %get3A = arith.index_cast %scan3A_202 : i32 to index
        %get3A_203 = arith.constant 0 : index
        %get3A_204 = tpu.vector_load %arg8[%get3A, %get3A_203] {strides = array<i32>} : memref<80x128xf32, #tpu.memory_space<vmem>>, vector<16xf32>,
        %get3A_205 = arith.index_cast %scan3A_202 : i32 to index
        %get3A_206 = arith.constant 0 : index
        %get3A_207 = tpu.vector_load %arg10[%get3A_205, %get3A_206] {strides = array<i32>} : memref<80x128xf32, #tpu.memory_space<vmem>>, vector<16xf32>,
        %mul3A_208 = arith.mulf %get3A_204, %get3A_207 : vector<16xf32>
        %swap3A = arith.index_cast %scan3A_202 : i32 to index
        %swap3A_209 = arith.constant 0 : index
        %swap3A_210 = tpu.vector_load %arg8[%swap3A, %swap3A_209] {strides = array<i32>} : memref<80x128xf32, #tpu.memory_space<vmem>>, vector<16xf32>,
        tpu.vector_store %arg8[%swap3A, %swap3A_209], %mul3A_208 {strides = array<i32>} : memref<80x128xf32, #tpu.memory_space<vmem>>, vector<16xf32>,
        %get3A_211 = arith.index_cast %scan3A_202 : i32 to index
        %get3A_212 = arith.constant 16 : index
        %get3A_213 = tpu.vector_load %arg8[%get3A_211, %get3A_212] {strides = array<i32>} : memref<80x128xf32, #tpu.memory_space<vmem>>, vector<16xf32>,
        %get3A_214 = arith.index_cast %scan3A_202 : i32 to index
        %get3A_215 = arith.constant 16 : index
        %get3A_216 = tpu.vector_load %arg10[%get3A_214, %get3A_215] {strides = array<i32>} : memref<80x128xf32, #tpu.memory_space<vmem>>, vector<16xf32>,
        %mul3A_217 = arith.mulf %get3A_213, %get3A_216 : vector<16xf32>
        %swap3A_218 = arith.index_cast %scan3A_202 : i32 to index
        %swap3A_219 = arith.constant 16 : index
        %swap3A_220 = tpu.vector_load %arg8[%swap3A_218, %swap3A_219] {strides = array<i32>} : memref<80x128xf32, #tpu.memory_space<vmem>>, vector<16xf32>,
        tpu.vector_store %arg8[%swap3A_218, %swap3A_219], %mul3A_217 {strides = array<i32>} : memref<80x128xf32, #tpu.memory_space<vmem>>, vector<16xf32>,
        %get3A_221 = arith.index_cast %scan3A_202 : i32 to index
        %get3A_222 = arith.constant 32 : index
        %get3A_223 = tpu.vector_load %arg8[%get3A_221, %get3A_222] {strides = array<i32>} : memref<80x128xf32, #tpu.memory_space<vmem>>, vector<16xf32>,
        %get3A_224 = arith.index_cast %scan3A_202 : i32 to index
        %get3A_225 = arith.constant 32 : index
        %get3A_226 = tpu.vector_load %arg10[%get3A_224, %get3A_225] {strides = array<i32>} : memref<80x128xf32, #tpu.memory_space<vmem>>, vector<16xf32>,
        %mul3A_227 = arith.mulf %get3A_223, %get3A_226 : vector<16xf32>
        %swap3A_228 = arith.index_cast %scan3A_202 : i32 to index
        %swap3A_229 = arith.constant 32 : index
        %swap3A_230 = tpu.vector_load %arg8[%swap3A_228, %swap3A_229] {strides = array<i32>} : memref<80x128xf32, #tpu.memory_space<vmem>>, vector<16xf32>,
        tpu.vector_store %arg8[%swap3A_228, %swap3A_229], %mul3A_227 {strides = array<i32>} : memref<80x128xf32, #tpu.memory_space<vmem>>, vector<16xf32>,
        %get3A_231 = arith.index_cast %scan3A_202 : i32 to index
        %get3A_232 = arith.constant 48 : index
        %get3A_233 = tpu.vector_load %arg8[%get3A_231, %get3A_232] {strides = array<i32>} : memref<80x128xf32, #tpu.memory_space<vmem>>, vector<16xf32>,
        %get3A_234 = arith.index_cast %scan3A_202 : i32 to index
        %get3A_235 = arith.constant 48 : index
        %get3A_236 = tpu.vector_load %arg10[%get3A_234, %get3A_235] {strides = array<i32>} : memref<80x128xf32, #tpu.memory_space<vmem>>, vector<16xf32>,
        %mul3A_237 = arith.mulf %get3A_233, %get3A_236 : vector<16xf32>
        %swap3A_238 = arith.index_cast %scan3A_202 : i32 to index
        %swap3A_239 = arith.constant 48 : index
        %swap3A_240 = tpu.vector_load %arg8[%swap3A_238, %swap3A_239] {strides = array<i32>} : memref<80x128xf32, #tpu.memory_space<vmem>>, vector<16xf32>,
        tpu.vector_store %arg8[%swap3A_238, %swap3A_239], %mul3A_237 {strides = array<i32>} : memref<80x128xf32, #tpu.memory_space<vmem>>, vector<16xf32>,
        %get3A_241 = arith.index_cast %scan3A_202 : i32 to index
        %get3A_242 = arith.constant 64 : index
        %get3A_243 = tpu.vector_load %arg8[%get3A_241, %get3A_242] {strides = array<i32>} : memref<80x128xf32, #tpu.memory_space<vmem>>, vector<16xf32>,
        %get3A_244 = arith.index_cast %scan3A_202 : i32 to index
        %get3A_245 = arith.constant 64 : index
        %get3A_246 = tpu.vector_load %arg10[%get3A_244, %get3A_245] {strides = array<i32>} : memref<80x128xf32, #tpu.memory_space<vmem>>, vector<16xf32>,
        %mul3A_247 = arith.mulf %get3A_243, %get3A_246 : vector<16xf32>
        %swap3A_248 = arith.index_cast %scan3A_202 : i32 to index
        %swap3A_249 = arith.constant 64 : index
        %swap3A_250 = tpu.vector_load %arg8[%swap3A_248, %swap3A_249] {strides = array<i32>} : memref<80x128xf32, #tpu.memory_space<vmem>>, vector<16xf32>,
        tpu.vector_store %arg8[%swap3A_248, %swap3A_249], %mul3A_247 {strides = array<i32>} : memref<80x128xf32, #tpu.memory_space<vmem>>, vector<16xf32>,
        %get3A_251 = arith.index_cast %scan3A_202 : i32 to index
        %get3A_252 = arith.constant 80 : index
        %get3A_253 = tpu.vector_load %arg8[%get3A_251, %get3A_252] {strides = array<i32>} : memref<80x128xf32, #tpu.memory_space<vmem>>, vector<16xf32>,
        %get3A_254 = arith.index_cast %scan3A_202 : i32 to index
        %get3A_255 = arith.constant 80 : index
        %get3A_256 = tpu.vector_load %arg10[%get3A_254, %get3A_255] {strides = array<i32>} : memref<80x128xf32, #tpu.memory_space<vmem>>, vector<16xf32>,
        %mul3A_257 = arith.mulf %get3A_253, %get3A_256 : vector<16xf32>
        %swap3A_258 = arith.index_cast %scan3A_202 : i32 to index
        %swap3A_259 = arith.constant 80 : index
        %swap3A_260 = tpu.vector_load %arg8[%swap3A_258, %swap3A_259] {strides = array<i32>} : memref<80x128xf32, #tpu.memory_space<vmem>>, vector<16xf32>,
        tpu.vector_store %arg8[%swap3A_258, %swap3A_259], %mul3A_257 {strides = array<i32>} : memref<80x128xf32, #tpu.memory_space<vmem>>, vector<16xf32>,
        %get3A_261 = arith.index_cast %scan3A_202 : i32 to index
        %get3A_262 = arith.constant 96 : index
        %get3A_263 = tpu.vector_load %arg8[%get3A_261, %get3A_262] {strides = array<i32>} : memref<80x128xf32, #tpu.memory_space<vmem>>, vector<16xf32>,
        %get3A_264 = arith.index_cast %scan3A_202 : i32 to index
        %get3A_265 = arith.constant 96 : index
        %get3A_266 = tpu.vector_load %arg10[%get3A_264, %get3A_265] {strides = array<i32>} : memref<80x128xf32, #tpu.memory_space<vmem>>, vector<16xf32>,
        %mul3A_267 = arith.mulf %get3A_263, %get3A_266 : vector<16xf32>
        %swap3A_268 = arith.index_cast %scan3A_202 : i32 to index
        %swap3A_269 = arith.constant 96 : index
        %swap3A_270 = tpu.vector_load %arg8[%swap3A_268, %swap3A_269] {strides = array<i32>} : memref<80x128xf32, #tpu.memory_space<vmem>>, vector<16xf32>,
        tpu.vector_store %arg8[%swap3A_268, %swap3A_269], %mul3A_267 {strides = array<i32>} : memref<80x128xf32, #tpu.memory_space<vmem>>, vector<16xf32>,
        %get3A_271 = arith.index_cast %scan3A_202 : i32 to index
        %get3A_272 = arith.constant 112 : index
        %get3A_273 = tpu.vector_load %arg8[%get3A_271, %get3A_272] {strides = array<i32>} : memref<80x128xf32, #tpu.memory_space<vmem>>, vector<16xf32>,
        %get3A_274 = arith.index_cast %scan3A_202 : i32 to index
        %get3A_275 = arith.constant 112 : index
        %get3A_276 = tpu.vector_load %arg10[%get3A_274, %get3A_275] {strides = array<i32>} : memref<80x128xf32, #tpu.memory_space<vmem>>, vector<16xf32>,
        %mul3A_277 = arith.mulf %get3A_273, %get3A_276 : vector<16xf32>
        %swap3A_278 = arith.index_cast %scan3A_202 : i32 to index
        %swap3A_279 = arith.constant 112 : index
        %swap3A_280 = tpu.vector_load %arg8[%swap3A_278, %swap3A_279] {strides = array<i32>} : memref<80x128xf32, #tpu.memory_space<vmem>>, vector<16xf32>,
        tpu.vector_store %arg8[%swap3A_278, %swap3A_279], %mul3A_277 {strides = array<i32>} : memref<80x128xf32, #tpu.memory_space<vmem>>, vector<16xf32>,
      }
      %scan3A_194 = arith.constant 80 : i32
      "tpu.region"() ({
        %run_scoped3A = tpu.sem_alloc : memref<!tpu.dma_semaphore, #tpu.memory_space<semaphore_mem>>
        %dma_start3A_202 = arith.constant 0 : i32
        %dma_start3A_203 = arith.constant 0 : i32
        %dma_start3A_204 = tpu.memref_slice %arg7[%dma_start3A_202, %dma_start3A_203] : memref<10240x128xf32, #tpu.memory_space<vmem_shared>> -> memref<10240x128xf32, #tpu.memory_space<vmem_shared>>
        tpu.enqueue_indirect_dma source(%arg8 : memref<80x128xf32, #tpu.memory_space<vmem>>) target(%dma_start3A_204 : memref<10240x128xf32, #tpu.memory_space<vmem_shared>>) offsets(%arg14 : memref<80xi32, #tpu.memory_space<vmem>>) semaphore(%run_scoped3A : memref<!tpu.dma_semaphore, #tpu.memory_space<semaphore_mem>>) {add = true}
        %dma_wait3A_205 = arith.constant 0 : i32
        %dma_wait3A_206 = arith.constant 0 : i32
        %dma_wait3A_207 = tpu.memref_slice %arg7[%dma_wait3A_205, %dma_wait3A_206] : memref<10240x128xf32, #tpu.memory_space<vmem_shared>> -> memref<10240x128xf32, #tpu.memory_space<vmem_shared>>
        tpu.wait_indirect_dma semaphore(%run_scoped3A : memref<!tpu.dma_semaphore, #tpu.memory_space<semaphore_mem>>) src(%arg8 : memref<80x128xf32, #tpu.memory_space<vmem>>) dst(%dma_wait3A_207 : memref<10240x128xf32, #tpu.memory_space<vmem_shared>>)
        tpu.yield
      }) : () -> ()
      %add3A_195 = arith.constant 2 : i32
      %add3A_196 = arith.addi %add3A_171, %add3A_195 : i32
      %lt3A_197 = arith.constant 125 : i32
      %lt3A_198 = arith.cmpi slt, %add3A_196, %lt3A_197 : i32
      %convert_element_type3A_199 = arith.extui %lt3A_198 : i1 to i32
      %cond3A_200 = arith.constant 0 : i32
      %cond3A_201 = arith.cmpi ne, %convert_element_type3A_199, %cond3A_200 : i32
      scf.if %cond3A_201 {
        %add3A_202 = arith.constant 2 : i32
        %add3A_203 = arith.addi %add3A_171, %add3A_202 : i32
        %mul3A_204 = arith.constant 80 : i32
        %mul3A_205 = arith.muli %add3A_203, %mul3A_204 : i32
        %add3A_206 = arith.addi %mul3A_2, %mul3A_205 : i32
        %dma_start3A_207 = tpu.memref_slice %arg4[%add3A_206] : memref<320000xi32, #tpu.memory_space<hbm>> -> memref<80xi32, #tpu.memory_space<hbm>>
        %dma_start3A_208 = tpu.memref_slice %arg4[%add3A_206] : memref<320000xi32, #tpu.memory_space<hbm>> -> memref<80xi32, #tpu.memory_space<hbm>>
        tpu.enqueue_dma source(%dma_start3A_208 : memref<80xi32, #tpu.memory_space<hbm>>) target(%arg12 : memref<80xi32, #tpu.memory_space<vmem>>) target_semaphore(%arg20 : memref<!tpu.dma_semaphore, #tpu.memory_space<semaphore_mem>>)
        %dma_start3A_209 = tpu.memref_slice %arg5[%add3A_206] : memref<320000xi32, #tpu.memory_space<hbm>> -> memref<80xi32, #tpu.memory_space<hbm>>
        %dma_start3A_210 = tpu.memref_slice %arg5[%add3A_206] : memref<320000xi32, #tpu.memory_space<hbm>> -> memref<80xi32, #tpu.memory_space<hbm>>
        tpu.enqueue_dma source(%dma_start3A_210 : memref<80xi32, #tpu.memory_space<hbm>>) target(%arg14 : memref<80xi32, #tpu.memory_space<vmem>>) target_semaphore(%arg20 : memref<!tpu.dma_semaphore, #tpu.memory_space<semaphore_mem>>)
      } else {
      }
    }
    %scan3A_94 = arith.constant 62 : i32
    %barrier3A_95 = arith.constant 0 : index
    tpu.barrier barrier_id(%barrier3A_95)
    %mul3A_96 = arith.constant 640 : i32
    %mul3A_97 = arith.muli %arg1, %mul3A_96 : i32
    %add3A_98 = arith.constant 0 : i32
    %add3A_99 = arith.addi %mul3A_97, %add3A_98 : i32
    %mul3A_100 = arith.constant 640 : i32
    %mul3A_101 = arith.muli %arg1, %mul3A_100 : i32
    %add3A_102 = arith.constant 0 : i32
    %add3A_103 = arith.addi %mul3A_101, %add3A_102 : i32
    "tpu.region"() ({
      %run_scoped3A = tpu.sem_alloc : memref<!tpu.dma_semaphore, #tpu.memory_space<semaphore_mem>>
      %dma_start3A_136 = arith.constant 0 : i32
      %dma_start3A_137 = tpu.memref_slice %arg6[%arg0, %add3A_103, %dma_start3A_136] : memref<2x10240x128xf32, #tpu.memory_space<hbm>> -> memref<1x128x128xf32, #tpu.memory_space<hbm>>
      %dma_start3A_138 = tpu.memref_squeeze %dma_start3A_137 : memref<1x128x128xf32, #tpu.memory_space<hbm>> -> memref<128x128xf32, #tpu.memory_space<hbm>>
      %dma_start3A_139 = arith.constant 0 : i32
      %dma_start3A_140 = tpu.memref_slice %arg7[%add3A_99, %dma_start3A_139] : memref<10240x128xf32, #tpu.memory_space<vmem_shared>> -> memref<128x128xf32, #tpu.memory_space<vmem_shared>>
      tpu.enqueue_dma source(%dma_start3A_140 : memref<128x128xf32, #tpu.memory_space<vmem_shared>>) target(%dma_start3A_138 : memref<128x128xf32, #tpu.memory_space<hbm>>) target_semaphore(%run_scoped3A : memref<!tpu.dma_semaphore, #tpu.memory_space<semaphore_mem>>)
      %dma_wait3A_141 = arith.constant 0 : i32
      %dma_wait3A_142 = tpu.memref_slice %arg6[%arg0, %add3A_103, %dma_wait3A_141] : memref<2x10240x128xf32, #tpu.memory_space<hbm>> -> memref<1x128x128xf32, #tpu.memory_space<hbm>>
      %dma_wait3A_143 = tpu.memref_squeeze %dma_wait3A_142 : memref<1x128x128xf32, #tpu.memory_space<hbm>> -> memref<128x128xf32, #tpu.memory_space<hbm>>
      %dma_wait3A_144 = arith.constant 0 : i32
      %dma_wait3A_145 = tpu.memref_slice %arg7[%add3A_99, %dma_wait3A_144] : memref<10240x128xf32, #tpu.memory_space<vmem_shared>> -> memref<128x128xf32, #tpu.memory_space<vmem_shared>>
      tpu.wait_dma2 semaphore(%run_scoped3A : memref<!tpu.dma_semaphore, #tpu.memory_space<semaphore_mem>>) src(%dma_wait3A_145 : memref<128x128xf32, #tpu.memory_space<vmem_shared>>) dst(%dma_wait3A_143 : memref<128x128xf32, #tpu.memory_space<hbm>>)
      tpu.yield
    }) : () -> ()
    %mul3A_104 = arith.constant 640 : i32
    %mul3A_105 = arith.muli %arg1, %mul3A_104 : i32
    %add3A_106 = arith.constant 128 : i32
    %add3A_107 = arith.addi %mul3A_105, %add3A_106 : i32
    %mul3A_108 = arith.constant 640 : i32
    %mul3A_109 = arith.muli %arg1, %mul3A_108 : i32
    %add3A_110 = arith.constant 128 : i32
    %add3A_111 = arith.addi %mul3A_109, %add3A_110 : i32
    "tpu.region"() ({
      %run_scoped3A = tpu.sem_alloc : memref<!tpu.dma_semaphore, #tpu.memory_space<semaphore_mem>>
      %dma_start3A_136 = arith.constant 0 : i32
      %dma_start3A_137 = tpu.memref_slice %arg6[%arg0, %add3A_111, %dma_start3A_136] : memref<2x10240x128xf32, #tpu.memory_space<hbm>> -> memref<1x128x128xf32, #tpu.memory_space<hbm>>
      %dma_start3A_138 = tpu.memref_squeeze %dma_start3A_137 : memref<1x128x128xf32, #tpu.memory_space<hbm>> -> memref<128x128xf32, #tpu.memory_space<hbm>>
      %dma_start3A_139 = arith.constant 0 : i32
      %dma_start3A_140 = tpu.memref_slice %arg7[%add3A_107, %dma_start3A_139] : memref<10240x128xf32, #tpu.memory_space<vmem_shared>> -> memref<128x128xf32, #tpu.memory_space<vmem_shared>>
      tpu.enqueue_dma source(%dma_start3A_140 : memref<128x128xf32, #tpu.memory_space<vmem_shared>>) target(%dma_start3A_138 : memref<128x128xf32, #tpu.memory_space<hbm>>) target_semaphore(%run_scoped3A : memref<!tpu.dma_semaphore, #tpu.memory_space<semaphore_mem>>)
      %dma_wait3A_141 = arith.constant 0 : i32
      %dma_wait3A_142 = tpu.memref_slice %arg6[%arg0, %add3A_111, %dma_wait3A_141] : memref<2x10240x128xf32, #tpu.memory_space<hbm>> -> memref<1x128x128xf32, #tpu.memory_space<hbm>>
      %dma_wait3A_143 = tpu.memref_squeeze %dma_wait3A_142 : memref<1x128x128xf32, #tpu.memory_space<hbm>> -> memref<128x128xf32, #tpu.memory_space<hbm>>
      %dma_wait3A_144 = arith.constant 0 : i32
      %dma_wait3A_145 = tpu.memref_slice %arg7[%add3A_107, %dma_wait3A_144] : memref<10240x128xf32, #tpu.memory_space<vmem_shared>> -> memref<128x128xf32, #tpu.memory_space<vmem_shared>>
      tpu.wait_dma2 semaphore(%run_scoped3A : memref<!tpu.dma_semaphore, #tpu.memory_space<semaphore_mem>>) src(%dma_wait3A_145 : memref<128x128xf32, #tpu.memory_space<vmem_shared>>) dst(%dma_wait3A_143 : memref<128x128xf32, #tpu.memory_space<hbm>>)
      tpu.yield
    }) : () -> ()
    %mul3A_112 = arith.constant 640 : i32
    %mul3A_113 = arith.muli %arg1, %mul3A_112 : i32
    %add3A_114 = arith.constant 256 : i32
    %add3A_115 = arith.addi %mul3A_113, %add3A_114 : i32
    %mul3A_116 = arith.constant 640 : i32
    %mul3A_117 = arith.muli %arg1, %mul3A_116 : i32
    %add3A_118 = arith.constant 256 : i32
    %add3A_119 = arith.addi %mul3A_117, %add3A_118 : i32
    "tpu.region"() ({
      %run_scoped3A = tpu.sem_alloc : memref<!tpu.dma_semaphore, #tpu.memory_space<semaphore_mem>>
      %dma_start3A_136 = arith.constant 0 : i32
      %dma_start3A_137 = tpu.memref_slice %arg6[%arg0, %add3A_119, %dma_start3A_136] : memref<2x10240x128xf32, #tpu.memory_space<hbm>> -> memref<1x128x128xf32, #tpu.memory_space<hbm>>
      %dma_start3A_138 = tpu.memref_squeeze %dma_start3A_137 : memref<1x128x128xf32, #tpu.memory_space<hbm>> -> memref<128x128xf32, #tpu.memory_space<hbm>>
      %dma_start3A_139 = arith.constant 0 : i32
      %dma_start3A_140 = tpu.memref_slice %arg7[%add3A_115, %dma_start3A_139] : memref<10240x128xf32, #tpu.memory_space<vmem_shared>> -> memref<128x128xf32, #tpu.memory_space<vmem_shared>>
      tpu.enqueue_dma source(%dma_start3A_140 : memref<128x128xf32, #tpu.memory_space<vmem_shared>>) target(%dma_start3A_138 : memref<128x128xf32, #tpu.memory_space<hbm>>) target_semaphore(%run_scoped3A : memref<!tpu.dma_semaphore, #tpu.memory_space<semaphore_mem>>)
      %dma_wait3A_141 = arith.constant 0 : i32
      %dma_wait3A_142 = tpu.memref_slice %arg6[%arg0, %add3A_119, %dma_wait3A_141] : memref<2x10240x128xf32, #tpu.memory_space<hbm>> -> memref<1x128x128xf32, #tpu.memory_space<hbm>>
      %dma_wait3A_143 = tpu.memref_squeeze %dma_wait3A_142 : memref<1x128x128xf32, #tpu.memory_space<hbm>> -> memref<128x128xf32, #tpu.memory_space<hbm>>
      %dma_wait3A_144 = arith.constant 0 : i32
      %dma_wait3A_145 = tpu.memref_slice %arg7[%add3A_115, %dma_wait3A_144] : memref<10240x128xf32, #tpu.memory_space<vmem_shared>> -> memref<128x128xf32, #tpu.memory_space<vmem_shared>>
      tpu.wait_dma2 semaphore(%run_scoped3A : memref<!tpu.dma_semaphore, #tpu.memory_space<semaphore_mem>>) src(%dma_wait3A_145 : memref<128x128xf32, #tpu.memory_space<vmem_shared>>) dst(%dma_wait3A_143 : memref<128x128xf32, #tpu.memory_space<hbm>>)
      tpu.yield
    }) : () -> ()
    %mul3A_120 = arith.constant 640 : i32
    %mul3A_121 = arith.muli %arg1, %mul3A_120 : i32
    %add3A_122 = arith.constant 384 : i32
    %add3A_123 = arith.addi %mul3A_121, %add3A_122 : i32
    %mul3A_124 = arith.constant 640 : i32
    %mul3A_125 = arith.muli %arg1, %mul3A_124 : i32
    %add3A_126 = arith.constant 384 : i32
    %add3A_127 = arith.addi %mul3A_125, %add3A_126 : i32
    "tpu.region"() ({
      %run_scoped3A = tpu.sem_alloc : memref<!tpu.dma_semaphore, #tpu.memory_space<semaphore_mem>>
      %dma_start3A_136 = arith.constant 0 : i32
      %dma_start3A_137 = tpu.memref_slice %arg6[%arg0, %add3A_127, %dma_start3A_136] : memref<2x10240x128xf32, #tpu.memory_space<hbm>> -> memref<1x128x128xf32, #tpu.memory_space<hbm>>
      %dma_start3A_138 = tpu.memref_squeeze %dma_start3A_137 : memref<1x128x128xf32, #tpu.memory_space<hbm>> -> memref<128x128xf32, #tpu.memory_space<hbm>>
      %dma_start3A_139 = arith.constant 0 : i32
      %dma_start3A_140 = tpu.memref_slice %arg7[%add3A_123, %dma_start3A_139] : memref<10240x128xf32, #tpu.memory_space<vmem_shared>> -> memref<128x128xf32, #tpu.memory_space<vmem_shared>>
      tpu.enqueue_dma source(%dma_start3A_140 : memref<128x128xf32, #tpu.memory_space<vmem_shared>>) target(%dma_start3A_138 : memref<128x128xf32, #tpu.memory_space<hbm>>) target_semaphore(%run_scoped3A : memref<!tpu.dma_semaphore, #tpu.memory_space<semaphore_mem>>)
      %dma_wait3A_141 = arith.constant 0 : i32
      %dma_wait3A_142 = tpu.memref_slice %arg6[%arg0, %add3A_127, %dma_wait3A_141] : memref<2x10240x128xf32, #tpu.memory_space<hbm>> -> memref<1x128x128xf32, #tpu.memory_space<hbm>>
      %dma_wait3A_143 = tpu.memref_squeeze %dma_wait3A_142 : memref<1x128x128xf32, #tpu.memory_space<hbm>> -> memref<128x128xf32, #tpu.memory_space<hbm>>
      %dma_wait3A_144 = arith.constant 0 : i32
      %dma_wait3A_145 = tpu.memref_slice %arg7[%add3A_123, %dma_wait3A_144] : memref<10240x128xf32, #tpu.memory_space<vmem_shared>> -> memref<128x128xf32, #tpu.memory_space<vmem_shared>>
      tpu.wait_dma2 semaphore(%run_scoped3A : memref<!tpu.dma_semaphore, #tpu.memory_space<semaphore_mem>>) src(%dma_wait3A_145 : memref<128x128xf32, #tpu.memory_space<vmem_shared>>) dst(%dma_wait3A_143 : memref<128x128xf32, #tpu.memory_space<hbm>>)
      tpu.yield
    }) : () -> ()
    %mul3A_128 = arith.constant 640 : i32
    %mul3A_129 = arith.muli %arg1, %mul3A_128 : i32
    %add3A_130 = arith.constant 512 : i32
    %add3A_131 = arith.addi %mul3A_129, %add3A_130 : i32
    %mul3A_132 = arith.constant 640 : i32
    %mul3A_133 = arith.muli %arg1, %mul3A_132 : i32
    %add3A_134 = arith.constant 512 : i32
    %add3A_135 = arith.addi %mul3A_133, %add3A_134 : i32
    "tpu.region"() ({
      %run_scoped3A = tpu.sem_alloc : memref<!tpu.dma_semaphore, #tpu.memory_space<semaphore_mem>>
      %dma_start3A_136 = arith.constant 0 : i32
      %dma_start3A_137 = tpu.memref_slice %arg6[%arg0, %add3A_135, %dma_start3A_136] : memref<2x10240x128xf32, #tpu.memory_space<hbm>> -> memref<1x128x128xf32, #tpu.memory_space<hbm>>
      %dma_start3A_138 = tpu.memref_squeeze %dma_start3A_137 : memref<1x128x128xf32, #tpu.memory_space<hbm>> -> memref<128x128xf32, #tpu.memory_space<hbm>>
      %dma_start3A_139 = arith.constant 0 : i32
      %dma_start3A_140 = tpu.memref_slice %arg7[%add3A_131, %dma_start3A_139] : memref<10240x128xf32, #tpu.memory_space<vmem_shared>> -> memref<128x128xf32, #tpu.memory_space<vmem_shared>>
      tpu.enqueue_dma source(%dma_start3A_140 : memref<128x128xf32, #tpu.memory_space<vmem_shared>>) target(%dma_start3A_138 : memref<128x128xf32, #tpu.memory_space<hbm>>) target_semaphore(%run_scoped3A : memref<!tpu.dma_semaphore, #tpu.memory_space<semaphore_mem>>)
      %dma_wait3A_141 = arith.constant 0 : i32
      %dma_wait3A_142 = tpu.memref_slice %arg6[%arg0, %add3A_135, %dma_wait3A_141] : memref<2x10240x128xf32, #tpu.memory_space<hbm>> -> memref<1x128x128xf32, #tpu.memory_space<hbm>>
      %dma_wait3A_143 = tpu.memref_squeeze %dma_wait3A_142 : memref<1x128x128xf32, #tpu.memory_space<hbm>> -> memref<128x128xf32, #tpu.memory_space<hbm>>
      %dma_wait3A_144 = arith.constant 0 : i32
      %dma_wait3A_145 = tpu.memref_slice %arg7[%add3A_131, %dma_wait3A_144] : memref<10240x128xf32, #tpu.memory_space<vmem_shared>> -> memref<128x128xf32, #tpu.memory_space<vmem_shared>>
      tpu.wait_dma2 semaphore(%run_scoped3A : memref<!tpu.dma_semaphore, #tpu.memory_space<semaphore_mem>>) src(%dma_wait3A_145 : memref<128x128xf32, #tpu.memory_space<vmem_shared>>) dst(%dma_wait3A_143 : memref<128x128xf32, #tpu.memory_space<hbm>>)
      tpu.yield
    }) : () -> ()
    return
  }
}

#map = affine_map<(d0, d1) -> (0, 0)>
#map1 = affine_map<(d0, d1) -> (0)>
#map2 = affine_map<(d0, d1) -> (0, 0, 0)>
module attributes {stable_mosaic.version = 14 : i64} {
  func.func @_msg_body(%arg0: i32, %arg1: i32, %arg2: memref<10240x128xf32, #tpu.memory_space<hbm>>, %arg3: memref<320000x128xf32, #tpu.memory_space<hbm>>, %arg4: memref<320000xi32, #tpu.memory_space<hbm>>, %arg5: memref<320000xi32, #tpu.memory_space<hbm>>, %arg6: memref<2x10240x128xf32, #tpu.memory_space<hbm>>, %arg7: memref<10240x128xf32, #tpu.memory_space<vmem_shared>>, %arg8: memref<80x128xf32, #tpu.memory_space<vmem>>, %arg9: memref<80x128xf32, #tpu.memory_space<vmem>>, %arg10: memref<80x128xf32, #tpu.memory_space<vmem>>, %arg11: memref<80x128xf32, #tpu.memory_space<vmem>>, %arg12: memref<80xi32, #tpu.memory_space<vmem>>, %arg13: memref<80xi32, #tpu.memory_space<vmem>>, %arg14: memref<80xi32, #tpu.memory_space<vmem>>, %arg15: memref<80xi32, #tpu.memory_space<vmem>>, %arg16: memref<!tpu.dma_semaphore, #tpu.memory_space<semaphore_mem>>, %arg17: memref<!tpu.dma_semaphore, #tpu.memory_space<semaphore_mem>>, %arg18: memref<!tpu.dma_semaphore, #tpu.memory_space<semaphore_mem>>, %arg19: memref<!tpu.dma_semaphore, #tpu.memory_space<semaphore_mem>>, %arg20: memref<!tpu.dma_semaphore, #tpu.memory_space<semaphore_mem>>, %arg21: memref<!tpu.dma_semaphore, #tpu.memory_space<semaphore_mem>>) attributes {dimension_semantics = [#tpu.dimension_semantics<core_parallel>, #tpu.dimension_semantics<subcore_parallel>], iteration_bounds = array<i64: 2, 16>, scalar_prefetch = 0 : i64, scratch_operands = 15 : i64, tpu.core_type = #tpu.core_type<sc_vector_subcore>, window_params = [{transform_indices = #map}, {transform_indices = #map}, {transform_indices = #map1}, {transform_indices = #map1}, {transform_indices = #map2}]} {
    %mul3A = arith.constant 2 : i32
    %mul3A_0 = arith.muli %arg1, %mul3A : i32
    %add3A = arith.addi %mul3A_0, %arg0 : i32
    %mul3A_1 = arith.constant 10000 : i32
    %mul3A_2 = arith.muli %add3A, %mul3A_1 : i32
    %scan3A = arith.constant 0 : i32
    %scan3A_3 = arith.constant 0 : i32
    %scan3A_4 = arith.constant 80 : i32
    %scan3A_5 = arith.addi %scan3A_3, %scan3A_4 : i32
    %scan3A_6 = arith.constant 1 : i32
    scf.for %scan3A_136 = %scan3A_3 to %scan3A_5 step %scan3A_6  : i32 {
      %broadcast_in_dim3A = arith.constant 0.000000e+00 : f32
      %broadcast_in_dim3A_137 = vector.broadcast %broadcast_in_dim3A : f32 to vector<16xf32>
      %swap3A = arith.index_cast %scan3A_136 : i32 to index
      %swap3A_138 = arith.constant 0 : index
      %swap3A_139 = tpu.vector_load %arg10[%swap3A, %swap3A_138] {strides = array<i32>} : memref<80x128xf32, #tpu.memory_space<vmem>>, vector<16xf32>,
      tpu.vector_store %arg10[%swap3A, %swap3A_138], %broadcast_in_dim3A_137 {strides = array<i32>} : memref<80x128xf32, #tpu.memory_space<vmem>>, vector<16xf32>,
      %broadcast_in_dim3A_140 = arith.constant 0.000000e+00 : f32
      %broadcast_in_dim3A_141 = vector.broadcast %broadcast_in_dim3A_140 : f32 to vector<16xf32>
      %swap3A_142 = arith.index_cast %scan3A_136 : i32 to index
      %swap3A_143 = arith.constant 16 : index
      %swap3A_144 = tpu.vector_load %arg10[%swap3A_142, %swap3A_143] {strides = array<i32>} : memref<80x128xf32, #tpu.memory_space<vmem>>, vector<16xf32>,
      tpu.vector_store %arg10[%swap3A_142, %swap3A_143], %broadcast_in_dim3A_141 {strides = array<i32>} : memref<80x128xf32, #tpu.memory_space<vmem>>, vector<16xf32>,
      %broadcast_in_dim3A_145 = arith.constant 0.000000e+00 : f32
      %broadcast_in_dim3A_146 = vector.broadcast %broadcast_in_dim3A_145 : f32 to vector<16xf32>
      %swap3A_147 = arith.index_cast %scan3A_136 : i32 to index
      %swap3A_148 = arith.constant 32 : index
      %swap3A_149 = tpu.vector_load %arg10[%swap3A_147, %swap3A_148] {strides = array<i32>} : memref<80x128xf32, #tpu.memory_space<vmem>>, vector<16xf32>,
      tpu.vector_store %arg10[%swap3A_147, %swap3A_148], %broadcast_in_dim3A_146 {strides = array<i32>} : memref<80x128xf32, #tpu.memory_space<vmem>>, vector<16xf32>,
      %broadcast_in_dim3A_150 = arith.constant 0.000000e+00 : f32
      %broadcast_in_dim3A_151 = vector.broadcast %broadcast_in_dim3A_150 : f32 to vector<16xf32>
      %swap3A_152 = arith.index_cast %scan3A_136 : i32 to index
      %swap3A_153 = arith.constant 48 : index
      %swap3A_154 = tpu.vector_load %arg10[%swap3A_152, %swap3A_153] {strides = array<i32>} : memref<80x128xf32, #tpu.memory_space<vmem>>, vector<16xf32>,
      tpu.vector_store %arg10[%swap3A_152, %swap3A_153], %broadcast_in_dim3A_151 {strides = array<i32>} : memref<80x128xf32, #tpu.memory_space<vmem>>, vector<16xf32>,
      %broadcast_in_dim3A_155 = arith.constant 0.000000e+00 : f32
      %broadcast_in_dim3A_156 = vector.broadcast %broadcast_in_dim3A_155 : f32 to vector<16xf32>
      %swap3A_157 = arith.index_cast %scan3A_136 : i32 to index
      %swap3A_158 = arith.constant 64 : index
      %swap3A_159 = tpu.vector_load %arg10[%swap3A_157, %swap3A_158] {strides = array<i32>} : memref<80x128xf32, #tpu.memory_space<vmem>>, vector<16xf32>,
      tpu.vector_store %arg10[%swap3A_157, %swap3A_158], %broadcast_in_dim3A_156 {strides = array<i32>} : memref<80x128xf32, #tpu.memory_space<vmem>>, vector<16xf32>,
      %broadcast_in_dim3A_160 = arith.constant 0.000000e+00 : f32
      %broadcast_in_dim3A_161 = vector.broadcast %broadcast_in_dim3A_160 : f32 to vector<16xf32>
      %swap3A_162 = arith.index_cast %scan3A_136 : i32 to index
      %swap3A_163 = arith.constant 80 : index
      %swap3A_164 = tpu.vector_load %arg10[%swap3A_162, %swap3A_163] {strides = array<i32>} : memref<80x128xf32, #tpu.memory_space<vmem>>, vector<16xf32>,
      tpu.vector_store %arg10[%swap3A_162, %swap3A_163], %broadcast_in_dim3A_161 {strides = array<i32>} : memref<80x128xf32, #tpu.memory_space<vmem>>, vector<16xf32>,
      %broadcast_in_dim3A_165 = arith.constant 0.000000e+00 : f32
      %broadcast_in_dim3A_166 = vector.broadcast %broadcast_in_dim3A_165 : f32 to vector<16xf32>
      %swap3A_167 = arith.index_cast %scan3A_136 : i32 to index
      %swap3A_168 = arith.constant 96 : index
      %swap3A_169 = tpu.vector_load %arg10[%swap3A_167, %swap3A_168] {strides = array<i32>} : memref<80x128xf32, #tpu.memory_space<vmem>>, vector<16xf32>,
      tpu.vector_store %arg10[%swap3A_167, %swap3A_168], %broadcast_in_dim3A_166 {strides = array<i32>} : memref<80x128xf32, #tpu.memory_space<vmem>>, vector<16xf32>,
      %broadcast_in_dim3A_170 = arith.constant 0.000000e+00 : f32
      %broadcast_in_dim3A_171 = vector.broadcast %broadcast_in_dim3A_170 : f32 to vector<16xf32>
      %swap3A_172 = arith.index_cast %scan3A_136 : i32 to index
      %swap3A_173 = arith.constant 112 : index
      %swap3A_174 = tpu.vector_load %arg10[%swap3A_172, %swap3A_173] {strides = array<i32>} : memref<80x128xf32, #tpu.memory_space<vmem>>, vector<16xf32>,
      tpu.vector_store %arg10[%swap3A_172, %swap3A_173], %broadcast_in_dim3A_171 {strides = array<i32>} : memref<80x128xf32, #tpu.memory_space<vmem>>, vector<16xf32>,
    }
    %scan3A_7 = arith.constant 80 : i32
    %mul3A_8 = arith.constant 640 : i32
    %mul3A_9 = arith.muli %arg1, %mul3A_8 : i32
    %add3A_10 = arith.constant 0 : i32
    %add3A_11 = arith.addi %mul3A_9, %add3A_10 : i32
    "tpu.region"() ({
      %run_scoped3A = tpu.sem_alloc : memref<!tpu.dma_semaphore, #tpu.memory_space<semaphore_mem>>
      %dma_start3A_136 = arith.constant 0 : i32
      %dma_start3A_137 = tpu.memref_slice %arg7[%add3A_11, %dma_start3A_136] : memref<10240x128xf32, #tpu.memory_space<vmem_shared>> -> memref<80x128xf32, #tpu.memory_space<vmem_shared>>
      %dma_start3A_138 = arith.constant 0 : i32
      %dma_start3A_139 = tpu.memref_slice %arg7[%add3A_11, %dma_start3A_138] : memref<10240x128xf32, #tpu.memory_space<vmem_shared>> -> memref<80x128xf32, #tpu.memory_space<vmem_shared>>
      tpu.enqueue_dma source(%arg10 : memref<80x128xf32, #tpu.memory_space<vmem>>) target(%dma_start3A_139 : memref<80x128xf32, #tpu.memory_space<vmem_shared>>) target_semaphore(%run_scoped3A : memref<!tpu.dma_semaphore, #tpu.memory_space<semaphore_mem>>)
      %dma_wait3A_140 = arith.constant 0 : i32
      %dma_wait3A_141 = tpu.memref_slice %arg7[%add3A_11, %dma_wait3A_140] : memref<10240x128xf32, #tpu.memory_space<vmem_shared>> -> memref<80x128xf32, #tpu.memory_space<vmem_shared>>
      %dma_wait3A_142 = arith.constant 0 : i32
      %dma_wait3A_143 = tpu.memref_slice %arg7[%add3A_11, %dma_wait3A_142] : memref<10240x128xf32, #tpu.memory_space<vmem_shared>> -> memref<80x128xf32, #tpu.memory_space<vmem_shared>>
      tpu.wait_dma2 semaphore(%run_scoped3A : memref<!tpu.dma_semaphore, #tpu.memory_space<semaphore_mem>>) src(%arg10 : memref<80x128xf32, #tpu.memory_space<vmem>>) dst(%dma_wait3A_143 : memref<80x128xf32, #tpu.memory_space<vmem_shared>>)
      tpu.yield
    }) : () -> ()
    %mul3A_12 = arith.constant 640 : i32
    %mul3A_13 = arith.muli %arg1, %mul3A_12 : i32
    %add3A_14 = arith.constant 80 : i32
    %add3A_15 = arith.addi %mul3A_13, %add3A_14 : i32
    "tpu.region"() ({
      %run_scoped3A = tpu.sem_alloc : memref<!tpu.dma_semaphore, #tpu.memory_space<semaphore_mem>>
      %dma_start3A_136 = arith.constant 0 : i32
      %dma_start3A_137 = tpu.memref_slice %arg7[%add3A_15, %dma_start3A_136] : memref<10240x128xf32, #tpu.memory_space<vmem_shared>> -> memref<80x128xf32, #tpu.memory_space<vmem_shared>>
      %dma_start3A_138 = arith.constant 0 : i32
      %dma_start3A_139 = tpu.memref_slice %arg7[%add3A_15, %dma_start3A_138] : memref<10240x128xf32, #tpu.memory_space<vmem_shared>> -> memref<80x128xf32, #tpu.memory_space<vmem_shared>>
      tpu.enqueue_dma source(%arg10 : memref<80x128xf32, #tpu.memory_space<vmem>>) target(%dma_start3A_139 : memref<80x128xf32, #tpu.memory_space<vmem_shared>>) target_semaphore(%run_scoped3A : memref<!tpu.dma_semaphore, #tpu.memory_space<semaphore_mem>>)
      %dma_wait3A_140 = arith.constant 0 : i32
      %dma_wait3A_141 = tpu.memref_slice %arg7[%add3A_15, %dma_wait3A_140] : memref<10240x128xf32, #tpu.memory_space<vmem_shared>> -> memref<80x128xf32, #tpu.memory_space<vmem_shared>>
      %dma_wait3A_142 = arith.constant 0 : i32
      %dma_wait3A_143 = tpu.memref_slice %arg7[%add3A_15, %dma_wait3A_142] : memref<10240x128xf32, #tpu.memory_space<vmem_shared>> -> memref<80x128xf32, #tpu.memory_space<vmem_shared>>
      tpu.wait_dma2 semaphore(%run_scoped3A : memref<!tpu.dma_semaphore, #tpu.memory_space<semaphore_mem>>) src(%arg10 : memref<80x128xf32, #tpu.memory_space<vmem>>) dst(%dma_wait3A_143 : memref<80x128xf32, #tpu.memory_space<vmem_shared>>)
      tpu.yield
    }) : () -> ()
    %mul3A_16 = arith.constant 640 : i32
    %mul3A_17 = arith.muli %arg1, %mul3A_16 : i32
    %add3A_18 = arith.constant 160 : i32
    %add3A_19 = arith.addi %mul3A_17, %add3A_18 : i32
    "tpu.region"() ({
      %run_scoped3A = tpu.sem_alloc : memref<!tpu.dma_semaphore, #tpu.memory_space<semaphore_mem>>
      %dma_start3A_136 = arith.constant 0 : i32
      %dma_start3A_137 = tpu.memref_slice %arg7[%add3A_19, %dma_start3A_136] : memref<10240x128xf32, #tpu.memory_space<vmem_shared>> -> memref<80x128xf32, #tpu.memory_space<vmem_shared>>
      %dma_start3A_138 = arith.constant 0 : i32
      %dma_start3A_139 = tpu.memref_slice %arg7[%add3A_19, %dma_start3A_138] : memref<10240x128xf32, #tpu.memory_space<vmem_shared>> -> memref<80x128xf32, #tpu.memory_space<vmem_shared>>
      tpu.enqueue_dma source(%arg10 : memref<80x128xf32, #tpu.memory_space<vmem>>) target(%dma_start3A_139 : memref<80x128xf32, #tpu.memory_space<vmem_shared>>) target_semaphore(%run_scoped3A : memref<!tpu.dma_semaphore, #tpu.memory_space<semaphore_mem>>)
      %dma_wait3A_140 = arith.constant 0 : i32
      %dma_wait3A_141 = tpu.memref_slice %arg7[%add3A_19, %dma_wait3A_140] : memref<10240x128xf32, #tpu.memory_space<vmem_shared>> -> memref<80x128xf32, #tpu.memory_space<vmem_shared>>
      %dma_wait3A_142 = arith.constant 0 : i32
      %dma_wait3A_143 = tpu.memref_slice %arg7[%add3A_19, %dma_wait3A_142] : memref<10240x128xf32, #tpu.memory_space<vmem_shared>> -> memref<80x128xf32, #tpu.memory_space<vmem_shared>>
      tpu.wait_dma2 semaphore(%run_scoped3A : memref<!tpu.dma_semaphore, #tpu.memory_space<semaphore_mem>>) src(%arg10 : memref<80x128xf32, #tpu.memory_space<vmem>>) dst(%dma_wait3A_143 : memref<80x128xf32, #tpu.memory_space<vmem_shared>>)
      tpu.yield
    }) : () -> ()
    %mul3A_20 = arith.constant 640 : i32
    %mul3A_21 = arith.muli %arg1, %mul3A_20 : i32
    %add3A_22 = arith.constant 240 : i32
    %add3A_23 = arith.addi %mul3A_21, %add3A_22 : i32
    "tpu.region"() ({
      %run_scoped3A = tpu.sem_alloc : memref<!tpu.dma_semaphore, #tpu.memory_space<semaphore_mem>>
      %dma_start3A_136 = arith.constant 0 : i32
      %dma_start3A_137 = tpu.memref_slice %arg7[%add3A_23, %dma_start3A_136] : memref<10240x128xf32, #tpu.memory_space<vmem_shared>> -> memref<80x128xf32, #tpu.memory_space<vmem_shared>>
      %dma_start3A_138 = arith.constant 0 : i32
      %dma_start3A_139 = tpu.memref_slice %arg7[%add3A_23, %dma_start3A_138] : memref<10240x128xf32, #tpu.memory_space<vmem_shared>> -> memref<80x128xf32, #tpu.memory_space<vmem_shared>>
      tpu.enqueue_dma source(%arg10 : memref<80x128xf32, #tpu.memory_space<vmem>>) target(%dma_start3A_139 : memref<80x128xf32, #tpu.memory_space<vmem_shared>>) target_semaphore(%run_scoped3A : memref<!tpu.dma_semaphore, #tpu.memory_space<semaphore_mem>>)
      %dma_wait3A_140 = arith.constant 0 : i32
      %dma_wait3A_141 = tpu.memref_slice %arg7[%add3A_23, %dma_wait3A_140] : memref<10240x128xf32, #tpu.memory_space<vmem_shared>> -> memref<80x128xf32, #tpu.memory_space<vmem_shared>>
      %dma_wait3A_142 = arith.constant 0 : i32
      %dma_wait3A_143 = tpu.memref_slice %arg7[%add3A_23, %dma_wait3A_142] : memref<10240x128xf32, #tpu.memory_space<vmem_shared>> -> memref<80x128xf32, #tpu.memory_space<vmem_shared>>
      tpu.wait_dma2 semaphore(%run_scoped3A : memref<!tpu.dma_semaphore, #tpu.memory_space<semaphore_mem>>) src(%arg10 : memref<80x128xf32, #tpu.memory_space<vmem>>) dst(%dma_wait3A_143 : memref<80x128xf32, #tpu.memory_space<vmem_shared>>)
      tpu.yield
    }) : () -> ()
    %mul3A_24 = arith.constant 640 : i32
    %mul3A_25 = arith.muli %arg1, %mul3A_24 : i32
    %add3A_26 = arith.constant 320 : i32
    %add3A_27 = arith.addi %mul3A_25, %add3A_26 : i32
    "tpu.region"() ({
      %run_scoped3A = tpu.sem_alloc : memref<!tpu.dma_semaphore, #tpu.memory_space<semaphore_mem>>
      %dma_start3A_136 = arith.constant 0 : i32
      %dma_start3A_137 = tpu.memref_slice %arg7[%add3A_27, %dma_start3A_136] : memref<10240x128xf32, #tpu.memory_space<vmem_shared>> -> memref<80x128xf32, #tpu.memory_space<vmem_shared>>
      %dma_start3A_138 = arith.constant 0 : i32
      %dma_start3A_139 = tpu.memref_slice %arg7[%add3A_27, %dma_start3A_138] : memref<10240x128xf32, #tpu.memory_space<vmem_shared>> -> memref<80x128xf32, #tpu.memory_space<vmem_shared>>
      tpu.enqueue_dma source(%arg10 : memref<80x128xf32, #tpu.memory_space<vmem>>) target(%dma_start3A_139 : memref<80x128xf32, #tpu.memory_space<vmem_shared>>) target_semaphore(%run_scoped3A : memref<!tpu.dma_semaphore, #tpu.memory_space<semaphore_mem>>)
      %dma_wait3A_140 = arith.constant 0 : i32
      %dma_wait3A_141 = tpu.memref_slice %arg7[%add3A_27, %dma_wait3A_140] : memref<10240x128xf32, #tpu.memory_space<vmem_shared>> -> memref<80x128xf32, #tpu.memory_space<vmem_shared>>
      %dma_wait3A_142 = arith.constant 0 : i32
      %dma_wait3A_143 = tpu.memref_slice %arg7[%add3A_27, %dma_wait3A_142] : memref<10240x128xf32, #tpu.memory_space<vmem_shared>> -> memref<80x128xf32, #tpu.memory_space<vmem_shared>>
      tpu.wait_dma2 semaphore(%run_scoped3A : memref<!tpu.dma_semaphore, #tpu.memory_space<semaphore_mem>>) src(%arg10 : memref<80x128xf32, #tpu.memory_space<vmem>>) dst(%dma_wait3A_143 : memref<80x128xf32, #tpu.memory_space<vmem_shared>>)
      tpu.yield
    }) : () -> ()
    %mul3A_28 = arith.constant 640 : i32
    %mul3A_29 = arith.muli %arg1, %mul3A_28 : i32
    %add3A_30 = arith.constant 400 : i32
    %add3A_31 = arith.addi %mul3A_29, %add3A_30 : i32
    "tpu.region"() ({
      %run_scoped3A = tpu.sem_alloc : memref<!tpu.dma_semaphore, #tpu.memory_space<semaphore_mem>>
      %dma_start3A_136 = arith.constant 0 : i32
      %dma_start3A_137 = tpu.memref_slice %arg7[%add3A_31, %dma_start3A_136] : memref<10240x128xf32, #tpu.memory_space<vmem_shared>> -> memref<80x128xf32, #tpu.memory_space<vmem_shared>>
      %dma_start3A_138 = arith.constant 0 : i32
      %dma_start3A_139 = tpu.memref_slice %arg7[%add3A_31, %dma_start3A_138] : memref<10240x128xf32, #tpu.memory_space<vmem_shared>> -> memref<80x128xf32, #tpu.memory_space<vmem_shared>>
      tpu.enqueue_dma source(%arg10 : memref<80x128xf32, #tpu.memory_space<vmem>>) target(%dma_start3A_139 : memref<80x128xf32, #tpu.memory_space<vmem_shared>>) target_semaphore(%run_scoped3A : memref<!tpu.dma_semaphore, #tpu.memory_space<semaphore_mem>>)
      %dma_wait3A_140 = arith.constant 0 : i32
      %dma_wait3A_141 = tpu.memref_slice %arg7[%add3A_31, %dma_wait3A_140] : memref<10240x128xf32, #tpu.memory_space<vmem_shared>> -> memref<80x128xf32, #tpu.memory_space<vmem_shared>>
      %dma_wait3A_142 = arith.constant 0 : i32
      %dma_wait3A_143 = tpu.memref_slice %arg7[%add3A_31, %dma_wait3A_142] : memref<10240x128xf32, #tpu.memory_space<vmem_shared>> -> memref<80x128xf32, #tpu.memory_space<vmem_shared>>
      tpu.wait_dma2 semaphore(%run_scoped3A : memref<!tpu.dma_semaphore, #tpu.memory_space<semaphore_mem>>) src(%arg10 : memref<80x128xf32, #tpu.memory_space<vmem>>) dst(%dma_wait3A_143 : memref<80x128xf32, #tpu.memory_space<vmem_shared>>)
      tpu.yield
    }) : () -> ()
    %mul3A_32 = arith.constant 640 : i32
    %mul3A_33 = arith.muli %arg1, %mul3A_32 : i32
    %add3A_34 = arith.constant 480 : i32
    %add3A_35 = arith.addi %mul3A_33, %add3A_34 : i32
    "tpu.region"() ({
      %run_scoped3A = tpu.sem_alloc : memref<!tpu.dma_semaphore, #tpu.memory_space<semaphore_mem>>
      %dma_start3A_136 = arith.constant 0 : i32
      %dma_start3A_137 = tpu.memref_slice %arg7[%add3A_35, %dma_start3A_136] : memref<10240x128xf32, #tpu.memory_space<vmem_shared>> -> memref<80x128xf32, #tpu.memory_space<vmem_shared>>
      %dma_start3A_138 = arith.constant 0 : i32
      %dma_start3A_139 = tpu.memref_slice %arg7[%add3A_35, %dma_start3A_138] : memref<10240x128xf32, #tpu.memory_space<vmem_shared>> -> memref<80x128xf32, #tpu.memory_space<vmem_shared>>
      tpu.enqueue_dma source(%arg10 : memref<80x128xf32, #tpu.memory_space<vmem>>) target(%dma_start3A_139 : memref<80x128xf32, #tpu.memory_space<vmem_shared>>) target_semaphore(%run_scoped3A : memref<!tpu.dma_semaphore, #tpu.memory_space<semaphore_mem>>)
      %dma_wait3A_140 = arith.constant 0 : i32
      %dma_wait3A_141 = tpu.memref_slice %arg7[%add3A_35, %dma_wait3A_140] : memref<10240x128xf32, #tpu.memory_space<vmem_shared>> -> memref<80x128xf32, #tpu.memory_space<vmem_shared>>
      %dma_wait3A_142 = arith.constant 0 : i32
      %dma_wait3A_143 = tpu.memref_slice %arg7[%add3A_35, %dma_wait3A_142] : memref<10240x128xf32, #tpu.memory_space<vmem_shared>> -> memref<80x128xf32, #tpu.memory_space<vmem_shared>>
      tpu.wait_dma2 semaphore(%run_scoped3A : memref<!tpu.dma_semaphore, #tpu.memory_space<semaphore_mem>>) src(%arg10 : memref<80x128xf32, #tpu.memory_space<vmem>>) dst(%dma_wait3A_143 : memref<80x128xf32, #tpu.memory_space<vmem_shared>>)
      tpu.yield
    }) : () -> ()
    %mul3A_36 = arith.constant 640 : i32
    %mul3A_37 = arith.muli %arg1, %mul3A_36 : i32
    %add3A_38 = arith.constant 560 : i32
    %add3A_39 = arith.addi %mul3A_37, %add3A_38 : i32
    "tpu.region"() ({
      %run_scoped3A = tpu.sem_alloc : memref<!tpu.dma_semaphore, #tpu.memory_space<semaphore_mem>>
      %dma_start3A_136 = arith.constant 0 : i32
      %dma_start3A_137 = tpu.memref_slice %arg7[%add3A_39, %dma_start3A_136] : memref<10240x128xf32, #tpu.memory_space<vmem_shared>> -> memref<80x128xf32, #tpu.memory_space<vmem_shared>>
      %dma_start3A_138 = arith.constant 0 : i32
      %dma_start3A_139 = tpu.memref_slice %arg7[%add3A_39, %dma_start3A_138] : memref<10240x128xf32, #tpu.memory_space<vmem_shared>> -> memref<80x128xf32, #tpu.memory_space<vmem_shared>>
      tpu.enqueue_dma source(%arg10 : memref<80x128xf32, #tpu.memory_space<vmem>>) target(%dma_start3A_139 : memref<80x128xf32, #tpu.memory_space<vmem_shared>>) target_semaphore(%run_scoped3A : memref<!tpu.dma_semaphore, #tpu.memory_space<semaphore_mem>>)
      %dma_wait3A_140 = arith.constant 0 : i32
      %dma_wait3A_141 = tpu.memref_slice %arg7[%add3A_39, %dma_wait3A_140] : memref<10240x128xf32, #tpu.memory_space<vmem_shared>> -> memref<80x128xf32, #tpu.memory_space<vmem_shared>>
      %dma_wait3A_142 = arith.constant 0 : i32
      %dma_wait3A_143 = tpu.memref_slice %arg7[%add3A_39, %dma_wait3A_142] : memref<10240x128xf32, #tpu.memory_space<vmem_shared>> -> memref<80x128xf32, #tpu.memory_space<vmem_shared>>
      tpu.wait_dma2 semaphore(%run_scoped3A : memref<!tpu.dma_semaphore, #tpu.memory_space<semaphore_mem>>) src(%arg10 : memref<80x128xf32, #tpu.memory_space<vmem>>) dst(%dma_wait3A_143 : memref<80x128xf32, #tpu.memory_space<vmem_shared>>)
      tpu.yield
    }) : () -> ()
    %barrier3A = arith.constant 0 : index
    tpu.barrier barrier_id(%barrier3A)
    "tpu.region"() ({
      %run_scoped3A = tpu.sem_alloc : memref<!tpu.dma_semaphore, #tpu.memory_space<semaphore_mem>>
      %dma_start3A_136 = tpu.memref_slice %arg4[%mul3A_2] : memref<320000xi32, #tpu.memory_space<hbm>> -> memref<80xi32, #tpu.memory_space<hbm>>
      %dma_start3A_137 = tpu.memref_slice %arg4[%mul3A_2] : memref<320000xi32, #tpu.memory_space<hbm>> -> memref<80xi32, #tpu.memory_space<hbm>>
      tpu.enqueue_dma source(%dma_start3A_137 : memref<80xi32, #tpu.memory_space<hbm>>) target(%arg12 : memref<80xi32, #tpu.memory_space<vmem>>) target_semaphore(%run_scoped3A : memref<!tpu.dma_semaphore, #tpu.memory_space<semaphore_mem>>)
      %dma_wait3A_138 = tpu.memref_slice %arg4[%mul3A_2] : memref<320000xi32, #tpu.memory_space<hbm>> -> memref<80xi32, #tpu.memory_space<hbm>>
      %dma_wait3A_139 = tpu.memref_slice %arg4[%mul3A_2] : memref<320000xi32, #tpu.memory_space<hbm>> -> memref<80xi32, #tpu.memory_space<hbm>>
      tpu.wait_dma2 semaphore(%run_scoped3A : memref<!tpu.dma_semaphore, #tpu.memory_space<semaphore_mem>>) src(%dma_wait3A_139 : memref<80xi32, #tpu.memory_space<hbm>>) dst(%arg12 : memref<80xi32, #tpu.memory_space<vmem>>)
      tpu.yield
    }) : () -> ()
    "tpu.region"() ({
      %run_scoped3A = tpu.sem_alloc : memref<!tpu.dma_semaphore, #tpu.memory_space<semaphore_mem>>
      %dma_start3A_136 = tpu.memref_slice %arg5[%mul3A_2] : memref<320000xi32, #tpu.memory_space<hbm>> -> memref<80xi32, #tpu.memory_space<hbm>>
      %dma_start3A_137 = tpu.memref_slice %arg5[%mul3A_2] : memref<320000xi32, #tpu.memory_space<hbm>> -> memref<80xi32, #tpu.memory_space<hbm>>
      tpu.enqueue_dma source(%dma_start3A_137 : memref<80xi32, #tpu.memory_space<hbm>>) target(%arg14 : memref<80xi32, #tpu.memory_space<vmem>>) target_semaphore(%run_scoped3A : memref<!tpu.dma_semaphore, #tpu.memory_space<semaphore_mem>>)
      %dma_wait3A_138 = tpu.memref_slice %arg5[%mul3A_2] : memref<320000xi32, #tpu.memory_space<hbm>> -> memref<80xi32, #tpu.memory_space<hbm>>
      %dma_wait3A_139 = tpu.memref_slice %arg5[%mul3A_2] : memref<320000xi32, #tpu.memory_space<hbm>> -> memref<80xi32, #tpu.memory_space<hbm>>
      tpu.wait_dma2 semaphore(%run_scoped3A : memref<!tpu.dma_semaphore, #tpu.memory_space<semaphore_mem>>) src(%dma_wait3A_139 : memref<80xi32, #tpu.memory_space<hbm>>) dst(%arg14 : memref<80xi32, #tpu.memory_space<vmem>>)
      tpu.yield
    }) : () -> ()
    %add3A_40 = arith.constant 0 : i32
    %add3A_41 = arith.addi %mul3A_2, %add3A_40 : i32
    %dma_start3A = arith.constant 0 : i32
    %dma_start3A_42 = arith.constant 0 : i32
    %dma_start3A_43 = tpu.memref_slice %arg2[%dma_start3A, %dma_start3A_42] : memref<10240x128xf32, #tpu.memory_space<hbm>> -> memref<10240x128xf32, #tpu.memory_space<hbm>>
    tpu.enqueue_indirect_dma source(%dma_start3A_43 : memref<10240x128xf32, #tpu.memory_space<hbm>>) target(%arg8 : memref<80x128xf32, #tpu.memory_space<vmem>>) offsets(%arg12 : memref<80xi32, #tpu.memory_space<vmem>>) semaphore(%arg16 : memref<!tpu.dma_semaphore, #tpu.memory_space<semaphore_mem>>)
    %dma_start3A_44 = arith.constant 0 : i32
    %dma_start3A_45 = tpu.memref_slice %arg3[%add3A_41, %dma_start3A_44] : memref<320000x128xf32, #tpu.memory_space<hbm>> -> memref<80x128xf32, #tpu.memory_space<hbm>>
    %dma_start3A_46 = arith.constant 0 : i32
    %dma_start3A_47 = tpu.memref_slice %arg3[%add3A_41, %dma_start3A_46] : memref<320000x128xf32, #tpu.memory_space<hbm>> -> memref<80x128xf32, #tpu.memory_space<hbm>>
    tpu.enqueue_dma source(%dma_start3A_47 : memref<80x128xf32, #tpu.memory_space<hbm>>) target(%arg10 : memref<80x128xf32, #tpu.memory_space<vmem>>) target_semaphore(%arg18 : memref<!tpu.dma_semaphore, #tpu.memory_space<semaphore_mem>>)
    %add3A_48 = arith.constant 80 : i32
    %add3A_49 = arith.addi %mul3A_2, %add3A_48 : i32
    %dma_start3A_50 = tpu.memref_slice %arg4[%add3A_49] : memref<320000xi32, #tpu.memory_space<hbm>> -> memref<80xi32, #tpu.memory_space<hbm>>
    %dma_start3A_51 = tpu.memref_slice %arg4[%add3A_49] : memref<320000xi32, #tpu.memory_space<hbm>> -> memref<80xi32, #tpu.memory_space<hbm>>
    tpu.enqueue_dma source(%dma_start3A_51 : memref<80xi32, #tpu.memory_space<hbm>>) target(%arg13 : memref<80xi32, #tpu.memory_space<vmem>>) target_semaphore(%arg21 : memref<!tpu.dma_semaphore, #tpu.memory_space<semaphore_mem>>)
    %dma_start3A_52 = tpu.memref_slice %arg5[%add3A_49] : memref<320000xi32, #tpu.memory_space<hbm>> -> memref<80xi32, #tpu.memory_space<hbm>>
    %dma_start3A_53 = tpu.memref_slice %arg5[%add3A_49] : memref<320000xi32, #tpu.memory_space<hbm>> -> memref<80xi32, #tpu.memory_space<hbm>>
    tpu.enqueue_dma source(%dma_start3A_53 : memref<80xi32, #tpu.memory_space<hbm>>) target(%arg15 : memref<80xi32, #tpu.memory_space<vmem>>) target_semaphore(%arg21 : memref<!tpu.dma_semaphore, #tpu.memory_space<semaphore_mem>>)
    %add3A_54 = arith.constant 80 : i32
    %add3A_55 = arith.addi %mul3A_2, %add3A_54 : i32
    %dma_wait3A = tpu.memref_slice %arg4[%add3A_55] : memref<320000xi32, #tpu.memory_space<hbm>> -> memref<80xi32, #tpu.memory_space<hbm>>
    %dma_wait3A_56 = tpu.memref_slice %arg4[%add3A_55] : memref<320000xi32, #tpu.memory_space<hbm>> -> memref<80xi32, #tpu.memory_space<hbm>>
    tpu.wait_dma2 semaphore(%arg21 : memref<!tpu.dma_semaphore, #tpu.memory_space<semaphore_mem>>) src(%dma_wait3A_56 : memref<80xi32, #tpu.memory_space<hbm>>) dst(%arg13 : memref<80xi32, #tpu.memory_space<vmem>>)
    %dma_wait3A_57 = tpu.memref_slice %arg5[%add3A_55] : memref<320000xi32, #tpu.memory_space<hbm>> -> memref<80xi32, #tpu.memory_space<hbm>>
    %dma_wait3A_58 = tpu.memref_slice %arg5[%add3A_55] : memref<320000xi32, #tpu.memory_space<hbm>> -> memref<80xi32, #tpu.memory_space<hbm>>
    tpu.wait_dma2 semaphore(%arg21 : memref<!tpu.dma_semaphore, #tpu.memory_space<semaphore_mem>>) src(%dma_wait3A_58 : memref<80xi32, #tpu.memory_space<hbm>>) dst(%arg15 : memref<80xi32, #tpu.memory_space<vmem>>)
    %add3A_59 = arith.constant 80 : i32
    %add3A_60 = arith.addi %mul3A_2, %add3A_59 : i32
    %dma_start3A_61 = arith.constant 0 : i32
    %dma_start3A_62 = arith.constant 0 : i32
    %dma_start3A_63 = tpu.memref_slice %arg2[%dma_start3A_61, %dma_start3A_62] : memref<10240x128xf32, #tpu.memory_space<hbm>> -> memref<10240x128xf32, #tpu.memory_space<hbm>>
    tpu.enqueue_indirect_dma source(%dma_start3A_63 : memref<10240x128xf32, #tpu.memory_space<hbm>>) target(%arg9 : memref<80x128xf32, #tpu.memory_space<vmem>>) offsets(%arg13 : memref<80xi32, #tpu.memory_space<vmem>>) semaphore(%arg17 : memref<!tpu.dma_semaphore, #tpu.memory_space<semaphore_mem>>)
    %dma_start3A_64 = arith.constant 0 : i32
    %dma_start3A_65 = tpu.memref_slice %arg3[%add3A_60, %dma_start3A_64] : memref<320000x128xf32, #tpu.memory_space<hbm>> -> memref<80x128xf32, #tpu.memory_space<hbm>>
    %dma_start3A_66 = arith.constant 0 : i32
    %dma_start3A_67 = tpu.memref_slice %arg3[%add3A_60, %dma_start3A_66] : memref<320000x128xf32, #tpu.memory_space<hbm>> -> memref<80x128xf32, #tpu.memory_space<hbm>>
    tpu.enqueue_dma source(%dma_start3A_67 : memref<80x128xf32, #tpu.memory_space<hbm>>) target(%arg11 : memref<80x128xf32, #tpu.memory_space<vmem>>) target_semaphore(%arg19 : memref<!tpu.dma_semaphore, #tpu.memory_space<semaphore_mem>>)
    %add3A_68 = arith.constant 0 : i32
    %add3A_69 = arith.addi %mul3A_2, %add3A_68 : i32
    %dma_wait3A_70 = arith.constant 0 : i32
    %dma_wait3A_71 = arith.constant 0 : i32
    %dma_wait3A_72 = tpu.memref_slice %arg2[%dma_wait3A_70, %dma_wait3A_71] : memref<10240x128xf32, #tpu.memory_space<hbm>> -> memref<10240x128xf32, #tpu.memory_space<hbm>>
    tpu.wait_indirect_dma semaphore(%arg16 : memref<!tpu.dma_semaphore, #tpu.memory_space<semaphore_mem>>) src(%dma_wait3A_72 : memref<10240x128xf32, #tpu.memory_space<hbm>>) dst(%arg8 : memref<80x128xf32, #tpu.memory_space<vmem>>)
    %dma_wait3A_73 = arith.constant 0 : i32
    %dma_wait3A_74 = tpu.memref_slice %arg3[%add3A_69, %dma_wait3A_73] : memref<320000x128xf32, #tpu.memory_space<hbm>> -> memref<80x128xf32, #tpu.memory_space<hbm>>
    %dma_wait3A_75 = arith.constant 0 : i32
    %dma_wait3A_76 = tpu.memref_slice %arg3[%add3A_69, %dma_wait3A_75] : memref<320000x128xf32, #tpu.memory_space<hbm>> -> memref<80x128xf32, #tpu.memory_space<hbm>>
    tpu.wait_dma2 semaphore(%arg18 : memref<!tpu.dma_semaphore, #tpu.memory_space<semaphore_mem>>) src(%dma_wait3A_76 : memref<80x128xf32, #tpu.memory_space<hbm>>) dst(%arg10 : memref<80x128xf32, #tpu.memory_space<vmem>>)
    %scan3A_77 = arith.constant 0 : i32
    %scan3A_78 = arith.constant 0 : i32
    %scan3A_79 = arith.constant 80 : i32
    %scan3A_80 = arith.addi %scan3A_78, %scan3A_79 : i32
    %scan3A_81 = arith.constant 1 : i32
    scf.for %scan3A_136 = %scan3A_78 to %scan3A_80 step %scan3A_81  : i32 {
      %get3A = arith.index_cast %scan3A_136 : i32 to index
      %get3A_137 = arith.constant 0 : index
      %get3A_138 = tpu.vector_load %arg8[%get3A, %get3A_137] {strides = array<i32>} : memref<80x128xf32, #tpu.memory_space<vmem>>, vector<16xf32>,
      %get3A_139 = arith.index_cast %scan3A_136 : i32 to index
      %get3A_140 = arith.constant 0 : index
      %get3A_141 = tpu.vector_load %arg10[%get3A_139, %get3A_140] {strides = array<i32>} : memref<80x128xf32, #tpu.memory_space<vmem>>, vector<16xf32>,
      %mul3A_142 = arith.mulf %get3A_138, %get3A_141 : vector<16xf32>
      %swap3A = arith.index_cast %scan3A_136 : i32 to index
      %swap3A_143 = arith.constant 0 : index
      %swap3A_144 = tpu.vector_load %arg8[%swap3A, %swap3A_143] {strides = array<i32>} : memref<80x128xf32, #tpu.memory_space<vmem>>, vector<16xf32>,
      tpu.vector_store %arg8[%swap3A, %swap3A_143], %mul3A_142 {strides = array<i32>} : memref<80x128xf32, #tpu.memory_space<vmem>>, vector<16xf32>,
      %get3A_145 = arith.index_cast %scan3A_136 : i32 to index
      %get3A_146 = arith.constant 16 : index
      %get3A_147 = tpu.vector_load %arg8[%get3A_145, %get3A_146] {strides = array<i32>} : memref<80x128xf32, #tpu.memory_space<vmem>>, vector<16xf32>,
      %get3A_148 = arith.index_cast %scan3A_136 : i32 to index
      %get3A_149 = arith.constant 16 : index
      %get3A_150 = tpu.vector_load %arg10[%get3A_148, %get3A_149] {strides = array<i32>} : memref<80x128xf32, #tpu.memory_space<vmem>>, vector<16xf32>,
      %mul3A_151 = arith.mulf %get3A_147, %get3A_150 : vector<16xf32>
      %swap3A_152 = arith.index_cast %scan3A_136 : i32 to index
      %swap3A_153 = arith.constant 16 : index
      %swap3A_154 = tpu.vector_load %arg8[%swap3A_152, %swap3A_153] {strides = array<i32>} : memref<80x128xf32, #tpu.memory_space<vmem>>, vector<16xf32>,
      tpu.vector_store %arg8[%swap3A_152, %swap3A_153], %mul3A_151 {strides = array<i32>} : memref<80x128xf32, #tpu.memory_space<vmem>>, vector<16xf32>,
      %get3A_155 = arith.index_cast %scan3A_136 : i32 to index
      %get3A_156 = arith.constant 32 : index
      %get3A_157 = tpu.vector_load %arg8[%get3A_155, %get3A_156] {strides = array<i32>} : memref<80x128xf32, #tpu.memory_space<vmem>>, vector<16xf32>,
      %get3A_158 = arith.index_cast %scan3A_136 : i32 to index
      %get3A_159 = arith.constant 32 : index
      %get3A_160 = tpu.vector_load %arg10[%get3A_158, %get3A_159] {strides = array<i32>} : memref<80x128xf32, #tpu.memory_space<vmem>>, vector<16xf32>,
      %mul3A_161 = arith.mulf %get3A_157, %get3A_160 : vector<16xf32>
      %swap3A_162 = arith.index_cast %scan3A_136 : i32 to index
      %swap3A_163 = arith.constant 32 : index
      %swap3A_164 = tpu.vector_load %arg8[%swap3A_162, %swap3A_163] {strides = array<i32>} : memref<80x128xf32, #tpu.memory_space<vmem>>, vector<16xf32>,
      tpu.vector_store %arg8[%swap3A_162, %swap3A_163], %mul3A_161 {strides = array<i32>} : memref<80x128xf32, #tpu.memory_space<vmem>>, vector<16xf32>,
      %get3A_165 = arith.index_cast %scan3A_136 : i32 to index
      %get3A_166 = arith.constant 48 : index
      %get3A_167 = tpu.vector_load %arg8[%get3A_165, %get3A_166] {strides = array<i32>} : memref<80x128xf32, #tpu.memory_space<vmem>>, vector<16xf32>,
      %get3A_168 = arith.index_cast %scan3A_136 : i32 to index
      %get3A_169 = arith.constant 48 : index
      %get3A_170 = tpu.vector_load %arg10[%get3A_168, %get3A_169] {strides = array<i32>} : memref<80x128xf32, #tpu.memory_space<vmem>>, vector<16xf32>,
      %mul3A_171 = arith.mulf %get3A_167, %get3A_170 : vector<16xf32>
      %swap3A_172 = arith.index_cast %scan3A_136 : i32 to index
      %swap3A_173 = arith.constant 48 : index
      %swap3A_174 = tpu.vector_load %arg8[%swap3A_172, %swap3A_173] {strides = array<i32>} : memref<80x128xf32, #tpu.memory_space<vmem>>, vector<16xf32>,
      tpu.vector_store %arg8[%swap3A_172, %swap3A_173], %mul3A_171 {strides = array<i32>} : memref<80x128xf32, #tpu.memory_space<vmem>>, vector<16xf32>,
      %get3A_175 = arith.index_cast %scan3A_136 : i32 to index
      %get3A_176 = arith.constant 64 : index
      %get3A_177 = tpu.vector_load %arg8[%get3A_175, %get3A_176] {strides = array<i32>} : memref<80x128xf32, #tpu.memory_space<vmem>>, vector<16xf32>,
      %get3A_178 = arith.index_cast %scan3A_136 : i32 to index
      %get3A_179 = arith.constant 64 : index
      %get3A_180 = tpu.vector_load %arg10[%get3A_178, %get3A_179] {strides = array<i32>} : memref<80x128xf32, #tpu.memory_space<vmem>>, vector<16xf32>,
      %mul3A_181 = arith.mulf %get3A_177, %get3A_180 : vector<16xf32>
      %swap3A_182 = arith.index_cast %scan3A_136 : i32 to index
      %swap3A_183 = arith.constant 64 : index
      %swap3A_184 = tpu.vector_load %arg8[%swap3A_182, %swap3A_183] {strides = array<i32>} : memref<80x128xf32, #tpu.memory_space<vmem>>, vector<16xf32>,
      tpu.vector_store %arg8[%swap3A_182, %swap3A_183], %mul3A_181 {strides = array<i32>} : memref<80x128xf32, #tpu.memory_space<vmem>>, vector<16xf32>,
      %get3A_185 = arith.index_cast %scan3A_136 : i32 to index
      %get3A_186 = arith.constant 80 : index
      %get3A_187 = tpu.vector_load %arg8[%get3A_185, %get3A_186] {strides = array<i32>} : memref<80x128xf32, #tpu.memory_space<vmem>>, vector<16xf32>,
      %get3A_188 = arith.index_cast %scan3A_136 : i32 to index
      %get3A_189 = arith.constant 80 : index
      %get3A_190 = tpu.vector_load %arg10[%get3A_188, %get3A_189] {strides = array<i32>} : memref<80x128xf32, #tpu.memory_space<vmem>>, vector<16xf32>,
      %mul3A_191 = arith.mulf %get3A_187, %get3A_190 : vector<16xf32>
      %swap3A_192 = arith.index_cast %scan3A_136 : i32 to index
      %swap3A_193 = arith.constant 80 : index
      %swap3A_194 = tpu.vector_load %arg8[%swap3A_192, %swap3A_193] {strides = array<i32>} : memref<80x128xf32, #tpu.memory_space<vmem>>, vector<16xf32>,
      tpu.vector_store %arg8[%swap3A_192, %swap3A_193], %mul3A_191 {strides = array<i32>} : memref<80x128xf32, #tpu.memory_space<vmem>>, vector<16xf32>,
      %get3A_195 = arith.index_cast %scan3A_136 : i32 to index
      %get3A_196 = arith.constant 96 : index
      %get3A_197 = tpu.vector_load %arg8[%get3A_195, %get3A_196] {strides = array<i32>} : memref<80x128xf32, #tpu.memory_space<vmem>>, vector<16xf32>,
      %get3A_198 = arith.index_cast %scan3A_136 : i32 to index
      %get3A_199 = arith.constant 96 : index
      %get3A_200 = tpu.vector_load %arg10[%get3A_198, %get3A_199] {strides = array<i32>} : memref<80x128xf32, #tpu.memory_space<vmem>>, vector<16xf32>,
      %mul3A_201 = arith.mulf %get3A_197, %get3A_200 : vector<16xf32>
      %swap3A_202 = arith.index_cast %scan3A_136 : i32 to index
      %swap3A_203 = arith.constant 96 : index
      %swap3A_204 = tpu.vector_load %arg8[%swap3A_202, %swap3A_203] {strides = array<i32>} : memref<80x128xf32, #tpu.memory_space<vmem>>, vector<16xf32>,
      tpu.vector_store %arg8[%swap3A_202, %swap3A_203], %mul3A_201 {strides = array<i32>} : memref<80x128xf32, #tpu.memory_space<vmem>>, vector<16xf32>,
      %get3A_205 = arith.index_cast %scan3A_136 : i32 to index
      %get3A_206 = arith.constant 112 : index
      %get3A_207 = tpu.vector_load %arg8[%get3A_205, %get3A_206] {strides = array<i32>} : memref<80x128xf32, #tpu.memory_space<vmem>>, vector<16xf32>,
      %get3A_208 = arith.index_cast %scan3A_136 : i32 to index
      %get3A_209 = arith.constant 112 : index
      %get3A_210 = tpu.vector_load %arg10[%get3A_208, %get3A_209] {strides = array<i32>} : memref<80x128xf32, #tpu.memory_space<vmem>>, vector<16xf32>,
      %mul3A_211 = arith.mulf %get3A_207, %get3A_210 : vector<16xf32>
      %swap3A_212 = arith.index_cast %scan3A_136 : i32 to index
      %swap3A_213 = arith.constant 112 : index
      %swap3A_214 = tpu.vector_load %arg8[%swap3A_212, %swap3A_213] {strides = array<i32>} : memref<80x128xf32, #tpu.memory_space<vmem>>, vector<16xf32>,
      tpu.vector_store %arg8[%swap3A_212, %swap3A_213], %mul3A_211 {strides = array<i32>} : memref<80x128xf32, #tpu.memory_space<vmem>>, vector<16xf32>,
    }
    %scan3A_82 = arith.constant 80 : i32
    "tpu.region"() ({
      %run_scoped3A = tpu.sem_alloc : memref<!tpu.dma_semaphore, #tpu.memory_space<semaphore_mem>>
      %dma_start3A_136 = arith.constant 0 : i32
      %dma_start3A_137 = arith.constant 0 : i32
      %dma_start3A_138 = tpu.memref_slice %arg7[%dma_start3A_136, %dma_start3A_137] : memref<10240x128xf32, #tpu.memory_space<vmem_shared>> -> memref<10240x128xf32, #tpu.memory_space<vmem_shared>>
      tpu.enqueue_indirect_dma source(%arg8 : memref<80x128xf32, #tpu.memory_space<vmem>>) target(%dma_start3A_138 : memref<10240x128xf32, #tpu.memory_space<vmem_shared>>) offsets(%arg14 : memref<80xi32, #tpu.memory_space<vmem>>) semaphore(%run_scoped3A : memref<!tpu.dma_semaphore, #tpu.memory_space<semaphore_mem>>) {add = true}
      %dma_wait3A_139 = arith.constant 0 : i32
      %dma_wait3A_140 = arith.constant 0 : i32
      %dma_wait3A_141 = tpu.memref_slice %arg7[%dma_wait3A_139, %dma_wait3A_140] : memref<10240x128xf32, #tpu.memory_space<vmem_shared>> -> memref<10240x128xf32, #tpu.memory_space<vmem_shared>>
      tpu.wait_indirect_dma semaphore(%run_scoped3A : memref<!tpu.dma_semaphore, #tpu.memory_space<semaphore_mem>>) src(%arg8 : memref<80x128xf32, #tpu.memory_space<vmem>>) dst(%dma_wait3A_141 : memref<10240x128xf32, #tpu.memory_space<vmem_shared>>)
      tpu.yield
    }) : () -> ()
    %add3A_83 = arith.constant 160 : i32
    %add3A_84 = arith.addi %mul3A_2, %add3A_83 : i32
    %dma_start3A_85 = tpu.memref_slice %arg4[%add3A_84] : memref<320000xi32, #tpu.memory_space<hbm>> -> memref<80xi32, #tpu.memory_space<hbm>>
    %dma_start3A_86 = tpu.memref_slice %arg4[%add3A_84] : memref<320000xi32, #tpu.memory_space<hbm>> -> memref<80xi32, #tpu.memory_space<hbm>>
    tpu.enqueue_dma source(%dma_start3A_86 : memref<80xi32, #tpu.memory_space<hbm>>) target(%arg12 : memref<80xi32, #tpu.memory_space<vmem>>) target_semaphore(%arg20 : memref<!tpu.dma_semaphore, #tpu.memory_space<semaphore_mem>>)
    %dma_start3A_87 = tpu.memref_slice %arg5[%add3A_84] : memref<320000xi32, #tpu.memory_space<hbm>> -> memref<80xi32, #tpu.memory_space<hbm>>
    %dma_start3A_88 = tpu.memref_slice %arg5[%add3A_84] : memref<320000xi32, #tpu.memory_space<hbm>> -> memref<80xi32, #tpu.memory_space<hbm>>
    tpu.enqueue_dma source(%dma_start3A_88 : memref<80xi32, #tpu.memory_space<hbm>>) target(%arg14 : memref<80xi32, #tpu.memory_space<vmem>>) target_semaphore(%arg20 : memref<!tpu.dma_semaphore, #tpu.memory_space<semaphore_mem>>)
    %scan3A_89 = arith.constant 0 : i32
    %scan3A_90 = arith.constant 0 : i32
    %scan3A_91 = arith.constant 62 : i32
    %scan3A_92 = arith.addi %scan3A_90, %scan3A_91 : i32
    %scan3A_93 = arith.constant 1 : i32
    scf.for %scan3A_136 = %scan3A_90 to %scan3A_92 step %scan3A_93  : i32 {
      %mul3A_137 = arith.constant 2 : i32
      %mul3A_138 = arith.muli %mul3A_137, %scan3A_136 : i32
      %add3A_139 = arith.constant 1 : i32
      %add3A_140 = arith.addi %mul3A_138, %add3A_139 : i32
      %add3A_141 = arith.constant 1 : i32
      %add3A_142 = arith.addi %add3A_140, %add3A_141 : i32
      %lt3A = arith.constant 125 : i32
      %lt3A_143 = arith.cmpi slt, %add3A_142, %lt3A : i32
      %convert_element_type3A = arith.extui %lt3A_143 : i1 to i32
      %cond3A = arith.constant 0 : i32
      %cond3A_144 = arith.cmpi ne, %convert_element_type3A, %cond3A : i32
      scf.if %cond3A_144 {
        %add3A_202 = arith.constant 1 : i32
        %add3A_203 = arith.addi %add3A_140, %add3A_202 : i32
        %mul3A_204 = arith.constant 80 : i32
        %mul3A_205 = arith.muli %add3A_203, %mul3A_204 : i32
        %add3A_206 = arith.addi %mul3A_2, %mul3A_205 : i32
        %dma_wait3A_207 = tpu.memref_slice %arg4[%add3A_206] : memref<320000xi32, #tpu.memory_space<hbm>> -> memref<80xi32, #tpu.memory_space<hbm>>
        %dma_wait3A_208 = tpu.memref_slice %arg4[%add3A_206] : memref<320000xi32, #tpu.memory_space<hbm>> -> memref<80xi32, #tpu.memory_space<hbm>>
        tpu.wait_dma2 semaphore(%arg20 : memref<!tpu.dma_semaphore, #tpu.memory_space<semaphore_mem>>) src(%dma_wait3A_208 : memref<80xi32, #tpu.memory_space<hbm>>) dst(%arg12 : memref<80xi32, #tpu.memory_space<vmem>>)
        %dma_wait3A_209 = tpu.memref_slice %arg5[%add3A_206] : memref<320000xi32, #tpu.memory_space<hbm>> -> memref<80xi32, #tpu.memory_space<hbm>>
        %dma_wait3A_210 = tpu.memref_slice %arg5[%add3A_206] : memref<320000xi32, #tpu.memory_space<hbm>> -> memref<80xi32, #tpu.memory_space<hbm>>
        tpu.wait_dma2 semaphore(%arg20 : memref<!tpu.dma_semaphore, #tpu.memory_space<semaphore_mem>>) src(%dma_wait3A_210 : memref<80xi32, #tpu.memory_space<hbm>>) dst(%arg14 : memref<80xi32, #tpu.memory_space<vmem>>)
        %add3A_211 = arith.constant 1 : i32
        %add3A_212 = arith.addi %add3A_140, %add3A_211 : i32
        %mul3A_213 = arith.constant 80 : i32
        %mul3A_214 = arith.muli %add3A_212, %mul3A_213 : i32
        %add3A_215 = arith.addi %mul3A_2, %mul3A_214 : i32
        %dma_start3A_216 = arith.constant 0 : i32
        %dma_start3A_217 = arith.constant 0 : i32
        %dma_start3A_218 = tpu.memref_slice %arg2[%dma_start3A_216, %dma_start3A_217] : memref<10240x128xf32, #tpu.memory_space<hbm>> -> memref<10240x128xf32, #tpu.memory_space<hbm>>
        tpu.enqueue_indirect_dma source(%dma_start3A_218 : memref<10240x128xf32, #tpu.memory_space<hbm>>) target(%arg8 : memref<80x128xf32, #tpu.memory_space<vmem>>) offsets(%arg12 : memref<80xi32, #tpu.memory_space<vmem>>) semaphore(%arg16 : memref<!tpu.dma_semaphore, #tpu.memory_space<semaphore_mem>>)
        %dma_start3A_219 = arith.constant 0 : i32
        %dma_start3A_220 = tpu.memref_slice %arg3[%add3A_215, %dma_start3A_219] : memref<320000x128xf32, #tpu.memory_space<hbm>> -> memref<80x128xf32, #tpu.memory_space<hbm>>
        %dma_start3A_221 = arith.constant 0 : i32
        %dma_start3A_222 = tpu.memref_slice %arg3[%add3A_215, %dma_start3A_221] : memref<320000x128xf32, #tpu.memory_space<hbm>> -> memref<80x128xf32, #tpu.memory_space<hbm>>
        tpu.enqueue_dma source(%dma_start3A_222 : memref<80x128xf32, #tpu.memory_space<hbm>>) target(%arg10 : memref<80x128xf32, #tpu.memory_space<vmem>>) target_semaphore(%arg18 : memref<!tpu.dma_semaphore, #tpu.memory_space<semaphore_mem>>)
      } else {
      }
      %mul3A_145 = arith.constant 80 : i32
      %mul3A_146 = arith.muli %add3A_140, %mul3A_145 : i32
      %add3A_147 = arith.addi %mul3A_2, %mul3A_146 : i32
      %dma_wait3A_148 = arith.constant 0 : i32
      %dma_wait3A_149 = arith.constant 0 : i32
      %dma_wait3A_150 = tpu.memref_slice %arg2[%dma_wait3A_148, %dma_wait3A_149] : memref<10240x128xf32, #tpu.memory_space<hbm>> -> memref<10240x128xf32, #tpu.memory_space<hbm>>
      tpu.wait_indirect_dma semaphore(%arg17 : memref<!tpu.dma_semaphore, #tpu.memory_space<semaphore_mem>>) src(%dma_wait3A_150 : memref<10240x128xf32, #tpu.memory_space<hbm>>) dst(%arg9 : memref<80x128xf32, #tpu.memory_space<vmem>>)
      %dma_wait3A_151 = arith.constant 0 : i32
      %dma_wait3A_152 = tpu.memref_slice %arg3[%add3A_147, %dma_wait3A_151] : memref<320000x128xf32, #tpu.memory_space<hbm>> -> memref<80x128xf32, #tpu.memory_space<hbm>>
      %dma_wait3A_153 = arith.constant 0 : i32
      %dma_wait3A_154 = tpu.memref_slice %arg3[%add3A_147, %dma_wait3A_153] : memref<320000x128xf32, #tpu.memory_space<hbm>> -> memref<80x128xf32, #tpu.memory_space<hbm>>
      tpu.wait_dma2 semaphore(%arg19 : memref<!tpu.dma_semaphore, #tpu.memory_space<semaphore_mem>>) src(%dma_wait3A_154 : memref<80x128xf32, #tpu.memory_space<hbm>>) dst(%arg11 : memref<80x128xf32, #tpu.memory_space<vmem>>)
      %scan3A_155 = arith.constant 0 : i32
      %scan3A_156 = arith.constant 0 : i32
      %scan3A_157 = arith.constant 80 : i32
      %scan3A_158 = arith.addi %scan3A_156, %scan3A_157 : i32
      %scan3A_159 = arith.constant 1 : i32
      scf.for %scan3A_202 = %scan3A_156 to %scan3A_158 step %scan3A_159  : i32 {
        %get3A = arith.index_cast %scan3A_202 : i32 to index
        %get3A_203 = arith.constant 0 : index
        %get3A_204 = tpu.vector_load %arg9[%get3A, %get3A_203] {strides = array<i32>} : memref<80x128xf32, #tpu.memory_space<vmem>>, vector<16xf32>,
        %get3A_205 = arith.index_cast %scan3A_202 : i32 to index
        %get3A_206 = arith.constant 0 : index
        %get3A_207 = tpu.vector_load %arg11[%get3A_205, %get3A_206] {strides = array<i32>} : memref<80x128xf32, #tpu.memory_space<vmem>>, vector<16xf32>,
        %mul3A_208 = arith.mulf %get3A_204, %get3A_207 : vector<16xf32>
        %swap3A = arith.index_cast %scan3A_202 : i32 to index
        %swap3A_209 = arith.constant 0 : index
        %swap3A_210 = tpu.vector_load %arg9[%swap3A, %swap3A_209] {strides = array<i32>} : memref<80x128xf32, #tpu.memory_space<vmem>>, vector<16xf32>,
        tpu.vector_store %arg9[%swap3A, %swap3A_209], %mul3A_208 {strides = array<i32>} : memref<80x128xf32, #tpu.memory_space<vmem>>, vector<16xf32>,
        %get3A_211 = arith.index_cast %scan3A_202 : i32 to index
        %get3A_212 = arith.constant 16 : index
        %get3A_213 = tpu.vector_load %arg9[%get3A_211, %get3A_212] {strides = array<i32>} : memref<80x128xf32, #tpu.memory_space<vmem>>, vector<16xf32>,
        %get3A_214 = arith.index_cast %scan3A_202 : i32 to index
        %get3A_215 = arith.constant 16 : index
        %get3A_216 = tpu.vector_load %arg11[%get3A_214, %get3A_215] {strides = array<i32>} : memref<80x128xf32, #tpu.memory_space<vmem>>, vector<16xf32>,
        %mul3A_217 = arith.mulf %get3A_213, %get3A_216 : vector<16xf32>
        %swap3A_218 = arith.index_cast %scan3A_202 : i32 to index
        %swap3A_219 = arith.constant 16 : index
        %swap3A_220 = tpu.vector_load %arg9[%swap3A_218, %swap3A_219] {strides = array<i32>} : memref<80x128xf32, #tpu.memory_space<vmem>>, vector<16xf32>,
        tpu.vector_store %arg9[%swap3A_218, %swap3A_219], %mul3A_217 {strides = array<i32>} : memref<80x128xf32, #tpu.memory_space<vmem>>, vector<16xf32>,
        %get3A_221 = arith.index_cast %scan3A_202 : i32 to index
        %get3A_222 = arith.constant 32 : index
        %get3A_223 = tpu.vector_load %arg9[%get3A_221, %get3A_222] {strides = array<i32>} : memref<80x128xf32, #tpu.memory_space<vmem>>, vector<16xf32>,
        %get3A_224 = arith.index_cast %scan3A_202 : i32 to index
        %get3A_225 = arith.constant 32 : index
        %get3A_226 = tpu.vector_load %arg11[%get3A_224, %get3A_225] {strides = array<i32>} : memref<80x128xf32, #tpu.memory_space<vmem>>, vector<16xf32>,
        %mul3A_227 = arith.mulf %get3A_223, %get3A_226 : vector<16xf32>
        %swap3A_228 = arith.index_cast %scan3A_202 : i32 to index
        %swap3A_229 = arith.constant 32 : index
        %swap3A_230 = tpu.vector_load %arg9[%swap3A_228, %swap3A_229] {strides = array<i32>} : memref<80x128xf32, #tpu.memory_space<vmem>>, vector<16xf32>,
        tpu.vector_store %arg9[%swap3A_228, %swap3A_229], %mul3A_227 {strides = array<i32>} : memref<80x128xf32, #tpu.memory_space<vmem>>, vector<16xf32>,
        %get3A_231 = arith.index_cast %scan3A_202 : i32 to index
        %get3A_232 = arith.constant 48 : index
        %get3A_233 = tpu.vector_load %arg9[%get3A_231, %get3A_232] {strides = array<i32>} : memref<80x128xf32, #tpu.memory_space<vmem>>, vector<16xf32>,
        %get3A_234 = arith.index_cast %scan3A_202 : i32 to index
        %get3A_235 = arith.constant 48 : index
        %get3A_236 = tpu.vector_load %arg11[%get3A_234, %get3A_235] {strides = array<i32>} : memref<80x128xf32, #tpu.memory_space<vmem>>, vector<16xf32>,
        %mul3A_237 = arith.mulf %get3A_233, %get3A_236 : vector<16xf32>
        %swap3A_238 = arith.index_cast %scan3A_202 : i32 to index
        %swap3A_239 = arith.constant 48 : index
        %swap3A_240 = tpu.vector_load %arg9[%swap3A_238, %swap3A_239] {strides = array<i32>} : memref<80x128xf32, #tpu.memory_space<vmem>>, vector<16xf32>,
        tpu.vector_store %arg9[%swap3A_238, %swap3A_239], %mul3A_237 {strides = array<i32>} : memref<80x128xf32, #tpu.memory_space<vmem>>, vector<16xf32>,
        %get3A_241 = arith.index_cast %scan3A_202 : i32 to index
        %get3A_242 = arith.constant 64 : index
        %get3A_243 = tpu.vector_load %arg9[%get3A_241, %get3A_242] {strides = array<i32>} : memref<80x128xf32, #tpu.memory_space<vmem>>, vector<16xf32>,
        %get3A_244 = arith.index_cast %scan3A_202 : i32 to index
        %get3A_245 = arith.constant 64 : index
        %get3A_246 = tpu.vector_load %arg11[%get3A_244, %get3A_245] {strides = array<i32>} : memref<80x128xf32, #tpu.memory_space<vmem>>, vector<16xf32>,
        %mul3A_247 = arith.mulf %get3A_243, %get3A_246 : vector<16xf32>
        %swap3A_248 = arith.index_cast %scan3A_202 : i32 to index
        %swap3A_249 = arith.constant 64 : index
        %swap3A_250 = tpu.vector_load %arg9[%swap3A_248, %swap3A_249] {strides = array<i32>} : memref<80x128xf32, #tpu.memory_space<vmem>>, vector<16xf32>,
        tpu.vector_store %arg9[%swap3A_248, %swap3A_249], %mul3A_247 {strides = array<i32>} : memref<80x128xf32, #tpu.memory_space<vmem>>, vector<16xf32>,
        %get3A_251 = arith.index_cast %scan3A_202 : i32 to index
        %get3A_252 = arith.constant 80 : index
        %get3A_253 = tpu.vector_load %arg9[%get3A_251, %get3A_252] {strides = array<i32>} : memref<80x128xf32, #tpu.memory_space<vmem>>, vector<16xf32>,
        %get3A_254 = arith.index_cast %scan3A_202 : i32 to index
        %get3A_255 = arith.constant 80 : index
        %get3A_256 = tpu.vector_load %arg11[%get3A_254, %get3A_255] {strides = array<i32>} : memref<80x128xf32, #tpu.memory_space<vmem>>, vector<16xf32>,
        %mul3A_257 = arith.mulf %get3A_253, %get3A_256 : vector<16xf32>
        %swap3A_258 = arith.index_cast %scan3A_202 : i32 to index
        %swap3A_259 = arith.constant 80 : index
        %swap3A_260 = tpu.vector_load %arg9[%swap3A_258, %swap3A_259] {strides = array<i32>} : memref<80x128xf32, #tpu.memory_space<vmem>>, vector<16xf32>,
        tpu.vector_store %arg9[%swap3A_258, %swap3A_259], %mul3A_257 {strides = array<i32>} : memref<80x128xf32, #tpu.memory_space<vmem>>, vector<16xf32>,
        %get3A_261 = arith.index_cast %scan3A_202 : i32 to index
        %get3A_262 = arith.constant 96 : index
        %get3A_263 = tpu.vector_load %arg9[%get3A_261, %get3A_262] {strides = array<i32>} : memref<80x128xf32, #tpu.memory_space<vmem>>, vector<16xf32>,
        %get3A_264 = arith.index_cast %scan3A_202 : i32 to index
        %get3A_265 = arith.constant 96 : index
        %get3A_266 = tpu.vector_load %arg11[%get3A_264, %get3A_265] {strides = array<i32>} : memref<80x128xf32, #tpu.memory_space<vmem>>, vector<16xf32>,
        %mul3A_267 = arith.mulf %get3A_263, %get3A_266 : vector<16xf32>
        %swap3A_268 = arith.index_cast %scan3A_202 : i32 to index
        %swap3A_269 = arith.constant 96 : index
        %swap3A_270 = tpu.vector_load %arg9[%swap3A_268, %swap3A_269] {strides = array<i32>} : memref<80x128xf32, #tpu.memory_space<vmem>>, vector<16xf32>,
        tpu.vector_store %arg9[%swap3A_268, %swap3A_269], %mul3A_267 {strides = array<i32>} : memref<80x128xf32, #tpu.memory_space<vmem>>, vector<16xf32>,
        %get3A_271 = arith.index_cast %scan3A_202 : i32 to index
        %get3A_272 = arith.constant 112 : index
        %get3A_273 = tpu.vector_load %arg9[%get3A_271, %get3A_272] {strides = array<i32>} : memref<80x128xf32, #tpu.memory_space<vmem>>, vector<16xf32>,
        %get3A_274 = arith.index_cast %scan3A_202 : i32 to index
        %get3A_275 = arith.constant 112 : index
        %get3A_276 = tpu.vector_load %arg11[%get3A_274, %get3A_275] {strides = array<i32>} : memref<80x128xf32, #tpu.memory_space<vmem>>, vector<16xf32>,
        %mul3A_277 = arith.mulf %get3A_273, %get3A_276 : vector<16xf32>
        %swap3A_278 = arith.index_cast %scan3A_202 : i32 to index
        %swap3A_279 = arith.constant 112 : index
        %swap3A_280 = tpu.vector_load %arg9[%swap3A_278, %swap3A_279] {strides = array<i32>} : memref<80x128xf32, #tpu.memory_space<vmem>>, vector<16xf32>,
        tpu.vector_store %arg9[%swap3A_278, %swap3A_279], %mul3A_277 {strides = array<i32>} : memref<80x128xf32, #tpu.memory_space<vmem>>, vector<16xf32>,
      }
      %scan3A_160 = arith.constant 80 : i32
      "tpu.region"() ({
        %run_scoped3A = tpu.sem_alloc : memref<!tpu.dma_semaphore, #tpu.memory_space<semaphore_mem>>
        %dma_start3A_202 = arith.constant 0 : i32
        %dma_start3A_203 = arith.constant 0 : i32
        %dma_start3A_204 = tpu.memref_slice %arg7[%dma_start3A_202, %dma_start3A_203] : memref<10240x128xf32, #tpu.memory_space<vmem_shared>> -> memref<10240x128xf32, #tpu.memory_space<vmem_shared>>
        tpu.enqueue_indirect_dma source(%arg9 : memref<80x128xf32, #tpu.memory_space<vmem>>) target(%dma_start3A_204 : memref<10240x128xf32, #tpu.memory_space<vmem_shared>>) offsets(%arg15 : memref<80xi32, #tpu.memory_space<vmem>>) semaphore(%run_scoped3A : memref<!tpu.dma_semaphore, #tpu.memory_space<semaphore_mem>>) {add = true}
        %dma_wait3A_205 = arith.constant 0 : i32
        %dma_wait3A_206 = arith.constant 0 : i32
        %dma_wait3A_207 = tpu.memref_slice %arg7[%dma_wait3A_205, %dma_wait3A_206] : memref<10240x128xf32, #tpu.memory_space<vmem_shared>> -> memref<10240x128xf32, #tpu.memory_space<vmem_shared>>
        tpu.wait_indirect_dma semaphore(%run_scoped3A : memref<!tpu.dma_semaphore, #tpu.memory_space<semaphore_mem>>) src(%arg9 : memref<80x128xf32, #tpu.memory_space<vmem>>) dst(%dma_wait3A_207 : memref<10240x128xf32, #tpu.memory_space<vmem_shared>>)
        tpu.yield
      }) : () -> ()
      %add3A_161 = arith.constant 2 : i32
      %add3A_162 = arith.addi %add3A_140, %add3A_161 : i32
      %lt3A_163 = arith.constant 125 : i32
      %lt3A_164 = arith.cmpi slt, %add3A_162, %lt3A_163 : i32
      %convert_element_type3A_165 = arith.extui %lt3A_164 : i1 to i32
      %cond3A_166 = arith.constant 0 : i32
      %cond3A_167 = arith.cmpi ne, %convert_element_type3A_165, %cond3A_166 : i32
      scf.if %cond3A_167 {
        %add3A_202 = arith.constant 2 : i32
        %add3A_203 = arith.addi %add3A_140, %add3A_202 : i32
        %mul3A_204 = arith.constant 80 : i32
        %mul3A_205 = arith.muli %add3A_203, %mul3A_204 : i32
        %add3A_206 = arith.addi %mul3A_2, %mul3A_205 : i32
        %dma_start3A_207 = tpu.memref_slice %arg4[%add3A_206] : memref<320000xi32, #tpu.memory_space<hbm>> -> memref<80xi32, #tpu.memory_space<hbm>>
        %dma_start3A_208 = tpu.memref_slice %arg4[%add3A_206] : memref<320000xi32, #tpu.memory_space<hbm>> -> memref<80xi32, #tpu.memory_space<hbm>>
        tpu.enqueue_dma source(%dma_start3A_208 : memref<80xi32, #tpu.memory_space<hbm>>) target(%arg13 : memref<80xi32, #tpu.memory_space<vmem>>) target_semaphore(%arg21 : memref<!tpu.dma_semaphore, #tpu.memory_space<semaphore_mem>>)
        %dma_start3A_209 = tpu.memref_slice %arg5[%add3A_206] : memref<320000xi32, #tpu.memory_space<hbm>> -> memref<80xi32, #tpu.memory_space<hbm>>
        %dma_start3A_210 = tpu.memref_slice %arg5[%add3A_206] : memref<320000xi32, #tpu.memory_space<hbm>> -> memref<80xi32, #tpu.memory_space<hbm>>
        tpu.enqueue_dma source(%dma_start3A_210 : memref<80xi32, #tpu.memory_space<hbm>>) target(%arg15 : memref<80xi32, #tpu.memory_space<vmem>>) target_semaphore(%arg21 : memref<!tpu.dma_semaphore, #tpu.memory_space<semaphore_mem>>)
      } else {
      }
      %mul3A_168 = arith.constant 2 : i32
      %mul3A_169 = arith.muli %mul3A_168, %scan3A_136 : i32
      %add3A_170 = arith.constant 2 : i32
      %add3A_171 = arith.addi %mul3A_169, %add3A_170 : i32
      %add3A_172 = arith.constant 1 : i32
      %add3A_173 = arith.addi %add3A_171, %add3A_172 : i32
      %lt3A_174 = arith.constant 125 : i32
      %lt3A_175 = arith.cmpi slt, %add3A_173, %lt3A_174 : i32
      %convert_element_type3A_176 = arith.extui %lt3A_175 : i1 to i32
      %cond3A_177 = arith.constant 0 : i32
      %cond3A_178 = arith.cmpi ne, %convert_element_type3A_176, %cond3A_177 : i32
      scf.if %cond3A_178 {
        %add3A_202 = arith.constant 1 : i32
        %add3A_203 = arith.addi %add3A_171, %add3A_202 : i32
        %mul3A_204 = arith.constant 80 : i32
        %mul3A_205 = arith.muli %add3A_203, %mul3A_204 : i32
        %add3A_206 = arith.addi %mul3A_2, %mul3A_205 : i32
        %dma_wait3A_207 = tpu.memref_slice %arg4[%add3A_206] : memref<320000xi32, #tpu.memory_space<hbm>> -> memref<80xi32, #tpu.memory_space<hbm>>
        %dma_wait3A_208 = tpu.memref_slice %arg4[%add3A_206] : memref<320000xi32, #tpu.memory_space<hbm>> -> memref<80xi32, #tpu.memory_space<hbm>>
        tpu.wait_dma2 semaphore(%arg21 : memref<!tpu.dma_semaphore, #tpu.memory_space<semaphore_mem>>) src(%dma_wait3A_208 : memref<80xi32, #tpu.memory_space<hbm>>) dst(%arg13 : memref<80xi32, #tpu.memory_space<vmem>>)
        %dma_wait3A_209 = tpu.memref_slice %arg5[%add3A_206] : memref<320000xi32, #tpu.memory_space<hbm>> -> memref<80xi32, #tpu.memory_space<hbm>>
        %dma_wait3A_210 = tpu.memref_slice %arg5[%add3A_206] : memref<320000xi32, #tpu.memory_space<hbm>> -> memref<80xi32, #tpu.memory_space<hbm>>
        tpu.wait_dma2 semaphore(%arg21 : memref<!tpu.dma_semaphore, #tpu.memory_space<semaphore_mem>>) src(%dma_wait3A_210 : memref<80xi32, #tpu.memory_space<hbm>>) dst(%arg15 : memref<80xi32, #tpu.memory_space<vmem>>)
        %add3A_211 = arith.constant 1 : i32
        %add3A_212 = arith.addi %add3A_171, %add3A_211 : i32
        %mul3A_213 = arith.constant 80 : i32
        %mul3A_214 = arith.muli %add3A_212, %mul3A_213 : i32
        %add3A_215 = arith.addi %mul3A_2, %mul3A_214 : i32
        %dma_start3A_216 = arith.constant 0 : i32
        %dma_start3A_217 = arith.constant 0 : i32
        %dma_start3A_218 = tpu.memref_slice %arg2[%dma_start3A_216, %dma_start3A_217] : memref<10240x128xf32, #tpu.memory_space<hbm>> -> memref<10240x128xf32, #tpu.memory_space<hbm>>
        tpu.enqueue_indirect_dma source(%dma_start3A_218 : memref<10240x128xf32, #tpu.memory_space<hbm>>) target(%arg9 : memref<80x128xf32, #tpu.memory_space<vmem>>) offsets(%arg13 : memref<80xi32, #tpu.memory_space<vmem>>) semaphore(%arg17 : memref<!tpu.dma_semaphore, #tpu.memory_space<semaphore_mem>>)
        %dma_start3A_219 = arith.constant 0 : i32
        %dma_start3A_220 = tpu.memref_slice %arg3[%add3A_215, %dma_start3A_219] : memref<320000x128xf32, #tpu.memory_space<hbm>> -> memref<80x128xf32, #tpu.memory_space<hbm>>
        %dma_start3A_221 = arith.constant 0 : i32
        %dma_start3A_222 = tpu.memref_slice %arg3[%add3A_215, %dma_start3A_221] : memref<320000x128xf32, #tpu.memory_space<hbm>> -> memref<80x128xf32, #tpu.memory_space<hbm>>
        tpu.enqueue_dma source(%dma_start3A_222 : memref<80x128xf32, #tpu.memory_space<hbm>>) target(%arg11 : memref<80x128xf32, #tpu.memory_space<vmem>>) target_semaphore(%arg19 : memref<!tpu.dma_semaphore, #tpu.memory_space<semaphore_mem>>)
      } else {
      }
      %mul3A_179 = arith.constant 80 : i32
      %mul3A_180 = arith.muli %add3A_171, %mul3A_179 : i32
      %add3A_181 = arith.addi %mul3A_2, %mul3A_180 : i32
      %dma_wait3A_182 = arith.constant 0 : i32
      %dma_wait3A_183 = arith.constant 0 : i32
      %dma_wait3A_184 = tpu.memref_slice %arg2[%dma_wait3A_182, %dma_wait3A_183] : memref<10240x128xf32, #tpu.memory_space<hbm>> -> memref<10240x128xf32, #tpu.memory_space<hbm>>
      tpu.wait_indirect_dma semaphore(%arg16 : memref<!tpu.dma_semaphore, #tpu.memory_space<semaphore_mem>>) src(%dma_wait3A_184 : memref<10240x128xf32, #tpu.memory_space<hbm>>) dst(%arg8 : memref<80x128xf32, #tpu.memory_space<vmem>>)
      %dma_wait3A_185 = arith.constant 0 : i32
      %dma_wait3A_186 = tpu.memref_slice %arg3[%add3A_181, %dma_wait3A_185] : memref<320000x128xf32, #tpu.memory_space<hbm>> -> memref<80x128xf32, #tpu.memory_space<hbm>>
      %dma_wait3A_187 = arith.constant 0 : i32
      %dma_wait3A_188 = tpu.memref_slice %arg3[%add3A_181, %dma_wait3A_187] : memref<320000x128xf32, #tpu.memory_space<hbm>> -> memref<80x128xf32, #tpu.memory_space<hbm>>
      tpu.wait_dma2 semaphore(%arg18 : memref<!tpu.dma_semaphore, #tpu.memory_space<semaphore_mem>>) src(%dma_wait3A_188 : memref<80x128xf32, #tpu.memory_space<hbm>>) dst(%arg10 : memref<80x128xf32, #tpu.memory_space<vmem>>)
      %scan3A_189 = arith.constant 0 : i32
      %scan3A_190 = arith.constant 0 : i32
      %scan3A_191 = arith.constant 80 : i32
      %scan3A_192 = arith.addi %scan3A_190, %scan3A_191 : i32
      %scan3A_193 = arith.constant 1 : i32
      scf.for %scan3A_202 = %scan3A_190 to %scan3A_192 step %scan3A_193  : i32 {
        %get3A = arith.index_cast %scan3A_202 : i32 to index
        %get3A_203 = arith.constant 0 : index
        %get3A_204 = tpu.vector_load %arg8[%get3A, %get3A_203] {strides = array<i32>} : memref<80x128xf32, #tpu.memory_space<vmem>>, vector<16xf32>,
        %get3A_205 = arith.index_cast %scan3A_202 : i32 to index
        %get3A_206 = arith.constant 0 : index
        %get3A_207 = tpu.vector_load %arg10[%get3A_205, %get3A_206] {strides = array<i32>} : memref<80x128xf32, #tpu.memory_space<vmem>>, vector<16xf32>,
        %mul3A_208 = arith.mulf %get3A_204, %get3A_207 : vector<16xf32>
        %swap3A = arith.index_cast %scan3A_202 : i32 to index
        %swap3A_209 = arith.constant 0 : index
        %swap3A_210 = tpu.vector_load %arg8[%swap3A, %swap3A_209] {strides = array<i32>} : memref<80x128xf32, #tpu.memory_space<vmem>>, vector<16xf32>,
        tpu.vector_store %arg8[%swap3A, %swap3A_209], %mul3A_208 {strides = array<i32>} : memref<80x128xf32, #tpu.memory_space<vmem>>, vector<16xf32>,
        %get3A_211 = arith.index_cast %scan3A_202 : i32 to index
        %get3A_212 = arith.constant 16 : index
        %get3A_213 = tpu.vector_load %arg8[%get3A_211, %get3A_212] {strides = array<i32>} : memref<80x128xf32, #tpu.memory_space<vmem>>, vector<16xf32>,
        %get3A_214 = arith.index_cast %scan3A_202 : i32 to index
        %get3A_215 = arith.constant 16 : index
        %get3A_216 = tpu.vector_load %arg10[%get3A_214, %get3A_215] {strides = array<i32>} : memref<80x128xf32, #tpu.memory_space<vmem>>, vector<16xf32>,
        %mul3A_217 = arith.mulf %get3A_213, %get3A_216 : vector<16xf32>
        %swap3A_218 = arith.index_cast %scan3A_202 : i32 to index
        %swap3A_219 = arith.constant 16 : index
        %swap3A_220 = tpu.vector_load %arg8[%swap3A_218, %swap3A_219] {strides = array<i32>} : memref<80x128xf32, #tpu.memory_space<vmem>>, vector<16xf32>,
        tpu.vector_store %arg8[%swap3A_218, %swap3A_219], %mul3A_217 {strides = array<i32>} : memref<80x128xf32, #tpu.memory_space<vmem>>, vector<16xf32>,
        %get3A_221 = arith.index_cast %scan3A_202 : i32 to index
        %get3A_222 = arith.constant 32 : index
        %get3A_223 = tpu.vector_load %arg8[%get3A_221, %get3A_222] {strides = array<i32>} : memref<80x128xf32, #tpu.memory_space<vmem>>, vector<16xf32>,
        %get3A_224 = arith.index_cast %scan3A_202 : i32 to index
        %get3A_225 = arith.constant 32 : index
        %get3A_226 = tpu.vector_load %arg10[%get3A_224, %get3A_225] {strides = array<i32>} : memref<80x128xf32, #tpu.memory_space<vmem>>, vector<16xf32>,
        %mul3A_227 = arith.mulf %get3A_223, %get3A_226 : vector<16xf32>
        %swap3A_228 = arith.index_cast %scan3A_202 : i32 to index
        %swap3A_229 = arith.constant 32 : index
        %swap3A_230 = tpu.vector_load %arg8[%swap3A_228, %swap3A_229] {strides = array<i32>} : memref<80x128xf32, #tpu.memory_space<vmem>>, vector<16xf32>,
        tpu.vector_store %arg8[%swap3A_228, %swap3A_229], %mul3A_227 {strides = array<i32>} : memref<80x128xf32, #tpu.memory_space<vmem>>, vector<16xf32>,
        %get3A_231 = arith.index_cast %scan3A_202 : i32 to index
        %get3A_232 = arith.constant 48 : index
        %get3A_233 = tpu.vector_load %arg8[%get3A_231, %get3A_232] {strides = array<i32>} : memref<80x128xf32, #tpu.memory_space<vmem>>, vector<16xf32>,
        %get3A_234 = arith.index_cast %scan3A_202 : i32 to index
        %get3A_235 = arith.constant 48 : index
        %get3A_236 = tpu.vector_load %arg10[%get3A_234, %get3A_235] {strides = array<i32>} : memref<80x128xf32, #tpu.memory_space<vmem>>, vector<16xf32>,
        %mul3A_237 = arith.mulf %get3A_233, %get3A_236 : vector<16xf32>
        %swap3A_238 = arith.index_cast %scan3A_202 : i32 to index
        %swap3A_239 = arith.constant 48 : index
        %swap3A_240 = tpu.vector_load %arg8[%swap3A_238, %swap3A_239] {strides = array<i32>} : memref<80x128xf32, #tpu.memory_space<vmem>>, vector<16xf32>,
        tpu.vector_store %arg8[%swap3A_238, %swap3A_239], %mul3A_237 {strides = array<i32>} : memref<80x128xf32, #tpu.memory_space<vmem>>, vector<16xf32>,
        %get3A_241 = arith.index_cast %scan3A_202 : i32 to index
        %get3A_242 = arith.constant 64 : index
        %get3A_243 = tpu.vector_load %arg8[%get3A_241, %get3A_242] {strides = array<i32>} : memref<80x128xf32, #tpu.memory_space<vmem>>, vector<16xf32>,
        %get3A_244 = arith.index_cast %scan3A_202 : i32 to index
        %get3A_245 = arith.constant 64 : index
        %get3A_246 = tpu.vector_load %arg10[%get3A_244, %get3A_245] {strides = array<i32>} : memref<80x128xf32, #tpu.memory_space<vmem>>, vector<16xf32>,
        %mul3A_247 = arith.mulf %get3A_243, %get3A_246 : vector<16xf32>
        %swap3A_248 = arith.index_cast %scan3A_202 : i32 to index
        %swap3A_249 = arith.constant 64 : index
        %swap3A_250 = tpu.vector_load %arg8[%swap3A_248, %swap3A_249] {strides = array<i32>} : memref<80x128xf32, #tpu.memory_space<vmem>>, vector<16xf32>,
        tpu.vector_store %arg8[%swap3A_248, %swap3A_249], %mul3A_247 {strides = array<i32>} : memref<80x128xf32, #tpu.memory_space<vmem>>, vector<16xf32>,
        %get3A_251 = arith.index_cast %scan3A_202 : i32 to index
        %get3A_252 = arith.constant 80 : index
        %get3A_253 = tpu.vector_load %arg8[%get3A_251, %get3A_252] {strides = array<i32>} : memref<80x128xf32, #tpu.memory_space<vmem>>, vector<16xf32>,
        %get3A_254 = arith.index_cast %scan3A_202 : i32 to index
        %get3A_255 = arith.constant 80 : index
        %get3A_256 = tpu.vector_load %arg10[%get3A_254, %get3A_255] {strides = array<i32>} : memref<80x128xf32, #tpu.memory_space<vmem>>, vector<16xf32>,
        %mul3A_257 = arith.mulf %get3A_253, %get3A_256 : vector<16xf32>
        %swap3A_258 = arith.index_cast %scan3A_202 : i32 to index
        %swap3A_259 = arith.constant 80 : index
        %swap3A_260 = tpu.vector_load %arg8[%swap3A_258, %swap3A_259] {strides = array<i32>} : memref<80x128xf32, #tpu.memory_space<vmem>>, vector<16xf32>,
        tpu.vector_store %arg8[%swap3A_258, %swap3A_259], %mul3A_257 {strides = array<i32>} : memref<80x128xf32, #tpu.memory_space<vmem>>, vector<16xf32>,
        %get3A_261 = arith.index_cast %scan3A_202 : i32 to index
        %get3A_262 = arith.constant 96 : index
        %get3A_263 = tpu.vector_load %arg8[%get3A_261, %get3A_262] {strides = array<i32>} : memref<80x128xf32, #tpu.memory_space<vmem>>, vector<16xf32>,
        %get3A_264 = arith.index_cast %scan3A_202 : i32 to index
        %get3A_265 = arith.constant 96 : index
        %get3A_266 = tpu.vector_load %arg10[%get3A_264, %get3A_265] {strides = array<i32>} : memref<80x128xf32, #tpu.memory_space<vmem>>, vector<16xf32>,
        %mul3A_267 = arith.mulf %get3A_263, %get3A_266 : vector<16xf32>
        %swap3A_268 = arith.index_cast %scan3A_202 : i32 to index
        %swap3A_269 = arith.constant 96 : index
        %swap3A_270 = tpu.vector_load %arg8[%swap3A_268, %swap3A_269] {strides = array<i32>} : memref<80x128xf32, #tpu.memory_space<vmem>>, vector<16xf32>,
        tpu.vector_store %arg8[%swap3A_268, %swap3A_269], %mul3A_267 {strides = array<i32>} : memref<80x128xf32, #tpu.memory_space<vmem>>, vector<16xf32>,
        %get3A_271 = arith.index_cast %scan3A_202 : i32 to index
        %get3A_272 = arith.constant 112 : index
        %get3A_273 = tpu.vector_load %arg8[%get3A_271, %get3A_272] {strides = array<i32>} : memref<80x128xf32, #tpu.memory_space<vmem>>, vector<16xf32>,
        %get3A_274 = arith.index_cast %scan3A_202 : i32 to index
        %get3A_275 = arith.constant 112 : index
        %get3A_276 = tpu.vector_load %arg10[%get3A_274, %get3A_275] {strides = array<i32>} : memref<80x128xf32, #tpu.memory_space<vmem>>, vector<16xf32>,
        %mul3A_277 = arith.mulf %get3A_273, %get3A_276 : vector<16xf32>
        %swap3A_278 = arith.index_cast %scan3A_202 : i32 to index
        %swap3A_279 = arith.constant 112 : index
        %swap3A_280 = tpu.vector_load %arg8[%swap3A_278, %swap3A_279] {strides = array<i32>} : memref<80x128xf32, #tpu.memory_space<vmem>>, vector<16xf32>,
        tpu.vector_store %arg8[%swap3A_278, %swap3A_279], %mul3A_277 {strides = array<i32>} : memref<80x128xf32, #tpu.memory_space<vmem>>, vector<16xf32>,
      }
      %scan3A_194 = arith.constant 80 : i32
      "tpu.region"() ({
        %run_scoped3A = tpu.sem_alloc : memref<!tpu.dma_semaphore, #tpu.memory_space<semaphore_mem>>
        %dma_start3A_202 = arith.constant 0 : i32
        %dma_start3A_203 = arith.constant 0 : i32
        %dma_start3A_204 = tpu.memref_slice %arg7[%dma_start3A_202, %dma_start3A_203] : memref<10240x128xf32, #tpu.memory_space<vmem_shared>> -> memref<10240x128xf32, #tpu.memory_space<vmem_shared>>
        tpu.enqueue_indirect_dma source(%arg8 : memref<80x128xf32, #tpu.memory_space<vmem>>) target(%dma_start3A_204 : memref<10240x128xf32, #tpu.memory_space<vmem_shared>>) offsets(%arg14 : memref<80xi32, #tpu.memory_space<vmem>>) semaphore(%run_scoped3A : memref<!tpu.dma_semaphore, #tpu.memory_space<semaphore_mem>>) {add = true}
        %dma_wait3A_205 = arith.constant 0 : i32
        %dma_wait3A_206 = arith.constant 0 : i32
        %dma_wait3A_207 = tpu.memref_slice %arg7[%dma_wait3A_205, %dma_wait3A_206] : memref<10240x128xf32, #tpu.memory_space<vmem_shared>> -> memref<10240x128xf32, #tpu.memory_space<vmem_shared>>
        tpu.wait_indirect_dma semaphore(%run_scoped3A : memref<!tpu.dma_semaphore, #tpu.memory_space<semaphore_mem>>) src(%arg8 : memref<80x128xf32, #tpu.memory_space<vmem>>) dst(%dma_wait3A_207 : memref<10240x128xf32, #tpu.memory_space<vmem_shared>>)
        tpu.yield
      }) : () -> ()
      %add3A_195 = arith.constant 2 : i32
      %add3A_196 = arith.addi %add3A_171, %add3A_195 : i32
      %lt3A_197 = arith.constant 125 : i32
      %lt3A_198 = arith.cmpi slt, %add3A_196, %lt3A_197 : i32
      %convert_element_type3A_199 = arith.extui %lt3A_198 : i1 to i32
      %cond3A_200 = arith.constant 0 : i32
      %cond3A_201 = arith.cmpi ne, %convert_element_type3A_199, %cond3A_200 : i32
      scf.if %cond3A_201 {
        %add3A_202 = arith.constant 2 : i32
        %add3A_203 = arith.addi %add3A_171, %add3A_202 : i32
        %mul3A_204 = arith.constant 80 : i32
        %mul3A_205 = arith.muli %add3A_203, %mul3A_204 : i32
        %add3A_206 = arith.addi %mul3A_2, %mul3A_205 : i32
        %dma_start3A_207 = tpu.memref_slice %arg4[%add3A_206] : memref<320000xi32, #tpu.memory_space<hbm>> -> memref<80xi32, #tpu.memory_space<hbm>>
        %dma_start3A_208 = tpu.memref_slice %arg4[%add3A_206] : memref<320000xi32, #tpu.memory_space<hbm>> -> memref<80xi32, #tpu.memory_space<hbm>>
        tpu.enqueue_dma source(%dma_start3A_208 : memref<80xi32, #tpu.memory_space<hbm>>) target(%arg12 : memref<80xi32, #tpu.memory_space<vmem>>) target_semaphore(%arg20 : memref<!tpu.dma_semaphore, #tpu.memory_space<semaphore_mem>>)
        %dma_start3A_209 = tpu.memref_slice %arg5[%add3A_206] : memref<320000xi32, #tpu.memory_space<hbm>> -> memref<80xi32, #tpu.memory_space<hbm>>
        %dma_start3A_210 = tpu.memref_slice %arg5[%add3A_206] : memref<320000xi32, #tpu.memory_space<hbm>> -> memref<80xi32, #tpu.memory_space<hbm>>
        tpu.enqueue_dma source(%dma_start3A_210 : memref<80xi32, #tpu.memory_space<hbm>>) target(%arg14 : memref<80xi32, #tpu.memory_space<vmem>>) target_semaphore(%arg20 : memref<!tpu.dma_semaphore, #tpu.memory_space<semaphore_mem>>)
      } else {
      }
    }
    %scan3A_94 = arith.constant 62 : i32
    %barrier3A_95 = arith.constant 0 : index
    tpu.barrier barrier_id(%barrier3A_95)
    %mul3A_96 = arith.constant 640 : i32
    %mul3A_97 = arith.muli %arg1, %mul3A_96 : i32
    %add3A_98 = arith.constant 0 : i32
    %add3A_99 = arith.addi %mul3A_97, %add3A_98 : i32
    %mul3A_100 = arith.constant 640 : i32
    %mul3A_101 = arith.muli %arg1, %mul3A_100 : i32
    %add3A_102 = arith.constant 0 : i32
    %add3A_103 = arith.addi %mul3A_101, %add3A_102 : i32
    "tpu.region"() ({
      %run_scoped3A = tpu.sem_alloc : memref<!tpu.dma_semaphore, #tpu.memory_space<semaphore_mem>>
      %dma_start3A_136 = arith.constant 0 : i32
      %dma_start3A_137 = tpu.memref_slice %arg6[%arg0, %add3A_103, %dma_start3A_136] : memref<2x10240x128xf32, #tpu.memory_space<hbm>> -> memref<1x128x128xf32, #tpu.memory_space<hbm>>
      %dma_start3A_138 = tpu.memref_squeeze %dma_start3A_137 : memref<1x128x128xf32, #tpu.memory_space<hbm>> -> memref<128x128xf32, #tpu.memory_space<hbm>>
      %dma_start3A_139 = arith.constant 0 : i32
      %dma_start3A_140 = tpu.memref_slice %arg7[%add3A_99, %dma_start3A_139] : memref<10240x128xf32, #tpu.memory_space<vmem_shared>> -> memref<128x128xf32, #tpu.memory_space<vmem_shared>>
      tpu.enqueue_dma source(%dma_start3A_140 : memref<128x128xf32, #tpu.memory_space<vmem_shared>>) target(%dma_start3A_138 : memref<128x128xf32, #tpu.memory_space<hbm>>) target_semaphore(%run_scoped3A : memref<!tpu.dma_semaphore, #tpu.memory_space<semaphore_mem>>)
      %dma_wait3A_141 = arith.constant 0 : i32
      %dma_wait3A_142 = tpu.memref_slice %arg6[%arg0, %add3A_103, %dma_wait3A_141] : memref<2x10240x128xf32, #tpu.memory_space<hbm>> -> memref<1x128x128xf32, #tpu.memory_space<hbm>>
      %dma_wait3A_143 = tpu.memref_squeeze %dma_wait3A_142 : memref<1x128x128xf32, #tpu.memory_space<hbm>> -> memref<128x128xf32, #tpu.memory_space<hbm>>
      %dma_wait3A_144 = arith.constant 0 : i32
      %dma_wait3A_145 = tpu.memref_slice %arg7[%add3A_99, %dma_wait3A_144] : memref<10240x128xf32, #tpu.memory_space<vmem_shared>> -> memref<128x128xf32, #tpu.memory_space<vmem_shared>>
      tpu.wait_dma2 semaphore(%run_scoped3A : memref<!tpu.dma_semaphore, #tpu.memory_space<semaphore_mem>>) src(%dma_wait3A_145 : memref<128x128xf32, #tpu.memory_space<vmem_shared>>) dst(%dma_wait3A_143 : memref<128x128xf32, #tpu.memory_space<hbm>>)
      tpu.yield
    }) : () -> ()
    %mul3A_104 = arith.constant 640 : i32
    %mul3A_105 = arith.muli %arg1, %mul3A_104 : i32
    %add3A_106 = arith.constant 128 : i32
    %add3A_107 = arith.addi %mul3A_105, %add3A_106 : i32
    %mul3A_108 = arith.constant 640 : i32
    %mul3A_109 = arith.muli %arg1, %mul3A_108 : i32
    %add3A_110 = arith.constant 128 : i32
    %add3A_111 = arith.addi %mul3A_109, %add3A_110 : i32
    "tpu.region"() ({
      %run_scoped3A = tpu.sem_alloc : memref<!tpu.dma_semaphore, #tpu.memory_space<semaphore_mem>>
      %dma_start3A_136 = arith.constant 0 : i32
      %dma_start3A_137 = tpu.memref_slice %arg6[%arg0, %add3A_111, %dma_start3A_136] : memref<2x10240x128xf32, #tpu.memory_space<hbm>> -> memref<1x128x128xf32, #tpu.memory_space<hbm>>
      %dma_start3A_138 = tpu.memref_squeeze %dma_start3A_137 : memref<1x128x128xf32, #tpu.memory_space<hbm>> -> memref<128x128xf32, #tpu.memory_space<hbm>>
      %dma_start3A_139 = arith.constant 0 : i32
      %dma_start3A_140 = tpu.memref_slice %arg7[%add3A_107, %dma_start3A_139] : memref<10240x128xf32, #tpu.memory_space<vmem_shared>> -> memref<128x128xf32, #tpu.memory_space<vmem_shared>>
      tpu.enqueue_dma source(%dma_start3A_140 : memref<128x128xf32, #tpu.memory_space<vmem_shared>>) target(%dma_start3A_138 : memref<128x128xf32, #tpu.memory_space<hbm>>) target_semaphore(%run_scoped3A : memref<!tpu.dma_semaphore, #tpu.memory_space<semaphore_mem>>)
      %dma_wait3A_141 = arith.constant 0 : i32
      %dma_wait3A_142 = tpu.memref_slice %arg6[%arg0, %add3A_111, %dma_wait3A_141] : memref<2x10240x128xf32, #tpu.memory_space<hbm>> -> memref<1x128x128xf32, #tpu.memory_space<hbm>>
      %dma_wait3A_143 = tpu.memref_squeeze %dma_wait3A_142 : memref<1x128x128xf32, #tpu.memory_space<hbm>> -> memref<128x128xf32, #tpu.memory_space<hbm>>
      %dma_wait3A_144 = arith.constant 0 : i32
      %dma_wait3A_145 = tpu.memref_slice %arg7[%add3A_107, %dma_wait3A_144] : memref<10240x128xf32, #tpu.memory_space<vmem_shared>> -> memref<128x128xf32, #tpu.memory_space<vmem_shared>>
      tpu.wait_dma2 semaphore(%run_scoped3A : memref<!tpu.dma_semaphore, #tpu.memory_space<semaphore_mem>>) src(%dma_wait3A_145 : memref<128x128xf32, #tpu.memory_space<vmem_shared>>) dst(%dma_wait3A_143 : memref<128x128xf32, #tpu.memory_space<hbm>>)
      tpu.yield
    }) : () -> ()
    %mul3A_112 = arith.constant 640 : i32
    %mul3A_113 = arith.muli %arg1, %mul3A_112 : i32
    %add3A_114 = arith.constant 256 : i32
    %add3A_115 = arith.addi %mul3A_113, %add3A_114 : i32
    %mul3A_116 = arith.constant 640 : i32
    %mul3A_117 = arith.muli %arg1, %mul3A_116 : i32
    %add3A_118 = arith.constant 256 : i32
    %add3A_119 = arith.addi %mul3A_117, %add3A_118 : i32
    "tpu.region"() ({
      %run_scoped3A = tpu.sem_alloc : memref<!tpu.dma_semaphore, #tpu.memory_space<semaphore_mem>>
      %dma_start3A_136 = arith.constant 0 : i32
      %dma_start3A_137 = tpu.memref_slice %arg6[%arg0, %add3A_119, %dma_start3A_136] : memref<2x10240x128xf32, #tpu.memory_space<hbm>> -> memref<1x128x128xf32, #tpu.memory_space<hbm>>
      %dma_start3A_138 = tpu.memref_squeeze %dma_start3A_137 : memref<1x128x128xf32, #tpu.memory_space<hbm>> -> memref<128x128xf32, #tpu.memory_space<hbm>>
      %dma_start3A_139 = arith.constant 0 : i32
      %dma_start3A_140 = tpu.memref_slice %arg7[%add3A_115, %dma_start3A_139] : memref<10240x128xf32, #tpu.memory_space<vmem_shared>> -> memref<128x128xf32, #tpu.memory_space<vmem_shared>>
      tpu.enqueue_dma source(%dma_start3A_140 : memref<128x128xf32, #tpu.memory_space<vmem_shared>>) target(%dma_start3A_138 : memref<128x128xf32, #tpu.memory_space<hbm>>) target_semaphore(%run_scoped3A : memref<!tpu.dma_semaphore, #tpu.memory_space<semaphore_mem>>)
      %dma_wait3A_141 = arith.constant 0 : i32
      %dma_wait3A_142 = tpu.memref_slice %arg6[%arg0, %add3A_119, %dma_wait3A_141] : memref<2x10240x128xf32, #tpu.memory_space<hbm>> -> memref<1x128x128xf32, #tpu.memory_space<hbm>>
      %dma_wait3A_143 = tpu.memref_squeeze %dma_wait3A_142 : memref<1x128x128xf32, #tpu.memory_space<hbm>> -> memref<128x128xf32, #tpu.memory_space<hbm>>
      %dma_wait3A_144 = arith.constant 0 : i32
      %dma_wait3A_145 = tpu.memref_slice %arg7[%add3A_115, %dma_wait3A_144] : memref<10240x128xf32, #tpu.memory_space<vmem_shared>> -> memref<128x128xf32, #tpu.memory_space<vmem_shared>>
      tpu.wait_dma2 semaphore(%run_scoped3A : memref<!tpu.dma_semaphore, #tpu.memory_space<semaphore_mem>>) src(%dma_wait3A_145 : memref<128x128xf32, #tpu.memory_space<vmem_shared>>) dst(%dma_wait3A_143 : memref<128x128xf32, #tpu.memory_space<hbm>>)
      tpu.yield
    }) : () -> ()
    %mul3A_120 = arith.constant 640 : i32
    %mul3A_121 = arith.muli %arg1, %mul3A_120 : i32
    %add3A_122 = arith.constant 384 : i32
    %add3A_123 = arith.addi %mul3A_121, %add3A_122 : i32
    %mul3A_124 = arith.constant 640 : i32
    %mul3A_125 = arith.muli %arg1, %mul3A_124 : i32
    %add3A_126 = arith.constant 384 : i32
    %add3A_127 = arith.addi %mul3A_125, %add3A_126 : i32
    "tpu.region"() ({
      %run_scoped3A = tpu.sem_alloc : memref<!tpu.dma_semaphore, #tpu.memory_space<semaphore_mem>>
      %dma_start3A_136 = arith.constant 0 : i32
      %dma_start3A_137 = tpu.memref_slice %arg6[%arg0, %add3A_127, %dma_start3A_136] : memref<2x10240x128xf32, #tpu.memory_space<hbm>> -> memref<1x128x128xf32, #tpu.memory_space<hbm>>
      %dma_start3A_138 = tpu.memref_squeeze %dma_start3A_137 : memref<1x128x128xf32, #tpu.memory_space<hbm>> -> memref<128x128xf32, #tpu.memory_space<hbm>>
      %dma_start3A_139 = arith.constant 0 : i32
      %dma_start3A_140 = tpu.memref_slice %arg7[%add3A_123, %dma_start3A_139] : memref<10240x128xf32, #tpu.memory_space<vmem_shared>> -> memref<128x128xf32, #tpu.memory_space<vmem_shared>>
      tpu.enqueue_dma source(%dma_start3A_140 : memref<128x128xf32, #tpu.memory_space<vmem_shared>>) target(%dma_start3A_138 : memref<128x128xf32, #tpu.memory_space<hbm>>) target_semaphore(%run_scoped3A : memref<!tpu.dma_semaphore, #tpu.memory_space<semaphore_mem>>)
      %dma_wait3A_141 = arith.constant 0 : i32
      %dma_wait3A_142 = tpu.memref_slice %arg6[%arg0, %add3A_127, %dma_wait3A_141] : memref<2x10240x128xf32, #tpu.memory_space<hbm>> -> memref<1x128x128xf32, #tpu.memory_space<hbm>>
      %dma_wait3A_143 = tpu.memref_squeeze %dma_wait3A_142 : memref<1x128x128xf32, #tpu.memory_space<hbm>> -> memref<128x128xf32, #tpu.memory_space<hbm>>
      %dma_wait3A_144 = arith.constant 0 : i32
      %dma_wait3A_145 = tpu.memref_slice %arg7[%add3A_123, %dma_wait3A_144] : memref<10240x128xf32, #tpu.memory_space<vmem_shared>> -> memref<128x128xf32, #tpu.memory_space<vmem_shared>>
      tpu.wait_dma2 semaphore(%run_scoped3A : memref<!tpu.dma_semaphore, #tpu.memory_space<semaphore_mem>>) src(%dma_wait3A_145 : memref<128x128xf32, #tpu.memory_space<vmem_shared>>) dst(%dma_wait3A_143 : memref<128x128xf32, #tpu.memory_space<hbm>>)
      tpu.yield
    }) : () -> ()
    %mul3A_128 = arith.constant 640 : i32
    %mul3A_129 = arith.muli %arg1, %mul3A_128 : i32
    %add3A_130 = arith.constant 512 : i32
    %add3A_131 = arith.addi %mul3A_129, %add3A_130 : i32
    %mul3A_132 = arith.constant 640 : i32
    %mul3A_133 = arith.muli %arg1, %mul3A_132 : i32
    %add3A_134 = arith.constant 512 : i32
    %add3A_135 = arith.addi %mul3A_133, %add3A_134 : i32
    "tpu.region"() ({
      %run_scoped3A = tpu.sem_alloc : memref<!tpu.dma_semaphore, #tpu.memory_space<semaphore_mem>>
      %dma_start3A_136 = arith.constant 0 : i32
      %dma_start3A_137 = tpu.memref_slice %arg6[%arg0, %add3A_135, %dma_start3A_136] : memref<2x10240x128xf32, #tpu.memory_space<hbm>> -> memref<1x128x128xf32, #tpu.memory_space<hbm>>
      %dma_start3A_138 = tpu.memref_squeeze %dma_start3A_137 : memref<1x128x128xf32, #tpu.memory_space<hbm>> -> memref<128x128xf32, #tpu.memory_space<hbm>>
      %dma_start3A_139 = arith.constant 0 : i32
      %dma_start3A_140 = tpu.memref_slice %arg7[%add3A_131, %dma_start3A_139] : memref<10240x128xf32, #tpu.memory_space<vmem_shared>> -> memref<128x128xf32, #tpu.memory_space<vmem_shared>>
      tpu.enqueue_dma source(%dma_start3A_140 : memref<128x128xf32, #tpu.memory_space<vmem_shared>>) target(%dma_start3A_138 : memref<128x128xf32, #tpu.memory_space<hbm>>) target_semaphore(%run_scoped3A : memref<!tpu.dma_semaphore, #tpu.memory_space<semaphore_mem>>)
      %dma_wait3A_141 = arith.constant 0 : i32
      %dma_wait3A_142 = tpu.memref_slice %arg6[%arg0, %add3A_135, %dma_wait3A_141] : memref<2x10240x128xf32, #tpu.memory_space<hbm>> -> memref<1x128x128xf32, #tpu.memory_space<hbm>>
      %dma_wait3A_143 = tpu.memref_squeeze %dma_wait3A_142 : memref<1x128x128xf32, #tpu.memory_space<hbm>> -> memref<128x128xf32, #tpu.memory_space<hbm>>
      %dma_wait3A_144 = arith.constant 0 : i32
      %dma_wait3A_145 = tpu.memref_slice %arg7[%add3A_131, %dma_wait3A_144] : memref<10240x128xf32, #tpu.memory_space<vmem_shared>> -> memref<128x128xf32, #tpu.memory_space<vmem_shared>>
      tpu.wait_dma2 semaphore(%run_scoped3A : memref<!tpu.dma_semaphore, #tpu.memory_space<semaphore_mem>>) src(%dma_wait3A_145 : memref<128x128xf32, #tpu.memory_space<vmem_shared>>) dst(%dma_wait3A_143 : memref<128x128xf32, #tpu.memory_space<hbm>>)
      tpu.yield
    }) : () -> ()
    return
  }
}

#map = affine_map<(d0, d1) -> (0, 0)>
#map1 = affine_map<(d0, d1) -> (0)>
module attributes {stable_mosaic.version = 14 : i64} {
  func.func @_pair_body(%arg0: i32, %arg1: i32, %arg2: memref<10240x128xf32, #tpu.memory_space<hbm>>, %arg3: memref<320000xi32, #tpu.memory_space<hbm>>, %arg4: memref<320000xi32, #tpu.memory_space<hbm>>, %arg5: memref<320000x128xf32, #tpu.memory_space<hbm>>, %arg6: memref<200x128xf32, #tpu.memory_space<vmem>>, %arg7: memref<200x128xf32, #tpu.memory_space<vmem>>, %arg8: memref<200x128xf32, #tpu.memory_space<vmem>>, %arg9: memref<200x128xf32, #tpu.memory_space<vmem>>, %arg10: memref<200xi32, #tpu.memory_space<vmem>>, %arg11: memref<200xi32, #tpu.memory_space<vmem>>, %arg12: memref<200xi32, #tpu.memory_space<vmem>>, %arg13: memref<200xi32, #tpu.memory_space<vmem>>, %arg14: memref<!tpu.dma_semaphore, #tpu.memory_space<semaphore_mem>>, %arg15: memref<!tpu.dma_semaphore, #tpu.memory_space<semaphore_mem>>, %arg16: memref<!tpu.dma_semaphore, #tpu.memory_space<semaphore_mem>>, %arg17: memref<!tpu.dma_semaphore, #tpu.memory_space<semaphore_mem>>, %arg18: memref<!tpu.dma_semaphore, #tpu.memory_space<semaphore_mem>>, %arg19: memref<!tpu.dma_semaphore, #tpu.memory_space<semaphore_mem>>) attributes {dimension_semantics = [#tpu.dimension_semantics<core_parallel>, #tpu.dimension_semantics<subcore_parallel>], iteration_bounds = array<i64: 2, 16>, scalar_prefetch = 0 : i64, scratch_operands = 14 : i64, tpu.core_type = #tpu.core_type<sc_vector_subcore>, window_params = [{transform_indices = #map}, {transform_indices = #map1}, {transform_indices = #map1}, {transform_indices = #map}]} {
    %mul3A = arith.constant 2 : i32
    %mul3A_0 = arith.muli %arg1, %mul3A : i32
    %add3A = arith.addi %mul3A_0, %arg0 : i32
    %mul3A_1 = arith.constant 10000 : i32
    %mul3A_2 = arith.muli %add3A, %mul3A_1 : i32
    "tpu.region"() ({
      %run_scoped3A = tpu.sem_alloc : memref<!tpu.dma_semaphore, #tpu.memory_space<semaphore_mem>>
      %dma_start3A_64 = tpu.memref_slice %arg3[%mul3A_2] : memref<320000xi32, #tpu.memory_space<hbm>> -> memref<200xi32, #tpu.memory_space<hbm>>
      %dma_start3A_65 = tpu.memref_slice %arg3[%mul3A_2] : memref<320000xi32, #tpu.memory_space<hbm>> -> memref<200xi32, #tpu.memory_space<hbm>>
      tpu.enqueue_dma source(%dma_start3A_65 : memref<200xi32, #tpu.memory_space<hbm>>) target(%arg10 : memref<200xi32, #tpu.memory_space<vmem>>) target_semaphore(%run_scoped3A : memref<!tpu.dma_semaphore, #tpu.memory_space<semaphore_mem>>)
      %dma_wait3A_66 = tpu.memref_slice %arg3[%mul3A_2] : memref<320000xi32, #tpu.memory_space<hbm>> -> memref<200xi32, #tpu.memory_space<hbm>>
      %dma_wait3A_67 = tpu.memref_slice %arg3[%mul3A_2] : memref<320000xi32, #tpu.memory_space<hbm>> -> memref<200xi32, #tpu.memory_space<hbm>>
      tpu.wait_dma2 semaphore(%run_scoped3A : memref<!tpu.dma_semaphore, #tpu.memory_space<semaphore_mem>>) src(%dma_wait3A_67 : memref<200xi32, #tpu.memory_space<hbm>>) dst(%arg10 : memref<200xi32, #tpu.memory_space<vmem>>)
      tpu.yield
    }) : () -> ()
    "tpu.region"() ({
      %run_scoped3A = tpu.sem_alloc : memref<!tpu.dma_semaphore, #tpu.memory_space<semaphore_mem>>
      %dma_start3A_64 = tpu.memref_slice %arg4[%mul3A_2] : memref<320000xi32, #tpu.memory_space<hbm>> -> memref<200xi32, #tpu.memory_space<hbm>>
      %dma_start3A_65 = tpu.memref_slice %arg4[%mul3A_2] : memref<320000xi32, #tpu.memory_space<hbm>> -> memref<200xi32, #tpu.memory_space<hbm>>
      tpu.enqueue_dma source(%dma_start3A_65 : memref<200xi32, #tpu.memory_space<hbm>>) target(%arg12 : memref<200xi32, #tpu.memory_space<vmem>>) target_semaphore(%run_scoped3A : memref<!tpu.dma_semaphore, #tpu.memory_space<semaphore_mem>>)
      %dma_wait3A_66 = tpu.memref_slice %arg4[%mul3A_2] : memref<320000xi32, #tpu.memory_space<hbm>> -> memref<200xi32, #tpu.memory_space<hbm>>
      %dma_wait3A_67 = tpu.memref_slice %arg4[%mul3A_2] : memref<320000xi32, #tpu.memory_space<hbm>> -> memref<200xi32, #tpu.memory_space<hbm>>
      tpu.wait_dma2 semaphore(%run_scoped3A : memref<!tpu.dma_semaphore, #tpu.memory_space<semaphore_mem>>) src(%dma_wait3A_67 : memref<200xi32, #tpu.memory_space<hbm>>) dst(%arg12 : memref<200xi32, #tpu.memory_space<vmem>>)
      tpu.yield
    }) : () -> ()
    %dma_start3A = arith.constant 0 : i32
    %dma_start3A_3 = arith.constant 0 : i32
    %dma_start3A_4 = tpu.memref_slice %arg2[%dma_start3A, %dma_start3A_3] : memref<10240x128xf32, #tpu.memory_space<hbm>> -> memref<10240x128xf32, #tpu.memory_space<hbm>>
    tpu.enqueue_indirect_dma source(%dma_start3A_4 : memref<10240x128xf32, #tpu.memory_space<hbm>>) target(%arg6 : memref<200x128xf32, #tpu.memory_space<vmem>>) offsets(%arg10 : memref<200xi32, #tpu.memory_space<vmem>>) semaphore(%arg14 : memref<!tpu.dma_semaphore, #tpu.memory_space<semaphore_mem>>)
    %dma_start3A_5 = arith.constant 0 : i32
    %dma_start3A_6 = arith.constant 0 : i32
    %dma_start3A_7 = tpu.memref_slice %arg2[%dma_start3A_5, %dma_start3A_6] : memref<10240x128xf32, #tpu.memory_space<hbm>> -> memref<10240x128xf32, #tpu.memory_space<hbm>>
    tpu.enqueue_indirect_dma source(%dma_start3A_7 : memref<10240x128xf32, #tpu.memory_space<hbm>>) target(%arg8 : memref<200x128xf32, #tpu.memory_space<vmem>>) offsets(%arg12 : memref<200xi32, #tpu.memory_space<vmem>>) semaphore(%arg16 : memref<!tpu.dma_semaphore, #tpu.memory_space<semaphore_mem>>)
    %add3A_8 = arith.constant 200 : i32
    %add3A_9 = arith.addi %mul3A_2, %add3A_8 : i32
    %dma_start3A_10 = tpu.memref_slice %arg3[%add3A_9] : memref<320000xi32, #tpu.memory_space<hbm>> -> memref<200xi32, #tpu.memory_space<hbm>>
    %dma_start3A_11 = tpu.memref_slice %arg3[%add3A_9] : memref<320000xi32, #tpu.memory_space<hbm>> -> memref<200xi32, #tpu.memory_space<hbm>>
    tpu.enqueue_dma source(%dma_start3A_11 : memref<200xi32, #tpu.memory_space<hbm>>) target(%arg11 : memref<200xi32, #tpu.memory_space<vmem>>) target_semaphore(%arg19 : memref<!tpu.dma_semaphore, #tpu.memory_space<semaphore_mem>>)
    %dma_start3A_12 = tpu.memref_slice %arg4[%add3A_9] : memref<320000xi32, #tpu.memory_space<hbm>> -> memref<200xi32, #tpu.memory_space<hbm>>
    %dma_start3A_13 = tpu.memref_slice %arg4[%add3A_9] : memref<320000xi32, #tpu.memory_space<hbm>> -> memref<200xi32, #tpu.memory_space<hbm>>
    tpu.enqueue_dma source(%dma_start3A_13 : memref<200xi32, #tpu.memory_space<hbm>>) target(%arg13 : memref<200xi32, #tpu.memory_space<vmem>>) target_semaphore(%arg19 : memref<!tpu.dma_semaphore, #tpu.memory_space<semaphore_mem>>)
    %add3A_14 = arith.constant 200 : i32
    %add3A_15 = arith.addi %mul3A_2, %add3A_14 : i32
    %dma_wait3A = tpu.memref_slice %arg3[%add3A_15] : memref<320000xi32, #tpu.memory_space<hbm>> -> memref<200xi32, #tpu.memory_space<hbm>>
    %dma_wait3A_16 = tpu.memref_slice %arg3[%add3A_15] : memref<320000xi32, #tpu.memory_space<hbm>> -> memref<200xi32, #tpu.memory_space<hbm>>
    tpu.wait_dma2 semaphore(%arg19 : memref<!tpu.dma_semaphore, #tpu.memory_space<semaphore_mem>>) src(%dma_wait3A_16 : memref<200xi32, #tpu.memory_space<hbm>>) dst(%arg11 : memref<200xi32, #tpu.memory_space<vmem>>)
    %dma_wait3A_17 = tpu.memref_slice %arg4[%add3A_15] : memref<320000xi32, #tpu.memory_space<hbm>> -> memref<200xi32, #tpu.memory_space<hbm>>
    %dma_wait3A_18 = tpu.memref_slice %arg4[%add3A_15] : memref<320000xi32, #tpu.memory_space<hbm>> -> memref<200xi32, #tpu.memory_space<hbm>>
    tpu.wait_dma2 semaphore(%arg19 : memref<!tpu.dma_semaphore, #tpu.memory_space<semaphore_mem>>) src(%dma_wait3A_18 : memref<200xi32, #tpu.memory_space<hbm>>) dst(%arg13 : memref<200xi32, #tpu.memory_space<vmem>>)
    %dma_start3A_19 = arith.constant 0 : i32
    %dma_start3A_20 = arith.constant 0 : i32
    %dma_start3A_21 = tpu.memref_slice %arg2[%dma_start3A_19, %dma_start3A_20] : memref<10240x128xf32, #tpu.memory_space<hbm>> -> memref<10240x128xf32, #tpu.memory_space<hbm>>
    tpu.enqueue_indirect_dma source(%dma_start3A_21 : memref<10240x128xf32, #tpu.memory_space<hbm>>) target(%arg7 : memref<200x128xf32, #tpu.memory_space<vmem>>) offsets(%arg11 : memref<200xi32, #tpu.memory_space<vmem>>) semaphore(%arg15 : memref<!tpu.dma_semaphore, #tpu.memory_space<semaphore_mem>>)
    %dma_start3A_22 = arith.constant 0 : i32
    %dma_start3A_23 = arith.constant 0 : i32
    %dma_start3A_24 = tpu.memref_slice %arg2[%dma_start3A_22, %dma_start3A_23] : memref<10240x128xf32, #tpu.memory_space<hbm>> -> memref<10240x128xf32, #tpu.memory_space<hbm>>
    tpu.enqueue_indirect_dma source(%dma_start3A_24 : memref<10240x128xf32, #tpu.memory_space<hbm>>) target(%arg9 : memref<200x128xf32, #tpu.memory_space<vmem>>) offsets(%arg13 : memref<200xi32, #tpu.memory_space<vmem>>) semaphore(%arg17 : memref<!tpu.dma_semaphore, #tpu.memory_space<semaphore_mem>>)
    %dma_wait3A_25 = arith.constant 0 : i32
    %dma_wait3A_26 = arith.constant 0 : i32
    %dma_wait3A_27 = tpu.memref_slice %arg2[%dma_wait3A_25, %dma_wait3A_26] : memref<10240x128xf32, #tpu.memory_space<hbm>> -> memref<10240x128xf32, #tpu.memory_space<hbm>>
    tpu.wait_indirect_dma semaphore(%arg14 : memref<!tpu.dma_semaphore, #tpu.memory_space<semaphore_mem>>) src(%dma_wait3A_27 : memref<10240x128xf32, #tpu.memory_space<hbm>>) dst(%arg6 : memref<200x128xf32, #tpu.memory_space<vmem>>)
    %dma_wait3A_28 = arith.constant 0 : i32
    %dma_wait3A_29 = arith.constant 0 : i32
    %dma_wait3A_30 = tpu.memref_slice %arg2[%dma_wait3A_28, %dma_wait3A_29] : memref<10240x128xf32, #tpu.memory_space<hbm>> -> memref<10240x128xf32, #tpu.memory_space<hbm>>
    tpu.wait_indirect_dma semaphore(%arg16 : memref<!tpu.dma_semaphore, #tpu.memory_space<semaphore_mem>>) src(%dma_wait3A_30 : memref<10240x128xf32, #tpu.memory_space<hbm>>) dst(%arg8 : memref<200x128xf32, #tpu.memory_space<vmem>>)
    %scan3A = arith.constant 0 : i32
    %scan3A_31 = arith.constant 0 : i32
    %scan3A_32 = arith.constant 200 : i32
    %scan3A_33 = arith.addi %scan3A_31, %scan3A_32 : i32
    %scan3A_34 = arith.constant 1 : i32
    scf.for %scan3A_64 = %scan3A_31 to %scan3A_33 step %scan3A_34  : i32 {
      %get3A = arith.index_cast %scan3A_64 : i32 to index
      %get3A_65 = arith.constant 0 : index
      %get3A_66 = tpu.vector_load %arg6[%get3A, %get3A_65] {strides = array<i32>} : memref<200x128xf32, #tpu.memory_space<vmem>>, vector<16xf32>,
      %get3A_67 = arith.index_cast %scan3A_64 : i32 to index
      %get3A_68 = arith.constant 0 : index
      %get3A_69 = tpu.vector_load %arg8[%get3A_67, %get3A_68] {strides = array<i32>} : memref<200x128xf32, #tpu.memory_space<vmem>>, vector<16xf32>,
      %mul3A_70 = arith.mulf %get3A_66, %get3A_69 : vector<16xf32>
      %swap3A = arith.index_cast %scan3A_64 : i32 to index
      %swap3A_71 = arith.constant 0 : index
      %swap3A_72 = tpu.vector_load %arg6[%swap3A, %swap3A_71] {strides = array<i32>} : memref<200x128xf32, #tpu.memory_space<vmem>>, vector<16xf32>,
      tpu.vector_store %arg6[%swap3A, %swap3A_71], %mul3A_70 {strides = array<i32>} : memref<200x128xf32, #tpu.memory_space<vmem>>, vector<16xf32>,
      %get3A_73 = arith.index_cast %scan3A_64 : i32 to index
      %get3A_74 = arith.constant 16 : index
      %get3A_75 = tpu.vector_load %arg6[%get3A_73, %get3A_74] {strides = array<i32>} : memref<200x128xf32, #tpu.memory_space<vmem>>, vector<16xf32>,
      %get3A_76 = arith.index_cast %scan3A_64 : i32 to index
      %get3A_77 = arith.constant 16 : index
      %get3A_78 = tpu.vector_load %arg8[%get3A_76, %get3A_77] {strides = array<i32>} : memref<200x128xf32, #tpu.memory_space<vmem>>, vector<16xf32>,
      %mul3A_79 = arith.mulf %get3A_75, %get3A_78 : vector<16xf32>
      %swap3A_80 = arith.index_cast %scan3A_64 : i32 to index
      %swap3A_81 = arith.constant 16 : index
      %swap3A_82 = tpu.vector_load %arg6[%swap3A_80, %swap3A_81] {strides = array<i32>} : memref<200x128xf32, #tpu.memory_space<vmem>>, vector<16xf32>,
      tpu.vector_store %arg6[%swap3A_80, %swap3A_81], %mul3A_79 {strides = array<i32>} : memref<200x128xf32, #tpu.memory_space<vmem>>, vector<16xf32>,
      %get3A_83 = arith.index_cast %scan3A_64 : i32 to index
      %get3A_84 = arith.constant 32 : index
      %get3A_85 = tpu.vector_load %arg6[%get3A_83, %get3A_84] {strides = array<i32>} : memref<200x128xf32, #tpu.memory_space<vmem>>, vector<16xf32>,
      %get3A_86 = arith.index_cast %scan3A_64 : i32 to index
      %get3A_87 = arith.constant 32 : index
      %get3A_88 = tpu.vector_load %arg8[%get3A_86, %get3A_87] {strides = array<i32>} : memref<200x128xf32, #tpu.memory_space<vmem>>, vector<16xf32>,
      %mul3A_89 = arith.mulf %get3A_85, %get3A_88 : vector<16xf32>
      %swap3A_90 = arith.index_cast %scan3A_64 : i32 to index
      %swap3A_91 = arith.constant 32 : index
      %swap3A_92 = tpu.vector_load %arg6[%swap3A_90, %swap3A_91] {strides = array<i32>} : memref<200x128xf32, #tpu.memory_space<vmem>>, vector<16xf32>,
      tpu.vector_store %arg6[%swap3A_90, %swap3A_91], %mul3A_89 {strides = array<i32>} : memref<200x128xf32, #tpu.memory_space<vmem>>, vector<16xf32>,
      %get3A_93 = arith.index_cast %scan3A_64 : i32 to index
      %get3A_94 = arith.constant 48 : index
      %get3A_95 = tpu.vector_load %arg6[%get3A_93, %get3A_94] {strides = array<i32>} : memref<200x128xf32, #tpu.memory_space<vmem>>, vector<16xf32>,
      %get3A_96 = arith.index_cast %scan3A_64 : i32 to index
      %get3A_97 = arith.constant 48 : index
      %get3A_98 = tpu.vector_load %arg8[%get3A_96, %get3A_97] {strides = array<i32>} : memref<200x128xf32, #tpu.memory_space<vmem>>, vector<16xf32>,
      %mul3A_99 = arith.mulf %get3A_95, %get3A_98 : vector<16xf32>
      %swap3A_100 = arith.index_cast %scan3A_64 : i32 to index
      %swap3A_101 = arith.constant 48 : index
      %swap3A_102 = tpu.vector_load %arg6[%swap3A_100, %swap3A_101] {strides = array<i32>} : memref<200x128xf32, #tpu.memory_space<vmem>>, vector<16xf32>,
      tpu.vector_store %arg6[%swap3A_100, %swap3A_101], %mul3A_99 {strides = array<i32>} : memref<200x128xf32, #tpu.memory_space<vmem>>, vector<16xf32>,
      %get3A_103 = arith.index_cast %scan3A_64 : i32 to index
      %get3A_104 = arith.constant 64 : index
      %get3A_105 = tpu.vector_load %arg6[%get3A_103, %get3A_104] {strides = array<i32>} : memref<200x128xf32, #tpu.memory_space<vmem>>, vector<16xf32>,
      %get3A_106 = arith.index_cast %scan3A_64 : i32 to index
      %get3A_107 = arith.constant 64 : index
      %get3A_108 = tpu.vector_load %arg8[%get3A_106, %get3A_107] {strides = array<i32>} : memref<200x128xf32, #tpu.memory_space<vmem>>, vector<16xf32>,
      %mul3A_109 = arith.mulf %get3A_105, %get3A_108 : vector<16xf32>
      %swap3A_110 = arith.index_cast %scan3A_64 : i32 to index
      %swap3A_111 = arith.constant 64 : index
      %swap3A_112 = tpu.vector_load %arg6[%swap3A_110, %swap3A_111] {strides = array<i32>} : memref<200x128xf32, #tpu.memory_space<vmem>>, vector<16xf32>,
      tpu.vector_store %arg6[%swap3A_110, %swap3A_111], %mul3A_109 {strides = array<i32>} : memref<200x128xf32, #tpu.memory_space<vmem>>, vector<16xf32>,
      %get3A_113 = arith.index_cast %scan3A_64 : i32 to index
      %get3A_114 = arith.constant 80 : index
      %get3A_115 = tpu.vector_load %arg6[%get3A_113, %get3A_114] {strides = array<i32>} : memref<200x128xf32, #tpu.memory_space<vmem>>, vector<16xf32>,
      %get3A_116 = arith.index_cast %scan3A_64 : i32 to index
      %get3A_117 = arith.constant 80 : index
      %get3A_118 = tpu.vector_load %arg8[%get3A_116, %get3A_117] {strides = array<i32>} : memref<200x128xf32, #tpu.memory_space<vmem>>, vector<16xf32>,
      %mul3A_119 = arith.mulf %get3A_115, %get3A_118 : vector<16xf32>
      %swap3A_120 = arith.index_cast %scan3A_64 : i32 to index
      %swap3A_121 = arith.constant 80 : index
      %swap3A_122 = tpu.vector_load %arg6[%swap3A_120, %swap3A_121] {strides = array<i32>} : memref<200x128xf32, #tpu.memory_space<vmem>>, vector<16xf32>,
      tpu.vector_store %arg6[%swap3A_120, %swap3A_121], %mul3A_119 {strides = array<i32>} : memref<200x128xf32, #tpu.memory_space<vmem>>, vector<16xf32>,
      %get3A_123 = arith.index_cast %scan3A_64 : i32 to index
      %get3A_124 = arith.constant 96 : index
      %get3A_125 = tpu.vector_load %arg6[%get3A_123, %get3A_124] {strides = array<i32>} : memref<200x128xf32, #tpu.memory_space<vmem>>, vector<16xf32>,
      %get3A_126 = arith.index_cast %scan3A_64 : i32 to index
      %get3A_127 = arith.constant 96 : index
      %get3A_128 = tpu.vector_load %arg8[%get3A_126, %get3A_127] {strides = array<i32>} : memref<200x128xf32, #tpu.memory_space<vmem>>, vector<16xf32>,
      %mul3A_129 = arith.mulf %get3A_125, %get3A_128 : vector<16xf32>
      %swap3A_130 = arith.index_cast %scan3A_64 : i32 to index
      %swap3A_131 = arith.constant 96 : index
      %swap3A_132 = tpu.vector_load %arg6[%swap3A_130, %swap3A_131] {strides = array<i32>} : memref<200x128xf32, #tpu.memory_space<vmem>>, vector<16xf32>,
      tpu.vector_store %arg6[%swap3A_130, %swap3A_131], %mul3A_129 {strides = array<i32>} : memref<200x128xf32, #tpu.memory_space<vmem>>, vector<16xf32>,
      %get3A_133 = arith.index_cast %scan3A_64 : i32 to index
      %get3A_134 = arith.constant 112 : index
      %get3A_135 = tpu.vector_load %arg6[%get3A_133, %get3A_134] {strides = array<i32>} : memref<200x128xf32, #tpu.memory_space<vmem>>, vector<16xf32>,
      %get3A_136 = arith.index_cast %scan3A_64 : i32 to index
      %get3A_137 = arith.constant 112 : index
      %get3A_138 = tpu.vector_load %arg8[%get3A_136, %get3A_137] {strides = array<i32>} : memref<200x128xf32, #tpu.memory_space<vmem>>, vector<16xf32>,
      %mul3A_139 = arith.mulf %get3A_135, %get3A_138 : vector<16xf32>
      %swap3A_140 = arith.index_cast %scan3A_64 : i32 to index
      %swap3A_141 = arith.constant 112 : index
      %swap3A_142 = tpu.vector_load %arg6[%swap3A_140, %swap3A_141] {strides = array<i32>} : memref<200x128xf32, #tpu.memory_space<vmem>>, vector<16xf32>,
      tpu.vector_store %arg6[%swap3A_140, %swap3A_141], %mul3A_139 {strides = array<i32>} : memref<200x128xf32, #tpu.memory_space<vmem>>, vector<16xf32>,
    }
    %scan3A_35 = arith.constant 200 : i32
    %add3A_36 = arith.constant 0 : i32
    %add3A_37 = arith.addi %mul3A_2, %add3A_36 : i32
    "tpu.region"() ({
      %run_scoped3A = tpu.sem_alloc : memref<!tpu.dma_semaphore, #tpu.memory_space<semaphore_mem>>
      %dma_start3A_64 = arith.constant 0 : i32
      %dma_start3A_65 = tpu.memref_slice %arg5[%add3A_37, %dma_start3A_64] : memref<320000x128xf32, #tpu.memory_space<hbm>> -> memref<200x128xf32, #tpu.memory_space<hbm>>
      %dma_start3A_66 = arith.constant 0 : i32
      %dma_start3A_67 = tpu.memref_slice %arg5[%add3A_37, %dma_start3A_66] : memref<320000x128xf32, #tpu.memory_space<hbm>> -> memref<200x128xf32, #tpu.memory_space<hbm>>
      tpu.enqueue_dma source(%arg6 : memref<200x128xf32, #tpu.memory_space<vmem>>) target(%dma_start3A_67 : memref<200x128xf32, #tpu.memory_space<hbm>>) target_semaphore(%run_scoped3A : memref<!tpu.dma_semaphore, #tpu.memory_space<semaphore_mem>>)
      %dma_wait3A_68 = arith.constant 0 : i32
      %dma_wait3A_69 = tpu.memref_slice %arg5[%add3A_37, %dma_wait3A_68] : memref<320000x128xf32, #tpu.memory_space<hbm>> -> memref<200x128xf32, #tpu.memory_space<hbm>>
      %dma_wait3A_70 = arith.constant 0 : i32
      %dma_wait3A_71 = tpu.memref_slice %arg5[%add3A_37, %dma_wait3A_70] : memref<320000x128xf32, #tpu.memory_space<hbm>> -> memref<200x128xf32, #tpu.memory_space<hbm>>
      tpu.wait_dma2 semaphore(%run_scoped3A : memref<!tpu.dma_semaphore, #tpu.memory_space<semaphore_mem>>) src(%arg6 : memref<200x128xf32, #tpu.memory_space<vmem>>) dst(%dma_wait3A_71 : memref<200x128xf32, #tpu.memory_space<hbm>>)
      tpu.yield
    }) : () -> ()
    %add3A_38 = arith.constant 400 : i32
    %add3A_39 = arith.addi %mul3A_2, %add3A_38 : i32
    %dma_start3A_40 = tpu.memref_slice %arg3[%add3A_39] : memref<320000xi32, #tpu.memory_space<hbm>> -> memref<200xi32, #tpu.memory_space<hbm>>
    %dma_start3A_41 = tpu.memref_slice %arg3[%add3A_39] : memref<320000xi32, #tpu.memory_space<hbm>> -> memref<200xi32, #tpu.memory_space<hbm>>
    tpu.enqueue_dma source(%dma_start3A_41 : memref<200xi32, #tpu.memory_space<hbm>>) target(%arg10 : memref<200xi32, #tpu.memory_space<vmem>>) target_semaphore(%arg18 : memref<!tpu.dma_semaphore, #tpu.memory_space<semaphore_mem>>)
    %dma_start3A_42 = tpu.memref_slice %arg4[%add3A_39] : memref<320000xi32, #tpu.memory_space<hbm>> -> memref<200xi32, #tpu.memory_space<hbm>>
    %dma_start3A_43 = tpu.memref_slice %arg4[%add3A_39] : memref<320000xi32, #tpu.memory_space<hbm>> -> memref<200xi32, #tpu.memory_space<hbm>>
    tpu.enqueue_dma source(%dma_start3A_43 : memref<200xi32, #tpu.memory_space<hbm>>) target(%arg12 : memref<200xi32, #tpu.memory_space<vmem>>) target_semaphore(%arg18 : memref<!tpu.dma_semaphore, #tpu.memory_space<semaphore_mem>>)
    %scan3A_44 = arith.constant 0 : i32
    %scan3A_45 = arith.constant 0 : i32
    %scan3A_46 = arith.constant 24 : i32
    %scan3A_47 = arith.addi %scan3A_45, %scan3A_46 : i32
    %scan3A_48 = arith.constant 1 : i32
    scf.for %scan3A_64 = %scan3A_45 to %scan3A_47 step %scan3A_48  : i32 {
      %mul3A_65 = arith.constant 2 : i32
      %mul3A_66 = arith.muli %mul3A_65, %scan3A_64 : i32
      %add3A_67 = arith.constant 1 : i32
      %add3A_68 = arith.addi %mul3A_66, %add3A_67 : i32
      %add3A_69 = arith.constant 1 : i32
      %add3A_70 = arith.addi %add3A_68, %add3A_69 : i32
      %lt3A = arith.constant 50 : i32
      %lt3A_71 = arith.cmpi slt, %add3A_70, %lt3A : i32
      %convert_element_type3A = arith.extui %lt3A_71 : i1 to i32
      %cond3A = arith.constant 0 : i32
      %cond3A_72 = arith.cmpi ne, %convert_element_type3A, %cond3A : i32
      scf.if %cond3A_72 {
        %add3A_128 = arith.constant 1 : i32
        %add3A_129 = arith.addi %add3A_68, %add3A_128 : i32
        %mul3A_130 = arith.constant 200 : i32
        %mul3A_131 = arith.muli %add3A_129, %mul3A_130 : i32
        %add3A_132 = arith.addi %mul3A_2, %mul3A_131 : i32
        %dma_wait3A_133 = tpu.memref_slice %arg3[%add3A_132] : memref<320000xi32, #tpu.memory_space<hbm>> -> memref<200xi32, #tpu.memory_space<hbm>>
        %dma_wait3A_134 = tpu.memref_slice %arg3[%add3A_132] : memref<320000xi32, #tpu.memory_space<hbm>> -> memref<200xi32, #tpu.memory_space<hbm>>
        tpu.wait_dma2 semaphore(%arg18 : memref<!tpu.dma_semaphore, #tpu.memory_space<semaphore_mem>>) src(%dma_wait3A_134 : memref<200xi32, #tpu.memory_space<hbm>>) dst(%arg10 : memref<200xi32, #tpu.memory_space<vmem>>)
        %dma_wait3A_135 = tpu.memref_slice %arg4[%add3A_132] : memref<320000xi32, #tpu.memory_space<hbm>> -> memref<200xi32, #tpu.memory_space<hbm>>
        %dma_wait3A_136 = tpu.memref_slice %arg4[%add3A_132] : memref<320000xi32, #tpu.memory_space<hbm>> -> memref<200xi32, #tpu.memory_space<hbm>>
        tpu.wait_dma2 semaphore(%arg18 : memref<!tpu.dma_semaphore, #tpu.memory_space<semaphore_mem>>) src(%dma_wait3A_136 : memref<200xi32, #tpu.memory_space<hbm>>) dst(%arg12 : memref<200xi32, #tpu.memory_space<vmem>>)
        %add3A_137 = arith.constant 1 : i32
        %add3A_138 = arith.addi %add3A_68, %add3A_137 : i32
        %dma_start3A_139 = arith.constant 0 : i32
        %dma_start3A_140 = arith.constant 0 : i32
        %dma_start3A_141 = tpu.memref_slice %arg2[%dma_start3A_139, %dma_start3A_140] : memref<10240x128xf32, #tpu.memory_space<hbm>> -> memref<10240x128xf32, #tpu.memory_space<hbm>>
        tpu.enqueue_indirect_dma source(%dma_start3A_141 : memref<10240x128xf32, #tpu.memory_space<hbm>>) target(%arg6 : memref<200x128xf32, #tpu.memory_space<vmem>>) offsets(%arg10 : memref<200xi32, #tpu.memory_space<vmem>>) semaphore(%arg14 : memref<!tpu.dma_semaphore, #tpu.memory_space<semaphore_mem>>)
        %dma_start3A_142 = arith.constant 0 : i32
        %dma_start3A_143 = arith.constant 0 : i32
        %dma_start3A_144 = tpu.memref_slice %arg2[%dma_start3A_142, %dma_start3A_143] : memref<10240x128xf32, #tpu.memory_space<hbm>> -> memref<10240x128xf32, #tpu.memory_space<hbm>>
        tpu.enqueue_indirect_dma source(%dma_start3A_144 : memref<10240x128xf32, #tpu.memory_space<hbm>>) target(%arg8 : memref<200x128xf32, #tpu.memory_space<vmem>>) offsets(%arg12 : memref<200xi32, #tpu.memory_space<vmem>>) semaphore(%arg16 : memref<!tpu.dma_semaphore, #tpu.memory_space<semaphore_mem>>)
      } else {
      }
      %dma_wait3A_73 = arith.constant 0 : i32
      %dma_wait3A_74 = arith.constant 0 : i32
      %dma_wait3A_75 = tpu.memref_slice %arg2[%dma_wait3A_73, %dma_wait3A_74] : memref<10240x128xf32, #tpu.memory_space<hbm>> -> memref<10240x128xf32, #tpu.memory_space<hbm>>
      tpu.wait_indirect_dma semaphore(%arg15 : memref<!tpu.dma_semaphore, #tpu.memory_space<semaphore_mem>>) src(%dma_wait3A_75 : memref<10240x128xf32, #tpu.memory_space<hbm>>) dst(%arg7 : memref<200x128xf32, #tpu.memory_space<vmem>>)
      %dma_wait3A_76 = arith.constant 0 : i32
      %dma_wait3A_77 = arith.constant 0 : i32
      %dma_wait3A_78 = tpu.memref_slice %arg2[%dma_wait3A_76, %dma_wait3A_77] : memref<10240x128xf32, #tpu.memory_space<hbm>> -> memref<10240x128xf32, #tpu.memory_space<hbm>>
      tpu.wait_indirect_dma semaphore(%arg17 : memref<!tpu.dma_semaphore, #tpu.memory_space<semaphore_mem>>) src(%dma_wait3A_78 : memref<10240x128xf32, #tpu.memory_space<hbm>>) dst(%arg9 : memref<200x128xf32, #tpu.memory_space<vmem>>)
      %scan3A_79 = arith.constant 0 : i32
      %scan3A_80 = arith.constant 0 : i32
      %scan3A_81 = arith.constant 200 : i32
      %scan3A_82 = arith.addi %scan3A_80, %scan3A_81 : i32
      %scan3A_83 = arith.constant 1 : i32
      scf.for %scan3A_128 = %scan3A_80 to %scan3A_82 step %scan3A_83  : i32 {
        %get3A = arith.index_cast %scan3A_128 : i32 to index
        %get3A_129 = arith.constant 0 : index
        %get3A_130 = tpu.vector_load %arg7[%get3A, %get3A_129] {strides = array<i32>} : memref<200x128xf32, #tpu.memory_space<vmem>>, vector<16xf32>,
        %get3A_131 = arith.index_cast %scan3A_128 : i32 to index
        %get3A_132 = arith.constant 0 : index
        %get3A_133 = tpu.vector_load %arg9[%get3A_131, %get3A_132] {strides = array<i32>} : memref<200x128xf32, #tpu.memory_space<vmem>>, vector<16xf32>,
        %mul3A_134 = arith.mulf %get3A_130, %get3A_133 : vector<16xf32>
        %swap3A = arith.index_cast %scan3A_128 : i32 to index
        %swap3A_135 = arith.constant 0 : index
        %swap3A_136 = tpu.vector_load %arg7[%swap3A, %swap3A_135] {strides = array<i32>} : memref<200x128xf32, #tpu.memory_space<vmem>>, vector<16xf32>,
        tpu.vector_store %arg7[%swap3A, %swap3A_135], %mul3A_134 {strides = array<i32>} : memref<200x128xf32, #tpu.memory_space<vmem>>, vector<16xf32>,
        %get3A_137 = arith.index_cast %scan3A_128 : i32 to index
        %get3A_138 = arith.constant 16 : index
        %get3A_139 = tpu.vector_load %arg7[%get3A_137, %get3A_138] {strides = array<i32>} : memref<200x128xf32, #tpu.memory_space<vmem>>, vector<16xf32>,
        %get3A_140 = arith.index_cast %scan3A_128 : i32 to index
        %get3A_141 = arith.constant 16 : index
        %get3A_142 = tpu.vector_load %arg9[%get3A_140, %get3A_141] {strides = array<i32>} : memref<200x128xf32, #tpu.memory_space<vmem>>, vector<16xf32>,
        %mul3A_143 = arith.mulf %get3A_139, %get3A_142 : vector<16xf32>
        %swap3A_144 = arith.index_cast %scan3A_128 : i32 to index
        %swap3A_145 = arith.constant 16 : index
        %swap3A_146 = tpu.vector_load %arg7[%swap3A_144, %swap3A_145] {strides = array<i32>} : memref<200x128xf32, #tpu.memory_space<vmem>>, vector<16xf32>,
        tpu.vector_store %arg7[%swap3A_144, %swap3A_145], %mul3A_143 {strides = array<i32>} : memref<200x128xf32, #tpu.memory_space<vmem>>, vector<16xf32>,
        %get3A_147 = arith.index_cast %scan3A_128 : i32 to index
        %get3A_148 = arith.constant 32 : index
        %get3A_149 = tpu.vector_load %arg7[%get3A_147, %get3A_148] {strides = array<i32>} : memref<200x128xf32, #tpu.memory_space<vmem>>, vector<16xf32>,
        %get3A_150 = arith.index_cast %scan3A_128 : i32 to index
        %get3A_151 = arith.constant 32 : index
        %get3A_152 = tpu.vector_load %arg9[%get3A_150, %get3A_151] {strides = array<i32>} : memref<200x128xf32, #tpu.memory_space<vmem>>, vector<16xf32>,
        %mul3A_153 = arith.mulf %get3A_149, %get3A_152 : vector<16xf32>
        %swap3A_154 = arith.index_cast %scan3A_128 : i32 to index
        %swap3A_155 = arith.constant 32 : index
        %swap3A_156 = tpu.vector_load %arg7[%swap3A_154, %swap3A_155] {strides = array<i32>} : memref<200x128xf32, #tpu.memory_space<vmem>>, vector<16xf32>,
        tpu.vector_store %arg7[%swap3A_154, %swap3A_155], %mul3A_153 {strides = array<i32>} : memref<200x128xf32, #tpu.memory_space<vmem>>, vector<16xf32>,
        %get3A_157 = arith.index_cast %scan3A_128 : i32 to index
        %get3A_158 = arith.constant 48 : index
        %get3A_159 = tpu.vector_load %arg7[%get3A_157, %get3A_158] {strides = array<i32>} : memref<200x128xf32, #tpu.memory_space<vmem>>, vector<16xf32>,
        %get3A_160 = arith.index_cast %scan3A_128 : i32 to index
        %get3A_161 = arith.constant 48 : index
        %get3A_162 = tpu.vector_load %arg9[%get3A_160, %get3A_161] {strides = array<i32>} : memref<200x128xf32, #tpu.memory_space<vmem>>, vector<16xf32>,
        %mul3A_163 = arith.mulf %get3A_159, %get3A_162 : vector<16xf32>
        %swap3A_164 = arith.index_cast %scan3A_128 : i32 to index
        %swap3A_165 = arith.constant 48 : index
        %swap3A_166 = tpu.vector_load %arg7[%swap3A_164, %swap3A_165] {strides = array<i32>} : memref<200x128xf32, #tpu.memory_space<vmem>>, vector<16xf32>,
        tpu.vector_store %arg7[%swap3A_164, %swap3A_165], %mul3A_163 {strides = array<i32>} : memref<200x128xf32, #tpu.memory_space<vmem>>, vector<16xf32>,
        %get3A_167 = arith.index_cast %scan3A_128 : i32 to index
        %get3A_168 = arith.constant 64 : index
        %get3A_169 = tpu.vector_load %arg7[%get3A_167, %get3A_168] {strides = array<i32>} : memref<200x128xf32, #tpu.memory_space<vmem>>, vector<16xf32>,
        %get3A_170 = arith.index_cast %scan3A_128 : i32 to index
        %get3A_171 = arith.constant 64 : index
        %get3A_172 = tpu.vector_load %arg9[%get3A_170, %get3A_171] {strides = array<i32>} : memref<200x128xf32, #tpu.memory_space<vmem>>, vector<16xf32>,
        %mul3A_173 = arith.mulf %get3A_169, %get3A_172 : vector<16xf32>
        %swap3A_174 = arith.index_cast %scan3A_128 : i32 to index
        %swap3A_175 = arith.constant 64 : index
        %swap3A_176 = tpu.vector_load %arg7[%swap3A_174, %swap3A_175] {strides = array<i32>} : memref<200x128xf32, #tpu.memory_space<vmem>>, vector<16xf32>,
        tpu.vector_store %arg7[%swap3A_174, %swap3A_175], %mul3A_173 {strides = array<i32>} : memref<200x128xf32, #tpu.memory_space<vmem>>, vector<16xf32>,
        %get3A_177 = arith.index_cast %scan3A_128 : i32 to index
        %get3A_178 = arith.constant 80 : index
        %get3A_179 = tpu.vector_load %arg7[%get3A_177, %get3A_178] {strides = array<i32>} : memref<200x128xf32, #tpu.memory_space<vmem>>, vector<16xf32>,
        %get3A_180 = arith.index_cast %scan3A_128 : i32 to index
        %get3A_181 = arith.constant 80 : index
        %get3A_182 = tpu.vector_load %arg9[%get3A_180, %get3A_181] {strides = array<i32>} : memref<200x128xf32, #tpu.memory_space<vmem>>, vector<16xf32>,
        %mul3A_183 = arith.mulf %get3A_179, %get3A_182 : vector<16xf32>
        %swap3A_184 = arith.index_cast %scan3A_128 : i32 to index
        %swap3A_185 = arith.constant 80 : index
        %swap3A_186 = tpu.vector_load %arg7[%swap3A_184, %swap3A_185] {strides = array<i32>} : memref<200x128xf32, #tpu.memory_space<vmem>>, vector<16xf32>,
        tpu.vector_store %arg7[%swap3A_184, %swap3A_185], %mul3A_183 {strides = array<i32>} : memref<200x128xf32, #tpu.memory_space<vmem>>, vector<16xf32>,
        %get3A_187 = arith.index_cast %scan3A_128 : i32 to index
        %get3A_188 = arith.constant 96 : index
        %get3A_189 = tpu.vector_load %arg7[%get3A_187, %get3A_188] {strides = array<i32>} : memref<200x128xf32, #tpu.memory_space<vmem>>, vector<16xf32>,
        %get3A_190 = arith.index_cast %scan3A_128 : i32 to index
        %get3A_191 = arith.constant 96 : index
        %get3A_192 = tpu.vector_load %arg9[%get3A_190, %get3A_191] {strides = array<i32>} : memref<200x128xf32, #tpu.memory_space<vmem>>, vector<16xf32>,
        %mul3A_193 = arith.mulf %get3A_189, %get3A_192 : vector<16xf32>
        %swap3A_194 = arith.index_cast %scan3A_128 : i32 to index
        %swap3A_195 = arith.constant 96 : index
        %swap3A_196 = tpu.vector_load %arg7[%swap3A_194, %swap3A_195] {strides = array<i32>} : memref<200x128xf32, #tpu.memory_space<vmem>>, vector<16xf32>,
        tpu.vector_store %arg7[%swap3A_194, %swap3A_195], %mul3A_193 {strides = array<i32>} : memref<200x128xf32, #tpu.memory_space<vmem>>, vector<16xf32>,
        %get3A_197 = arith.index_cast %scan3A_128 : i32 to index
        %get3A_198 = arith.constant 112 : index
        %get3A_199 = tpu.vector_load %arg7[%get3A_197, %get3A_198] {strides = array<i32>} : memref<200x128xf32, #tpu.memory_space<vmem>>, vector<16xf32>,
        %get3A_200 = arith.index_cast %scan3A_128 : i32 to index
        %get3A_201 = arith.constant 112 : index
        %get3A_202 = tpu.vector_load %arg9[%get3A_200, %get3A_201] {strides = array<i32>} : memref<200x128xf32, #tpu.memory_space<vmem>>, vector<16xf32>,
        %mul3A_203 = arith.mulf %get3A_199, %get3A_202 : vector<16xf32>
        %swap3A_204 = arith.index_cast %scan3A_128 : i32 to index
        %swap3A_205 = arith.constant 112 : index
        %swap3A_206 = tpu.vector_load %arg7[%swap3A_204, %swap3A_205] {strides = array<i32>} : memref<200x128xf32, #tpu.memory_space<vmem>>, vector<16xf32>,
        tpu.vector_store %arg7[%swap3A_204, %swap3A_205], %mul3A_203 {strides = array<i32>} : memref<200x128xf32, #tpu.memory_space<vmem>>, vector<16xf32>,
      }
      %scan3A_84 = arith.constant 200 : i32
      %mul3A_85 = arith.constant 200 : i32
      %mul3A_86 = arith.muli %add3A_68, %mul3A_85 : i32
      %add3A_87 = arith.addi %mul3A_2, %mul3A_86 : i32
      "tpu.region"() ({
        %run_scoped3A = tpu.sem_alloc : memref<!tpu.dma_semaphore, #tpu.memory_space<semaphore_mem>>
        %dma_start3A_128 = arith.constant 0 : i32
        %dma_start3A_129 = tpu.memref_slice %arg5[%add3A_87, %dma_start3A_128] : memref<320000x128xf32, #tpu.memory_space<hbm>> -> memref<200x128xf32, #tpu.memory_space<hbm>>
        %dma_start3A_130 = arith.constant 0 : i32
        %dma_start3A_131 = tpu.memref_slice %arg5[%add3A_87, %dma_start3A_130] : memref<320000x128xf32, #tpu.memory_space<hbm>> -> memref<200x128xf32, #tpu.memory_space<hbm>>
        tpu.enqueue_dma source(%arg7 : memref<200x128xf32, #tpu.memory_space<vmem>>) target(%dma_start3A_131 : memref<200x128xf32, #tpu.memory_space<hbm>>) target_semaphore(%run_scoped3A : memref<!tpu.dma_semaphore, #tpu.memory_space<semaphore_mem>>)
        %dma_wait3A_132 = arith.constant 0 : i32
        %dma_wait3A_133 = tpu.memref_slice %arg5[%add3A_87, %dma_wait3A_132] : memref<320000x128xf32, #tpu.memory_space<hbm>> -> memref<200x128xf32, #tpu.memory_space<hbm>>
        %dma_wait3A_134 = arith.constant 0 : i32
        %dma_wait3A_135 = tpu.memref_slice %arg5[%add3A_87, %dma_wait3A_134] : memref<320000x128xf32, #tpu.memory_space<hbm>> -> memref<200x128xf32, #tpu.memory_space<hbm>>
        tpu.wait_dma2 semaphore(%run_scoped3A : memref<!tpu.dma_semaphore, #tpu.memory_space<semaphore_mem>>) src(%arg7 : memref<200x128xf32, #tpu.memory_space<vmem>>) dst(%dma_wait3A_135 : memref<200x128xf32, #tpu.memory_space<hbm>>)
        tpu.yield
      }) : () -> ()
      %add3A_88 = arith.constant 2 : i32
      %add3A_89 = arith.addi %add3A_68, %add3A_88 : i32
      %lt3A_90 = arith.constant 50 : i32
      %lt3A_91 = arith.cmpi slt, %add3A_89, %lt3A_90 : i32
      %convert_element_type3A_92 = arith.extui %lt3A_91 : i1 to i32
      %cond3A_93 = arith.constant 0 : i32
      %cond3A_94 = arith.cmpi ne, %convert_element_type3A_92, %cond3A_93 : i32
      scf.if %cond3A_94 {
        %add3A_128 = arith.constant 2 : i32
        %add3A_129 = arith.addi %add3A_68, %add3A_128 : i32
        %mul3A_130 = arith.constant 200 : i32
        %mul3A_131 = arith.muli %add3A_129, %mul3A_130 : i32
        %add3A_132 = arith.addi %mul3A_2, %mul3A_131 : i32
        %dma_start3A_133 = tpu.memref_slice %arg3[%add3A_132] : memref<320000xi32, #tpu.memory_space<hbm>> -> memref<200xi32, #tpu.memory_space<hbm>>
        %dma_start3A_134 = tpu.memref_slice %arg3[%add3A_132] : memref<320000xi32, #tpu.memory_space<hbm>> -> memref<200xi32, #tpu.memory_space<hbm>>
        tpu.enqueue_dma source(%dma_start3A_134 : memref<200xi32, #tpu.memory_space<hbm>>) target(%arg11 : memref<200xi32, #tpu.memory_space<vmem>>) target_semaphore(%arg19 : memref<!tpu.dma_semaphore, #tpu.memory_space<semaphore_mem>>)
        %dma_start3A_135 = tpu.memref_slice %arg4[%add3A_132] : memref<320000xi32, #tpu.memory_space<hbm>> -> memref<200xi32, #tpu.memory_space<hbm>>
        %dma_start3A_136 = tpu.memref_slice %arg4[%add3A_132] : memref<320000xi32, #tpu.memory_space<hbm>> -> memref<200xi32, #tpu.memory_space<hbm>>
        tpu.enqueue_dma source(%dma_start3A_136 : memref<200xi32, #tpu.memory_space<hbm>>) target(%arg13 : memref<200xi32, #tpu.memory_space<vmem>>) target_semaphore(%arg19 : memref<!tpu.dma_semaphore, #tpu.memory_space<semaphore_mem>>)
      } else {
      }
      %mul3A_95 = arith.constant 2 : i32
      %mul3A_96 = arith.muli %mul3A_95, %scan3A_64 : i32
      %add3A_97 = arith.constant 2 : i32
      %add3A_98 = arith.addi %mul3A_96, %add3A_97 : i32
      %add3A_99 = arith.constant 1 : i32
      %add3A_100 = arith.addi %add3A_98, %add3A_99 : i32
      %lt3A_101 = arith.constant 50 : i32
      %lt3A_102 = arith.cmpi slt, %add3A_100, %lt3A_101 : i32
      %convert_element_type3A_103 = arith.extui %lt3A_102 : i1 to i32
      %cond3A_104 = arith.constant 0 : i32
      %cond3A_105 = arith.cmpi ne, %convert_element_type3A_103, %cond3A_104 : i32
      scf.if %cond3A_105 {
        %add3A_128 = arith.constant 1 : i32
        %add3A_129 = arith.addi %add3A_98, %add3A_128 : i32
        %mul3A_130 = arith.constant 200 : i32
        %mul3A_131 = arith.muli %add3A_129, %mul3A_130 : i32
        %add3A_132 = arith.addi %mul3A_2, %mul3A_131 : i32
        %dma_wait3A_133 = tpu.memref_slice %arg3[%add3A_132] : memref<320000xi32, #tpu.memory_space<hbm>> -> memref<200xi32, #tpu.memory_space<hbm>>
        %dma_wait3A_134 = tpu.memref_slice %arg3[%add3A_132] : memref<320000xi32, #tpu.memory_space<hbm>> -> memref<200xi32, #tpu.memory_space<hbm>>
        tpu.wait_dma2 semaphore(%arg19 : memref<!tpu.dma_semaphore, #tpu.memory_space<semaphore_mem>>) src(%dma_wait3A_134 : memref<200xi32, #tpu.memory_space<hbm>>) dst(%arg11 : memref<200xi32, #tpu.memory_space<vmem>>)
        %dma_wait3A_135 = tpu.memref_slice %arg4[%add3A_132] : memref<320000xi32, #tpu.memory_space<hbm>> -> memref<200xi32, #tpu.memory_space<hbm>>
        %dma_wait3A_136 = tpu.memref_slice %arg4[%add3A_132] : memref<320000xi32, #tpu.memory_space<hbm>> -> memref<200xi32, #tpu.memory_space<hbm>>
        tpu.wait_dma2 semaphore(%arg19 : memref<!tpu.dma_semaphore, #tpu.memory_space<semaphore_mem>>) src(%dma_wait3A_136 : memref<200xi32, #tpu.memory_space<hbm>>) dst(%arg13 : memref<200xi32, #tpu.memory_space<vmem>>)
        %add3A_137 = arith.constant 1 : i32
        %add3A_138 = arith.addi %add3A_98, %add3A_137 : i32
        %dma_start3A_139 = arith.constant 0 : i32
        %dma_start3A_140 = arith.constant 0 : i32
        %dma_start3A_141 = tpu.memref_slice %arg2[%dma_start3A_139, %dma_start3A_140] : memref<10240x128xf32, #tpu.memory_space<hbm>> -> memref<10240x128xf32, #tpu.memory_space<hbm>>
        tpu.enqueue_indirect_dma source(%dma_start3A_141 : memref<10240x128xf32, #tpu.memory_space<hbm>>) target(%arg7 : memref<200x128xf32, #tpu.memory_space<vmem>>) offsets(%arg11 : memref<200xi32, #tpu.memory_space<vmem>>) semaphore(%arg15 : memref<!tpu.dma_semaphore, #tpu.memory_space<semaphore_mem>>)
        %dma_start3A_142 = arith.constant 0 : i32
        %dma_start3A_143 = arith.constant 0 : i32
        %dma_start3A_144 = tpu.memref_slice %arg2[%dma_start3A_142, %dma_start3A_143] : memref<10240x128xf32, #tpu.memory_space<hbm>> -> memref<10240x128xf32, #tpu.memory_space<hbm>>
        tpu.enqueue_indirect_dma source(%dma_start3A_144 : memref<10240x128xf32, #tpu.memory_space<hbm>>) target(%arg9 : memref<200x128xf32, #tpu.memory_space<vmem>>) offsets(%arg13 : memref<200xi32, #tpu.memory_space<vmem>>) semaphore(%arg17 : memref<!tpu.dma_semaphore, #tpu.memory_space<semaphore_mem>>)
      } else {
      }
      %dma_wait3A_106 = arith.constant 0 : i32
      %dma_wait3A_107 = arith.constant 0 : i32
      %dma_wait3A_108 = tpu.memref_slice %arg2[%dma_wait3A_106, %dma_wait3A_107] : memref<10240x128xf32, #tpu.memory_space<hbm>> -> memref<10240x128xf32, #tpu.memory_space<hbm>>
      tpu.wait_indirect_dma semaphore(%arg14 : memref<!tpu.dma_semaphore, #tpu.memory_space<semaphore_mem>>) src(%dma_wait3A_108 : memref<10240x128xf32, #tpu.memory_space<hbm>>) dst(%arg6 : memref<200x128xf32, #tpu.memory_space<vmem>>)
      %dma_wait3A_109 = arith.constant 0 : i32
      %dma_wait3A_110 = arith.constant 0 : i32
      %dma_wait3A_111 = tpu.memref_slice %arg2[%dma_wait3A_109, %dma_wait3A_110] : memref<10240x128xf32, #tpu.memory_space<hbm>> -> memref<10240x128xf32, #tpu.memory_space<hbm>>
      tpu.wait_indirect_dma semaphore(%arg16 : memref<!tpu.dma_semaphore, #tpu.memory_space<semaphore_mem>>) src(%dma_wait3A_111 : memref<10240x128xf32, #tpu.memory_space<hbm>>) dst(%arg8 : memref<200x128xf32, #tpu.memory_space<vmem>>)
      %scan3A_112 = arith.constant 0 : i32
      %scan3A_113 = arith.constant 0 : i32
      %scan3A_114 = arith.constant 200 : i32
      %scan3A_115 = arith.addi %scan3A_113, %scan3A_114 : i32
      %scan3A_116 = arith.constant 1 : i32
      scf.for %scan3A_128 = %scan3A_113 to %scan3A_115 step %scan3A_116  : i32 {
        %get3A = arith.index_cast %scan3A_128 : i32 to index
        %get3A_129 = arith.constant 0 : index
        %get3A_130 = tpu.vector_load %arg6[%get3A, %get3A_129] {strides = array<i32>} : memref<200x128xf32, #tpu.memory_space<vmem>>, vector<16xf32>,
        %get3A_131 = arith.index_cast %scan3A_128 : i32 to index
        %get3A_132 = arith.constant 0 : index
        %get3A_133 = tpu.vector_load %arg8[%get3A_131, %get3A_132] {strides = array<i32>} : memref<200x128xf32, #tpu.memory_space<vmem>>, vector<16xf32>,
        %mul3A_134 = arith.mulf %get3A_130, %get3A_133 : vector<16xf32>
        %swap3A = arith.index_cast %scan3A_128 : i32 to index
        %swap3A_135 = arith.constant 0 : index
        %swap3A_136 = tpu.vector_load %arg6[%swap3A, %swap3A_135] {strides = array<i32>} : memref<200x128xf32, #tpu.memory_space<vmem>>, vector<16xf32>,
        tpu.vector_store %arg6[%swap3A, %swap3A_135], %mul3A_134 {strides = array<i32>} : memref<200x128xf32, #tpu.memory_space<vmem>>, vector<16xf32>,
        %get3A_137 = arith.index_cast %scan3A_128 : i32 to index
        %get3A_138 = arith.constant 16 : index
        %get3A_139 = tpu.vector_load %arg6[%get3A_137, %get3A_138] {strides = array<i32>} : memref<200x128xf32, #tpu.memory_space<vmem>>, vector<16xf32>,
        %get3A_140 = arith.index_cast %scan3A_128 : i32 to index
        %get3A_141 = arith.constant 16 : index
        %get3A_142 = tpu.vector_load %arg8[%get3A_140, %get3A_141] {strides = array<i32>} : memref<200x128xf32, #tpu.memory_space<vmem>>, vector<16xf32>,
        %mul3A_143 = arith.mulf %get3A_139, %get3A_142 : vector<16xf32>
        %swap3A_144 = arith.index_cast %scan3A_128 : i32 to index
        %swap3A_145 = arith.constant 16 : index
        %swap3A_146 = tpu.vector_load %arg6[%swap3A_144, %swap3A_145] {strides = array<i32>} : memref<200x128xf32, #tpu.memory_space<vmem>>, vector<16xf32>,
        tpu.vector_store %arg6[%swap3A_144, %swap3A_145], %mul3A_143 {strides = array<i32>} : memref<200x128xf32, #tpu.memory_space<vmem>>, vector<16xf32>,
        %get3A_147 = arith.index_cast %scan3A_128 : i32 to index
        %get3A_148 = arith.constant 32 : index
        %get3A_149 = tpu.vector_load %arg6[%get3A_147, %get3A_148] {strides = array<i32>} : memref<200x128xf32, #tpu.memory_space<vmem>>, vector<16xf32>,
        %get3A_150 = arith.index_cast %scan3A_128 : i32 to index
        %get3A_151 = arith.constant 32 : index
        %get3A_152 = tpu.vector_load %arg8[%get3A_150, %get3A_151] {strides = array<i32>} : memref<200x128xf32, #tpu.memory_space<vmem>>, vector<16xf32>,
        %mul3A_153 = arith.mulf %get3A_149, %get3A_152 : vector<16xf32>
        %swap3A_154 = arith.index_cast %scan3A_128 : i32 to index
        %swap3A_155 = arith.constant 32 : index
        %swap3A_156 = tpu.vector_load %arg6[%swap3A_154, %swap3A_155] {strides = array<i32>} : memref<200x128xf32, #tpu.memory_space<vmem>>, vector<16xf32>,
        tpu.vector_store %arg6[%swap3A_154, %swap3A_155], %mul3A_153 {strides = array<i32>} : memref<200x128xf32, #tpu.memory_space<vmem>>, vector<16xf32>,
        %get3A_157 = arith.index_cast %scan3A_128 : i32 to index
        %get3A_158 = arith.constant 48 : index
        %get3A_159 = tpu.vector_load %arg6[%get3A_157, %get3A_158] {strides = array<i32>} : memref<200x128xf32, #tpu.memory_space<vmem>>, vector<16xf32>,
        %get3A_160 = arith.index_cast %scan3A_128 : i32 to index
        %get3A_161 = arith.constant 48 : index
        %get3A_162 = tpu.vector_load %arg8[%get3A_160, %get3A_161] {strides = array<i32>} : memref<200x128xf32, #tpu.memory_space<vmem>>, vector<16xf32>,
        %mul3A_163 = arith.mulf %get3A_159, %get3A_162 : vector<16xf32>
        %swap3A_164 = arith.index_cast %scan3A_128 : i32 to index
        %swap3A_165 = arith.constant 48 : index
        %swap3A_166 = tpu.vector_load %arg6[%swap3A_164, %swap3A_165] {strides = array<i32>} : memref<200x128xf32, #tpu.memory_space<vmem>>, vector<16xf32>,
        tpu.vector_store %arg6[%swap3A_164, %swap3A_165], %mul3A_163 {strides = array<i32>} : memref<200x128xf32, #tpu.memory_space<vmem>>, vector<16xf32>,
        %get3A_167 = arith.index_cast %scan3A_128 : i32 to index
        %get3A_168 = arith.constant 64 : index
        %get3A_169 = tpu.vector_load %arg6[%get3A_167, %get3A_168] {strides = array<i32>} : memref<200x128xf32, #tpu.memory_space<vmem>>, vector<16xf32>,
        %get3A_170 = arith.index_cast %scan3A_128 : i32 to index
        %get3A_171 = arith.constant 64 : index
        %get3A_172 = tpu.vector_load %arg8[%get3A_170, %get3A_171] {strides = array<i32>} : memref<200x128xf32, #tpu.memory_space<vmem>>, vector<16xf32>,
        %mul3A_173 = arith.mulf %get3A_169, %get3A_172 : vector<16xf32>
        %swap3A_174 = arith.index_cast %scan3A_128 : i32 to index
        %swap3A_175 = arith.constant 64 : index
        %swap3A_176 = tpu.vector_load %arg6[%swap3A_174, %swap3A_175] {strides = array<i32>} : memref<200x128xf32, #tpu.memory_space<vmem>>, vector<16xf32>,
        tpu.vector_store %arg6[%swap3A_174, %swap3A_175], %mul3A_173 {strides = array<i32>} : memref<200x128xf32, #tpu.memory_space<vmem>>, vector<16xf32>,
        %get3A_177 = arith.index_cast %scan3A_128 : i32 to index
        %get3A_178 = arith.constant 80 : index
        %get3A_179 = tpu.vector_load %arg6[%get3A_177, %get3A_178] {strides = array<i32>} : memref<200x128xf32, #tpu.memory_space<vmem>>, vector<16xf32>,
        %get3A_180 = arith.index_cast %scan3A_128 : i32 to index
        %get3A_181 = arith.constant 80 : index
        %get3A_182 = tpu.vector_load %arg8[%get3A_180, %get3A_181] {strides = array<i32>} : memref<200x128xf32, #tpu.memory_space<vmem>>, vector<16xf32>,
        %mul3A_183 = arith.mulf %get3A_179, %get3A_182 : vector<16xf32>
        %swap3A_184 = arith.index_cast %scan3A_128 : i32 to index
        %swap3A_185 = arith.constant 80 : index
        %swap3A_186 = tpu.vector_load %arg6[%swap3A_184, %swap3A_185] {strides = array<i32>} : memref<200x128xf32, #tpu.memory_space<vmem>>, vector<16xf32>,
        tpu.vector_store %arg6[%swap3A_184, %swap3A_185], %mul3A_183 {strides = array<i32>} : memref<200x128xf32, #tpu.memory_space<vmem>>, vector<16xf32>,
        %get3A_187 = arith.index_cast %scan3A_128 : i32 to index
        %get3A_188 = arith.constant 96 : index
        %get3A_189 = tpu.vector_load %arg6[%get3A_187, %get3A_188] {strides = array<i32>} : memref<200x128xf32, #tpu.memory_space<vmem>>, vector<16xf32>,
        %get3A_190 = arith.index_cast %scan3A_128 : i32 to index
        %get3A_191 = arith.constant 96 : index
        %get3A_192 = tpu.vector_load %arg8[%get3A_190, %get3A_191] {strides = array<i32>} : memref<200x128xf32, #tpu.memory_space<vmem>>, vector<16xf32>,
        %mul3A_193 = arith.mulf %get3A_189, %get3A_192 : vector<16xf32>
        %swap3A_194 = arith.index_cast %scan3A_128 : i32 to index
        %swap3A_195 = arith.constant 96 : index
        %swap3A_196 = tpu.vector_load %arg6[%swap3A_194, %swap3A_195] {strides = array<i32>} : memref<200x128xf32, #tpu.memory_space<vmem>>, vector<16xf32>,
        tpu.vector_store %arg6[%swap3A_194, %swap3A_195], %mul3A_193 {strides = array<i32>} : memref<200x128xf32, #tpu.memory_space<vmem>>, vector<16xf32>,
        %get3A_197 = arith.index_cast %scan3A_128 : i32 to index
        %get3A_198 = arith.constant 112 : index
        %get3A_199 = tpu.vector_load %arg6[%get3A_197, %get3A_198] {strides = array<i32>} : memref<200x128xf32, #tpu.memory_space<vmem>>, vector<16xf32>,
        %get3A_200 = arith.index_cast %scan3A_128 : i32 to index
        %get3A_201 = arith.constant 112 : index
        %get3A_202 = tpu.vector_load %arg8[%get3A_200, %get3A_201] {strides = array<i32>} : memref<200x128xf32, #tpu.memory_space<vmem>>, vector<16xf32>,
        %mul3A_203 = arith.mulf %get3A_199, %get3A_202 : vector<16xf32>
        %swap3A_204 = arith.index_cast %scan3A_128 : i32 to index
        %swap3A_205 = arith.constant 112 : index
        %swap3A_206 = tpu.vector_load %arg6[%swap3A_204, %swap3A_205] {strides = array<i32>} : memref<200x128xf32, #tpu.memory_space<vmem>>, vector<16xf32>,
        tpu.vector_store %arg6[%swap3A_204, %swap3A_205], %mul3A_203 {strides = array<i32>} : memref<200x128xf32, #tpu.memory_space<vmem>>, vector<16xf32>,
      }
      %scan3A_117 = arith.constant 200 : i32
      %mul3A_118 = arith.constant 200 : i32
      %mul3A_119 = arith.muli %add3A_98, %mul3A_118 : i32
      %add3A_120 = arith.addi %mul3A_2, %mul3A_119 : i32
      "tpu.region"() ({
        %run_scoped3A = tpu.sem_alloc : memref<!tpu.dma_semaphore, #tpu.memory_space<semaphore_mem>>
        %dma_start3A_128 = arith.constant 0 : i32
        %dma_start3A_129 = tpu.memref_slice %arg5[%add3A_120, %dma_start3A_128] : memref<320000x128xf32, #tpu.memory_space<hbm>> -> memref<200x128xf32, #tpu.memory_space<hbm>>
        %dma_start3A_130 = arith.constant 0 : i32
        %dma_start3A_131 = tpu.memref_slice %arg5[%add3A_120, %dma_start3A_130] : memref<320000x128xf32, #tpu.memory_space<hbm>> -> memref<200x128xf32, #tpu.memory_space<hbm>>
        tpu.enqueue_dma source(%arg6 : memref<200x128xf32, #tpu.memory_space<vmem>>) target(%dma_start3A_131 : memref<200x128xf32, #tpu.memory_space<hbm>>) target_semaphore(%run_scoped3A : memref<!tpu.dma_semaphore, #tpu.memory_space<semaphore_mem>>)
        %dma_wait3A_132 = arith.constant 0 : i32
        %dma_wait3A_133 = tpu.memref_slice %arg5[%add3A_120, %dma_wait3A_132] : memref<320000x128xf32, #tpu.memory_space<hbm>> -> memref<200x128xf32, #tpu.memory_space<hbm>>
        %dma_wait3A_134 = arith.constant 0 : i32
        %dma_wait3A_135 = tpu.memref_slice %arg5[%add3A_120, %dma_wait3A_134] : memref<320000x128xf32, #tpu.memory_space<hbm>> -> memref<200x128xf32, #tpu.memory_space<hbm>>
        tpu.wait_dma2 semaphore(%run_scoped3A : memref<!tpu.dma_semaphore, #tpu.memory_space<semaphore_mem>>) src(%arg6 : memref<200x128xf32, #tpu.memory_space<vmem>>) dst(%dma_wait3A_135 : memref<200x128xf32, #tpu.memory_space<hbm>>)
        tpu.yield
      }) : () -> ()
      %add3A_121 = arith.constant 2 : i32
      %add3A_122 = arith.addi %add3A_98, %add3A_121 : i32
      %lt3A_123 = arith.constant 50 : i32
      %lt3A_124 = arith.cmpi slt, %add3A_122, %lt3A_123 : i32
      %convert_element_type3A_125 = arith.extui %lt3A_124 : i1 to i32
      %cond3A_126 = arith.constant 0 : i32
      %cond3A_127 = arith.cmpi ne, %convert_element_type3A_125, %cond3A_126 : i32
      scf.if %cond3A_127 {
        %add3A_128 = arith.constant 2 : i32
        %add3A_129 = arith.addi %add3A_98, %add3A_128 : i32
        %mul3A_130 = arith.constant 200 : i32
        %mul3A_131 = arith.muli %add3A_129, %mul3A_130 : i32
        %add3A_132 = arith.addi %mul3A_2, %mul3A_131 : i32
        %dma_start3A_133 = tpu.memref_slice %arg3[%add3A_132] : memref<320000xi32, #tpu.memory_space<hbm>> -> memref<200xi32, #tpu.memory_space<hbm>>
        %dma_start3A_134 = tpu.memref_slice %arg3[%add3A_132] : memref<320000xi32, #tpu.memory_space<hbm>> -> memref<200xi32, #tpu.memory_space<hbm>>
        tpu.enqueue_dma source(%dma_start3A_134 : memref<200xi32, #tpu.memory_space<hbm>>) target(%arg10 : memref<200xi32, #tpu.memory_space<vmem>>) target_semaphore(%arg18 : memref<!tpu.dma_semaphore, #tpu.memory_space<semaphore_mem>>)
        %dma_start3A_135 = tpu.memref_slice %arg4[%add3A_132] : memref<320000xi32, #tpu.memory_space<hbm>> -> memref<200xi32, #tpu.memory_space<hbm>>
        %dma_start3A_136 = tpu.memref_slice %arg4[%add3A_132] : memref<320000xi32, #tpu.memory_space<hbm>> -> memref<200xi32, #tpu.memory_space<hbm>>
        tpu.enqueue_dma source(%dma_start3A_136 : memref<200xi32, #tpu.memory_space<hbm>>) target(%arg12 : memref<200xi32, #tpu.memory_space<vmem>>) target_semaphore(%arg18 : memref<!tpu.dma_semaphore, #tpu.memory_space<semaphore_mem>>)
      } else {
      }
    }
    %scan3A_49 = arith.constant 24 : i32
    %dma_wait3A_50 = arith.constant 0 : i32
    %dma_wait3A_51 = arith.constant 0 : i32
    %dma_wait3A_52 = tpu.memref_slice %arg2[%dma_wait3A_50, %dma_wait3A_51] : memref<10240x128xf32, #tpu.memory_space<hbm>> -> memref<10240x128xf32, #tpu.memory_space<hbm>>
    tpu.wait_indirect_dma semaphore(%arg15 : memref<!tpu.dma_semaphore, #tpu.memory_space<semaphore_mem>>) src(%dma_wait3A_52 : memref<10240x128xf32, #tpu.memory_space<hbm>>) dst(%arg7 : memref<200x128xf32, #tpu.memory_space<vmem>>)
    %dma_wait3A_53 = arith.constant 0 : i32
    %dma_wait3A_54 = arith.constant 0 : i32
    %dma_wait3A_55 = tpu.memref_slice %arg2[%dma_wait3A_53, %dma_wait3A_54] : memref<10240x128xf32, #tpu.memory_space<hbm>> -> memref<10240x128xf32, #tpu.memory_space<hbm>>
    tpu.wait_indirect_dma semaphore(%arg17 : memref<!tpu.dma_semaphore, #tpu.memory_space<semaphore_mem>>) src(%dma_wait3A_55 : memref<10240x128xf32, #tpu.memory_space<hbm>>) dst(%arg9 : memref<200x128xf32, #tpu.memory_space<vmem>>)
    %scan3A_56 = arith.constant 0 : i32
    %scan3A_57 = arith.constant 0 : i32
    %scan3A_58 = arith.constant 200 : i32
    %scan3A_59 = arith.addi %scan3A_57, %scan3A_58 : i32
    %scan3A_60 = arith.constant 1 : i32
    scf.for %scan3A_64 = %scan3A_57 to %scan3A_59 step %scan3A_60  : i32 {
      %get3A = arith.index_cast %scan3A_64 : i32 to index
      %get3A_65 = arith.constant 0 : index
      %get3A_66 = tpu.vector_load %arg7[%get3A, %get3A_65] {strides = array<i32>} : memref<200x128xf32, #tpu.memory_space<vmem>>, vector<16xf32>,
      %get3A_67 = arith.index_cast %scan3A_64 : i32 to index
      %get3A_68 = arith.constant 0 : index
      %get3A_69 = tpu.vector_load %arg9[%get3A_67, %get3A_68] {strides = array<i32>} : memref<200x128xf32, #tpu.memory_space<vmem>>, vector<16xf32>,
      %mul3A_70 = arith.mulf %get3A_66, %get3A_69 : vector<16xf32>
      %swap3A = arith.index_cast %scan3A_64 : i32 to index
      %swap3A_71 = arith.constant 0 : index
      %swap3A_72 = tpu.vector_load %arg7[%swap3A, %swap3A_71] {strides = array<i32>} : memref<200x128xf32, #tpu.memory_space<vmem>>, vector<16xf32>,
      tpu.vector_store %arg7[%swap3A, %swap3A_71], %mul3A_70 {strides = array<i32>} : memref<200x128xf32, #tpu.memory_space<vmem>>, vector<16xf32>,
      %get3A_73 = arith.index_cast %scan3A_64 : i32 to index
      %get3A_74 = arith.constant 16 : index
      %get3A_75 = tpu.vector_load %arg7[%get3A_73, %get3A_74] {strides = array<i32>} : memref<200x128xf32, #tpu.memory_space<vmem>>, vector<16xf32>,
      %get3A_76 = arith.index_cast %scan3A_64 : i32 to index
      %get3A_77 = arith.constant 16 : index
      %get3A_78 = tpu.vector_load %arg9[%get3A_76, %get3A_77] {strides = array<i32>} : memref<200x128xf32, #tpu.memory_space<vmem>>, vector<16xf32>,
      %mul3A_79 = arith.mulf %get3A_75, %get3A_78 : vector<16xf32>
      %swap3A_80 = arith.index_cast %scan3A_64 : i32 to index
      %swap3A_81 = arith.constant 16 : index
      %swap3A_82 = tpu.vector_load %arg7[%swap3A_80, %swap3A_81] {strides = array<i32>} : memref<200x128xf32, #tpu.memory_space<vmem>>, vector<16xf32>,
      tpu.vector_store %arg7[%swap3A_80, %swap3A_81], %mul3A_79 {strides = array<i32>} : memref<200x128xf32, #tpu.memory_space<vmem>>, vector<16xf32>,
      %get3A_83 = arith.index_cast %scan3A_64 : i32 to index
      %get3A_84 = arith.constant 32 : index
      %get3A_85 = tpu.vector_load %arg7[%get3A_83, %get3A_84] {strides = array<i32>} : memref<200x128xf32, #tpu.memory_space<vmem>>, vector<16xf32>,
      %get3A_86 = arith.index_cast %scan3A_64 : i32 to index
      %get3A_87 = arith.constant 32 : index
      %get3A_88 = tpu.vector_load %arg9[%get3A_86, %get3A_87] {strides = array<i32>} : memref<200x128xf32, #tpu.memory_space<vmem>>, vector<16xf32>,
      %mul3A_89 = arith.mulf %get3A_85, %get3A_88 : vector<16xf32>
      %swap3A_90 = arith.index_cast %scan3A_64 : i32 to index
      %swap3A_91 = arith.constant 32 : index
      %swap3A_92 = tpu.vector_load %arg7[%swap3A_90, %swap3A_91] {strides = array<i32>} : memref<200x128xf32, #tpu.memory_space<vmem>>, vector<16xf32>,
      tpu.vector_store %arg7[%swap3A_90, %swap3A_91], %mul3A_89 {strides = array<i32>} : memref<200x128xf32, #tpu.memory_space<vmem>>, vector<16xf32>,
      %get3A_93 = arith.index_cast %scan3A_64 : i32 to index
      %get3A_94 = arith.constant 48 : index
      %get3A_95 = tpu.vector_load %arg7[%get3A_93, %get3A_94] {strides = array<i32>} : memref<200x128xf32, #tpu.memory_space<vmem>>, vector<16xf32>,
      %get3A_96 = arith.index_cast %scan3A_64 : i32 to index
      %get3A_97 = arith.constant 48 : index
      %get3A_98 = tpu.vector_load %arg9[%get3A_96, %get3A_97] {strides = array<i32>} : memref<200x128xf32, #tpu.memory_space<vmem>>, vector<16xf32>,
      %mul3A_99 = arith.mulf %get3A_95, %get3A_98 : vector<16xf32>
      %swap3A_100 = arith.index_cast %scan3A_64 : i32 to index
      %swap3A_101 = arith.constant 48 : index
      %swap3A_102 = tpu.vector_load %arg7[%swap3A_100, %swap3A_101] {strides = array<i32>} : memref<200x128xf32, #tpu.memory_space<vmem>>, vector<16xf32>,
      tpu.vector_store %arg7[%swap3A_100, %swap3A_101], %mul3A_99 {strides = array<i32>} : memref<200x128xf32, #tpu.memory_space<vmem>>, vector<16xf32>,
      %get3A_103 = arith.index_cast %scan3A_64 : i32 to index
      %get3A_104 = arith.constant 64 : index
      %get3A_105 = tpu.vector_load %arg7[%get3A_103, %get3A_104] {strides = array<i32>} : memref<200x128xf32, #tpu.memory_space<vmem>>, vector<16xf32>,
      %get3A_106 = arith.index_cast %scan3A_64 : i32 to index
      %get3A_107 = arith.constant 64 : index
      %get3A_108 = tpu.vector_load %arg9[%get3A_106, %get3A_107] {strides = array<i32>} : memref<200x128xf32, #tpu.memory_space<vmem>>, vector<16xf32>,
      %mul3A_109 = arith.mulf %get3A_105, %get3A_108 : vector<16xf32>
      %swap3A_110 = arith.index_cast %scan3A_64 : i32 to index
      %swap3A_111 = arith.constant 64 : index
      %swap3A_112 = tpu.vector_load %arg7[%swap3A_110, %swap3A_111] {strides = array<i32>} : memref<200x128xf32, #tpu.memory_space<vmem>>, vector<16xf32>,
      tpu.vector_store %arg7[%swap3A_110, %swap3A_111], %mul3A_109 {strides = array<i32>} : memref<200x128xf32, #tpu.memory_space<vmem>>, vector<16xf32>,
      %get3A_113 = arith.index_cast %scan3A_64 : i32 to index
      %get3A_114 = arith.constant 80 : index
      %get3A_115 = tpu.vector_load %arg7[%get3A_113, %get3A_114] {strides = array<i32>} : memref<200x128xf32, #tpu.memory_space<vmem>>, vector<16xf32>,
      %get3A_116 = arith.index_cast %scan3A_64 : i32 to index
      %get3A_117 = arith.constant 80 : index
      %get3A_118 = tpu.vector_load %arg9[%get3A_116, %get3A_117] {strides = array<i32>} : memref<200x128xf32, #tpu.memory_space<vmem>>, vector<16xf32>,
      %mul3A_119 = arith.mulf %get3A_115, %get3A_118 : vector<16xf32>
      %swap3A_120 = arith.index_cast %scan3A_64 : i32 to index
      %swap3A_121 = arith.constant 80 : index
      %swap3A_122 = tpu.vector_load %arg7[%swap3A_120, %swap3A_121] {strides = array<i32>} : memref<200x128xf32, #tpu.memory_space<vmem>>, vector<16xf32>,
      tpu.vector_store %arg7[%swap3A_120, %swap3A_121], %mul3A_119 {strides = array<i32>} : memref<200x128xf32, #tpu.memory_space<vmem>>, vector<16xf32>,
      %get3A_123 = arith.index_cast %scan3A_64 : i32 to index
      %get3A_124 = arith.constant 96 : index
      %get3A_125 = tpu.vector_load %arg7[%get3A_123, %get3A_124] {strides = array<i32>} : memref<200x128xf32, #tpu.memory_space<vmem>>, vector<16xf32>,
      %get3A_126 = arith.index_cast %scan3A_64 : i32 to index
      %get3A_127 = arith.constant 96 : index
      %get3A_128 = tpu.vector_load %arg9[%get3A_126, %get3A_127] {strides = array<i32>} : memref<200x128xf32, #tpu.memory_space<vmem>>, vector<16xf32>,
      %mul3A_129 = arith.mulf %get3A_125, %get3A_128 : vector<16xf32>
      %swap3A_130 = arith.index_cast %scan3A_64 : i32 to index
      %swap3A_131 = arith.constant 96 : index
      %swap3A_132 = tpu.vector_load %arg7[%swap3A_130, %swap3A_131] {strides = array<i32>} : memref<200x128xf32, #tpu.memory_space<vmem>>, vector<16xf32>,
      tpu.vector_store %arg7[%swap3A_130, %swap3A_131], %mul3A_129 {strides = array<i32>} : memref<200x128xf32, #tpu.memory_space<vmem>>, vector<16xf32>,
      %get3A_133 = arith.index_cast %scan3A_64 : i32 to index
      %get3A_134 = arith.constant 112 : index
      %get3A_135 = tpu.vector_load %arg7[%get3A_133, %get3A_134] {strides = array<i32>} : memref<200x128xf32, #tpu.memory_space<vmem>>, vector<16xf32>,
      %get3A_136 = arith.index_cast %scan3A_64 : i32 to index
      %get3A_137 = arith.constant 112 : index
      %get3A_138 = tpu.vector_load %arg9[%get3A_136, %get3A_137] {strides = array<i32>} : memref<200x128xf32, #tpu.memory_space<vmem>>, vector<16xf32>,
      %mul3A_139 = arith.mulf %get3A_135, %get3A_138 : vector<16xf32>
      %swap3A_140 = arith.index_cast %scan3A_64 : i32 to index
      %swap3A_141 = arith.constant 112 : index
      %swap3A_142 = tpu.vector_load %arg7[%swap3A_140, %swap3A_141] {strides = array<i32>} : memref<200x128xf32, #tpu.memory_space<vmem>>, vector<16xf32>,
      tpu.vector_store %arg7[%swap3A_140, %swap3A_141], %mul3A_139 {strides = array<i32>} : memref<200x128xf32, #tpu.memory_space<vmem>>, vector<16xf32>,
    }
    %scan3A_61 = arith.constant 200 : i32
    %add3A_62 = arith.constant 9800 : i32
    %add3A_63 = arith.addi %mul3A_2, %add3A_62 : i32
    "tpu.region"() ({
      %run_scoped3A = tpu.sem_alloc : memref<!tpu.dma_semaphore, #tpu.memory_space<semaphore_mem>>
      %dma_start3A_64 = arith.constant 0 : i32
      %dma_start3A_65 = tpu.memref_slice %arg5[%add3A_63, %dma_start3A_64] : memref<320000x128xf32, #tpu.memory_space<hbm>> -> memref<200x128xf32, #tpu.memory_space<hbm>>
      %dma_start3A_66 = arith.constant 0 : i32
      %dma_start3A_67 = tpu.memref_slice %arg5[%add3A_63, %dma_start3A_66] : memref<320000x128xf32, #tpu.memory_space<hbm>> -> memref<200x128xf32, #tpu.memory_space<hbm>>
      tpu.enqueue_dma source(%arg7 : memref<200x128xf32, #tpu.memory_space<vmem>>) target(%dma_start3A_67 : memref<200x128xf32, #tpu.memory_space<hbm>>) target_semaphore(%run_scoped3A : memref<!tpu.dma_semaphore, #tpu.memory_space<semaphore_mem>>)
      %dma_wait3A_68 = arith.constant 0 : i32
      %dma_wait3A_69 = tpu.memref_slice %arg5[%add3A_63, %dma_wait3A_68] : memref<320000x128xf32, #tpu.memory_space<hbm>> -> memref<200x128xf32, #tpu.memory_space<hbm>>
      %dma_wait3A_70 = arith.constant 0 : i32
      %dma_wait3A_71 = tpu.memref_slice %arg5[%add3A_63, %dma_wait3A_70] : memref<320000x128xf32, #tpu.memory_space<hbm>> -> memref<200x128xf32, #tpu.memory_space<hbm>>
      tpu.wait_dma2 semaphore(%run_scoped3A : memref<!tpu.dma_semaphore, #tpu.memory_space<semaphore_mem>>) src(%arg7 : memref<200x128xf32, #tpu.memory_space<vmem>>) dst(%dma_wait3A_71 : memref<200x128xf32, #tpu.memory_space<hbm>>)
      tpu.yield
    }) : () -> ()
    return
  }
}

#map = affine_map<(d0, d1) -> (0)>
#map1 = affine_map<(d0, d1) -> (0, 0)>
module attributes {stable_mosaic.version = 14 : i64} {
  func.func @_score_body(%arg0: i32, %arg1: i32, %arg2: memref<320000xf32, #tpu.memory_space<hbm>>, %arg3: memref<320000xf32, #tpu.memory_space<hbm>>, %arg4: memref<320000xf32, #tpu.memory_space<hbm>>, %arg5: memref<320000xf32, #tpu.memory_space<hbm>>, %arg6: memref<320000xi32, #tpu.memory_space<hbm>>, %arg7: memref<32x40960xf32, #tpu.memory_space<hbm>>, %arg8: memref<40960xf32, #tpu.memory_space<vmem>>, %arg9: memref<400xf32, #tpu.memory_space<vmem>>, %arg10: memref<400xf32, #tpu.memory_space<vmem>>, %arg11: memref<400xf32, #tpu.memory_space<vmem>>, %arg12: memref<400xf32, #tpu.memory_space<vmem>>, %arg13: memref<400xi32, #tpu.memory_space<vmem>>) attributes {dimension_semantics = [#tpu.dimension_semantics<core_parallel>, #tpu.dimension_semantics<subcore_parallel>], iteration_bounds = array<i64: 2, 16>, scalar_prefetch = 0 : i64, scratch_operands = 6 : i64, tpu.core_type = #tpu.core_type<sc_vector_subcore>, window_params = [{transform_indices = #map}, {transform_indices = #map}, {transform_indices = #map}, {transform_indices = #map}, {transform_indices = #map}, {transform_indices = #map1}]} {
    %mul3A = arith.constant 2 : i32
    %mul3A_0 = arith.muli %arg1, %mul3A : i32
    %add3A = arith.addi %mul3A_0, %arg0 : i32
    %scan3A = arith.constant 0 : i32
    %scan3A_1 = arith.constant 0 : i32
    %scan3A_2 = arith.constant 2560 : i32
    %scan3A_3 = arith.addi %scan3A_1, %scan3A_2 : i32
    %scan3A_4 = arith.constant 1 : i32
    scf.for %scan3A_12 = %scan3A_1 to %scan3A_3 step %scan3A_4  : i32 {
      %broadcast_in_dim3A = arith.constant 0.000000e+00 : f32
      %broadcast_in_dim3A_13 = vector.broadcast %broadcast_in_dim3A : f32 to vector<16xf32>
      %mul3A_14 = arith.constant 16 : i32
      %mul3A_15 = arith.muli %scan3A_12, %mul3A_14 : i32
      %swap3A = arith.index_cast %mul3A_15 : i32 to index
      %swap3A_16 = tpu.vector_load %arg8[%swap3A] {strides = array<i32>} : memref<40960xf32, #tpu.memory_space<vmem>>, vector<16xf32>,
      tpu.vector_store %arg8[%swap3A], %broadcast_in_dim3A_13 {strides = array<i32>} : memref<40960xf32, #tpu.memory_space<vmem>>, vector<16xf32>,
    }
    %scan3A_5 = arith.constant 2560 : i32
    %scan3A_6 = arith.constant 0 : i32
    %scan3A_7 = arith.constant 0 : i32
    %scan3A_8 = arith.constant 25 : i32
    %scan3A_9 = arith.addi %scan3A_7, %scan3A_8 : i32
    %scan3A_10 = arith.constant 1 : i32
    scf.for %scan3A_12 = %scan3A_7 to %scan3A_9 step %scan3A_10  : i32 {
      %mul3A_13 = arith.constant 10000 : i32
      %mul3A_14 = arith.muli %add3A, %mul3A_13 : i32
      %mul3A_15 = arith.constant 400 : i32
      %mul3A_16 = arith.muli %scan3A_12, %mul3A_15 : i32
      %add3A_17 = arith.addi %mul3A_14, %mul3A_16 : i32
      "tpu.region"() ({
        %run_scoped3A = tpu.sem_alloc : memref<!tpu.dma_semaphore, #tpu.memory_space<semaphore_mem>>
        %dma_start3A = tpu.memref_slice %arg2[%add3A_17] : memref<320000xf32, #tpu.memory_space<hbm>> -> memref<400xf32, #tpu.memory_space<hbm>>
        %dma_start3A_24 = tpu.memref_slice %arg2[%add3A_17] : memref<320000xf32, #tpu.memory_space<hbm>> -> memref<400xf32, #tpu.memory_space<hbm>>
        tpu.enqueue_dma source(%dma_start3A_24 : memref<400xf32, #tpu.memory_space<hbm>>) target(%arg9 : memref<400xf32, #tpu.memory_space<vmem>>) target_semaphore(%run_scoped3A : memref<!tpu.dma_semaphore, #tpu.memory_space<semaphore_mem>>)
        %dma_wait3A = tpu.memref_slice %arg2[%add3A_17] : memref<320000xf32, #tpu.memory_space<hbm>> -> memref<400xf32, #tpu.memory_space<hbm>>
        %dma_wait3A_25 = tpu.memref_slice %arg2[%add3A_17] : memref<320000xf32, #tpu.memory_space<hbm>> -> memref<400xf32, #tpu.memory_space<hbm>>
        tpu.wait_dma2 semaphore(%run_scoped3A : memref<!tpu.dma_semaphore, #tpu.memory_space<semaphore_mem>>) src(%dma_wait3A_25 : memref<400xf32, #tpu.memory_space<hbm>>) dst(%arg9 : memref<400xf32, #tpu.memory_space<vmem>>)
        tpu.yield
      }) : () -> ()
      "tpu.region"() ({
        %run_scoped3A = tpu.sem_alloc : memref<!tpu.dma_semaphore, #tpu.memory_space<semaphore_mem>>
        %dma_start3A = tpu.memref_slice %arg3[%add3A_17] : memref<320000xf32, #tpu.memory_space<hbm>> -> memref<400xf32, #tpu.memory_space<hbm>>
        %dma_start3A_24 = tpu.memref_slice %arg3[%add3A_17] : memref<320000xf32, #tpu.memory_space<hbm>> -> memref<400xf32, #tpu.memory_space<hbm>>
        tpu.enqueue_dma source(%dma_start3A_24 : memref<400xf32, #tpu.memory_space<hbm>>) target(%arg10 : memref<400xf32, #tpu.memory_space<vmem>>) target_semaphore(%run_scoped3A : memref<!tpu.dma_semaphore, #tpu.memory_space<semaphore_mem>>)
        %dma_wait3A = tpu.memref_slice %arg3[%add3A_17] : memref<320000xf32, #tpu.memory_space<hbm>> -> memref<400xf32, #tpu.memory_space<hbm>>
        %dma_wait3A_25 = tpu.memref_slice %arg3[%add3A_17] : memref<320000xf32, #tpu.memory_space<hbm>> -> memref<400xf32, #tpu.memory_space<hbm>>
        tpu.wait_dma2 semaphore(%run_scoped3A : memref<!tpu.dma_semaphore, #tpu.memory_space<semaphore_mem>>) src(%dma_wait3A_25 : memref<400xf32, #tpu.memory_space<hbm>>) dst(%arg10 : memref<400xf32, #tpu.memory_space<vmem>>)
        tpu.yield
      }) : () -> ()
      "tpu.region"() ({
        %run_scoped3A = tpu.sem_alloc : memref<!tpu.dma_semaphore, #tpu.memory_space<semaphore_mem>>
        %dma_start3A = tpu.memref_slice %arg4[%add3A_17] : memref<320000xf32, #tpu.memory_space<hbm>> -> memref<400xf32, #tpu.memory_space<hbm>>
        %dma_start3A_24 = tpu.memref_slice %arg4[%add3A_17] : memref<320000xf32, #tpu.memory_space<hbm>> -> memref<400xf32, #tpu.memory_space<hbm>>
        tpu.enqueue_dma source(%dma_start3A_24 : memref<400xf32, #tpu.memory_space<hbm>>) target(%arg11 : memref<400xf32, #tpu.memory_space<vmem>>) target_semaphore(%run_scoped3A : memref<!tpu.dma_semaphore, #tpu.memory_space<semaphore_mem>>)
        %dma_wait3A = tpu.memref_slice %arg4[%add3A_17] : memref<320000xf32, #tpu.memory_space<hbm>> -> memref<400xf32, #tpu.memory_space<hbm>>
        %dma_wait3A_25 = tpu.memref_slice %arg4[%add3A_17] : memref<320000xf32, #tpu.memory_space<hbm>> -> memref<400xf32, #tpu.memory_space<hbm>>
        tpu.wait_dma2 semaphore(%run_scoped3A : memref<!tpu.dma_semaphore, #tpu.memory_space<semaphore_mem>>) src(%dma_wait3A_25 : memref<400xf32, #tpu.memory_space<hbm>>) dst(%arg11 : memref<400xf32, #tpu.memory_space<vmem>>)
        tpu.yield
      }) : () -> ()
      "tpu.region"() ({
        %run_scoped3A = tpu.sem_alloc : memref<!tpu.dma_semaphore, #tpu.memory_space<semaphore_mem>>
        %dma_start3A = tpu.memref_slice %arg5[%add3A_17] : memref<320000xf32, #tpu.memory_space<hbm>> -> memref<400xf32, #tpu.memory_space<hbm>>
        %dma_start3A_24 = tpu.memref_slice %arg5[%add3A_17] : memref<320000xf32, #tpu.memory_space<hbm>> -> memref<400xf32, #tpu.memory_space<hbm>>
        tpu.enqueue_dma source(%dma_start3A_24 : memref<400xf32, #tpu.memory_space<hbm>>) target(%arg12 : memref<400xf32, #tpu.memory_space<vmem>>) target_semaphore(%run_scoped3A : memref<!tpu.dma_semaphore, #tpu.memory_space<semaphore_mem>>)
        %dma_wait3A = tpu.memref_slice %arg5[%add3A_17] : memref<320000xf32, #tpu.memory_space<hbm>> -> memref<400xf32, #tpu.memory_space<hbm>>
        %dma_wait3A_25 = tpu.memref_slice %arg5[%add3A_17] : memref<320000xf32, #tpu.memory_space<hbm>> -> memref<400xf32, #tpu.memory_space<hbm>>
        tpu.wait_dma2 semaphore(%run_scoped3A : memref<!tpu.dma_semaphore, #tpu.memory_space<semaphore_mem>>) src(%dma_wait3A_25 : memref<400xf32, #tpu.memory_space<hbm>>) dst(%arg12 : memref<400xf32, #tpu.memory_space<vmem>>)
        tpu.yield
      }) : () -> ()
      "tpu.region"() ({
        %run_scoped3A = tpu.sem_alloc : memref<!tpu.dma_semaphore, #tpu.memory_space<semaphore_mem>>
        %dma_start3A = tpu.memref_slice %arg6[%add3A_17] : memref<320000xi32, #tpu.memory_space<hbm>> -> memref<400xi32, #tpu.memory_space<hbm>>
        %dma_start3A_24 = tpu.memref_slice %arg6[%add3A_17] : memref<320000xi32, #tpu.memory_space<hbm>> -> memref<400xi32, #tpu.memory_space<hbm>>
        tpu.enqueue_dma source(%dma_start3A_24 : memref<400xi32, #tpu.memory_space<hbm>>) target(%arg13 : memref<400xi32, #tpu.memory_space<vmem>>) target_semaphore(%run_scoped3A : memref<!tpu.dma_semaphore, #tpu.memory_space<semaphore_mem>>)
        %dma_wait3A = tpu.memref_slice %arg6[%add3A_17] : memref<320000xi32, #tpu.memory_space<hbm>> -> memref<400xi32, #tpu.memory_space<hbm>>
        %dma_wait3A_25 = tpu.memref_slice %arg6[%add3A_17] : memref<320000xi32, #tpu.memory_space<hbm>> -> memref<400xi32, #tpu.memory_space<hbm>>
        tpu.wait_dma2 semaphore(%run_scoped3A : memref<!tpu.dma_semaphore, #tpu.memory_space<semaphore_mem>>) src(%dma_wait3A_25 : memref<400xi32, #tpu.memory_space<hbm>>) dst(%arg13 : memref<400xi32, #tpu.memory_space<vmem>>)
        tpu.yield
      }) : () -> ()
      %scan3A_18 = arith.constant 0 : i32
      %scan3A_19 = arith.constant 0 : i32
      %scan3A_20 = arith.constant 25 : i32
      %scan3A_21 = arith.addi %scan3A_19, %scan3A_20 : i32
      %scan3A_22 = arith.constant 1 : i32
      scf.for %scan3A_24 = %scan3A_19 to %scan3A_21 step %scan3A_22  : i32 {
        %mul3A_25 = arith.constant 16 : i32
        %mul3A_26 = arith.muli %scan3A_24, %mul3A_25 : i32
        %get3A = arith.index_cast %mul3A_26 : i32 to index
        %get3A_27 = tpu.vector_load %arg9[%get3A] {strides = array<i32>} : memref<400xf32, #tpu.memory_space<vmem>>, vector<16xf32>,
        %get3A_28 = arith.index_cast %mul3A_26 : i32 to index
        %get3A_29 = tpu.vector_load %arg13[%get3A_28] {strides = array<i32>} : memref<400xi32, #tpu.memory_space<vmem>>, vector<16xi32>,
        %mul3A_30 = arith.constant 4 : i32
        %mul3A_31 = vector.broadcast %mul3A_30 : i32 to vector<16xi32>
        %mul3A_32 = arith.muli %get3A_29, %mul3A_31 : vector<16xi32>
        %get3A_33 = arith.index_cast %mul3A_26 : i32 to index
        %get3A_34 = tpu.vector_load %arg10[%get3A_33] {strides = array<i32>} : memref<400xf32, #tpu.memory_space<vmem>>, vector<16xf32>,
        %mul3A_35 = arith.mulf %get3A_27, %get3A_34 : vector<16xf32>
        tpu.vector_store_idx %arg8[%mul3A_32], %mul3A_35 {add = true} : memref<40960xf32, #tpu.memory_space<vmem>>[vector<16xi32>], vector<16xf32>,
        %add3A_36 = arith.constant 1 : i32
        %add3A_37 = vector.broadcast %add3A_36 : i32 to vector<16xi32>
        %add3A_38 = arith.addi %mul3A_32, %add3A_37 : vector<16xi32>
        %get3A_39 = arith.index_cast %mul3A_26 : i32 to index
        %get3A_40 = tpu.vector_load %arg11[%get3A_39] {strides = array<i32>} : memref<400xf32, #tpu.memory_space<vmem>>, vector<16xf32>,
        %mul3A_41 = arith.mulf %get3A_27, %get3A_40 : vector<16xf32>
        tpu.vector_store_idx %arg8[%add3A_38], %mul3A_41 {add = true} : memref<40960xf32, #tpu.memory_space<vmem>>[vector<16xi32>], vector<16xf32>,
        %add3A_42 = arith.constant 2 : i32
        %add3A_43 = vector.broadcast %add3A_42 : i32 to vector<16xi32>
        %add3A_44 = arith.addi %mul3A_32, %add3A_43 : vector<16xi32>
        %get3A_45 = arith.index_cast %mul3A_26 : i32 to index
        %get3A_46 = tpu.vector_load %arg12[%get3A_45] {strides = array<i32>} : memref<400xf32, #tpu.memory_space<vmem>>, vector<16xf32>,
        %mul3A_47 = arith.mulf %get3A_27, %get3A_46 : vector<16xf32>
        tpu.vector_store_idx %arg8[%add3A_44], %mul3A_47 {add = true} : memref<40960xf32, #tpu.memory_space<vmem>>[vector<16xi32>], vector<16xf32>,
      }
      %scan3A_23 = arith.constant 25 : i32
    }
    %scan3A_11 = arith.constant 25 : i32
    "tpu.region"() ({
      %run_scoped3A = tpu.sem_alloc : memref<!tpu.dma_semaphore, #tpu.memory_space<semaphore_mem>>
      %dma_start3A = arith.constant 0 : i32
      %dma_start3A_12 = tpu.memref_slice %arg7[%add3A, %dma_start3A] : memref<32x40960xf32, #tpu.memory_space<hbm>> -> memref<1x40960xf32, #tpu.memory_space<hbm>>
      %dma_start3A_13 = tpu.memref_squeeze %dma_start3A_12 : memref<1x40960xf32, #tpu.memory_space<hbm>> -> memref<40960xf32, #tpu.memory_space<hbm>>
      %dma_start3A_14 = arith.constant 0 : i32
      %dma_start3A_15 = tpu.memref_slice %arg7[%add3A, %dma_start3A_14] : memref<32x40960xf32, #tpu.memory_space<hbm>> -> memref<1x40960xf32, #tpu.memory_space<hbm>>
      %dma_start3A_16 = tpu.memref_squeeze %dma_start3A_15 : memref<1x40960xf32, #tpu.memory_space<hbm>> -> memref<40960xf32, #tpu.memory_space<hbm>>
      tpu.enqueue_dma source(%arg8 : memref<40960xf32, #tpu.memory_space<vmem>>) target(%dma_start3A_16 : memref<40960xf32, #tpu.memory_space<hbm>>) target_semaphore(%run_scoped3A : memref<!tpu.dma_semaphore, #tpu.memory_space<semaphore_mem>>)
      %dma_wait3A = arith.constant 0 : i32
      %dma_wait3A_17 = tpu.memref_slice %arg7[%add3A, %dma_wait3A] : memref<32x40960xf32, #tpu.memory_space<hbm>> -> memref<1x40960xf32, #tpu.memory_space<hbm>>
      %dma_wait3A_18 = tpu.memref_squeeze %dma_wait3A_17 : memref<1x40960xf32, #tpu.memory_space<hbm>> -> memref<40960xf32, #tpu.memory_space<hbm>>
      %dma_wait3A_19 = arith.constant 0 : i32
      %dma_wait3A_20 = tpu.memref_slice %arg7[%add3A, %dma_wait3A_19] : memref<32x40960xf32, #tpu.memory_space<hbm>> -> memref<1x40960xf32, #tpu.memory_space<hbm>>
      %dma_wait3A_21 = tpu.memref_squeeze %dma_wait3A_20 : memref<1x40960xf32, #tpu.memory_space<hbm>> -> memref<40960xf32, #tpu.memory_space<hbm>>
      tpu.wait_dma2 semaphore(%run_scoped3A : memref<!tpu.dma_semaphore, #tpu.memory_space<semaphore_mem>>) src(%arg8 : memref<40960xf32, #tpu.memory_space<vmem>>) dst(%dma_wait3A_21 : memref<40960xf32, #tpu.memory_space<hbm>>)
      tpu.yield
    }) : () -> ()
    return
  }
}

module attributes {stable_mosaic.version = 14 : i64} {
  func.func @_node0_body(%arg0: i32, %arg1: memref<1x1x1024xi32, #tpu.memory_space<vmem>>, %arg2: memref<1x1x1024xi32, #tpu.memory_space<vmem>>, %arg3: memref<1024x16xf32, #tpu.memory_space<vmem>>, %arg4: memref<1024x16xf32, #tpu.memory_space<vmem>>, %arg5: memref<128x1xf32, #tpu.memory_space<vmem>>, %arg6: memref<100x64xf32, #tpu.memory_space<vmem>>, %arg7: memref<16x64xf32, #tpu.memory_space<vmem>>, %arg8: memref<1x128xf32, #tpu.memory_space<vmem>>, %arg9: memref<128x128xf32, #tpu.memory_space<vmem>>, %arg10: memref<1024x128xf32, #tpu.memory_space<vmem>>, %arg11: memref<1024x128xf32, #tpu.memory_space<vmem>>) attributes {dimension_semantics = [#tpu.dimension_semantics<arbitrary>], iteration_bounds = array<i64: 10>, scalar_prefetch = 0 : i64, scratch_operands = 0 : i64, tpu.core_type = #tpu.core_type<tc>, window_params = [{transform_indices = @transform_0, window_bounds = array<i64: 1, 1, 1024>}, {transform_indices = @transform_1, window_bounds = array<i64: 1, 1, 1024>}, {transform_indices = @transform_2, window_bounds = array<i64: 1024, 16>}, {transform_indices = @transform_3, window_bounds = array<i64: 1024, 16>}, {pipeline_mode = #tpu.pipeline_mode<synchronous>, transform_indices = @transform_4, window_bounds = array<i64: 128, 1>}, {pipeline_mode = #tpu.pipeline_mode<synchronous>, transform_indices = @transform_5, window_bounds = array<i64: 100, 64>}, {pipeline_mode = #tpu.pipeline_mode<synchronous>, transform_indices = @transform_6, window_bounds = array<i64: 16, 64>}, {pipeline_mode = #tpu.pipeline_mode<synchronous>, transform_indices = @transform_7, window_bounds = array<i64: 1, 128>}, {pipeline_mode = #tpu.pipeline_mode<synchronous>, transform_indices = @transform_8, window_bounds = array<i64: 128, 128>}, {transform_indices = @transform_9, window_bounds = array<i64: 1024, 128>}, {transform_indices = @transform_10, window_bounds = array<i64: 1024, 128>}]} {
    %get3A = arith.constant 0 : index
    %get3A_0 = arith.constant 0 : index
    %get3A_1 = arith.constant 0 : index
    %get3A_2 = vector.load %arg1[%get3A, %get3A_0, %get3A_1] : memref<1x1x1024xi32, #tpu.memory_space<vmem>>, vector<1x1x1024xi32>
    %get3A_3 = vector.shape_cast %get3A_2 : vector<1x1x1024xi32> to vector<1024xi32>
    %broadcast_in_dim3A = vector.shape_cast %get3A_3 : vector<1024xi32> to vector<1024x1xi32>
    %iota3A = tpu.iota {dimensions = array<i32: 1>} : vector<1x100xi32>
    %eq3A = vector.broadcast %broadcast_in_dim3A : vector<1024x1xi32> to vector<1024x100xi32>
    %eq3A_4 = vector.broadcast %iota3A : vector<1x100xi32> to vector<1024x100xi32>
    %eq3A_5 = arith.cmpi eq, %eq3A, %eq3A_4 : vector<1024x100xi32>
    %convert_element_type3A = arith.extui %eq3A_5 : vector<1024x100xi1> to vector<1024x100xi32>
    %convert_element_type3A_6 = arith.sitofp %convert_element_type3A : vector<1024x100xi32> to vector<1024x100xf32>
    %get3A_7 = arith.constant 0 : index
    %get3A_8 = arith.constant 0 : index
    %get3A_9 = vector.load %arg6[%get3A_7, %get3A_8] : memref<100x64xf32, #tpu.memory_space<vmem>>, vector<100x64xf32>
    %convert_element_type3A_10 = arith.truncf %convert_element_type3A_6 : vector<1024x100xf32> to vector<1024x100xbf16>
    %convert_element_type3A_11 = arith.truncf %get3A_9 : vector<100x64xf32> to vector<100x64xbf16>
    %dot_general3A = arith.constant dense<0.000000e+00> : vector<1024x64xf32>
    %dot_general3A_12 = tpu.matmul %convert_element_type3A_10, %convert_element_type3A_11, %dot_general3A {dimension_numbers = #tpu.dot_dimension_numbers<[1], [0], [0], [1], [0, 0, 1, 1], [], []>, transpose_lhs_hint = false} : vector<1024x100xbf16>, vector<100x64xbf16>, vector<1024x64xf32> -> vector<1024x64xf32>
    %get3A_13 = arith.constant 0 : index
    %get3A_14 = arith.constant 0 : index
    %get3A_15 = vector.load %arg3[%get3A_13, %get3A_14] : memref<1024x16xf32, #tpu.memory_space<vmem>>, vector<1024x16xf32>
    %get3A_16 = arith.constant 0 : index
    %get3A_17 = arith.constant 0 : index
    %get3A_18 = vector.load %arg7[%get3A_16, %get3A_17] : memref<16x64xf32, #tpu.memory_space<vmem>>, vector<16x64xf32>
    %convert_element_type3A_19 = arith.truncf %get3A_15 : vector<1024x16xf32> to vector<1024x16xbf16>
    %convert_element_type3A_20 = arith.truncf %get3A_18 : vector<16x64xf32> to vector<16x64xbf16>
    %dot_general3A_21 = arith.constant dense<0.000000e+00> : vector<1024x64xf32>
    %dot_general3A_22 = tpu.matmul %convert_element_type3A_19, %convert_element_type3A_20, %dot_general3A_21 {dimension_numbers = #tpu.dot_dimension_numbers<[1], [0], [0], [1], [0, 0, 1, 1], [], []>, transpose_lhs_hint = false} : vector<1024x16xbf16>, vector<16x64xbf16>, vector<1024x64xf32> -> vector<1024x64xf32>
    %get3A_23 = arith.constant 0 : index
    %get3A_24 = arith.constant 0 : index
    %get3A_25 = vector.load %arg4[%get3A_23, %get3A_24] : memref<1024x16xf32, #tpu.memory_space<vmem>>, vector<1024x16xf32>
    %get3A_26 = arith.constant 0 : index
    %get3A_27 = arith.constant 0 : index
    %get3A_28 = vector.load %arg7[%get3A_26, %get3A_27] : memref<16x64xf32, #tpu.memory_space<vmem>>, vector<16x64xf32>
    %convert_element_type3A_29 = arith.truncf %get3A_25 : vector<1024x16xf32> to vector<1024x16xbf16>
    %convert_element_type3A_30 = arith.truncf %get3A_28 : vector<16x64xf32> to vector<16x64xbf16>
    %dot_general3A_31 = arith.constant dense<0.000000e+00> : vector<1024x64xf32>
    %dot_general3A_32 = tpu.matmul %convert_element_type3A_29, %convert_element_type3A_30, %dot_general3A_31 {dimension_numbers = #tpu.dot_dimension_numbers<[1], [0], [0], [1], [0, 0, 1, 1], [], []>, transpose_lhs_hint = false} : vector<1024x16xbf16>, vector<16x64xbf16>, vector<1024x64xf32> -> vector<1024x64xf32>
    %add3A = arith.addf %dot_general3A_12, %dot_general3A_22 : vector<1024x64xf32>
    %sub3A = arith.subf %dot_general3A_32, %dot_general3A_22 : vector<1024x64xf32>
    %concatenate3A = tpu.concatenate %add3A, %sub3A in 1 : vector<1024x64xf32>, vector<1024x64xf32> -> vector<1024x128xf32>
    %get3A_33 = arith.constant 0 : index
    %get3A_34 = arith.constant 0 : index
    %get3A_35 = arith.constant 0 : index
    %get3A_36 = vector.load %arg2[%get3A_33, %get3A_34, %get3A_35] : memref<1x1x1024xi32, #tpu.memory_space<vmem>>, vector<1x1x1024xi32>
    %get3A_37 = vector.shape_cast %get3A_36 : vector<1x1x1024xi32> to vector<1024xi32>
    %broadcast_in_dim3A_38 = vector.shape_cast %get3A_37 : vector<1024xi32> to vector<1024x1xi32>
    %iota3A_39 = tpu.iota {dimensions = array<i32: 1>} : vector<1x128xi32>
    %eq3A_40 = vector.broadcast %broadcast_in_dim3A_38 : vector<1024x1xi32> to vector<1024x128xi32>
    %eq3A_41 = vector.broadcast %iota3A_39 : vector<1x128xi32> to vector<1024x128xi32>
    %eq3A_42 = arith.cmpi eq, %eq3A_40, %eq3A_41 : vector<1024x128xi32>
    %convert_element_type3A_43 = arith.extui %eq3A_42 : vector<1024x128xi1> to vector<1024x128xi32>
    %convert_element_type3A_44 = arith.sitofp %convert_element_type3A_43 : vector<1024x128xi32> to vector<1024x128xf32>
    %get3A_45 = arith.constant 0 : index
    %get3A_46 = arith.constant 0 : index
    %get3A_47 = vector.load %arg5[%get3A_45, %get3A_46] : memref<128x1xf32, #tpu.memory_space<vmem>>, vector<128x1xf32>
    %convert_element_type3A_48 = arith.truncf %convert_element_type3A_44 : vector<1024x128xf32> to vector<1024x128xbf16>
    %convert_element_type3A_49 = arith.truncf %get3A_47 : vector<128x1xf32> to vector<128x1xbf16>
    %dot_general3A_50 = arith.constant dense<0.000000e+00> : vector<1024x1xf32>
    %dot_general3A_51 = tpu.matmul %convert_element_type3A_48, %convert_element_type3A_49, %dot_general3A_50 {dimension_numbers = #tpu.dot_dimension_numbers<[1], [0], [0], [1], [0, 0, 1, 1], [], []>, transpose_lhs_hint = false} : vector<1024x128xbf16>, vector<128x1xbf16>, vector<1024x1xf32> -> vector<1024x1xf32>
    %get3A_52 = arith.constant 0 : index
    %get3A_53 = arith.constant 0 : index
    %get3A_54 = vector.load %arg8[%get3A_52, %get3A_53] : memref<1x128xf32, #tpu.memory_space<vmem>>, vector<1x128xf32>
    %mul3A = vector.broadcast %dot_general3A_51 : vector<1024x1xf32> to vector<1024x128xf32>
    %mul3A_55 = vector.broadcast %get3A_54 : vector<1x128xf32> to vector<1024x128xf32>
    %mul3A_56 = arith.mulf %mul3A, %mul3A_55 : vector<1024x128xf32>
    %add3A_57 = arith.addf %concatenate3A, %mul3A_56 : vector<1024x128xf32>
    %swap3A = arith.constant 0 : index
    %swap3A_58 = arith.constant 0 : index
    %swap3A_59 = vector.load %arg10[%swap3A, %swap3A_58] : memref<1024x128xf32, #tpu.memory_space<vmem>>, vector<1024x128xf32>
    tpu.vector_store %arg10[%swap3A, %swap3A_58], %add3A_57 {strides = array<i32>} : memref<1024x128xf32, #tpu.memory_space<vmem>>, vector<1024x128xf32>,
    %get3A_60 = arith.constant 0 : index
    %get3A_61 = arith.constant 0 : index
    %get3A_62 = vector.load %arg9[%get3A_60, %get3A_61] : memref<128x128xf32, #tpu.memory_space<vmem>>, vector<128x128xf32>
    %convert_element_type3A_63 = arith.truncf %add3A_57 : vector<1024x128xf32> to vector<1024x128xbf16>
    %convert_element_type3A_64 = arith.truncf %get3A_62 : vector<128x128xf32> to vector<128x128xbf16>
    %dot_general3A_65 = arith.constant dense<0.000000e+00> : vector<1024x128xf32>
    %dot_general3A_66 = tpu.matmul %convert_element_type3A_63, %convert_element_type3A_64, %dot_general3A_65 {dimension_numbers = #tpu.dot_dimension_numbers<[1], [0], [0], [1], [0, 0, 1, 1], [], []>, transpose_lhs_hint = false} : vector<1024x128xbf16>, vector<128x128xbf16>, vector<1024x128xf32> -> vector<1024x128xf32>
    %swap3A_67 = arith.constant 0 : index
    %swap3A_68 = arith.constant 0 : index
    %swap3A_69 = vector.load %arg11[%swap3A_67, %swap3A_68] : memref<1024x128xf32, #tpu.memory_space<vmem>>, vector<1024x128xf32>
    tpu.vector_store %arg11[%swap3A_67, %swap3A_68], %dot_general3A_66 {strides = array<i32>} : memref<1024x128xf32, #tpu.memory_space<vmem>>, vector<1024x128xf32>,
    return
  }
  func.func @transform_0(%arg0: i32) -> (i32, i32, i32) {
    %c0_i32 = arith.constant 0 : i32
    %c0_i32_0 = arith.constant 0 : i32
    %c0_i32_1 = arith.constant 0 : i32
    return %arg0, %c0_i32, %c0_i32_0 : i32, i32, i32
  }
  func.func @transform_1(%arg0: i32) -> (i32, i32, i32) {
    %c0_i32 = arith.constant 0 : i32
    %c0_i32_0 = arith.constant 0 : i32
    %c0_i32_1 = arith.constant 0 : i32
    return %arg0, %c0_i32, %c0_i32_0 : i32, i32, i32
  }
  func.func @transform_2(%arg0: i32) -> (i32, i32) {
    %c0_i32 = arith.constant 0 : i32
    %c0_i32_0 = arith.constant 0 : i32
    return %arg0, %c0_i32 : i32, i32
  }
  func.func @transform_3(%arg0: i32) -> (i32, i32) {
    %c0_i32 = arith.constant 0 : i32
    %c0_i32_0 = arith.constant 0 : i32
    return %arg0, %c0_i32 : i32, i32
  }
  func.func @transform_4(%arg0: i32) -> (i32, i32) {
    %c0_i32 = arith.constant 0 : i32
    %c0_i32_0 = arith.constant 0 : i32
    %c0_i32_1 = arith.constant 0 : i32
    return %c0_i32, %c0_i32_0 : i32, i32
  }
  func.func @transform_5(%arg0: i32) -> (i32, i32) {
    %c0_i32 = arith.constant 0 : i32
    %c0_i32_0 = arith.constant 0 : i32
    %c0_i32_1 = arith.constant 0 : i32
    return %c0_i32, %c0_i32_0 : i32, i32
  }
  func.func @transform_6(%arg0: i32) -> (i32, i32) {
    %c0_i32 = arith.constant 0 : i32
    %c0_i32_0 = arith.constant 0 : i32
    %c0_i32_1 = arith.constant 0 : i32
    return %c0_i32, %c0_i32_0 : i32, i32
  }
  func.func @transform_7(%arg0: i32) -> (i32, i32) {
    %c0_i32 = arith.constant 0 : i32
    %c0_i32_0 = arith.constant 0 : i32
    %c0_i32_1 = arith.constant 0 : i32
    return %c0_i32, %c0_i32_0 : i32, i32
  }
  func.func @transform_8(%arg0: i32) -> (i32, i32) {
    %c0_i32 = arith.constant 0 : i32
    %c0_i32_0 = arith.constant 0 : i32
    %c0_i32_1 = arith.constant 0 : i32
    return %c0_i32, %c0_i32_0 : i32, i32
  }
  func.func @transform_9(%arg0: i32) -> (i32, i32) {
    %c0_i32 = arith.constant 0 : i32
    %c0_i32_0 = arith.constant 0 : i32
    return %arg0, %c0_i32 : i32, i32
  }
  func.func @transform_10(%arg0: i32) -> (i32, i32) {
    %c0_i32 = arith.constant 0 : i32
    %c0_i32_0 = arith.constant 0 : i32
    return %arg0, %c0_i32 : i32, i32
  }
}

module attributes {stable_mosaic.version = 14 : i64} {
  func.func @_edge1_body(%arg0: i32, %arg1: memref<1x1x1280xf32, #tpu.memory_space<vmem>>, %arg2: memref<1x1x1280xf32, #tpu.memory_space<vmem>>, %arg3: memref<1x1x1280xi32, #tpu.memory_space<vmem>>, %arg4: memref<1x1x1280xi32, #tpu.memory_space<vmem>>, %arg5: memref<128x128xf32, #tpu.memory_space<vmem>>, %arg6: memref<1x128xf32, #tpu.memory_space<vmem>>, %arg7: memref<32x128xf32, #tpu.memory_space<vmem>>, %arg8: memref<256x128xf32, #tpu.memory_space<vmem>>, %arg9: memref<1x128xf32, #tpu.memory_space<vmem>>, %arg10: memref<128x128xf32, #tpu.memory_space<vmem>>, %arg11: memref<1x128xf32, #tpu.memory_space<vmem>>, %arg12: memref<128x128xf32, #tpu.memory_space<vmem>>, %arg13: memref<128x128xf32, #tpu.memory_space<vmem>>, %arg14: memref<256x128xf32, #tpu.memory_space<vmem>>, %arg15: memref<1x128xf32, #tpu.memory_space<vmem>>, %arg16: memref<1280x128xf32, #tpu.memory_space<vmem>>, %arg17: memref<1280x128xf32, #tpu.memory_space<vmem>>, %arg18: memref<1280x128xbf16, #tpu.memory_space<vmem>>, %arg19: memref<1x1x1280xf32, #tpu.memory_space<vmem>>) attributes {dimension_semantics = [#tpu.dimension_semantics<arbitrary>], iteration_bounds = array<i64: 250>, scalar_prefetch = 0 : i64, scratch_operands = 0 : i64, tpu.core_type = #tpu.core_type<tc>, window_params = [{transform_indices = @transform_0, window_bounds = array<i64: 1, 1, 1280>}, {transform_indices = @transform_1, window_bounds = array<i64: 1, 1, 1280>}, {transform_indices = @transform_2, window_bounds = array<i64: 1, 1, 1280>}, {transform_indices = @transform_3, window_bounds = array<i64: 1, 1, 1280>}, {pipeline_mode = #tpu.pipeline_mode<synchronous>, transform_indices = @transform_4, window_bounds = array<i64: 128, 128>}, {pipeline_mode = #tpu.pipeline_mode<synchronous>, transform_indices = @transform_5, window_bounds = array<i64: 1, 128>}, {pipeline_mode = #tpu.pipeline_mode<synchronous>, transform_indices = @transform_6, window_bounds = array<i64: 32, 128>}, {pipeline_mode = #tpu.pipeline_mode<synchronous>, transform_indices = @transform_7, window_bounds = array<i64: 256, 128>}, {pipeline_mode = #tpu.pipeline_mode<synchronous>, transform_indices = @transform_8, window_bounds = array<i64: 1, 128>}, {pipeline_mode = #tpu.pipeline_mode<synchronous>, transform_indices = @transform_9, window_bounds = array<i64: 128, 128>}, {pipeline_mode = #tpu.pipeline_mode<synchronous>, transform_indices = @transform_10, window_bounds = array<i64: 1, 128>}, {pipeline_mode = #tpu.pipeline_mode<synchronous>, transform_indices = @transform_11, window_bounds = array<i64: 128, 128>}, {pipeline_mode = #tpu.pipeline_mode<synchronous>, transform_indices = @transform_12, window_bounds = array<i64: 128, 128>}, {pipeline_mode = #tpu.pipeline_mode<synchronous>, transform_indices = @transform_13, window_bounds = array<i64: 256, 128>}, {pipeline_mode = #tpu.pipeline_mode<synchronous>, transform_indices = @transform_14, window_bounds = array<i64: 1, 128>}, {transform_indices = @transform_15, window_bounds = array<i64: 1280, 128>}, {transform_indices = @transform_16, window_bounds = array<i64: 1280, 128>}, {transform_indices = @transform_17, window_bounds = array<i64: 1280, 128>}, {transform_indices = @transform_18, window_bounds = array<i64: 1, 1, 1280>}]} {
    %iota3A = tpu.iota {dimensions = array<i32: 1>} : vector<1x64xi32>
    %convert_element_type3A = arith.sitofp %iota3A : vector<1x64xi32> to vector<1x64xf32>
    %mul3A = arith.constant 0.158730164 : f32
    %mul3A_0 = vector.broadcast %mul3A : f32 to vector<1x64xf32>
    %mul3A_1 = arith.mulf %convert_element_type3A, %mul3A_0 : vector<1x64xf32>
    %get3A = arith.constant 0 : index
    %get3A_2 = arith.constant 0 : index
    %get3A_3 = arith.constant 0 : index
    %get3A_4 = vector.load %arg1[%get3A, %get3A_2, %get3A_3] : memref<1x1x1280xf32, #tpu.memory_space<vmem>>, vector<1x1x1280xf32>
    %get3A_5 = vector.shape_cast %get3A_4 : vector<1x1x1280xf32> to vector<1280xf32>
    %add3A = arith.constant 9.99999996E-13 : f32
    %add3A_6 = vector.broadcast %add3A : f32 to vector<1280xf32>
    %add3A_7 = arith.addf %get3A_5, %add3A_6 : vector<1280xf32>
    %sqrt3A = math.sqrt %add3A_7 : vector<1280xf32>
    %get3A_8 = arith.constant 0 : index
    %get3A_9 = arith.constant 0 : index
    %get3A_10 = arith.constant 0 : index
    %get3A_11 = vector.load %arg2[%get3A_8, %get3A_9, %get3A_10] : memref<1x1x1280xf32, #tpu.memory_space<vmem>>, vector<1x1x1280xf32>
    %get3A_12 = vector.shape_cast %get3A_11 : vector<1x1x1280xf32> to vector<1280xf32>
    %add3A_13 = arith.constant 9.99999996E-13 : f32
    %add3A_14 = vector.broadcast %add3A_13 : f32 to vector<1280xf32>
    %add3A_15 = arith.addf %get3A_12, %add3A_14 : vector<1280xf32>
    %sqrt3A_16 = math.sqrt %add3A_15 : vector<1280xf32>
    %broadcast_in_dim3A = vector.shape_cast %sqrt3A : vector<1280xf32> to vector<1280x1xf32>
    %sub3A = vector.broadcast %broadcast_in_dim3A : vector<1280x1xf32> to vector<1280x64xf32>
    %sub3A_17 = vector.broadcast %mul3A_1 : vector<1x64xf32> to vector<1280x64xf32>
    %sub3A_18 = arith.subf %sub3A, %sub3A_17 : vector<1280x64xf32>
    %integer_pow3A = arith.mulf %sub3A_18, %sub3A_18 : vector<1280x64xf32>
    %mul3A_19 = arith.constant -1.984500e+01 : f32
    %mul3A_20 = vector.broadcast %mul3A_19 : f32 to vector<1280x64xf32>
    %mul3A_21 = arith.mulf %mul3A_20, %integer_pow3A : vector<1280x64xf32>
    %exp3A = math.exp %mul3A_21 : vector<1280x64xf32>
    %broadcast_in_dim3A_22 = vector.shape_cast %sqrt3A_16 : vector<1280xf32> to vector<1280x1xf32>
    %sub3A_23 = vector.broadcast %broadcast_in_dim3A_22 : vector<1280x1xf32> to vector<1280x64xf32>
    %sub3A_24 = vector.broadcast %mul3A_1 : vector<1x64xf32> to vector<1280x64xf32>
    %sub3A_25 = arith.subf %sub3A_23, %sub3A_24 : vector<1280x64xf32>
    %integer_pow3A_26 = arith.mulf %sub3A_25, %sub3A_25 : vector<1280x64xf32>
    %mul3A_27 = arith.constant -1.984500e+01 : f32
    %mul3A_28 = vector.broadcast %mul3A_27 : f32 to vector<1280x64xf32>
    %mul3A_29 = arith.mulf %mul3A_28, %integer_pow3A_26 : vector<1280x64xf32>
    %exp3A_30 = math.exp %mul3A_29 : vector<1280x64xf32>
    %concatenate3A = tpu.concatenate %exp3A, %exp3A_30 in 1 : vector<1280x64xf32>, vector<1280x64xf32> -> vector<1280x128xf32>
    %get3A_31 = arith.constant 0 : index
    %get3A_32 = arith.constant 0 : index
    %get3A_33 = vector.load %arg5[%get3A_31, %get3A_32] : memref<128x128xf32, #tpu.memory_space<vmem>>, vector<128x128xf32>
    %convert_element_type3A_34 = arith.truncf %concatenate3A : vector<1280x128xf32> to vector<1280x128xbf16>
    %convert_element_type3A_35 = arith.truncf %get3A_33 : vector<128x128xf32> to vector<128x128xbf16>
    %dot_general3A = arith.constant dense<0.000000e+00> : vector<1280x128xf32>
    %dot_general3A_36 = tpu.matmul %convert_element_type3A_34, %convert_element_type3A_35, %dot_general3A {dimension_numbers = #tpu.dot_dimension_numbers<[1], [0], [0], [1], [0, 0, 1, 1], [], []>, transpose_lhs_hint = false} : vector<1280x128xbf16>, vector<128x128xbf16>, vector<1280x128xf32> -> vector<1280x128xf32>
    %get3A_37 = arith.constant 0 : index
    %get3A_38 = arith.constant 0 : index
    %get3A_39 = vector.load %arg6[%get3A_37, %get3A_38] : memref<1x128xf32, #tpu.memory_space<vmem>>, vector<1x128xf32>
    %add3A_40 = vector.broadcast %get3A_39 : vector<1x128xf32> to vector<1280x128xf32>
    %add3A_41 = arith.addf %dot_general3A_36, %add3A_40 : vector<1280x128xf32>
    %max3A = arith.constant 0.000000e+00 : f32
    %max3A_42 = vector.broadcast %max3A : f32 to vector<1280x128xf32>
    %max3A_43 = arith.maximumf %add3A_41, %max3A_42 : vector<1280x128xf32>
    %get3A_44 = arith.constant 0 : index
    %get3A_45 = arith.constant 0 : index
    %get3A_46 = arith.constant 0 : index
    %get3A_47 = vector.load %arg3[%get3A_44, %get3A_45, %get3A_46] : memref<1x1x1280xi32, #tpu.memory_space<vmem>>, vector<1x1x1280xi32>
    %get3A_48 = vector.shape_cast %get3A_47 : vector<1x1x1280xi32> to vector<1280xi32>
    %broadcast_in_dim3A_49 = vector.shape_cast %get3A_48 : vector<1280xi32> to vector<1280x1xi32>
    %iota3A_50 = tpu.iota {dimensions = array<i32: 1>} : vector<1x32xi32>
    %eq3A = vector.broadcast %broadcast_in_dim3A_49 : vector<1280x1xi32> to vector<1280x32xi32>
    %eq3A_51 = vector.broadcast %iota3A_50 : vector<1x32xi32> to vector<1280x32xi32>
    %eq3A_52 = arith.cmpi eq, %eq3A, %eq3A_51 : vector<1280x32xi32>
    %convert_element_type3A_53 = arith.extui %eq3A_52 : vector<1280x32xi1> to vector<1280x32xi32>
    %convert_element_type3A_54 = arith.sitofp %convert_element_type3A_53 : vector<1280x32xi32> to vector<1280x32xf32>
    %get3A_55 = arith.constant 0 : index
    %get3A_56 = arith.constant 0 : index
    %get3A_57 = arith.constant 0 : index
    %get3A_58 = vector.load %arg4[%get3A_55, %get3A_56, %get3A_57] : memref<1x1x1280xi32, #tpu.memory_space<vmem>>, vector<1x1x1280xi32>
    %get3A_59 = vector.shape_cast %get3A_58 : vector<1x1x1280xi32> to vector<1280xi32>
    %broadcast_in_dim3A_60 = vector.shape_cast %get3A_59 : vector<1280xi32> to vector<1280x1xi32>
    %iota3A_61 = tpu.iota {dimensions = array<i32: 1>} : vector<1x32xi32>
    %eq3A_62 = vector.broadcast %broadcast_in_dim3A_60 : vector<1280x1xi32> to vector<1280x32xi32>
    %eq3A_63 = vector.broadcast %iota3A_61 : vector<1x32xi32> to vector<1280x32xi32>
    %eq3A_64 = arith.cmpi eq, %eq3A_62, %eq3A_63 : vector<1280x32xi32>
    %convert_element_type3A_65 = arith.extui %eq3A_64 : vector<1280x32xi1> to vector<1280x32xi32>
    %convert_element_type3A_66 = arith.sitofp %convert_element_type3A_65 : vector<1280x32xi32> to vector<1280x32xf32>
    %get3A_67 = arith.constant 0 : index
    %get3A_68 = arith.constant 0 : index
    %get3A_69 = vector.load %arg7[%get3A_67, %get3A_68] : memref<32x128xf32, #tpu.memory_space<vmem>>, vector<32x128xf32>
    %convert_element_type3A_70 = arith.truncf %convert_element_type3A_54 : vector<1280x32xf32> to vector<1280x32xbf16>
    %convert_element_type3A_71 = arith.truncf %get3A_69 : vector<32x128xf32> to vector<32x128xbf16>
    %dot_general3A_72 = arith.constant dense<0.000000e+00> : vector<1280x128xf32>
    %dot_general3A_73 = tpu.matmul %convert_element_type3A_70, %convert_element_type3A_71, %dot_general3A_72 {dimension_numbers = #tpu.dot_dimension_numbers<[1], [0], [0], [1], [0, 0, 1, 1], [], []>, transpose_lhs_hint = false} : vector<1280x32xbf16>, vector<32x128xbf16>, vector<1280x128xf32> -> vector<1280x128xf32>
    %get3A_74 = arith.constant 0 : index
    %get3A_75 = arith.constant 0 : index
    %get3A_76 = vector.load %arg7[%get3A_74, %get3A_75] : memref<32x128xf32, #tpu.memory_space<vmem>>, vector<32x128xf32>
    %convert_element_type3A_77 = arith.truncf %convert_element_type3A_66 : vector<1280x32xf32> to vector<1280x32xbf16>
    %convert_element_type3A_78 = arith.truncf %get3A_76 : vector<32x128xf32> to vector<32x128xbf16>
    %dot_general3A_79 = arith.constant dense<0.000000e+00> : vector<1280x128xf32>
    %dot_general3A_80 = tpu.matmul %convert_element_type3A_77, %convert_element_type3A_78, %dot_general3A_79 {dimension_numbers = #tpu.dot_dimension_numbers<[1], [0], [0], [1], [0, 0, 1, 1], [], []>, transpose_lhs_hint = false} : vector<1280x32xbf16>, vector<32x128xbf16>, vector<1280x128xf32> -> vector<1280x128xf32>
    %mul3A_81 = arith.mulf %max3A_43, %dot_general3A_73 : vector<1280x128xf32>
    %get3A_82 = arith.constant 0 : index
    %get3A_83 = arith.constant 0 : index
    %get3A_84 = vector.load %arg8[%get3A_82, %get3A_83] : memref<256x128xf32, #tpu.memory_space<vmem>>, vector<128x128xf32>
    %convert_element_type3A_85 = arith.truncf %mul3A_81 : vector<1280x128xf32> to vector<1280x128xbf16>
    %convert_element_type3A_86 = arith.truncf %get3A_84 : vector<128x128xf32> to vector<128x128xbf16>
    %dot_general3A_87 = arith.constant dense<0.000000e+00> : vector<1280x128xf32>
    %dot_general3A_88 = tpu.matmul %convert_element_type3A_85, %convert_element_type3A_86, %dot_general3A_87 {dimension_numbers = #tpu.dot_dimension_numbers<[1], [0], [0], [1], [0, 0, 1, 1], [], []>, transpose_lhs_hint = false} : vector<1280x128xbf16>, vector<128x128xbf16>, vector<1280x128xf32> -> vector<1280x128xf32>
    %mul3A_89 = arith.mulf %max3A_43, %dot_general3A_80 : vector<1280x128xf32>
    %get3A_90 = arith.constant 128 : index
    %get3A_91 = arith.constant 0 : index
    %get3A_92 = vector.load %arg8[%get3A_90, %get3A_91] : memref<256x128xf32, #tpu.memory_space<vmem>>, vector<128x128xf32>
    %convert_element_type3A_93 = arith.truncf %mul3A_89 : vector<1280x128xf32> to vector<1280x128xbf16>
    %convert_element_type3A_94 = arith.truncf %get3A_92 : vector<128x128xf32> to vector<128x128xbf16>
    %dot_general3A_95 = arith.constant dense<0.000000e+00> : vector<1280x128xf32>
    %dot_general3A_96 = tpu.matmul %convert_element_type3A_93, %convert_element_type3A_94, %dot_general3A_95 {dimension_numbers = #tpu.dot_dimension_numbers<[1], [0], [0], [1], [0, 0, 1, 1], [], []>, transpose_lhs_hint = false} : vector<1280x128xbf16>, vector<128x128xbf16>, vector<1280x128xf32> -> vector<1280x128xf32>
    %add3A_97 = arith.addf %dot_general3A_88, %dot_general3A_96 : vector<1280x128xf32>
    %get3A_98 = arith.constant 0 : index
    %get3A_99 = arith.constant 0 : index
    %get3A_100 = vector.load %arg9[%get3A_98, %get3A_99] : memref<1x128xf32, #tpu.memory_space<vmem>>, vector<1x128xf32>
    %add3A_101 = vector.broadcast %get3A_100 : vector<1x128xf32> to vector<1280x128xf32>
    %add3A_102 = arith.addf %add3A_97, %add3A_101 : vector<1280x128xf32>
    %max3A_103 = arith.constant 0.000000e+00 : f32
    %max3A_104 = vector.broadcast %max3A_103 : f32 to vector<1280x128xf32>
    %max3A_105 = arith.maximumf %add3A_102, %max3A_104 : vector<1280x128xf32>
    %get3A_106 = arith.constant 0 : index
    %get3A_107 = arith.constant 0 : index
    %get3A_108 = vector.load %arg10[%get3A_106, %get3A_107] : memref<128x128xf32, #tpu.memory_space<vmem>>, vector<128x128xf32>
    %convert_element_type3A_109 = arith.truncf %max3A_105 : vector<1280x128xf32> to vector<1280x128xbf16>
    %convert_element_type3A_110 = arith.truncf %get3A_108 : vector<128x128xf32> to vector<128x128xbf16>
    %dot_general3A_111 = arith.constant dense<0.000000e+00> : vector<1280x128xf32>
    %dot_general3A_112 = tpu.matmul %convert_element_type3A_109, %convert_element_type3A_110, %dot_general3A_111 {dimension_numbers = #tpu.dot_dimension_numbers<[1], [0], [0], [1], [0, 0, 1, 1], [], []>, transpose_lhs_hint = false} : vector<1280x128xbf16>, vector<128x128xbf16>, vector<1280x128xf32> -> vector<1280x128xf32>
    %get3A_113 = arith.constant 0 : index
    %get3A_114 = arith.constant 0 : index
    %get3A_115 = vector.load %arg11[%get3A_113, %get3A_114] : memref<1x128xf32, #tpu.memory_space<vmem>>, vector<1x128xf32>
    %add3A_116 = vector.broadcast %get3A_115 : vector<1x128xf32> to vector<1280x128xf32>
    %add3A_117 = arith.addf %dot_general3A_112, %add3A_116 : vector<1280x128xf32>
    %get3A_118 = arith.constant 0 : index
    %get3A_119 = arith.constant 0 : index
    %get3A_120 = vector.load %arg12[%get3A_118, %get3A_119] : memref<128x128xf32, #tpu.memory_space<vmem>>, vector<128x128xf32>
    %convert_element_type3A_121 = arith.truncf %add3A_117 : vector<1280x128xf32> to vector<1280x128xbf16>
    %convert_element_type3A_122 = arith.truncf %get3A_120 : vector<128x128xf32> to vector<128x128xbf16>
    %dot_general3A_123 = arith.constant dense<0.000000e+00> : vector<1280x128xf32>
    %dot_general3A_124 = tpu.matmul %convert_element_type3A_121, %convert_element_type3A_122, %dot_general3A_123 {dimension_numbers = #tpu.dot_dimension_numbers<[1], [0], [0], [1], [0, 0, 1, 1], [], []>, transpose_lhs_hint = false} : vector<1280x128xbf16>, vector<128x128xbf16>, vector<1280x128xf32> -> vector<1280x128xf32>
    %max3A_125 = arith.constant 0.000000e+00 : f32
    %max3A_126 = vector.broadcast %max3A_125 : f32 to vector<1280x128xf32>
    %max3A_127 = arith.maximumf %dot_general3A_124, %max3A_126 : vector<1280x128xf32>
    %swap3A = arith.constant 0 : index
    %swap3A_128 = arith.constant 0 : index
    %swap3A_129 = vector.load %arg16[%swap3A, %swap3A_128] : memref<1280x128xf32, #tpu.memory_space<vmem>>, vector<1280x128xf32>
    tpu.vector_store %arg16[%swap3A, %swap3A_128], %max3A_127 {strides = array<i32>} : memref<1280x128xf32, #tpu.memory_space<vmem>>, vector<1280x128xf32>,
    %get3A_130 = arith.constant 0 : index
    %get3A_131 = arith.constant 0 : index
    %get3A_132 = vector.load %arg13[%get3A_130, %get3A_131] : memref<128x128xf32, #tpu.memory_space<vmem>>, vector<128x128xf32>
    %convert_element_type3A_133 = arith.truncf %add3A_117 : vector<1280x128xf32> to vector<1280x128xbf16>
    %convert_element_type3A_134 = arith.truncf %get3A_132 : vector<128x128xf32> to vector<128x128xbf16>
    %dot_general3A_135 = arith.constant dense<0.000000e+00> : vector<1280x128xf32>
    %dot_general3A_136 = tpu.matmul %convert_element_type3A_133, %convert_element_type3A_134, %dot_general3A_135 {dimension_numbers = #tpu.dot_dimension_numbers<[1], [0], [0], [1], [0, 0, 1, 1], [], []>, transpose_lhs_hint = false} : vector<1280x128xbf16>, vector<128x128xbf16>, vector<1280x128xf32> -> vector<1280x128xf32>
    %max3A_137 = arith.constant 0.000000e+00 : f32
    %max3A_138 = vector.broadcast %max3A_137 : f32 to vector<1280x128xf32>
    %max3A_139 = arith.maximumf %dot_general3A_136, %max3A_138 : vector<1280x128xf32>
    %swap3A_140 = arith.constant 0 : index
    %swap3A_141 = arith.constant 0 : index
    %swap3A_142 = vector.load %arg17[%swap3A_140, %swap3A_141] : memref<1280x128xf32, #tpu.memory_space<vmem>>, vector<1280x128xf32>
    tpu.vector_store %arg17[%swap3A_140, %swap3A_141], %max3A_139 {strides = array<i32>} : memref<1280x128xf32, #tpu.memory_space<vmem>>, vector<1280x128xf32>,
    %get3A_143 = arith.constant 128 : index
    %get3A_144 = arith.constant 0 : index
    %get3A_145 = vector.load %arg14[%get3A_143, %get3A_144] : memref<256x128xf32, #tpu.memory_space<vmem>>, vector<128x128xf32>
    %convert_element_type3A_146 = arith.truncf %add3A_117 : vector<1280x128xf32> to vector<1280x128xbf16>
    %convert_element_type3A_147 = arith.truncf %get3A_145 : vector<128x128xf32> to vector<128x128xbf16>
    %dot_general3A_148 = arith.constant dense<0.000000e+00> : vector<1280x128xf32>
    %dot_general3A_149 = tpu.matmul %convert_element_type3A_146, %convert_element_type3A_147, %dot_general3A_148 {dimension_numbers = #tpu.dot_dimension_numbers<[1], [0], [0], [1], [0, 0, 1, 1], [], []>, transpose_lhs_hint = false} : vector<1280x128xbf16>, vector<128x128xbf16>, vector<1280x128xf32> -> vector<1280x128xf32>
    %get3A_150 = arith.constant 0 : index
    %get3A_151 = arith.constant 0 : index
    %get3A_152 = vector.load %arg15[%get3A_150, %get3A_151] : memref<1x128xf32, #tpu.memory_space<vmem>>, vector<1x128xf32>
    %add3A_153 = vector.broadcast %get3A_152 : vector<1x128xf32> to vector<1280x128xf32>
    %add3A_154 = arith.addf %dot_general3A_149, %add3A_153 : vector<1280x128xf32>
    %convert_element_type3A_155 = arith.truncf %add3A_154 : vector<1280x128xf32> to vector<1280x128xbf16>
    %swap3A_156 = arith.constant 0 : index
    %swap3A_157 = arith.constant 0 : index
    %swap3A_158 = vector.load %arg18[%swap3A_156, %swap3A_157] : memref<1280x128xbf16, #tpu.memory_space<vmem>>, vector<1280x128xbf16>
    tpu.vector_store %arg18[%swap3A_156, %swap3A_157], %convert_element_type3A_155 {strides = array<i32>} : memref<1280x128xbf16, #tpu.memory_space<vmem>>, vector<1280x128xbf16>,
    %div3A = arith.constant 1.000000e+00 : f32
    %div3A_159 = vector.broadcast %div3A : f32 to vector<1280xf32>
    %div3A_160 = arith.divf %div3A_159, %sqrt3A : vector<1280xf32>
    %swap3A_161 = arith.constant 0 : index
    %swap3A_162 = arith.constant 0 : index
    %swap3A_163 = arith.constant 0 : index
    %swap3A_164 = vector.load %arg19[%swap3A_161, %swap3A_162, %swap3A_163] : memref<1x1x1280xf32, #tpu.memory_space<vmem>>, vector<1x1x1280xf32>
    %swap3A_165 = vector.shape_cast %swap3A_164 : vector<1x1x1280xf32> to vector<1280xf32>
    %swap3A_166 = vector.shape_cast %div3A_160 : vector<1280xf32> to vector<1x1x1280xf32>
    tpu.vector_store %arg19[%swap3A_161, %swap3A_162, %swap3A_163], %swap3A_166 {strides = array<i32>} : memref<1x1x1280xf32, #tpu.memory_space<vmem>>, vector<1x1x1280xf32>,
    return
  }
  func.func @transform_0(%arg0: i32) -> (i32, i32, i32) {
    %c0_i32 = arith.constant 0 : i32
    %c0_i32_0 = arith.constant 0 : i32
    %c0_i32_1 = arith.constant 0 : i32
    return %arg0, %c0_i32, %c0_i32_0 : i32, i32, i32
  }
  func.func @transform_1(%arg0: i32) -> (i32, i32, i32) {
    %c0_i32 = arith.constant 0 : i32
    %c0_i32_0 = arith.constant 0 : i32
    %c0_i32_1 = arith.constant 0 : i32
    return %arg0, %c0_i32, %c0_i32_0 : i32, i32, i32
  }
  func.func @transform_2(%arg0: i32) -> (i32, i32, i32) {
    %c0_i32 = arith.constant 0 : i32
    %c0_i32_0 = arith.constant 0 : i32
    %c0_i32_1 = arith.constant 0 : i32
    return %arg0, %c0_i32, %c0_i32_0 : i32, i32, i32
  }
  func.func @transform_3(%arg0: i32) -> (i32, i32, i32) {
    %c0_i32 = arith.constant 0 : i32
    %c0_i32_0 = arith.constant 0 : i32
    %c0_i32_1 = arith.constant 0 : i32
    return %arg0, %c0_i32, %c0_i32_0 : i32, i32, i32
  }
  func.func @transform_4(%arg0: i32) -> (i32, i32) {
    %c0_i32 = arith.constant 0 : i32
    %c0_i32_0 = arith.constant 0 : i32
    %c0_i32_1 = arith.constant 0 : i32
    return %c0_i32, %c0_i32_0 : i32, i32
  }
  func.func @transform_5(%arg0: i32) -> (i32, i32) {
    %c0_i32 = arith.constant 0 : i32
    %c0_i32_0 = arith.constant 0 : i32
    %c0_i32_1 = arith.constant 0 : i32
    return %c0_i32, %c0_i32_0 : i32, i32
  }
  func.func @transform_6(%arg0: i32) -> (i32, i32) {
    %c0_i32 = arith.constant 0 : i32
    %c0_i32_0 = arith.constant 0 : i32
    %c0_i32_1 = arith.constant 0 : i32
    return %c0_i32, %c0_i32_0 : i32, i32
  }
  func.func @transform_7(%arg0: i32) -> (i32, i32) {
    %c0_i32 = arith.constant 0 : i32
    %c0_i32_0 = arith.constant 0 : i32
    %c0_i32_1 = arith.constant 0 : i32
    return %c0_i32, %c0_i32_0 : i32, i32
  }
  func.func @transform_8(%arg0: i32) -> (i32, i32) {
    %c0_i32 = arith.constant 0 : i32
    %c0_i32_0 = arith.constant 0 : i32
    %c0_i32_1 = arith.constant 0 : i32
    return %c0_i32, %c0_i32_0 : i32, i32
  }
  func.func @transform_9(%arg0: i32) -> (i32, i32) {
    %c0_i32 = arith.constant 0 : i32
    %c0_i32_0 = arith.constant 0 : i32
    %c0_i32_1 = arith.constant 0 : i32
    return %c0_i32, %c0_i32_0 : i32, i32
  }
  func.func @transform_10(%arg0: i32) -> (i32, i32) {
    %c0_i32 = arith.constant 0 : i32
    %c0_i32_0 = arith.constant 0 : i32
    %c0_i32_1 = arith.constant 0 : i32
    return %c0_i32, %c0_i32_0 : i32, i32
  }
  func.func @transform_11(%arg0: i32) -> (i32, i32) {
    %c0_i32 = arith.constant 0 : i32
    %c0_i32_0 = arith.constant 0 : i32
    %c0_i32_1 = arith.constant 0 : i32
    return %c0_i32, %c0_i32_0 : i32, i32
  }
  func.func @transform_12(%arg0: i32) -> (i32, i32) {
    %c0_i32 = arith.constant 0 : i32
    %c0_i32_0 = arith.constant 0 : i32
    %c0_i32_1 = arith.constant 0 : i32
    return %c0_i32, %c0_i32_0 : i32, i32
  }
  func.func @transform_13(%arg0: i32) -> (i32, i32) {
    %c0_i32 = arith.constant 0 : i32
    %c0_i32_0 = arith.constant 0 : i32
    %c0_i32_1 = arith.constant 0 : i32
    return %c0_i32, %c0_i32_0 : i32, i32
  }
  func.func @transform_14(%arg0: i32) -> (i32, i32) {
    %c0_i32 = arith.constant 0 : i32
    %c0_i32_0 = arith.constant 0 : i32
    %c0_i32_1 = arith.constant 0 : i32
    return %c0_i32, %c0_i32_0 : i32, i32
  }
  func.func @transform_15(%arg0: i32) -> (i32, i32) {
    %c0_i32 = arith.constant 0 : i32
    %c0_i32_0 = arith.constant 0 : i32
    return %arg0, %c0_i32 : i32, i32
  }
  func.func @transform_16(%arg0: i32) -> (i32, i32) {
    %c0_i32 = arith.constant 0 : i32
    %c0_i32_0 = arith.constant 0 : i32
    return %arg0, %c0_i32 : i32, i32
  }
  func.func @transform_17(%arg0: i32) -> (i32, i32) {
    %c0_i32 = arith.constant 0 : i32
    %c0_i32_0 = arith.constant 0 : i32
    return %arg0, %c0_i32 : i32, i32
  }
  func.func @transform_18(%arg0: i32) -> (i32, i32, i32) {
    %c0_i32 = arith.constant 0 : i32
    %c0_i32_0 = arith.constant 0 : i32
    %c0_i32_1 = arith.constant 0 : i32
    return %arg0, %c0_i32, %c0_i32_0 : i32, i32, i32
  }
}

module attributes {stable_mosaic.version = 14 : i64} {
  func.func @_upd_body(%arg0: i32, %arg1: memref<2x1024x128xf32, #tpu.memory_space<vmem>>, %arg2: memref<1024x128xf32, #tpu.memory_space<vmem>>, %arg3: memref<128x128xf32, #tpu.memory_space<vmem>>, %arg4: memref<128x128xf32, #tpu.memory_space<vmem>>, %arg5: memref<1024x128xf32, #tpu.memory_space<vmem>>, %arg6: memref<1024x128xf32, #tpu.memory_space<vmem>>) attributes {dimension_semantics = [#tpu.dimension_semantics<arbitrary>], iteration_bounds = array<i64: 10>, scalar_prefetch = 0 : i64, scratch_operands = 0 : i64, tpu.core_type = #tpu.core_type<tc>, window_params = [{transform_indices = @transform_0, window_bounds = array<i64: 2, 1024, 128>}, {transform_indices = @transform_1, window_bounds = array<i64: 1024, 128>}, {pipeline_mode = #tpu.pipeline_mode<synchronous>, transform_indices = @transform_2, window_bounds = array<i64: 128, 128>}, {pipeline_mode = #tpu.pipeline_mode<synchronous>, transform_indices = @transform_3, window_bounds = array<i64: 128, 128>}, {transform_indices = @transform_4, window_bounds = array<i64: 1024, 128>}, {transform_indices = @transform_5, window_bounds = array<i64: 1024, 128>}]} {
    %get3A = arith.constant 0 : index
    %get3A_0 = arith.constant 0 : index
    %get3A_1 = arith.constant 0 : index
    %get3A_2 = vector.load %arg1[%get3A, %get3A_0, %get3A_1] : memref<2x1024x128xf32, #tpu.memory_space<vmem>>, vector<1x1024x128xf32>
    %get3A_3 = vector.shape_cast %get3A_2 : vector<1x1024x128xf32> to vector<1024x128xf32>
    %get3A_4 = arith.constant 1 : index
    %get3A_5 = arith.constant 0 : index
    %get3A_6 = arith.constant 0 : index
    %get3A_7 = vector.load %arg1[%get3A_4, %get3A_5, %get3A_6] : memref<2x1024x128xf32, #tpu.memory_space<vmem>>, vector<1x1024x128xf32>
    %get3A_8 = vector.shape_cast %get3A_7 : vector<1x1024x128xf32> to vector<1024x128xf32>
    %add3A = arith.addf %get3A_3, %get3A_8 : vector<1024x128xf32>
    %get3A_9 = arith.constant 0 : index
    %get3A_10 = arith.constant 0 : index
    %get3A_11 = vector.load %arg2[%get3A_9, %get3A_10] : memref<1024x128xf32, #tpu.memory_space<vmem>>, vector<1024x128xf32>
    %get3A_12 = arith.constant 0 : index
    %get3A_13 = arith.constant 0 : index
    %get3A_14 = vector.load %arg3[%get3A_12, %get3A_13] : memref<128x128xf32, #tpu.memory_space<vmem>>, vector<128x128xf32>
    %convert_element_type3A = arith.truncf %add3A : vector<1024x128xf32> to vector<1024x128xbf16>
    %convert_element_type3A_15 = arith.truncf %get3A_14 : vector<128x128xf32> to vector<128x128xbf16>
    %dot_general3A = arith.constant dense<0.000000e+00> : vector<1024x128xf32>
    %dot_general3A_16 = tpu.matmul %convert_element_type3A, %convert_element_type3A_15, %dot_general3A {dimension_numbers = #tpu.dot_dimension_numbers<[1], [0], [0], [1], [0, 0, 1, 1], [], []>, transpose_lhs_hint = false} : vector<1024x128xbf16>, vector<128x128xbf16>, vector<1024x128xf32> -> vector<1024x128xf32>
    %max3A = arith.constant 0.000000e+00 : f32
    %max3A_17 = vector.broadcast %max3A : f32 to vector<1024x128xf32>
    %max3A_18 = arith.maximumf %dot_general3A_16, %max3A_17 : vector<1024x128xf32>
    %add3A_19 = arith.addf %get3A_11, %max3A_18 : vector<1024x128xf32>
    %swap3A = arith.constant 0 : index
    %swap3A_20 = arith.constant 0 : index
    %swap3A_21 = vector.load %arg5[%swap3A, %swap3A_20] : memref<1024x128xf32, #tpu.memory_space<vmem>>, vector<1024x128xf32>
    tpu.vector_store %arg5[%swap3A, %swap3A_20], %add3A_19 {strides = array<i32>} : memref<1024x128xf32, #tpu.memory_space<vmem>>, vector<1024x128xf32>,
    %get3A_22 = arith.constant 0 : index
    %get3A_23 = arith.constant 0 : index
    %get3A_24 = vector.load %arg4[%get3A_22, %get3A_23] : memref<128x128xf32, #tpu.memory_space<vmem>>, vector<128x128xf32>
    %convert_element_type3A_25 = arith.truncf %add3A_19 : vector<1024x128xf32> to vector<1024x128xbf16>
    %convert_element_type3A_26 = arith.truncf %get3A_24 : vector<128x128xf32> to vector<128x128xbf16>
    %dot_general3A_27 = arith.constant dense<0.000000e+00> : vector<1024x128xf32>
    %dot_general3A_28 = tpu.matmul %convert_element_type3A_25, %convert_element_type3A_26, %dot_general3A_27 {dimension_numbers = #tpu.dot_dimension_numbers<[1], [0], [0], [1], [0, 0, 1, 1], [], []>, transpose_lhs_hint = false} : vector<1024x128xbf16>, vector<128x128xbf16>, vector<1024x128xf32> -> vector<1024x128xf32>
    %swap3A_29 = arith.constant 0 : index
    %swap3A_30 = arith.constant 0 : index
    %swap3A_31 = vector.load %arg6[%swap3A_29, %swap3A_30] : memref<1024x128xf32, #tpu.memory_space<vmem>>, vector<1024x128xf32>
    tpu.vector_store %arg6[%swap3A_29, %swap3A_30], %dot_general3A_28 {strides = array<i32>} : memref<1024x128xf32, #tpu.memory_space<vmem>>, vector<1024x128xf32>,
    return
  }
  func.func @transform_0(%arg0: i32) -> (i32, i32, i32) {
    %c0_i32 = arith.constant 0 : i32
    %c0_i32_0 = arith.constant 0 : i32
    %c0_i32_1 = arith.constant 0 : i32
    return %c0_i32, %arg0, %c0_i32_0 : i32, i32, i32
  }
  func.func @transform_1(%arg0: i32) -> (i32, i32) {
    %c0_i32 = arith.constant 0 : i32
    %c0_i32_0 = arith.constant 0 : i32
    return %arg0, %c0_i32 : i32, i32
  }
  func.func @transform_2(%arg0: i32) -> (i32, i32) {
    %c0_i32 = arith.constant 0 : i32
    %c0_i32_0 = arith.constant 0 : i32
    %c0_i32_1 = arith.constant 0 : i32
    return %c0_i32, %c0_i32_0 : i32, i32
  }
  func.func @transform_3(%arg0: i32) -> (i32, i32) {
    %c0_i32 = arith.constant 0 : i32
    %c0_i32_0 = arith.constant 0 : i32
    %c0_i32_1 = arith.constant 0 : i32
    return %c0_i32, %c0_i32_0 : i32, i32
  }
  func.func @transform_4(%arg0: i32) -> (i32, i32) {
    %c0_i32 = arith.constant 0 : i32
    %c0_i32_0 = arith.constant 0 : i32
    return %arg0, %c0_i32 : i32, i32
  }
  func.func @transform_5(%arg0: i32) -> (i32, i32) {
    %c0_i32 = arith.constant 0 : i32
    %c0_i32_0 = arith.constant 0 : i32
    return %arg0, %c0_i32 : i32, i32
  }
}

module attributes {stable_mosaic.version = 14 : i64} {
  func.func @_upd_body(%arg0: i32, %arg1: memref<2x1024x128xf32, #tpu.memory_space<vmem>>, %arg2: memref<1024x128xf32, #tpu.memory_space<vmem>>, %arg3: memref<128x128xf32, #tpu.memory_space<vmem>>, %arg4: memref<128x128xf32, #tpu.memory_space<vmem>>, %arg5: memref<1024x128xf32, #tpu.memory_space<vmem>>, %arg6: memref<1024x128xf32, #tpu.memory_space<vmem>>) attributes {dimension_semantics = [#tpu.dimension_semantics<arbitrary>], iteration_bounds = array<i64: 10>, scalar_prefetch = 0 : i64, scratch_operands = 0 : i64, tpu.core_type = #tpu.core_type<tc>, window_params = [{transform_indices = @transform_0, window_bounds = array<i64: 2, 1024, 128>}, {transform_indices = @transform_1, window_bounds = array<i64: 1024, 128>}, {pipeline_mode = #tpu.pipeline_mode<synchronous>, transform_indices = @transform_2, window_bounds = array<i64: 128, 128>}, {pipeline_mode = #tpu.pipeline_mode<synchronous>, transform_indices = @transform_3, window_bounds = array<i64: 128, 128>}, {transform_indices = @transform_4, window_bounds = array<i64: 1024, 128>}, {transform_indices = @transform_5, window_bounds = array<i64: 1024, 128>}]} {
    %get3A = arith.constant 0 : index
    %get3A_0 = arith.constant 0 : index
    %get3A_1 = arith.constant 0 : index
    %get3A_2 = vector.load %arg1[%get3A, %get3A_0, %get3A_1] : memref<2x1024x128xf32, #tpu.memory_space<vmem>>, vector<1x1024x128xf32>
    %get3A_3 = vector.shape_cast %get3A_2 : vector<1x1024x128xf32> to vector<1024x128xf32>
    %get3A_4 = arith.constant 1 : index
    %get3A_5 = arith.constant 0 : index
    %get3A_6 = arith.constant 0 : index
    %get3A_7 = vector.load %arg1[%get3A_4, %get3A_5, %get3A_6] : memref<2x1024x128xf32, #tpu.memory_space<vmem>>, vector<1x1024x128xf32>
    %get3A_8 = vector.shape_cast %get3A_7 : vector<1x1024x128xf32> to vector<1024x128xf32>
    %add3A = arith.addf %get3A_3, %get3A_8 : vector<1024x128xf32>
    %get3A_9 = arith.constant 0 : index
    %get3A_10 = arith.constant 0 : index
    %get3A_11 = vector.load %arg2[%get3A_9, %get3A_10] : memref<1024x128xf32, #tpu.memory_space<vmem>>, vector<1024x128xf32>
    %get3A_12 = arith.constant 0 : index
    %get3A_13 = arith.constant 0 : index
    %get3A_14 = vector.load %arg3[%get3A_12, %get3A_13] : memref<128x128xf32, #tpu.memory_space<vmem>>, vector<128x128xf32>
    %convert_element_type3A = arith.truncf %add3A : vector<1024x128xf32> to vector<1024x128xbf16>
    %convert_element_type3A_15 = arith.truncf %get3A_14 : vector<128x128xf32> to vector<128x128xbf16>
    %dot_general3A = arith.constant dense<0.000000e+00> : vector<1024x128xf32>
    %dot_general3A_16 = tpu.matmul %convert_element_type3A, %convert_element_type3A_15, %dot_general3A {dimension_numbers = #tpu.dot_dimension_numbers<[1], [0], [0], [1], [0, 0, 1, 1], [], []>, transpose_lhs_hint = false} : vector<1024x128xbf16>, vector<128x128xbf16>, vector<1024x128xf32> -> vector<1024x128xf32>
    %max3A = arith.constant 0.000000e+00 : f32
    %max3A_17 = vector.broadcast %max3A : f32 to vector<1024x128xf32>
    %max3A_18 = arith.maximumf %dot_general3A_16, %max3A_17 : vector<1024x128xf32>
    %add3A_19 = arith.addf %get3A_11, %max3A_18 : vector<1024x128xf32>
    %swap3A = arith.constant 0 : index
    %swap3A_20 = arith.constant 0 : index
    %swap3A_21 = vector.load %arg5[%swap3A, %swap3A_20] : memref<1024x128xf32, #tpu.memory_space<vmem>>, vector<1024x128xf32>
    tpu.vector_store %arg5[%swap3A, %swap3A_20], %add3A_19 {strides = array<i32>} : memref<1024x128xf32, #tpu.memory_space<vmem>>, vector<1024x128xf32>,
    %get3A_22 = arith.constant 0 : index
    %get3A_23 = arith.constant 0 : index
    %get3A_24 = vector.load %arg4[%get3A_22, %get3A_23] : memref<128x128xf32, #tpu.memory_space<vmem>>, vector<128x128xf32>
    %convert_element_type3A_25 = arith.truncf %add3A_19 : vector<1024x128xf32> to vector<1024x128xbf16>
    %convert_element_type3A_26 = arith.truncf %get3A_24 : vector<128x128xf32> to vector<128x128xbf16>
    %dot_general3A_27 = arith.constant dense<0.000000e+00> : vector<1024x128xf32>
    %dot_general3A_28 = tpu.matmul %convert_element_type3A_25, %convert_element_type3A_26, %dot_general3A_27 {dimension_numbers = #tpu.dot_dimension_numbers<[1], [0], [0], [1], [0, 0, 1, 1], [], []>, transpose_lhs_hint = false} : vector<1024x128xbf16>, vector<128x128xbf16>, vector<1024x128xf32> -> vector<1024x128xf32>
    %swap3A_29 = arith.constant 0 : index
    %swap3A_30 = arith.constant 0 : index
    %swap3A_31 = vector.load %arg6[%swap3A_29, %swap3A_30] : memref<1024x128xf32, #tpu.memory_space<vmem>>, vector<1024x128xf32>
    tpu.vector_store %arg6[%swap3A_29, %swap3A_30], %dot_general3A_28 {strides = array<i32>} : memref<1024x128xf32, #tpu.memory_space<vmem>>, vector<1024x128xf32>,
    return
  }
  func.func @transform_0(%arg0: i32) -> (i32, i32, i32) {
    %c0_i32 = arith.constant 0 : i32
    %c0_i32_0 = arith.constant 0 : i32
    %c0_i32_1 = arith.constant 0 : i32
    return %c0_i32, %arg0, %c0_i32_0 : i32, i32, i32
  }
  func.func @transform_1(%arg0: i32) -> (i32, i32) {
    %c0_i32 = arith.constant 0 : i32
    %c0_i32_0 = arith.constant 0 : i32
    return %arg0, %c0_i32 : i32, i32
  }
  func.func @transform_2(%arg0: i32) -> (i32, i32) {
    %c0_i32 = arith.constant 0 : i32
    %c0_i32_0 = arith.constant 0 : i32
    %c0_i32_1 = arith.constant 0 : i32
    return %c0_i32, %c0_i32_0 : i32, i32
  }
  func.func @transform_3(%arg0: i32) -> (i32, i32) {
    %c0_i32 = arith.constant 0 : i32
    %c0_i32_0 = arith.constant 0 : i32
    %c0_i32_1 = arith.constant 0 : i32
    return %c0_i32, %c0_i32_0 : i32, i32
  }
  func.func @transform_4(%arg0: i32) -> (i32, i32) {
    %c0_i32 = arith.constant 0 : i32
    %c0_i32_0 = arith.constant 0 : i32
    return %arg0, %c0_i32 : i32, i32
  }
  func.func @transform_5(%arg0: i32) -> (i32, i32) {
    %c0_i32 = arith.constant 0 : i32
    %c0_i32_0 = arith.constant 0 : i32
    return %arg0, %c0_i32 : i32, i32
  }
}

module attributes {stable_mosaic.version = 14 : i64} {
  func.func @_head_body(%arg0: i32, %arg1: memref<1280x128xf32, #tpu.memory_space<vmem>>, %arg2: memref<1280x128xbf16, #tpu.memory_space<vmem>>, %arg3: memref<1x1x1280xf32, #tpu.memory_space<vmem>>, %arg4: memref<256x128xf32, #tpu.memory_space<vmem>>, %arg5: memref<128x64xf32, #tpu.memory_space<vmem>>, %arg6: memref<1x64xf32, #tpu.memory_space<vmem>>, %arg7: memref<1x64xf32, #tpu.memory_space<vmem>>, %arg8: memref<1x1xf32, #tpu.memory_space<vmem>>, %arg9: memref<1x1x1280xf32, #tpu.memory_space<vmem>>) attributes {dimension_semantics = [#tpu.dimension_semantics<arbitrary>], iteration_bounds = array<i64: 250>, scalar_prefetch = 0 : i64, scratch_operands = 0 : i64, tpu.core_type = #tpu.core_type<tc>, window_params = [{transform_indices = @transform_0, window_bounds = array<i64: 1280, 128>}, {transform_indices = @transform_1, window_bounds = array<i64: 1280, 128>}, {transform_indices = @transform_2, window_bounds = array<i64: 1, 1, 1280>}, {pipeline_mode = #tpu.pipeline_mode<synchronous>, transform_indices = @transform_3, window_bounds = array<i64: 256, 128>}, {pipeline_mode = #tpu.pipeline_mode<synchronous>, transform_indices = @transform_4, window_bounds = array<i64: 128, 64>}, {pipeline_mode = #tpu.pipeline_mode<synchronous>, transform_indices = @transform_5, window_bounds = array<i64: 1, 64>}, {pipeline_mode = #tpu.pipeline_mode<synchronous>, transform_indices = @transform_6, window_bounds = array<i64: 1, 64>}, {pipeline_mode = #tpu.pipeline_mode<synchronous>, transform_indices = @transform_7, window_bounds = array<i64: 1, 1>}, {transform_indices = @transform_8, window_bounds = array<i64: 1, 1, 1280>}]} {
    %get3A = arith.constant 0 : index
    %get3A_0 = arith.constant 0 : index
    %get3A_1 = vector.load %arg1[%get3A, %get3A_0] : memref<1280x128xf32, #tpu.memory_space<vmem>>, vector<1280x128xf32>
    %get3A_2 = arith.constant 0 : index
    %get3A_3 = arith.constant 0 : index
    %get3A_4 = vector.load %arg4[%get3A_2, %get3A_3] : memref<256x128xf32, #tpu.memory_space<vmem>>, vector<128x128xf32>
    %convert_element_type3A = arith.truncf %get3A_1 : vector<1280x128xf32> to vector<1280x128xbf16>
    %convert_element_type3A_5 = arith.truncf %get3A_4 : vector<128x128xf32> to vector<128x128xbf16>
    %dot_general3A = arith.constant dense<0.000000e+00> : vector<1280x128xf32>
    %dot_general3A_6 = tpu.matmul %convert_element_type3A, %convert_element_type3A_5, %dot_general3A {dimension_numbers = #tpu.dot_dimension_numbers<[1], [0], [0], [1], [0, 0, 1, 1], [], []>, transpose_lhs_hint = false} : vector<1280x128xbf16>, vector<128x128xbf16>, vector<1280x128xf32> -> vector<1280x128xf32>
    %get3A_7 = arith.constant 0 : index
    %get3A_8 = arith.constant 0 : index
    %get3A_9 = vector.load %arg2[%get3A_7, %get3A_8] : memref<1280x128xbf16, #tpu.memory_space<vmem>>, vector<1280x128xbf16>
    %convert_element_type3A_10 = arith.extf %get3A_9 : vector<1280x128xbf16> to vector<1280x128xf32>
    %add3A = arith.addf %dot_general3A_6, %convert_element_type3A_10 : vector<1280x128xf32>
    %max3A = arith.constant 0.000000e+00 : f32
    %max3A_11 = vector.broadcast %max3A : f32 to vector<1280x128xf32>
    %max3A_12 = arith.maximumf %add3A, %max3A_11 : vector<1280x128xf32>
    %get3A_13 = arith.constant 0 : index
    %get3A_14 = arith.constant 0 : index
    %get3A_15 = vector.load %arg5[%get3A_13, %get3A_14] : memref<128x64xf32, #tpu.memory_space<vmem>>, vector<128x64xf32>
    %convert_element_type3A_16 = arith.truncf %max3A_12 : vector<1280x128xf32> to vector<1280x128xbf16>
    %convert_element_type3A_17 = arith.truncf %get3A_15 : vector<128x64xf32> to vector<128x64xbf16>
    %dot_general3A_18 = arith.constant dense<0.000000e+00> : vector<1280x64xf32>
    %dot_general3A_19 = tpu.matmul %convert_element_type3A_16, %convert_element_type3A_17, %dot_general3A_18 {dimension_numbers = #tpu.dot_dimension_numbers<[1], [0], [0], [1], [0, 0, 1, 1], [], []>, transpose_lhs_hint = false} : vector<1280x128xbf16>, vector<128x64xbf16>, vector<1280x64xf32> -> vector<1280x64xf32>
    %get3A_20 = arith.constant 0 : index
    %get3A_21 = arith.constant 0 : index
    %get3A_22 = vector.load %arg6[%get3A_20, %get3A_21] : memref<1x64xf32, #tpu.memory_space<vmem>>, vector<1x64xf32>
    %add3A_23 = vector.broadcast %get3A_22 : vector<1x64xf32> to vector<1280x64xf32>
    %add3A_24 = arith.addf %dot_general3A_19, %add3A_23 : vector<1280x64xf32>
    %max3A_25 = arith.constant 0.000000e+00 : f32
    %max3A_26 = vector.broadcast %max3A_25 : f32 to vector<1280x64xf32>
    %max3A_27 = arith.maximumf %add3A_24, %max3A_26 : vector<1280x64xf32>
    %get3A_28 = arith.constant 0 : index
    %get3A_29 = arith.constant 0 : index
    %get3A_30 = vector.load %arg7[%get3A_28, %get3A_29] : memref<1x64xf32, #tpu.memory_space<vmem>>, vector<1x64xf32>
    %mul3A = vector.broadcast %get3A_30 : vector<1x64xf32> to vector<1280x64xf32>
    %mul3A_31 = arith.mulf %max3A_27, %mul3A : vector<1280x64xf32>
    %reduce_sum3A = arith.constant dense<0.000000e+00> : vector<1280xf32>
    %reduce_sum3A_32 = vector.multi_reduction <add>, %mul3A_31, %reduce_sum3A [1] : vector<1280x64xf32> to vector<1280xf32>
    %get3A_33 = arith.constant 0 : index
    %get3A_34 = arith.constant 0 : index
    %get3A_35 = vector.load %arg8[%get3A_33, %get3A_34] : memref<1x1xf32, #tpu.memory_space<vmem>>, vector<1x1xf32>
    %get3A_36 = vector.extract %get3A_35[0, 0] : f32 from vector<1x1xf32>
    %add3A_37 = vector.broadcast %get3A_36 : f32 to vector<1280xf32>
    %add3A_38 = arith.addf %reduce_sum3A_32, %add3A_37 : vector<1280xf32>
    %get3A_39 = arith.constant 0 : index
    %get3A_40 = arith.constant 0 : index
    %get3A_41 = arith.constant 0 : index
    %get3A_42 = vector.load %arg3[%get3A_39, %get3A_40, %get3A_41] : memref<1x1x1280xf32, #tpu.memory_space<vmem>>, vector<1x1x1280xf32>
    %get3A_43 = vector.shape_cast %get3A_42 : vector<1x1x1280xf32> to vector<1280xf32>
    %mul3A_44 = arith.mulf %add3A_38, %get3A_43 : vector<1280xf32>
    %swap3A = arith.constant 0 : index
    %swap3A_45 = arith.constant 0 : index
    %swap3A_46 = arith.constant 0 : index
    %swap3A_47 = vector.load %arg9[%swap3A, %swap3A_45, %swap3A_46] : memref<1x1x1280xf32, #tpu.memory_space<vmem>>, vector<1x1x1280xf32>
    %swap3A_48 = vector.shape_cast %swap3A_47 : vector<1x1x1280xf32> to vector<1280xf32>
    %swap3A_49 = vector.shape_cast %mul3A_44 : vector<1280xf32> to vector<1x1x1280xf32>
    tpu.vector_store %arg9[%swap3A, %swap3A_45, %swap3A_46], %swap3A_49 {strides = array<i32>} : memref<1x1x1280xf32, #tpu.memory_space<vmem>>, vector<1x1x1280xf32>,
    return
  }
  func.func @transform_0(%arg0: i32) -> (i32, i32) {
    %c0_i32 = arith.constant 0 : i32
    %c0_i32_0 = arith.constant 0 : i32
    return %arg0, %c0_i32 : i32, i32
  }
  func.func @transform_1(%arg0: i32) -> (i32, i32) {
    %c0_i32 = arith.constant 0 : i32
    %c0_i32_0 = arith.constant 0 : i32
    return %arg0, %c0_i32 : i32, i32
  }
  func.func @transform_2(%arg0: i32) -> (i32, i32, i32) {
    %c0_i32 = arith.constant 0 : i32
    %c0_i32_0 = arith.constant 0 : i32
    %c0_i32_1 = arith.constant 0 : i32
    return %arg0, %c0_i32, %c0_i32_0 : i32, i32, i32
  }
  func.func @transform_3(%arg0: i32) -> (i32, i32) {
    %c0_i32 = arith.constant 0 : i32
    %c0_i32_0 = arith.constant 0 : i32
    %c0_i32_1 = arith.constant 0 : i32
    return %c0_i32, %c0_i32_0 : i32, i32
  }
  func.func @transform_4(%arg0: i32) -> (i32, i32) {
    %c0_i32 = arith.constant 0 : i32
    %c0_i32_0 = arith.constant 0 : i32
    %c0_i32_1 = arith.constant 0 : i32
    return %c0_i32, %c0_i32_0 : i32, i32
  }
  func.func @transform_5(%arg0: i32) -> (i32, i32) {
    %c0_i32 = arith.constant 0 : i32
    %c0_i32_0 = arith.constant 0 : i32
    %c0_i32_1 = arith.constant 0 : i32
    return %c0_i32, %c0_i32_0 : i32, i32
  }
  func.func @transform_6(%arg0: i32) -> (i32, i32) {
    %c0_i32 = arith.constant 0 : i32
    %c0_i32_0 = arith.constant 0 : i32
    %c0_i32_1 = arith.constant 0 : i32
    return %c0_i32, %c0_i32_0 : i32, i32
  }
  func.func @transform_7(%arg0: i32) -> (i32, i32) {
    %c0_i32 = arith.constant 0 : i32
    %c0_i32_0 = arith.constant 0 : i32
    %c0_i32_1 = arith.constant 0 : i32
    return %c0_i32, %c0_i32_0 : i32, i32
  }
  func.func @transform_8(%arg0: i32) -> (i32, i32, i32) {
    %c0_i32 = arith.constant 0 : i32
    %c0_i32_0 = arith.constant 0 : i32
    %c0_i32_1 = arith.constant 0 : i32
    return %arg0, %c0_i32, %c0_i32_0 : i32, i32, i32
  }
}

module attributes {stable_mosaic.version = 14 : i64} {
  func.func @_redsum_body(%arg0: i32, %arg1: memref<32x4096xf32, #tpu.memory_space<vmem>>, %arg2: memref<1x4096xf32, #tpu.memory_space<vmem>>) attributes {dimension_semantics = [#tpu.dimension_semantics<arbitrary>], iteration_bounds = array<i64: 10>, scalar_prefetch = 0 : i64, scratch_operands = 0 : i64, tpu.core_type = #tpu.core_type<tc>, window_params = [{transform_indices = @transform_0, window_bounds = array<i64: 32, 4096>}, {transform_indices = @transform_1, window_bounds = array<i64: 1, 4096>}]} {
    %get3A = arith.constant 0 : index
    %get3A_0 = arith.constant 0 : index
    %get3A_1 = vector.load %arg1[%get3A, %get3A_0] : memref<32x4096xf32, #tpu.memory_space<vmem>>, vector<32x4096xf32>
    %reduce_sum3A = arith.constant dense<0.000000e+00> : vector<4096xf32>
    %reduce_sum3A_2 = vector.multi_reduction <add>, %get3A_1, %reduce_sum3A [0] : vector<32x4096xf32> to vector<4096xf32>
    %broadcast_in_dim3A = vector.shape_cast %reduce_sum3A_2 : vector<4096xf32> to vector<1x4096xf32>
    %swap3A = arith.constant 0 : index
    %swap3A_3 = arith.constant 0 : index
    %swap3A_4 = vector.load %arg2[%swap3A, %swap3A_3] : memref<1x4096xf32, #tpu.memory_space<vmem>>, vector<1x4096xf32>
    tpu.vector_store %arg2[%swap3A, %swap3A_3], %broadcast_in_dim3A {strides = array<i32>} : memref<1x4096xf32, #tpu.memory_space<vmem>>, vector<1x4096xf32>,
    return
  }
  func.func @transform_0(%arg0: i32) -> (i32, i32) {
    %c0_i32 = arith.constant 0 : i32
    %c0_i32_0 = arith.constant 0 : i32
    return %c0_i32, %arg0 : i32, i32
  }
  func.func @transform_1(%arg0: i32) -> (i32, i32) {
    %c0_i32 = arith.constant 0 : i32
    %c0_i32_0 = arith.constant 0 : i32
    return %c0_i32, %arg0 : i32, i32
  }
}

</mosaic_0001>

<sc_bundles>
// kernel: kernel.13.cloned.1.call-start
scs
__scs_entry_jumppad:
0x0: {  	(pc) =	sbr.rel $0x88, $3  }
0x1: {  	(tag) =	ssettag $0x0;
	lr =	simm.s32 $0x1  }
0x2: {  	[smem:$0x3F81] =	sst lr;
	_ =	strace $0xD0000000  }
0x3: {  	_ = 	snop  }
0x4: {  	_ = 	snop  }
0x5: {  	_ = 	snop  }
0x6: {  	_ = 	snop  }
0x7: {  	_ = 	snop  }
__scs_overlays_trampoline_lowered:
0x8: {  	[smem:$0x3F90] =	sst s0  }
0x9: {  	[smem:$0x3F91] =	sst s1  }
0xa: {  	[smem:$0x3F92] =	sst s2  }
0xb: {  	[smem:$0x3F93] =	sst s3  }
0xc: {  	[smem:$0x3F94] =	sst s4  }
0xd: {  	[smem:$0x3F95] =	sst s5  }
0xe: {  	[smem:$0x3F96] =	sst s6  }
0xf: {  	[smem:$0x3F97] =	sst s7  }
0x10: {  	[smem:$0x3F98] =	sst s8  }
0x11: {  	[smem:$0x3F99] =	sst s9;
	s0 =	simm.s32 @!p0 $0x0  }
0x12: {  	s1 =	sld [smem:$0x3F7F];
	s0 =	simm.s32 @p0 $0x1  }
0x13: {  	[smem:$0x3F9A] =	sst s0;
	s0 =	simm.s32 @!p1 $0x0  }
0x14: {  	s2 =	sld [smem:$0x3F7E];
	s0 =	simm.s32 @p1 $0x1  }
0x15: {  	[smem:$0x3F9B] =	sst s0;
	s0 =	simm.s32 @!p2 $0x0  }
0x16: {  	s3 =	sld [smem:$0x3FDB];
	s0 =	simm.s32 @p2 $0x1  }
0x17: {  	s4 =	simm.s32 $0x1BF5;
	[smem:$0x3F9D] =	sst s0  }
0x18: {  	s0 =	sld [smem:$0x3F80];
	_ =	swait.ge [sflag:s4], $0x0  }
0x19: {  	s7 =	sld [smem:$0x3F81]  }
0x1a: {  	s8 =	sadd.s32 $0xFFFFE003, lr  }
0x1b: {  	s9 =	sadd.s32 $0xFFFFFEF7, lr;
	s5 =	simm.s32 $0xFFFFFFFF;
	p2 =	slt.u32 s8, $0xFFFFF086  }
0x1c: {  	p1 =	slt.u32 s9, $0xF7A;
	s5 =	simm.s32 @!p2 $0x0  }
0x1d: {  	s5 =	simm.s32 @p1 $0x1;
	p0 =	seq.s32 s7, s2  }
0x1e: {  	s7 =	smul.u32 @!p0 $0xF7A, s2;
	p2 =	seq.s32 @!p0 s5, $0x0  }
0x1f: {  	s9 =	smul.u32 $0xF7A, s1;
	s8 =	simm.s32 @!p0 $0x1BF5;
	p2 =	por !p2, p0  }
0x20: {  	[sflag:s8] =	ssyncset.s32 @!p0 $0xFFFFF086;
	s6 =	sadd.s32 @!p0 s3, s7;
	s7 =	simm.s32 @!p0 $0x108  }
0x21: {  	s3 =	sadd.s32 s3, s9;
	s6 =	sadd.s32 @!p0 $0x88, s6;
	s7 =	simm.s32 @p2 $0x1082  }
0x22: {  	[simem:s7], [sflag:s8] =	dma.local @!p0 [hbm:s6], $0xF7A  }
0x23: {  	s9 =	sor.u32 $0xD0000000, s2;
	s6 =	simm.s32 $0x108;
	_ =	swait.ge @!p0 [sflag:s8], $0x0  }
0x24: {  	s3 =	sadd.s32 $0x88, s3;
	s6 =	simm.s32 @!p1 $0x1082;
	[sflag:s4] =	ssyncset.s32 $0xFFFFF086  }
0x25: {  	[simem:s6], [sflag:s4] =	dma.local [hbm:s3], $0xF7A  }
0x26: {  	[smem:$0x3F81] =	sst s1;
	(tag) =	ssettag s2;
	_ =	strace s9  }
0x27: {  	s1 =	sld [smem:$0x3F91]  }
0x28: {  	s2 =	sld [smem:$0x3F92]  }
0x29: {  	s4 =	sld [smem:$0x3F94]  }
0x2a: {  	p0 =	seq.s32 s5, $0x0;
	s5 =	sld [smem:$0x3F95]  }
0x2b: {  	s6 =	sld [smem:$0x3F96]  }
0x2c: {  	s7 =	sld [smem:$0x3F97]  }
0x2d: {  	s3 =	simm.s32 $0x108;
	s8 =	sld [smem:$0x3F98]  }
0x2e: {  	s3 =	simm.s32 @!p0 $0x1082;
	s9 =	sld [smem:$0x3F99]  }
0x2f: {  	lr =	sadd.s32 s0, s3;
	s0 =	sld [smem:$0x3F90]  }
0x30: {  	s3 =	sld [smem:$0x3F93]  }
0x31: {  	[smem:$0x3F9C] =	sst s10  }
0x32: {  	s10 =	sld [smem:$0x3F9A];
	_ =	sdelay $0x3  }
0x33: {  	p0 =	seq.s32 s10, $0x1;
	s10 =	sld [smem:$0x3F9C];
	_ =	sdelay $0x3  }
0x34: {  	[smem:$0x3F9C] =	sst s10  }
0x35: {  	s10 =	sld [smem:$0x3F9B];
	_ =	sdelay $0x3  }
0x36: {  	p1 =	seq.s32 s10, $0x1;
	s10 =	sld [smem:$0x3F9C];
	_ =	sdelay $0x3  }
0x37: {  	[smem:$0x3F9C] =	sst s10  }
0x38: {  	s10 =	sld [smem:$0x3F9D]  }
0x39: {  	_ = 	snop;
	(pc) =	sbr.ind lr, $3  }
0x3a: {  	_ = 	snop  }
0x3b: {  	_ = 	snop  }
0x3c: {  	p2 =	seq.s32 s10, $0x1;
	s10 =	sld [smem:$0x3F9C]  }
0x3d: {  	_ =	shalt  }
0x3e: {  	_ =	shalt  }
0x3f: {  	_ =	shalt  }
0x40: {  	_ =	shalt  }
0x41: {  	_ =	shalt  }
0x42: {  	_ =	shalt  }
0x43: {  	_ =	shalt  }
0x44: {  	_ =	shalt  }
0x45: {  	_ =	shalt  }
0x46: {  	_ =	shalt  }
0x47: {  	_ =	shalt  }
0x48: {  	_ =	shalt  }
0x49: {  	_ =	shalt  }
0x4a: {  	_ =	shalt  }
0x4b: {  	_ =	shalt  }
0x4c: {  	_ =	shalt  }
0x4d: {  	_ =	shalt  }
0x4e: {  	_ =	shalt  }
0x4f: {  	_ =	shalt  }
0x50: {  	_ =	shalt  }
0x51: {  	_ =	shalt  }
0x52: {  	_ =	shalt  }
0x53: {  	_ =	shalt  }
0x54: {  	_ =	shalt  }
0x55: {  	_ =	shalt  }
0x56: {  	_ =	shalt  }
0x57: {  	_ =	shalt  }
0x58: {  	_ =	shalt  }
0x59: {  	_ =	shalt  }
0x5a: {  	_ =	shalt  }
0x5b: {  	_ =	shalt  }
0x5c: {  	_ =	shalt  }
0x5d: {  	_ =	shalt  }
0x5e: {  	_ =	shalt  }
0x5f: {  	_ =	shalt  }
0x60: {  	_ =	shalt  }
0x61: {  	_ =	shalt  }
0x62: {  	_ =	shalt  }
0x63: {  	_ =	shalt  }
0x64: {  	_ =	shalt  }
0x65: {  	_ =	shalt  }
0x66: {  	_ =	shalt  }
0x67: {  	_ =	shalt  }
0x68: {  	_ =	shalt  }
0x69: {  	_ =	shalt  }
0x6a: {  	_ =	shalt  }
0x6b: {  	_ =	shalt  }
0x6c: {  	_ =	shalt  }
0x6d: {  	_ =	shalt  }
0x6e: {  	_ =	shalt  }
0x6f: {  	_ =	shalt  }
0x70: {  	_ =	shalt  }
0x71: {  	_ =	shalt  }
0x72: {  	_ =	shalt  }
0x73: {  	_ =	shalt  }
0x74: {  	_ =	shalt  }
0x75: {  	_ =	shalt  }
0x76: {  	_ =	shalt  }
0x77: {  	_ =	shalt  }
0x78: {  	_ =	shalt  }
0x79: {  	_ =	shalt  }
0x7a: {  	_ =	shalt  }
0x7b: {  	_ =	shalt  }
0x7c: {  	_ =	shalt  }
0x7d: {  	_ =	shalt  }
0x7e: {  	_ =	shalt  }
0x7f: {  	_ =	shalt  }
0x80: {  	_ =	shalt  }
0x81: {  	_ =	shalt  }
0x82: {  	_ =	shalt  }
0x83: {  	_ =	shalt  }
0x84: {  	_ =	shalt  }
0x85: {  	_ =	shalt  }
0x86: {  	_ =	shalt  }
0x87: {  	_ =	shalt  }
.Lfunc_end0:
.L_simem_size_0:
called_computation_lowered:
.L_overlay_start_0:
0x88: {  	s2 =	sld [smem:$0x3FD9]  }
0x89: {  	s3 =	sld [smem:$0x3FFE];
	_ =	sdelay $0x1  }
0x8a: {  	s1 =	srdreg.scid  }
0x8b: {  	s0 =	sand.u32 $0x1, s1  }
0x8c: {  	s16 =	sshll.u32 s0, $0xA;
	s2 =	sadd.s32 s3, s2  }
0x8d: {  	s2 =	sadd.s32 s2, s16  }
0x8e: {  	[smem:$0x3FA8] =	sst s2  }
0x8f: {  	_ = 	snop  }
0x90: {  	(tm) =	ssettm $0x1  }
0x91: {  	s17 =	sld [smem:$0x3FFB];
	_ =	sdelay $0x3  }
0x92: {  	_ =	strace s17  }
0x93: {  	s2 =	sld [smem:$0x3FFC];
	_ =	sdelay $0x3  }
0x94: {  	_ =	strace s2  }
0x95: {  	s2 =	sld [smem:$0x3FFD];
	_ =	sdelay $0x3  }
0x96: {  	_ =	strace s2  }
0x97: {  	_ =	strace $0x8FFFFFFF  }
0x98: {  	s18 =	sld [smem:$0x3FDB];
	_ =	sdelay $0x1  }
0x99: {  	s19 =	simm.s32 $_scs_section_size  }
0x9a: {  	s4 =	simm.s32 $_size__tile_overlayer_lowered;
	s5 =	simm.s32 $_tile_overlayer_lowered  }
0x9b: {  	s22 =	simm.s32 $0x1BFF;
	s21 =	sshll.u32 s5, $0x1;
	s2 =	sadd.s32 s19, s18  }
0x9c: {  	s6 =	simm.s32 $0x0;
	s20 =	sshll.u32 s4, $0x1;
	s4 =	sadd.s32 s21, s2  }
0x9d: {  	[timem:s6], [sflag:s22] =	dma.local [hbm:s4], s20  }
0x9e: {  	_ =	swait.ge [sflag:s22], s20  }
0x9f: {  	s3 =	ssub.s32 $0x0, s20;
	[sflag:s22] =	ssyncset.done $0x0  }
0xa0: {  	[sflag:s22] =	ssyncadd.s32 s3;
	_ =	sdelay $0x1  }
0xa1: {  	s23 =	simm.s32 $0x1B8B  }
0xa2: {  	_ =	swait.ge [sflag:s23], $0x1  }
0xa3: {  	[sflag:s23] =	ssyncset.done $0x0  }
0xa4: {  	s25 =	simm.s32 $0x1B8E;
	s24 =	sld [smem:$0x3FFE];
	[sflag:s23] =	ssyncadd.s32 $0xFFFFFFFF  }
0xa5: {  	s26 =	simm.s32 $execute0_lowered;
	[smem:$0x3FD2] =	sst s25  }
0xa6: {  	s4 =	sshll.u32 s26, $0x1;
	_ =	strace $0x80000046;
	[dreg:$0x1] =	wrdreg $0xFFFFFFFF  }
0xa7: {  	s28 =	simm.s32 $_size_execute0_lowered;
	s2 =	sadd.s32 s2, s4;
	[dreg:$0x0] =	wrdreg $0x0  }
0xa8: {  	s4 =	sshll.u32 s28, $0x1;
	[dreg:$0x2] =	wrdreg s2  }
0xa9: {  	[dreg:$0x3] =	wrdreg s4  }
0xaa: {  	[dreg:$0x4] =	wrdreg $0xC0  }
0xab: {  	_ =	task [dreg:s6], $0x5FFFF  }
0xac: {  	[dreg:$0x1] =	wrdreg $0xFFFFFFFF  }
0xad: {  	[dreg:$0x0] =	wrdreg $0x60  }
0xae: {  	[dreg:$0x2] =	wrdreg s24  }
0xaf: {  	[dreg:$0x3] =	wrdreg $0x9  }
0xb0: {  	_ =	task.clear_ibuf [dreg:s6], $0x4FFFF;
	_ =	strace $0x90000046  }
0xb1: {  	s29 =	simm.s32 $0x9;
	_ =	strace $0x80000048  }
0xb2: {  	_ =	swait.ge [sflag:s29], $0x1  }
0xb3: {  	[sflag:s29] =	ssyncadd.s32 $0xFFFFFFFF  }
0xb4: {  	_ =	strace $0x90000048  }
0xb5: {  	_ =	sfence  }
0xb6: {  	s30 =	sld [smem:$0x0];
	_ =	sdelay $0x2  }
0xb7: {  	s31 =	sshll.u32 s1, $0xD;
	s1 =	sshrl.u32 s1, $0x2  }
0xb8: {  	s3 =	sand.u32 $0x4000, s31;
	s1 =	sadd.s32 s1, s30  }
0xb9: {  	s0 =	sor.u32 s3, s0;
	s1 =	sshll.u32 s1, $0x11  }
0xba: {  	s0 =	sor.u32 s1, s0  }
0xbb: {  	s0 =	sadd.s32 $0x8F2B, s0  }
0xbc: {  	[sflag:s0] =	ssyncadd.remote.s32 $0x1  }
0xbd: {  	_ =	sfence.sel $0xFFFF  }
0xbe: {  	[dreg:$0x0] =	wrdreg $0xFFFFFFFF;
	(pc) =	sbr.abs _section_cstart, $3  }
0xbf: {  	[dreg:$0x1] =	wrdreg $0xFFFFFFFF  }
0xc0: {  	_ =	task.clear_ibuf [dreg:s6], $0x2FFFF;
	_ =	strace $0x9FFFFFFF  }
0xc1: {  	(tm) =	ssettm $0x7FFFFFFF  }
tec
execute0_lowered:
.L_overlay_start_1:
0x0: {  	(tag) =	ssettag $0x1  }
0x1: {  	s11 =	rddreg [dreg:$0x0]  }
0x2: {  	s0 =	rddreg [dreg:$0x1];
	s1 =	simm.s32 $0x0;
	s6 =	srdreg.scid  }
0x3: {  	s16 =	simm.s32 $0x14000;
	s17 =	simm.s32 $0x14800;
	s18 =	simm.s32 $0x15000  }
0x4: {  	s19 =	simm.s32 $0x15800;
	s20 =	simm.s32 $0x16000;
	s21 =	simm.s32 $0x16800  }
0x5: {  	s22 =	simm.s32 $0x17000;
	s23 =	simm.s32 $0x0;
	[smem:$0x7FF] =	sst s1  }
0x6: {  	s2 =	sadd.s32 $0x6000, s11;
	s3 =	sadd.s32 $0x7400, s11;
	s4 =	sadd.s32 $0x12600, s11  }
0x7: {  	s5 =	sadd.s32 $0x8800, s11;
	s7 =	sadd.s32 $0x30000, s11;
	s8 =	sadd.s32 $0x39E00, s11  }
0x8: {  	s12 =	sand.u32 $0x1, s6;
	s9 =	sadd.s32 $0x43C00, s11;
	s6 =	stileid.u32  }
0x9: {  	s10 =	sadd.s32 $0x1C400, s11;
	s11 =	sadd.s32 $0x26200, s11;
	s13 =	ssub.s32 $0x2, s12  }
0xa: {  	_ =	strace $0x80000047;
	s15 =	sshll.u32 s6, $0x1;
	s14 =	sshrl.u32 s13, $0x1  }
0xb: {  	s12 =	sor.u32 s12, s15;
	s15 =	simm.s32 $0xA000;
	s13 =	ssub.s32 s13, s14  }
0xc: {  	s12 =	smul.u32 $0x2710, s12;
	s14 =	simm.s32 $0x1;
	s13 =	smax.u32 s13, $0x1  }
.LBB2_1:
0xd: {  	[tilespmem:s1], [sflag:$0x1] =	stream.linear.gather [hbm4b:s2+s1], $0xA000, $0x38;
	[tilespmem:$0x17800] =	vst v63  }
0xe: {  	_ =	swait.ge [sflag:s14], $0xA000  }
0xf: {  	[sflag:s14] =	ssyncset.done $0x0  }
0x10: {  	[sflag:s14] =	ssyncadd.s32 $0xFFFF6000  }
0x11: {  	[tilespmem:s15], [sflag:$0x1] =	stream.linear.gather [hbm4b:s3+s1], $0xA000, $0x38;
	[tilespmem:$0x17800] =	vst v63  }
0x12: {  	_ =	swait.ge [sflag:s14], $0xA000  }
0x13: {  	[sflag:s14] =	ssyncset.done $0x0  }
0x14: {  	s24 =	simm.s32 $0x0;
	[sflag:s14] =	ssyncadd.s32 $0xFFFF6000  }
.LBB2_2:
0x15: {  	s25 =	smul.u32 $0x7D0, s24;
	_ =	sdelay $0x1  }
0x16: {  	s25 =	sadd.s32 s12, s25  }
0x17: {  	s25 =	sshrl.u32 s25, $0x3  }
0x18: {  	s28 =	simm.s32 $0x0;
	s26 =	sadd.s32 s4, s25  }
0x19: {  	[tilespmem:s16], [sflag:$0x1] =	stream.linear.gather [hbm4b:s26+s28], $0x7D0, $0x38;
	[tilespmem:$0x17800] =	vst v63  }
0x1a: {  	_ =	swait.ge [sflag:s14], $0x7D0  }
0x1b: {  	[sflag:s14] =	ssyncset.done $0x0  }
0x1c: {  	s31 =	sadd.s32 s5, s25;
	[sflag:s14] =	ssyncadd.s32 $0xFFFFF830  }
0x1d: {  	[tilespmem:s17], [sflag:$0x1] =	stream.linear.gather [hbm4b:s31+s28], $0x7D0, $0x38;
	[tilespmem:$0x17800] =	vst v63  }
0x1e: {  	_ =	swait.ge [sflag:s14], $0x7D0  }
0x1f: {  	[sflag:s14] =	ssyncset.done $0x0  }
0x20: {  	s26 =	simm.s32 $0x0;
	[sflag:s14] =	ssyncadd.s32 $0xFFFFF830  }
0x21: {  	v1 =	vld [tilespmem:s26+$0x14000]  }
0x22: {  	v0 =	vld [tilespmem:s26+$0x14800];
	_ =	sdelay $0x3  }
0x23: {  	v1 =	vshll.u32 v1, $0x2  }
0x24: {  	v3 =	vshll.u32 v0, $0x2  }
0x25: {  	v2 =	vor.u32 $0x1, v3  }
0x26: {  	v0 =	vor.u32 $0x1, v1  }
0x27: {  	v4 =	vor.u32 $0x2, v3  }
0x28: {  	v5 =	vor.u32 $0x2, v1;
	v7 =	vld.idx.msk [tilespmem:v1+s1+$0x0], $0xffff  }
0x29: {  	v8 =	vld.idx.msk [tilespmem:v3+s1+$0x0], $0xffff  }
0x2a: {  	v6 =	vld.idx.msk [tilespmem:v2+s1+$0x0], $0xffff  }
0x2b: {  	v9 =	vld.idx.msk [tilespmem:v0+s1+$0x0], $0xffff  }
0x2c: {  	v10 =	vld.idx.msk [tilespmem:v4+s1+$0x0], $0xffff  }
0x2d: {  	v11 =	vld.idx.msk [tilespmem:v5+s1+$0x0], $0xffff;
	_ =	sdelay $0x2  }
0x2e: {  	v7 =	vsub.f32 v7, v8;
	v6 =	vsub.f32 v9, v6;
	_ =	sdelay $0x1  }
0x2f: {  	v8 =	vsub.f32 v11, v10;
	v62 =	vmul.f32 v7, v7;
	v63 =	vmul.f32 v6, v6  }
0x30: {  	[tilespmem:s26+$0x15000] =	vst v7  }
0x31: {  	[tilespmem:s26+$0x15800] =	vst v6;
	v7 =	vmul.f32 v8, v8;
	v6 =	vadd.f32 v63, v62;
	_ =	sdelay $0x1  }
0x32: {  	s28 =	simm.s32 $0x10;
	[tilespmem:s26+$0x16000] =	vst v8;
	v8 =	vadd.f32 v7, v6  }
0x33: {  	v7 =	vld [tilespmem:s28+$0x14800]  }
0x34: {  	s29 =	simm.s32 $0x80;
	v6 =	vld [tilespmem:s28+$0x14000];
	[tilespmem:s26+$0x16800] =	vst v8  }
.LBB2_3:
0x35: {  	p0 =	sne.s32 s29, $0x1F00;
	v8 =	vld.idx.msk [tilespmem:v3+s15+$0x0], $0xffff;
	s30 =	smov.u32 s29;
	s29 =	sadd.s32 $0x40, s29  }
0x36: {  	v9 =	vld.idx.msk [tilespmem:v1+s15+$0x0], $0xffff  }
0x37: {  	v10 =	vld.idx.msk [tilespmem:v2+s15+$0x0], $0xffff  }
0x38: {  	v11 =	vld.idx.msk [tilespmem:v0+s15+$0x0], $0xffff  }
0x39: {  	v3 =	vshll.u32 v7, $0x2;
	v1 =	vshll.u32 v6, $0x2;
	v4 =	vld.idx.msk [tilespmem:v4+s15+$0x0], $0xffff  }
0x3a: {  	v2 =	vor.u32 $0x1, v3;
	v0 =	vor.u32 $0x1, v1;
	v5 =	vld.idx.msk [tilespmem:v5+s15+$0x0], $0xffff;
	_ =	sdelay $0x1  }
0x3b: {  	v6 =	vsub.f32 v9, v8;
	_ =	sdelay $0x1  }
0x3c: {  	v7 =	vsub.f32 v11, v10;
	_ =	sdelay $0x1  }
0x3d: {  	v4 =	vsub.f32 v5, v4;
	v5 =	vmul.f32 v6, v6;
	v6 =	vmul.f32 v7, v7;
	_ =	sdelay $0x1  }
0x3e: {  	v5 =	vadd.f32 v6, v5;
	v4 =	vmul.f32 v4, v4;
	_ =	sdelay $0x1  }
0x3f: {  	v5 =	vadd.f32 v4, v5;
	_ =	sdelay $0x1  }
0x40: {  	v4 =	vor.u32 $0x2, v3;
	[tilespmem:s26+$0x17000] =	vst v5;
	s26 =	smov.u32 s28  }
0x41: {  	v5 =	vor.u32 $0x2, v1;
	v6 =	vld.idx.msk [tilespmem:v2+s1+$0x0], $0xffff  }
0x42: {  	v7 =	vld.idx.msk [tilespmem:v1+s1+$0x0], $0xffff  }
0x43: {  	v8 =	vld.idx.msk [tilespmem:v3+s1+$0x0], $0xffff  }
0x44: {  	v9 =	vld.idx.msk [tilespmem:v0+s1+$0x0], $0xffff  }
0x45: {  	v10 =	vld.idx.msk [tilespmem:v4+s1+$0x0], $0xffff  }
0x46: {  	v11 =	vld.idx.msk [tilespmem:v5+s1+$0x0], $0xffff;
	_ =	sdelay $0x2  }
0x47: {  	v7 =	vsub.f32 v7, v8  }
0x48: {  	v6 =	vsub.f32 v9, v6  }
0x49: {  	[tilespmem:s26+$0x15000] =	vst v7  }
0x4a: {  	v8 =	vsub.f32 v11, v10;
	v7 =	vmul.f32 v7, v7;
	[tilespmem:s26+$0x15800] =	vst v6;
	v6 =	vmul.f32 v6, v6;
	_ =	sdelay $0x1  }
.Ltmp0:
0x4b: {  	s28 =	sshra.s32 s30, $0x2;
	[tilespmem:s26+$0x16000] =	vst v8;
	v6 =	vadd.f32 v6, v7;
	v7 =	vmul.f32 v8, v8;
	(pc) =	sbr.rel @p0 .LBB2_3-.Ltmp0, $4  }
0x4c: {  	_ = 	snop  }
0x4d: {  	v8 =	vadd.f32 v7, v6  }
0x4e: {  	v7 =	vld [tilespmem:s28+$0x14800]  }
0x4f: {  	v6 =	vld [tilespmem:s28+$0x14000];
	[tilespmem:s26+$0x16800] =	vst v8  }
0x50: {  	_ =	sdelay $0x3  }
0x51: {  	v3 =	vld.idx.msk [tilespmem:v3+s15+$0x0], $0xffff  }
0x52: {  	v1 =	vld.idx.msk [tilespmem:v1+s15+$0x0], $0xffff  }
0x53: {  	v2 =	vld.idx.msk [tilespmem:v2+s15+$0x0], $0xffff  }
0x54: {  	v0 =	vld.idx.msk [tilespmem:v0+s15+$0x0], $0xffff  }
0x55: {  	v4 =	vld.idx.msk [tilespmem:v4+s15+$0x0], $0xffff  }
0x56: {  	v5 =	vld.idx.msk [tilespmem:v5+s15+$0x0], $0xffff;
	_ =	sdelay $0x2  }
0x57: {  	v1 =	vsub.f32 v1, v3;
	v0 =	vsub.f32 v0, v2;
	_ =	sdelay $0x1  }
0x58: {  	v46 =	vsub.f32 v5, v4;
	v1 =	vmul.f32 v1, v1;
	v0 =	vmul.f32 v0, v0  }
0x59: {  	v47 =	vshll.u32 v7, $0x2  }
0x5a: {  	v48 =	vor.u32 $0x1, v47;
	v49 =	vmul.f32 v46, v46;
	v0 =	vadd.f32 v0, v1  }
0x5b: {  	v50 =	vshll.u32 v6, $0x2  }
0x5c: {  	v0 =	vadd.f32 v49, v0  }
0x5d: {  	v51 =	vor.u32 $0x1, v50  }
0x5e: {  	v52 =	vor.u32 $0x2, v47;
	[tilespmem:s26+$0x17000] =	vst v0  }
0x5f: {  	v6 =	vor.u32 $0x2, v50;
	v0 =	vld.idx.msk [tilespmem:v48+s1+$0x0], $0xffff  }
0x60: {  	v53 =	vld.idx.msk [tilespmem:v50+s1+$0x0], $0xffff  }
0x61: {  	v8 =	vld.idx.msk [tilespmem:v47+s1+$0x0], $0xffff  }
0x62: {  	v9 =	vld.idx.msk [tilespmem:v51+s1+$0x0], $0xffff  }
0x63: {  	v10 =	vld.idx.msk [tilespmem:v52+s1+$0x0], $0xffff  }
0x64: {  	v11 =	vld.idx.msk [tilespmem:v6+s1+$0x0], $0xffff;
	_ =	sdelay $0x2  }
0x65: {  	v7 =	vsub.f32 v53, v8;
	v0 =	vsub.f32 v9, v0;
	_ =	sdelay $0x1  }
0x66: {  	v54 =	vsub.f32 v11, v10;
	v55 =	vmul.f32 v7, v7;
	v56 =	vmul.f32 v0, v0;
	_ =	sdelay $0x1  }
0x67: {  	v57 =	vmul.f32 v54, v54;
	v9 =	vadd.f32 v56, v55  }
0x68: {  	[tilespmem:s28+$0x15000] =	vst v7  }
0x69: {  	[tilespmem:s28+$0x15800] =	vst v0;
	v58 =	vadd.f32 v57, v9  }
0x6a: {  	[tilespmem:s28+$0x16000] =	vst v54  }
0x6b: {  	[tilespmem:s28+$0x16800] =	vst v58  }
0x6c: {  	v0 =	vld.idx.msk [tilespmem:v47+s15+$0x0], $0xffff  }
0x6d: {  	v2 =	vld.idx.msk [tilespmem:v50+s15+$0x0], $0xffff  }
0x6e: {  	v59 =	vld.idx.msk [tilespmem:v48+s15+$0x0], $0xffff  }
0x6f: {  	v1 =	vld.idx.msk [tilespmem:v51+s15+$0x0], $0xffff  }
0x70: {  	v60 =	vld.idx.msk [tilespmem:v52+s15+$0x0], $0xffff  }
0x71: {  	v61 =	vld.idx.msk [tilespmem:v6+s15+$0x0], $0xffff;
	_ =	sdelay $0x2  }
0x72: {  	v0 =	vsub.f32 v2, v0;
	v1 =	vsub.f32 v1, v59;
	_ =	sdelay $0x1  }
0x73: {  	v62 =	vsub.f32 v61, v60;
	v0 =	vmul.f32 v0, v0;
	v1 =	vmul.f32 v1, v1;
	_ =	sdelay $0x1  }
0x74: {  	v63 =	vmul.f32 v62, v62;
	v0 =	vadd.f32 v1, v0;
	_ =	sdelay $0x1  }
0x75: {  	v0 =	vadd.f32 v63, v0;
	_ =	sdelay $0x1  }
0x76: {  	s31 =	sadd.s32 s7, s25;
	[tilespmem:s28+$0x17000] =	vst v0  }
0x77: {  	[hbm4b:s31+s1] =	stream.linear.scatter [tilespmem:s18], [sflag:$0x1], $0x7D0, $0x38;
	[tilespmem:$0x17800] =	vst v63  }
0x78: {  	_ =	swait.ge [sflag:s14], $0x7D0  }
0x79: {  	[sflag:s14] =	ssyncset.done $0x0  }
0x7a: {  	s28 =	sadd.s32 s8, s25;
	[sflag:s14] =	ssyncadd.s32 $0xFFFFF830  }
0x7b: {  	[hbm4b:s28+s1] =	stream.linear.scatter [tilespmem:s19], [sflag:$0x1], $0x7D0, $0x38;
	[tilespmem:$0x17800] =	vst v63  }
0x7c: {  	_ =	swait.ge [sflag:s14], $0x7D0  }
0x7d: {  	[sflag:s14] =	ssyncset.done $0x0  }
0x7e: {  	s29 =	sadd.s32 s9, s25;
	[sflag:s14] =	ssyncadd.s32 $0xFFFFF830  }
0x7f: {  	[hbm4b:s29+s1] =	stream.linear.scatter [tilespmem:s20], [sflag:$0x1], $0x7D0, $0x38;
	[tilespmem:$0x17800] =	vst v63  }
0x80: {  	_ =	swait.ge [sflag:s14], $0x7D0  }
0x81: {  	[sflag:s14] =	ssyncset.done $0x0  }
0x82: {  	s30 =	sadd.s32 s10, s25;
	[sflag:s14] =	ssyncadd.s32 $0xFFFFF830  }
0x83: {  	[hbm4b:s30+s1] =	stream.linear.scatter [tilespmem:s21], [sflag:$0x1], $0x7D0, $0x38;
	[tilespmem:$0x17800] =	vst v63  }
0x84: {  	s24 =	sadd.s32 $0x1, s24;
	_ =	swait.ge [sflag:s14], $0x7D0  }
0x85: {  	p0 =	sne.s32 s24, $0x5;
	[sflag:s14] =	ssyncset.done $0x0  }
.Ltmp1:
0x86: {  	s31 =	sadd.s32 s11, s25;
	[sflag:s14] =	ssyncadd.s32 $0xFFFFF830;
	(pc) =	sbr.rel @p0 .LBB2_2-.Ltmp1, $4  }
0x87: {  	[hbm4b:s31+s1] =	stream.linear.scatter [tilespmem:s22], [sflag:$0x1], $0x7D0, $0x38;
	[tilespmem:$0x17800] =	vst v63  }
0x88: {  	_ =	swait.ge [sflag:s14], $0x7D0  }
0x89: {  	[sflag:s14] =	ssyncset.done $0x0  }
0x8a: {  	[sflag:s14] =	ssyncadd.s32 $0xFFFFF830  }
0x8b: {  	s23 =	sadd.s32 $0x1, s23  }
0x8c: {  	p0 =	sne.s32 s23, s13  }
.Ltmp2:
0x8d: {  	_ = 	snop;
	(pc) =	sbr.rel @p0 .LBB2_1-.Ltmp2, $1  }
0x8e: {  	_ =	sdelay $0x3  }
0x8f: {  	_ =	sfence.sel $0x180000  }
0x90: {  	[bflag:$0x0] =	sbarrier.arrive $0xFFFF  }
0x91: {  	p0 =	sne.s32 s6, $0x0;
	_ =	strace $0x90000047  }
0x92: {  	s0 =	sadd.s32 @!p0 $0x100000, s0;
	[bflag:$0x2] =	sbarrier.arrive $0xFFFF  }
0x93: {  	[sflag:s0] =	ssyncadd.tile.s32 @!p0 $0x1;
	_ =	shalt  }
.Lfunc_end2:
_tile_overlayer_lowered:
.L_overlay_start_2:
0x94: {  	(tag) =	ssettag $0x2  }
0x95: {  	s0 =	rddreg [dreg:$0x0];
	s2 =	stileid.u32  }
0x96: {  	s1 =	rddreg [dreg:$0x1];
	p0 =	sne.s32 s2, $0x0  }
0x97: {  	s3 =	rddreg [dreg:$0x2];
	[bflag:$0x3] =	sbarrier.arrive $0xFFFF;
	s2 =	simm.s32 @!p0 $0x1C01  }
0x98: {  	[timem:s3], [sflag:s2] =	dma.local @!p0 [hbm:s0], s1  }
0x99: {  	s0 =	simm.s32 @!p0 $0x1  }
0x9a: {  	_ =	swait.ge @!p0 [sflag:s0], s1  }
0x9b: {  	s1 =	ssub.s32 @!p0 $0x0, s1;
	[sflag:s0] =	ssyncset.done @!p0 $0x0  }
0x9c: {  	[sflag:s0] =	ssyncadd.s32 @!p0 s1  }
0x9d: {  	[bflag:$0x3] =	sbarrier.arrive $0xFFFF  }
0x9e: {  	_ =	shalt  }

// kernel: kernel.16.cloned.1.call-start
scs
__scs_entry_jumppad:
0x0: {  	(pc) =	sbr.rel $0x88, $3  }
0x1: {  	(tag) =	ssettag $0x0;
	lr =	simm.s32 $0x1  }
0x2: {  	[smem:$0x3F81] =	sst lr;
	_ =	strace $0xD0000000  }
0x3: {  	_ = 	snop  }
0x4: {  	_ = 	snop  }
0x5: {  	_ = 	snop  }
0x6: {  	_ = 	snop  }
0x7: {  	_ = 	snop  }
__scs_overlays_trampoline_lowered:
0x8: {  	[smem:$0x3F90] =	sst s0  }
0x9: {  	[smem:$0x3F91] =	sst s1  }
0xa: {  	[smem:$0x3F92] =	sst s2  }
0xb: {  	[smem:$0x3F93] =	sst s3  }
0xc: {  	[smem:$0x3F94] =	sst s4  }
0xd: {  	[smem:$0x3F95] =	sst s5  }
0xe: {  	[smem:$0x3F96] =	sst s6  }
0xf: {  	[smem:$0x3F97] =	sst s7  }
0x10: {  	[smem:$0x3F98] =	sst s8  }
0x11: {  	[smem:$0x3F99] =	sst s9;
	s0 =	simm.s32 @!p0 $0x0  }
0x12: {  	s1 =	sld [smem:$0x3F7F];
	s0 =	simm.s32 @p0 $0x1  }
0x13: {  	[smem:$0x3F9A] =	sst s0;
	s0 =	simm.s32 @!p1 $0x0  }
0x14: {  	s2 =	sld [smem:$0x3F7E];
	s0 =	simm.s32 @p1 $0x1  }
0x15: {  	[smem:$0x3F9B] =	sst s0;
	s0 =	simm.s32 @!p2 $0x0  }
0x16: {  	s3 =	sld [smem:$0x3FDB];
	s0 =	simm.s32 @p2 $0x1  }
0x17: {  	s4 =	simm.s32 $0x1BF5;
	[smem:$0x3F9D] =	sst s0  }
0x18: {  	s0 =	sld [smem:$0x3F80];
	_ =	swait.ge [sflag:s4], $0x0  }
0x19: {  	s7 =	sld [smem:$0x3F81]  }
0x1a: {  	s8 =	sadd.s32 $0xFFFFE003, lr  }
0x1b: {  	s9 =	sadd.s32 $0xFFFFFEF7, lr;
	s5 =	simm.s32 $0xFFFFFFFF;
	p2 =	slt.u32 s8, $0xFFFFF086  }
0x1c: {  	p1 =	slt.u32 s9, $0xF7A;
	s5 =	simm.s32 @!p2 $0x0  }
0x1d: {  	s5 =	simm.s32 @p1 $0x1;
	p0 =	seq.s32 s7, s2  }
0x1e: {  	s7 =	smul.u32 @!p0 $0xF7A, s2;
	p2 =	seq.s32 @!p0 s5, $0x0  }
0x1f: {  	s9 =	smul.u32 $0xF7A, s1;
	s8 =	simm.s32 @!p0 $0x1BF5;
	p2 =	por !p2, p0  }
0x20: {  	[sflag:s8] =	ssyncset.s32 @!p0 $0xFFFFF086;
	s6 =	sadd.s32 @!p0 s3, s7;
	s7 =	simm.s32 @!p0 $0x108  }
0x21: {  	s3 =	sadd.s32 s3, s9;
	s6 =	sadd.s32 @!p0 $0x88, s6;
	s7 =	simm.s32 @p2 $0x1082  }
0x22: {  	[simem:s7], [sflag:s8] =	dma.local @!p0 [hbm:s6], $0xF7A  }
0x23: {  	s9 =	sor.u32 $0xD0000000, s2;
	s6 =	simm.s32 $0x108;
	_ =	swait.ge @!p0 [sflag:s8], $0x0  }
0x24: {  	s3 =	sadd.s32 $0x88, s3;
	s6 =	simm.s32 @!p1 $0x1082;
	[sflag:s4] =	ssyncset.s32 $0xFFFFF086  }
0x25: {  	[simem:s6], [sflag:s4] =	dma.local [hbm:s3], $0xF7A  }
0x26: {  	[smem:$0x3F81] =	sst s1;
	(tag) =	ssettag s2;
	_ =	strace s9  }
0x27: {  	s1 =	sld [smem:$0x3F91]  }
0x28: {  	s2 =	sld [smem:$0x3F92]  }
0x29: {  	s4 =	sld [smem:$0x3F94]  }
0x2a: {  	p0 =	seq.s32 s5, $0x0;
	s5 =	sld [smem:$0x3F95]  }
0x2b: {  	s6 =	sld [smem:$0x3F96]  }
0x2c: {  	s7 =	sld [smem:$0x3F97]  }
0x2d: {  	s3 =	simm.s32 $0x108;
	s8 =	sld [smem:$0x3F98]  }
0x2e: {  	s3 =	simm.s32 @!p0 $0x1082;
	s9 =	sld [smem:$0x3F99]  }
0x2f: {  	lr =	sadd.s32 s0, s3;
	s0 =	sld [smem:$0x3F90]  }
0x30: {  	s3 =	sld [smem:$0x3F93]  }
0x31: {  	[smem:$0x3F9C] =	sst s10  }
0x32: {  	s10 =	sld [smem:$0x3F9A];
	_ =	sdelay $0x3  }
0x33: {  	p0 =	seq.s32 s10, $0x1;
	s10 =	sld [smem:$0x3F9C];
	_ =	sdelay $0x3  }
0x34: {  	[smem:$0x3F9C] =	sst s10  }
0x35: {  	s10 =	sld [smem:$0x3F9B];
	_ =	sdelay $0x3  }
0x36: {  	p1 =	seq.s32 s10, $0x1;
	s10 =	sld [smem:$0x3F9C];
	_ =	sdelay $0x3  }
0x37: {  	[smem:$0x3F9C] =	sst s10  }
0x38: {  	s10 =	sld [smem:$0x3F9D]  }
0x39: {  	_ = 	snop;
	(pc) =	sbr.ind lr, $3  }
0x3a: {  	_ = 	snop  }
0x3b: {  	_ = 	snop  }
0x3c: {  	p2 =	seq.s32 s10, $0x1;
	s10 =	sld [smem:$0x3F9C]  }
0x3d: {  	_ =	shalt  }
0x3e: {  	_ =	shalt  }
0x3f: {  	_ =	shalt  }
0x40: {  	_ =	shalt  }
0x41: {  	_ =	shalt  }
0x42: {  	_ =	shalt  }
0x43: {  	_ =	shalt  }
0x44: {  	_ =	shalt  }
0x45: {  	_ =	shalt  }
0x46: {  	_ =	shalt  }
0x47: {  	_ =	shalt  }
0x48: {  	_ =	shalt  }
0x49: {  	_ =	shalt  }
0x4a: {  	_ =	shalt  }
0x4b: {  	_ =	shalt  }
0x4c: {  	_ =	shalt  }
0x4d: {  	_ =	shalt  }
0x4e: {  	_ =	shalt  }
0x4f: {  	_ =	shalt  }
0x50: {  	_ =	shalt  }
0x51: {  	_ =	shalt  }
0x52: {  	_ =	shalt  }
0x53: {  	_ =	shalt  }
0x54: {  	_ =	shalt  }
0x55: {  	_ =	shalt  }
0x56: {  	_ =	shalt  }
0x57: {  	_ =	shalt  }
0x58: {  	_ =	shalt  }
0x59: {  	_ =	shalt  }
0x5a: {  	_ =	shalt  }
0x5b: {  	_ =	shalt  }
0x5c: {  	_ =	shalt  }
0x5d: {  	_ =	shalt  }
0x5e: {  	_ =	shalt  }
0x5f: {  	_ =	shalt  }
0x60: {  	_ =	shalt  }
0x61: {  	_ =	shalt  }
0x62: {  	_ =	shalt  }
0x63: {  	_ =	shalt  }
0x64: {  	_ =	shalt  }
0x65: {  	_ =	shalt  }
0x66: {  	_ =	shalt  }
0x67: {  	_ =	shalt  }
0x68: {  	_ =	shalt  }
0x69: {  	_ =	shalt  }
0x6a: {  	_ =	shalt  }
0x6b: {  	_ =	shalt  }
0x6c: {  	_ =	shalt  }
0x6d: {  	_ =	shalt  }
0x6e: {  	_ =	shalt  }
0x6f: {  	_ =	shalt  }
0x70: {  	_ =	shalt  }
0x71: {  	_ =	shalt  }
0x72: {  	_ =	shalt  }
0x73: {  	_ =	shalt  }
0x74: {  	_ =	shalt  }
0x75: {  	_ =	shalt  }
0x76: {  	_ =	shalt  }
0x77: {  	_ =	shalt  }
0x78: {  	_ =	shalt  }
0x79: {  	_ =	shalt  }
0x7a: {  	_ =	shalt  }
0x7b: {  	_ =	shalt  }
0x7c: {  	_ =	shalt  }
0x7d: {  	_ =	shalt  }
0x7e: {  	_ =	shalt  }
0x7f: {  	_ =	shalt  }
0x80: {  	_ =	shalt  }
0x81: {  	_ =	shalt  }
0x82: {  	_ =	shalt  }
0x83: {  	_ =	shalt  }
0x84: {  	_ =	shalt  }
0x85: {  	_ =	shalt  }
0x86: {  	_ =	shalt  }
0x87: {  	_ =	shalt  }
.Lfunc_end0:
.L_simem_size_0:
called_computation.1_lowered:
.L_overlay_start_0:
0x88: {  	s2 =	sld [smem:$0x3FD9]  }
0x89: {  	s3 =	sld [smem:$0x3FFE];
	_ =	sdelay $0x1  }
0x8a: {  	s1 =	srdreg.scid  }
0x8b: {  	s0 =	sand.u32 $0x1, s1  }
0x8c: {  	s16 =	sshll.u32 s0, $0xA;
	s2 =	sadd.s32 s3, s2  }
0x8d: {  	s2 =	sadd.s32 s2, s16  }
0x8e: {  	[smem:$0x3FA8] =	sst s2  }
0x8f: {  	_ = 	snop  }
0x90: {  	(tm) =	ssettm $0x1  }
0x91: {  	s17 =	sld [smem:$0x3FFB];
	_ =	sdelay $0x3  }
0x92: {  	_ =	strace s17  }
0x93: {  	s2 =	sld [smem:$0x3FFC];
	_ =	sdelay $0x3  }
0x94: {  	_ =	strace s2  }
0x95: {  	s2 =	sld [smem:$0x3FFD];
	_ =	sdelay $0x3  }
0x96: {  	_ =	strace s2  }
0x97: {  	_ =	strace $0x8FFFFFFF  }
0x98: {  	s18 =	sld [smem:$0x3FDB];
	_ =	sdelay $0x1  }
0x99: {  	s19 =	simm.s32 $_scs_section_size  }
0x9a: {  	s4 =	simm.s32 $_size__tile_overlayer_lowered;
	s5 =	simm.s32 $_tile_overlayer_lowered  }
0x9b: {  	s22 =	simm.s32 $0x1BFF;
	s21 =	sshll.u32 s5, $0x1;
	s2 =	sadd.s32 s19, s18  }
0x9c: {  	s6 =	simm.s32 $0x0;
	s20 =	sshll.u32 s4, $0x1;
	s4 =	sadd.s32 s21, s2  }
0x9d: {  	[timem:s6], [sflag:s22] =	dma.local [hbm:s4], s20  }
0x9e: {  	_ =	swait.ge [sflag:s22], s20  }
0x9f: {  	s3 =	ssub.s32 $0x0, s20;
	[sflag:s22] =	ssyncset.done $0x0  }
0xa0: {  	[sflag:s22] =	ssyncadd.s32 s3;
	_ =	sdelay $0x1  }
0xa1: {  	s23 =	simm.s32 $0x1B8B  }
0xa2: {  	_ =	swait.ge [sflag:s23], $0x1  }
0xa3: {  	[sflag:s23] =	ssyncset.done $0x0  }
0xa4: {  	s25 =	simm.s32 $0x1B8E;
	s24 =	sld [smem:$0x3FFE];
	[sflag:s23] =	ssyncadd.s32 $0xFFFFFFFF  }
0xa5: {  	s26 =	simm.s32 $execute0_lowered;
	[smem:$0x3FD2] =	sst s25  }
0xa6: {  	s4 =	sshll.u32 s26, $0x1;
	_ =	strace $0x80000049;
	[dreg:$0x1] =	wrdreg $0xFFFFFFFF  }
0xa7: {  	s28 =	simm.s32 $_size_execute0_lowered;
	s2 =	sadd.s32 s2, s4;
	[dreg:$0x0] =	wrdreg $0x0  }
0xa8: {  	s4 =	sshll.u32 s28, $0x1;
	[dreg:$0x2] =	wrdreg s2  }
0xa9: {  	[dreg:$0x3] =	wrdreg s4  }
0xaa: {  	[dreg:$0x4] =	wrdreg $0xC0  }
0xab: {  	_ =	task [dreg:s6], $0x5FFFF  }
0xac: {  	[dreg:$0x1] =	wrdreg $0xFFFFFFFF  }
0xad: {  	[dreg:$0x0] =	wrdreg $0x60  }
0xae: {  	[dreg:$0x2] =	wrdreg s24  }
0xaf: {  	[dreg:$0x3] =	wrdreg $0x0  }
0xb0: {  	[dreg:$0x4] =	wrdreg $0x9  }
0xb1: {  	_ =	task.clear_ibuf [dreg:s6], $0x5FFFF;
	_ =	strace $0x90000049  }
0xb2: {  	s29 =	simm.s32 $0x9;
	_ =	strace $0x8000004B  }
0xb3: {  	_ =	swait.ge [sflag:s29], $0x1  }
0xb4: {  	[sflag:s29] =	ssyncadd.s32 $0xFFFFFFFF  }
0xb5: {  	_ =	strace $0x9000004B  }
0xb6: {  	_ =	sfence  }
0xb7: {  	s30 =	sld [smem:$0x0];
	_ =	sdelay $0x2  }
0xb8: {  	s31 =	sshll.u32 s1, $0xD;
	s1 =	sshrl.u32 s1, $0x2  }
0xb9: {  	s3 =	sand.u32 $0x4000, s31;
	s1 =	sadd.s32 s1, s30  }
0xba: {  	s0 =	sor.u32 s3, s0;
	s1 =	sshll.u32 s1, $0x11  }
0xbb: {  	s0 =	sor.u32 s1, s0  }
0xbc: {  	s0 =	sadd.s32 $0x8F2B, s0  }
0xbd: {  	[sflag:s0] =	ssyncadd.remote.s32 $0x1  }
0xbe: {  	_ =	sfence.sel $0xFFFF  }
0xbf: {  	[dreg:$0x0] =	wrdreg $0xFFFFFFFF;
	(pc) =	sbr.abs _section_cstart, $3  }
0xc0: {  	[dreg:$0x1] =	wrdreg $0xFFFFFFFF  }
0xc1: {  	_ =	task.clear_ibuf [dreg:s6], $0x2FFFF;
	_ =	strace $0x9FFFFFFF  }
0xc2: {  	(tm) =	ssettm $0x7FFFFFFF  }
0xc3: {  	_ =	shalt  }
tec
execute0_lowered:
.L_overlay_start_1:
0x0: {  	(tag) =	ssettag $0x1  }
0x1: {  	s0 =	rddreg [dreg:$0x0]  }
0x2: {  	s1 =	rddreg [dreg:$0x1];
	s3 =	simm.s32 $0x0  }
0x3: {  	s2 =	srdreg.scid;
	s13 =	stileid.u32;
	s28 =	simm.s32 $0x3  }
0x4: {  	s29 =	simm.s32 $0x5;
	[smem:$0x7FF] =	sst s3;
	s2 =	sand.u32 $0x1, s2  }
0x5: {  	s6 =	sshll.u32 s13, $0x1;
	s4 =	sadd.s32 $0x4DA00, s0;
	s12 =	smul.u32 $0x50000, s13  }
0x6: {  	s5 =	sadd.s32 $0x9DA00, s0;
	s7 =	sadd.s32 $0x8800, s0;
	s13 =	smul.u32 $0x14000, s13  }
0x7: {  	s8 =	sor.u32 s2, s6;
	s9 =	ssub.s32 $0x2, s2;
	s2 =	smul.u32 $0x140000, s2  }
0x8: {  	_ =	strace $0x8000004A;
	s6 =	sadd.s32 $0x12600, s0;
	s10 =	smul.u32 $0x2710, s8  }
0x9: {  	s0 =	sadd.s32 $0xCD2A00, s0;
	s11 =	sshrl.u32 s9, $0x1;
	s19 =	smul.u32 $0x27100, s8  }
0xa: {  	s21 =	sshrl.u32 s12, $0x2;
	s18 =	sadd.s32 $0xC000, s13;
	s9 =	ssub.s32 s9, s11  }
0xb: {  	s20 =	sadd.s32 s21, s1;
	s11 =	sadd.s32 $0x4000, s13;
	s14 =	sadd.s32 s13, s2  }
0xc: {  	s17 =	sadd.s32 s2, s18;
	s22 =	sshrl.u32 s10, $0x3;
	s25 =	sadd.s32 s5, s19  }
0xd: {  	s26 =	sadd.s32 $0x50, s10;
	s15 =	sadd.s32 s2, s11;
	[dreg:$0x3] =	wrdreg s20  }
0xe: {  	s14 =	sshrl.u32 s14, $0x3;
	s23 =	sadd.s32 s6, s22;
	[dreg:$0x6] =	wrdreg s25  }
0xf: {  	s24 =	sadd.s32 s7, s22;
	s16 =	sshrl.u32 s26, $0x3;
	[dreg:$0x4] =	wrdreg s23  }
0x10: {  	s15 =	sshrl.u32 s15, $0x3;
	s19 =	sadd.s32 s0, s14;
	[dreg:$0x5] =	wrdreg s24  }
0x11: {  	s14 =	sadd.s32 $0x8000, s13;
	s13 =	sadd.s32 $0x10000, s13;
	[dreg:$0x7] =	wrdreg s19  }
0x12: {  	s21 =	sadd.s32 s0, s15;
	s22 =	sadd.s32 s2, s14;
	s2 =	sadd.s32 s2, s13  }
0x13: {  	s24 =	sshrl.u32 s17, $0x3;
	s8 =	sadd.s32 s6, s16;
	[dreg:$0x8] =	wrdreg s21  }
0x14: {  	s15 =	sshrl.u32 s22, $0x3;
	s25 =	sadd.s32 s0, s24;
	[dreg:$0xc] =	wrdreg s8  }
0x15: {  	s2 =	sshrl.u32 s2, $0x3;
	s23 =	sadd.s32 s0, s15;
	[dreg:$0xa] =	wrdreg s25  }
0x16: {  	s17 =	sadd.s32 $0xA0, s10;
	s0 =	sadd.s32 s0, s2;
	[dreg:$0x9] =	wrdreg s23  }
0x17: {  	s12 =	sshrl.u32 s17, $0x3;
	s15 =	sadd.s32 s7, s16;
	[dreg:$0xb] =	wrdreg s0  }
0x18: {  	s30 =	simm.s32 $0x2;
	s16 =	sadd.s32 s6, s12;
	[dreg:$0xd] =	wrdreg s15  }
0x19: {  	s31 =	simm.s32 $0x4;
	s19 =	sadd.s32 s7, s12;
	[dreg:$0xf] =	wrdreg s16  }
0x1a: {  	s26 =	sshll.u32 s26, $0x4;
	s12 =	smax.u32 s9, $0x1;
	[dreg:$0x10] =	wrdreg s19  }
0x1b: {  	s25 =	sadd.s32 s18, s1;
	s18 =	sadd.s32 $0x5000, s20;
	[dreg:$0x11] =	wrdreg s12  }
0x1c: {  	s22 =	sadd.s32 s14, s1;
	s0 =	sadd.s32 s5, s26;
	[dreg:$0x17] =	wrdreg s18  }
0x1d: {  	s26 =	sadd.s32 s13, s1;
	s13 =	sshrl.u32 s22, $0x3;
	[dreg:$0xe] =	wrdreg s0  }
0x1e: {  	s24 =	sadd.s32 $0x140, s10;
	s14 =	sshrl.u32 s25, $0x3;
	[dreg:$0x13] =	wrdreg s13  }
0x1f: {  	s21 =	sadd.s32 s11, s1;
	s16 =	sadd.s32 $0x2800, s20;
	[dreg:$0x14] =	wrdreg s14  }
0x20: {  	s23 =	sadd.s32 $0xF0, s10;
	s19 =	sadd.s32 $0x7800, s20;
	[dreg:$0x16] =	wrdreg s16  }
0x21: {  	s22 =	sadd.s32 $0xC800, s20;
	s25 =	sadd.s32 $0xF000, s20;
	[dreg:$0x18] =	wrdreg s19  }
0x22: {  	s18 =	simm.s32 $0x50;
	s0 =	sshrl.u32 s21, $0x3;
	[dreg:$0x1a] =	wrdreg s22  }
0x23: {  	s15 =	sshrl.u32 s26, $0x3;
	s21 =	sadd.s32 $0xA000, s20;
	[dreg:$0x1b] =	wrdreg s25  }
.Ltmp0:
0x24: {  	s26 =	sadd.s32 $0x11800, s20;
	[dreg:$0x12] =	wrdreg s0;
	(pc) =	sbr.rel .LBB2_1-.Ltmp0, $4  }
0x25: {  	s13 =	simm.s32 $0x19000;
	s14 =	simm.s32 $0x7;
	[dreg:$0x15] =	wrdreg s15  }
0x26: {  	s16 =	simm.s32 $0x1E100;
	s19 =	simm.s32 $0x14000;
	[dreg:$0x19] =	wrdreg s21  }
0x27: {  	s25 =	simm.s32 $0x16800;
	[dreg:$0x1c] =	wrdreg s26;
	s15 =	simm.s32 $0x1E000  }
0x28: {  	v0 =	vimm.f32 $0.0e+00;
	s21 =	simm.s32 $0x1E180;
	s26 =	simm.s32 $0x1;
	s0 =	simm.s32 $0x0  }
.LBB2_12:
0x29: {  	s2 =	stileid.u32;
	[bflag:$0x0] =	sbarrier.arrive $0xFFFF  }
0x2a: {  	s2 =	sshll.u32 s2, $0x6;
	s20 =	rddreg [dreg:$0x3]  }
0x2b: {  	s9 =	rddreg [dreg:$0x7];
	s2 =	sor.u32 $0x1C07, s2;
	s8 =	sshrl.u32 s20, $0x3  }
0x2c: {  	[hbm:s9], [sflag:s2] =	dma.local [spmem:s8], $0x800  }
0x2d: {  	_ =	swait.ge [sflag:s14], $0x800  }
0x2e: {  	[sflag:s14] =	ssyncset.done $0x0;
	s10 =	rddreg [dreg:$0x8]  }
0x2f: {  	s11 =	rddreg [dreg:$0x12];
	[sflag:s14] =	ssyncadd.s32 $0xFFFFF800  }
0x30: {  	[hbm:s10], [sflag:s2] =	dma.local [spmem:s11], $0x800  }
0x31: {  	_ =	swait.ge [sflag:s14], $0x800  }
0x32: {  	[sflag:s14] =	ssyncset.done $0x0;
	s12 =	rddreg [dreg:$0x9]  }
0x33: {  	s22 =	rddreg [dreg:$0x13];
	[sflag:s14] =	ssyncadd.s32 $0xFFFFF800  }
0x34: {  	[hbm:s12], [sflag:s2] =	dma.local [spmem:s22], $0x800  }
0x35: {  	_ =	swait.ge [sflag:s14], $0x800  }
0x36: {  	[sflag:s14] =	ssyncset.done $0x0;
	s9 =	rddreg [dreg:$0xa]  }
0x37: {  	s10 =	rddreg [dreg:$0x14];
	[sflag:s14] =	ssyncadd.s32 $0xFFFFF800  }
0x38: {  	[hbm:s9], [sflag:s2] =	dma.local [spmem:s10], $0x800  }
0x39: {  	_ =	swait.ge [sflag:s14], $0x800  }
0x3a: {  	[sflag:s14] =	ssyncset.done $0x0;
	s11 =	rddreg [dreg:$0xb]  }
0x3b: {  	s12 =	rddreg [dreg:$0x15];
	[sflag:s14] =	ssyncadd.s32 $0xFFFFF800  }
0x3c: {  	[hbm:s11], [sflag:s2] =	dma.local [spmem:s12], $0x800  }
0x3d: {  	_ =	swait.ge [sflag:s14], $0x800  }
0x3e: {  	s0 =	sadd.s32 $0x1, s0;
	s22 =	rddreg [dreg:$0x11]  }
0x3f: {  	p0 =	sne.s32 s0, s22  }
.Ltmp1:
0x40: {  	_ = 	snop;
	(pc) =	sbr.rel @!p0 .LBB2_13-.Ltmp1, $3  }
0x41: {  	_ =	sdelay $0x1  }
0x42: {  	[sflag:s14] =	ssyncset.done $0x0  }
0x43: {  	[sflag:s14] =	ssyncadd.s32 $0xFFFFF800  }
.LBB2_1:
0x44: {  	s2 =	simm.s32 $0x0;
	s9 =	simm.s32 $0x200  }
.LBB2_2:
0x45: {  	p0 =	sne.s32 s9, $0x9E00;
	[tilespmem:s2+$0x19070] =	vst v0  }
0x46: {  	[tilespmem:s2+$0x19000] =	vst v0  }
0x47: {  	[tilespmem:s2+$0x19010] =	vst v0  }
.Ltmp2:
0x48: {  	[tilespmem:s2+$0x19020] =	vst v0;
	(pc) =	sbr.rel @p0 .LBB2_2-.Ltmp2, $4  }
0x49: {  	[tilespmem:s2+$0x19030] =	vst v0  }
0x4a: {  	[tilespmem:s2+$0x19040] =	vst v0  }
0x4b: {  	[tilespmem:s2+$0x19050] =	vst v0  }
0x4c: {  	[tilespmem:s2+$0x19060] =	vst v0;
	s2 =	sshra.s32 s9, $0x2;
	s9 =	sadd.s32 $0x200, s9  }
0x4d: {  	[tilespmem:s2+$0x19070] =	vst v0  }
0x4e: {  	[tilespmem:s2+$0x19000] =	vst v0  }
0x4f: {  	[tilespmem:s2+$0x19010] =	vst v0  }
0x50: {  	[tilespmem:s2+$0x19020] =	vst v0  }
0x51: {  	[tilespmem:s2+$0x19030] =	vst v0  }
0x52: {  	[tilespmem:s2+$0x19040] =	vst v0  }
0x53: {  	[tilespmem:s2+$0x19050] =	vst v0  }
0x54: {  	[tilespmem:s2+$0x19060] =	vst v0  }
0x55: {  	[spmem:s20] =	stream.linear.scatter [tilespmem:s13], [sflag:$0x7], $0x2800, $0x38;
	[tilespmem:$0x1E200] =	vst v63  }
0x56: {  	_ =	swait.ge [sflag:s14], $0x2800  }
0x57: {  	[sflag:s14] =	ssyncset.done $0x0  }
0x58: {  	s22 =	rddreg [dreg:$0x16];
	[sflag:s14] =	ssyncadd.s32 $0xFFFFD800  }
0x59: {  	[spmem:s22] =	stream.linear.scatter [tilespmem:s13], [sflag:$0x7], $0x2800, $0x38;
	[tilespmem:$0x1E200] =	vst v63  }
0x5a: {  	_ =	swait.ge [sflag:s14], $0x2800  }
0x5b: {  	[sflag:s14] =	ssyncset.done $0x0  }
0x5c: {  	s8 =	rddreg [dreg:$0x17];
	[sflag:s14] =	ssyncadd.s32 $0xFFFFD800  }
0x5d: {  	[spmem:s8] =	stream.linear.scatter [tilespmem:s13], [sflag:$0x7], $0x2800, $0x38;
	[tilespmem:$0x1E200] =	vst v63  }
0x5e: {  	_ =	swait.ge [sflag:s14], $0x2800  }
0x5f: {  	[sflag:s14] =	ssyncset.done $0x0  }
0x60: {  	s9 =	rddreg [dreg:$0x18];
	[sflag:s14] =	ssyncadd.s32 $0xFFFFD800  }
0x61: {  	[spmem:s9] =	stream.linear.scatter [tilespmem:s13], [sflag:$0x7], $0x2800, $0x38;
	[tilespmem:$0x1E200] =	vst v63  }
0x62: {  	_ =	swait.ge [sflag:s14], $0x2800  }
0x63: {  	[sflag:s14] =	ssyncset.done $0x0  }
0x64: {  	s10 =	rddreg [dreg:$0x19];
	[sflag:s14] =	ssyncadd.s32 $0xFFFFD800  }
0x65: {  	[spmem:s10] =	stream.linear.scatter [tilespmem:s13], [sflag:$0x7], $0x2800, $0x38;
	[tilespmem:$0x1E200] =	vst v63  }
0x66: {  	_ =	swait.ge [sflag:s14], $0x2800  }
0x67: {  	[sflag:s14] =	ssyncset.done $0x0  }
0x68: {  	s11 =	rddreg [dreg:$0x1a];
	[sflag:s14] =	ssyncadd.s32 $0xFFFFD800  }
0x69: {  	[spmem:s11] =	stream.linear.scatter [tilespmem:s13], [sflag:$0x7], $0x2800, $0x38;
	[tilespmem:$0x1E200] =	vst v63  }
0x6a: {  	_ =	swait.ge [sflag:s14], $0x2800  }
0x6b: {  	[sflag:s14] =	ssyncset.done $0x0  }
0x6c: {  	s12 =	rddreg [dreg:$0x1b];
	[sflag:s14] =	ssyncadd.s32 $0xFFFFD800  }
0x6d: {  	[spmem:s12] =	stream.linear.scatter [tilespmem:s13], [sflag:$0x7], $0x2800, $0x38;
	[tilespmem:$0x1E200] =	vst v63  }
0x6e: {  	_ =	swait.ge [sflag:s14], $0x2800  }
0x6f: {  	[sflag:s14] =	ssyncset.done $0x0  }
0x70: {  	s20 =	rddreg [dreg:$0x1c];
	[sflag:s14] =	ssyncadd.s32 $0xFFFFD800  }
0x71: {  	[spmem:s20] =	stream.linear.scatter [tilespmem:s13], [sflag:$0x7], $0x2800, $0x38;
	[tilespmem:$0x1E200] =	vst v63  }
0x72: {  	_ =	swait.ge [sflag:s14], $0x2800  }
0x73: {  	[sflag:s14] =	ssyncset.done $0x0  }
0x74: {  	[sflag:s14] =	ssyncadd.s32 $0xFFFFD800  }
0x75: {  	[bflag:$0x0] =	sbarrier.arrive $0xFFFF  }
0x76: {  	s2 =	simm.s32 $0x0;
	s8 =	rddreg [dreg:$0x4]  }
0x77: {  	[tilespmem:s15], [sflag:$0x7] =	stream.linear.gather [hbm4b:s8+s2], $0x50, $0x38;
	[tilespmem:$0x1E200] =	vst v63  }
0x78: {  	_ =	swait.ge [sflag:s14], $0x50  }
0x79: {  	[sflag:s14] =	ssyncset.done $0x0  }
0x7a: {  	s22 =	rddreg [dreg:$0x5];
	[sflag:s14] =	ssyncadd.s32 $0xFFFFFFB0  }
0x7b: {  	[tilespmem:s16], [sflag:$0x7] =	stream.linear.gather [hbm4b:s22+s2], $0x50, $0x38;
	[tilespmem:$0x1E200] =	vst v63  }
0x7c: {  	_ =	swait.ge [sflag:s14], $0x50  }
0x7d: {  	[sflag:s14] =	ssyncset.done $0x0  }
0x7e: {  	[sflag:s14] =	ssyncadd.s32 $0xFFFFFFB0  }
0x7f: {  	[tilespmem:s19], [sflag:$0x1] =	stream.indirect.gather [hbm4b:s4+s18], $0x80, s15, s18, $0xb8;
	[tilespmem:$0x1E200] =	vst v63  }
0x80: {  	s9 =	rddreg [dreg:$0x6]  }
0x81: {  	[tilespmem:s13], [sflag:$0x3] =	stream.linear.gather [hbm4b:s9+s2], $0x2800, $0x38;
	[tilespmem:$0x1E200] =	vst v63  }
0x82: {  	s10 =	rddreg [dreg:$0xc];
	s9 =	simm.s32 $0x1E080  }
0x83: {  	[tilespmem:s9], [sflag:$0x6] =	stream.linear.gather [hbm4b:s10+s2], $0x50, $0x38;
	[tilespmem:$0x1E200] =	vst v63  }
0x84: {  	s12 =	simm.s32 $0x6;
	s11 =	rddreg [dreg:$0xd]  }
0x85: {  	[tilespmem:s21], [sflag:$0x6] =	stream.linear.gather [hbm4b:s11+s2], $0x50, $0x38;
	[tilespmem:$0x1E200] =	vst v63  }
0x86: {  	_ =	swait.ge [sflag:s12], $0x50  }
0x87: {  	[sflag:s12] =	ssyncset.done $0x0  }
0x88: {  	[sflag:s12] =	ssyncadd.s32 $0xFFFFFFB0  }
0x89: {  	_ =	swait.ge [sflag:s12], $0x50  }
0x8a: {  	[sflag:s12] =	ssyncset.done $0x0  }
0x8b: {  	[sflag:s12] =	ssyncadd.s32 $0xFFFFFFB0  }
0x8c: {  	[tilespmem:s25], [sflag:$0x2] =	stream.indirect.gather [hbm4b:s4+s18], $0x80, s9, s18, $0xb8;
	[tilespmem:$0x1E200] =	vst v63  }
0x8d: {  	s22 =	simm.s32 $0x1B800;
	s20 =	rddreg [dreg:$0xe]  }
0x8e: {  	[tilespmem:s22], [sflag:$0x4] =	stream.linear.gather [hbm4b:s20+s2], $0x2800, $0x38;
	[tilespmem:$0x1E200] =	vst v63  }
0x8f: {  	_ =	swait.ge [sflag:s26], $0x2800  }
0x90: {  	[sflag:s26] =	ssyncset.done $0x0  }
0x91: {  	[sflag:s26] =	ssyncadd.s32 $0xFFFFD800  }
0x92: {  	_ =	swait.ge [sflag:s28], $0x2800  }
0x93: {  	[sflag:s28] =	ssyncset.done $0x0  }
0x94: {  	s2 =	simm.s32 $0x0;
	[sflag:s28] =	ssyncadd.s32 $0xFFFFD800  }
0x95: {  	v8 =	vld [tilespmem:s2+$0x19000]  }
0x96: {  	v12 =	vld [tilespmem:s2+$0x19010]  }
0x97: {  	v6 =	vld [tilespmem:s2+$0x19020]  }
0x98: {  	v5 =	vld [tilespmem:s2+$0x19030]  }
0x99: {  	v4 =	vld [tilespmem:s2+$0x19040]  }
0x9a: {  	v3 =	vld [tilespmem:s2+$0x19050]  }
0x9b: {  	v2 =	vld [tilespmem:s2+$0x19060]  }
0x9c: {  	v1 =	vld [tilespmem:s2+$0x19070]  }
0x9d: {  	v13 =	vld [tilespmem:s2+$0x14000]  }
0x9e: {  	v14 =	vld [tilespmem:s2+$0x14010]  }
0x9f: {  	v11 =	vld [tilespmem:s2+$0x14020]  }
0xa0: {  	v10 =	vld [tilespmem:s2+$0x14030]  }
0xa1: {  	v9 =	vld [tilespmem:s2+$0x14040]  }
0xa2: {  	v7 =	vld [tilespmem:s2+$0x14050];
	v13 =	vmul.f32 v8, v13  }
0xa3: {  	s9 =	simm.s32 $0x200;
	v12 =	vmul.f32 v12, v14;
	v8 =	vld [tilespmem:s2+$0x14060]  }
.LBB2_4:
0xa4: {  	s10 =	sshra.s32 s9, $0x2;
	p0 =	sne.s32 s9, $0x9E00;
	[tilespmem:s2+$0x14000] =	vst v13;
	v6 =	vmul.f32 v6, v11;
	v11 =	vld [tilespmem:s2+$0x14070]  }
0xa5: {  	v13 =	vld [tilespmem:s10+$0x19000];
	[tilespmem:s2+$0x14010] =	vst v12;
	v5 =	vmul.f32 v5, v10  }
0xa6: {  	v12 =	vld [tilespmem:s10+$0x19010];
	[tilespmem:s2+$0x14020] =	vst v6;
	v4 =	vmul.f32 v4, v9  }
0xa7: {  	v6 =	vld [tilespmem:s10+$0x19020];
	[tilespmem:s2+$0x14030] =	vst v5;
	v3 =	vmul.f32 v3, v7  }
0xa8: {  	v5 =	vld [tilespmem:s10+$0x19030];
	[tilespmem:s2+$0x14040] =	vst v4;
	v2 =	vmul.f32 v2, v8  }
0xa9: {  	v4 =	vld [tilespmem:s10+$0x19040];
	[tilespmem:s2+$0x14050] =	vst v3;
	v1 =	vmul.f32 v1, v11  }
0xaa: {  	v3 =	vld [tilespmem:s10+$0x19050];
	[tilespmem:s2+$0x14060] =	vst v2  }
0xab: {  	v2 =	vld [tilespmem:s10+$0x19060];
	[tilespmem:s2+$0x14070] =	vst v1;
	s2 =	smov.u32 s10  }
0xac: {  	v1 =	vld [tilespmem:s2+$0x19070]  }
0xad: {  	v7 =	vld [tilespmem:s2+$0x14000]  }
0xae: {  	v8 =	vld [tilespmem:s2+$0x14010]  }
.Ltmp3:
0xaf: {  	v11 =	vld [tilespmem:s2+$0x14020];
	(pc) =	sbr.rel @p0 .LBB2_4-.Ltmp3, $4  }
0xb0: {  	v10 =	vld [tilespmem:s2+$0x14030]  }
0xb1: {  	v9 =	vld [tilespmem:s2+$0x14040]  }
0xb2: {  	v13 =	vmul.f32 v13, v7;
	v7 =	vld [tilespmem:s2+$0x14050]  }
0xb3: {  	s9 =	sadd.s32 $0x200, s9;
	v12 =	vmul.f32 v12, v8;
	v8 =	vld [tilespmem:s2+$0x14060]  }
0xb4: {  	[tilespmem:s2+$0x14000] =	vst v13;
	v6 =	vmul.f32 v6, v11;
	v63 =	vld [tilespmem:s2+$0x14070]  }
0xb5: {  	[tilespmem:s2+$0x14010] =	vst v12;
	v5 =	vmul.f32 v5, v10  }
0xb6: {  	[tilespmem:s2+$0x14020] =	vst v6;
	v4 =	vmul.f32 v4, v9  }
0xb7: {  	[tilespmem:s2+$0x14030] =	vst v5;
	v3 =	vmul.f32 v3, v7  }
0xb8: {  	[tilespmem:s2+$0x14040] =	vst v4;
	v2 =	vmul.f32 v2, v8  }
0xb9: {  	[tilespmem:s2+$0x14050] =	vst v3;
	v1 =	vmul.f32 v1, v63  }
0xba: {  	[tilespmem:s2+$0x14060] =	vst v2  }
0xbb: {  	[tilespmem:s2+$0x14070] =	vst v1  }
0xbc: {  	[spmem:s1] =	stream.indirect.scatter.add.f32 [tilespmem:s19], [sflag:$0x7], $0x80, s16, s18, $0xb8;
	[tilespmem:$0x1E200] =	vst v63  }
0xbd: {  	_ =	swait.ge [sflag:s14], $0x2800  }
0xbe: {  	[sflag:s14] =	ssyncset.done $0x0  }
0xbf: {  	s2 =	simm.s32 $0x0;
	s8 =	rddreg [dreg:$0xf];
	[sflag:s14] =	ssyncadd.s32 $0xFFFFD800  }
0xc0: {  	[tilespmem:s15], [sflag:$0x5] =	stream.linear.gather [hbm4b:s8+s2], $0x50, $0x38;
	[tilespmem:$0x1E200] =	vst v63  }
0xc1: {  	s9 =	simm.s32 $0x0;
	s22 =	rddreg [dreg:$0x10]  }
0xc2: {  	[tilespmem:s16], [sflag:$0x5] =	stream.linear.gather [hbm4b:s22+s2], $0x50, $0x38;
	[tilespmem:$0x1E200] =	vst v63  }
.LBB2_6:
0xc3: {  	_ =	swait.ge [sflag:s29], $0x50  }
0xc4: {  	[sflag:s29] =	ssyncset.done $0x0  }
0xc5: {  	s10 =	smul.u32 $0xA0, s9;
	[sflag:s29] =	ssyncadd.s32 $0xFFFFFFB0  }
0xc6: {  	_ =	swait.ge [sflag:s29], $0x50  }
0xc7: {  	s11 =	sadd.s32 s10, s17;
	[sflag:s29] =	ssyncset.done $0x0  }
0xc8: {  	s11 =	sshll.u32 s11, $0x4;
	[sflag:s29] =	ssyncadd.s32 $0xFFFFFFB0  }
0xc9: {  	[tilespmem:s19], [sflag:$0x1] =	stream.indirect.gather [hbm4b:s4+s18], $0x80, s15, s18, $0xb8;
	[tilespmem:$0x1E200] =	vst v63  }
0xca: {  	s11 =	sadd.s32 s5, s11  }
0xcb: {  	[tilespmem:s13], [sflag:$0x3] =	stream.linear.gather [hbm4b:s11+s2], $0x2800, $0x38;
	[tilespmem:$0x1E200] =	vst v63  }
0xcc: {  	_ =	swait.ge [sflag:s30], $0x2800  }
0xcd: {  	[sflag:s30] =	ssyncset.done $0x0  }
0xce: {  	[sflag:s30] =	ssyncadd.s32 $0xFFFFD800  }
0xcf: {  	_ =	swait.ge [sflag:s31], $0x2800  }
0xd0: {  	[sflag:s31] =	ssyncset.done $0x0  }
0xd1: {  	s11 =	simm.s32 $0x0;
	[sflag:s31] =	ssyncadd.s32 $0xFFFFD800  }
0xd2: {  	v8 =	vld [tilespmem:s11+$0x1B800]  }
0xd3: {  	v12 =	vld [tilespmem:s11+$0x1B810]  }
0xd4: {  	v6 =	vld [tilespmem:s11+$0x1B820]  }
0xd5: {  	v5 =	vld [tilespmem:s11+$0x1B830]  }
0xd6: {  	v4 =	vld [tilespmem:s11+$0x1B840]  }
0xd7: {  	v3 =	vld [tilespmem:s11+$0x1B850]  }
0xd8: {  	v2 =	vld [tilespmem:s11+$0x1B860]  }
0xd9: {  	v1 =	vld [tilespmem:s11+$0x1B870]  }
0xda: {  	v13 =	vld [tilespmem:s11+$0x16800]  }
0xdb: {  	v14 =	vld [tilespmem:s11+$0x16810]  }
0xdc: {  	v11 =	vld [tilespmem:s11+$0x16820]  }
0xdd: {  	v10 =	vld [tilespmem:s11+$0x16830]  }
0xde: {  	v9 =	vld [tilespmem:s11+$0x16840]  }
0xdf: {  	v7 =	vld [tilespmem:s11+$0x16850];
	v13 =	vmul.f32 v8, v13  }
0xe0: {  	s20 =	simm.s32 $0x200;
	v12 =	vmul.f32 v12, v14;
	v8 =	vld [tilespmem:s11+$0x16860]  }
.LBB2_7:
0xe1: {  	s12 =	sshra.s32 s20, $0x2;
	p0 =	sne.s32 s20, $0x9E00;
	[tilespmem:s11+$0x16800] =	vst v13;
	v6 =	vmul.f32 v6, v11;
	v11 =	vld [tilespmem:s11+$0x16870]  }
0xe2: {  	v13 =	vld [tilespmem:s12+$0x1B800];
	[tilespmem:s11+$0x16810] =	vst v12;
	v5 =	vmul.f32 v5, v10  }
0xe3: {  	v12 =	vld [tilespmem:s12+$0x1B810];
	[tilespmem:s11+$0x16820] =	vst v6;
	v4 =	vmul.f32 v4, v9  }
0xe4: {  	v6 =	vld [tilespmem:s12+$0x1B820];
	[tilespmem:s11+$0x16830] =	vst v5;
	v3 =	vmul.f32 v3, v7  }
0xe5: {  	v5 =	vld [tilespmem:s12+$0x1B830];
	[tilespmem:s11+$0x16840] =	vst v4;
	v2 =	vmul.f32 v2, v8  }
0xe6: {  	v4 =	vld [tilespmem:s12+$0x1B840];
	[tilespmem:s11+$0x16850] =	vst v3;
	v1 =	vmul.f32 v1, v11  }
0xe7: {  	v3 =	vld [tilespmem:s12+$0x1B850];
	[tilespmem:s11+$0x16860] =	vst v2  }
0xe8: {  	v2 =	vld [tilespmem:s12+$0x1B860];
	[tilespmem:s11+$0x16870] =	vst v1;
	s11 =	smov.u32 s12  }
0xe9: {  	v1 =	vld [tilespmem:s11+$0x1B870]  }
0xea: {  	v7 =	vld [tilespmem:s11+$0x16800]  }
0xeb: {  	v8 =	vld [tilespmem:s11+$0x16810]  }
.Ltmp4:
0xec: {  	v11 =	vld [tilespmem:s11+$0x16820];
	(pc) =	sbr.rel @p0 .LBB2_7-.Ltmp4, $4  }
0xed: {  	v10 =	vld [tilespmem:s11+$0x16830]  }
0xee: {  	v9 =	vld [tilespmem:s11+$0x16840]  }
0xef: {  	v13 =	vmul.f32 v13, v7;
	v7 =	vld [tilespmem:s11+$0x16850]  }
0xf0: {  	s20 =	sadd.s32 $0x200, s20;
	v12 =	vmul.f32 v12, v8;
	v8 =	vld [tilespmem:s11+$0x16860]  }
0xf1: {  	[tilespmem:s11+$0x16800] =	vst v13;
	v6 =	vmul.f32 v6, v11;
	v11 =	vld [tilespmem:s11+$0x16870]  }
0xf2: {  	[tilespmem:s11+$0x16810] =	vst v12;
	v5 =	vmul.f32 v5, v10  }
0xf3: {  	[tilespmem:s11+$0x16820] =	vst v6;
	v4 =	vmul.f32 v4, v9  }
0xf4: {  	[tilespmem:s11+$0x16830] =	vst v5;
	v3 =	vmul.f32 v3, v7  }
0xf5: {  	[tilespmem:s11+$0x16840] =	vst v4;
	v2 =	vmul.f32 v2, v8  }
0xf6: {  	[tilespmem:s11+$0x16850] =	vst v3;
	v1 =	vmul.f32 v1, v11  }
0xf7: {  	[tilespmem:s11+$0x16860] =	vst v2  }
0xf8: {  	p0 =	seq.s32 s9, $0x3D;
	[tilespmem:s11+$0x16870] =	vst v1  }
0xf9: {  	[spmem:s1] =	stream.indirect.scatter.add.f32 [tilespmem:s25], [sflag:$0x7], $0x80, s21, s18, $0xb8;
	[tilespmem:$0x1E200] =	vst v63  }
0xfa: {  	s11 =	sadd.s32 @!p0 s10, s23;
	_ =	swait.ge [sflag:s14], $0x2800  }
0xfb: {  	s8 =	simm.s32 @!p0 $0x0;
	s12 =	sshrl.u32 @!p0 s11, $0x3;
	[sflag:s14] =	ssyncset.done $0x0  }
0xfc: {  	s22 =	simm.s32 @!p0 $0x1E080;
	s20 =	sadd.s32 @!p0 s6, s12;
	[sflag:s14] =	ssyncadd.s32 $0xFFFFD800  }
0xfd: {  	[tilespmem:s22], [sflag:$0x6] =	stream.linear.gather @!p0 [hbm4b:s20+s8], $0x50, $0x38;
	[tilespmem:$0x1E200] =	vst v63  }
0xfe: {  	s12 =	sadd.s32 @!p0 s7, s12;
	s20 =	simm.s32 @!p0 $0x1E180  }
0xff: {  	[tilespmem:s20], [sflag:$0x6] =	stream.linear.gather @!p0 [hbm4b:s12+s8], $0x50, $0x38;
	[tilespmem:$0x1E200] =	vst v63  }
0x100: {  	s12 =	simm.s32 @!p0 $0x6  }
0x101: {  	_ =	swait.ge @!p0 [sflag:s12], $0x50  }
0x102: {  	[sflag:s12] =	ssyncset.done @!p0 $0x0  }
0x103: {  	[sflag:s12] =	ssyncadd.s32 @!p0 $0xFFFFFFB0  }
0x104: {  	_ =	swait.ge @!p0 [sflag:s12], $0x50  }
0x105: {  	s11 =	sshll.u32 @!p0 s11, $0x4;
	[sflag:s12] =	ssyncset.done @!p0 $0x0  }
0x106: {  	s20 =	simm.s32 @!p0 $0x16800;
	[sflag:s12] =	ssyncadd.s32 @!p0 $0xFFFFFFB0;
	s12 =	simm.s32 @!p0 $0x50  }
0x107: {  	[tilespmem:s20], [sflag:$0x2] =	stream.indirect.gather @!p0 [hbm4b:s4+s12], $0x80, s22, s12, $0xb8;
	[tilespmem:$0x1E200] =	vst v63  }
0x108: {  	s11 =	sadd.s32 @!p0 s5, s11;
	s12 =	simm.s32 @!p0 $0x1B800  }
0x109: {  	[tilespmem:s12], [sflag:$0x4] =	stream.linear.gather @!p0 [hbm4b:s11+s8], $0x2800, $0x38;
	[tilespmem:$0x1E200] =	vst v63  }
0x10a: {  	_ =	swait.ge [sflag:s26], $0x2800  }
0x10b: {  	[sflag:s26] =	ssyncset.done $0x0  }
0x10c: {  	[sflag:s26] =	ssyncadd.s32 $0xFFFFD800  }
0x10d: {  	_ =	swait.ge [sflag:s28], $0x2800  }
0x10e: {  	[sflag:s28] =	ssyncset.done $0x0  }
0x10f: {  	s11 =	simm.s32 $0x0;
	[sflag:s28] =	ssyncadd.s32 $0xFFFFD800  }
0x110: {  	v8 =	vld [tilespmem:s11+$0x19000]  }
0x111: {  	v12 =	vld [tilespmem:s11+$0x19010]  }
0x112: {  	v6 =	vld [tilespmem:s11+$0x19020]  }
0x113: {  	v5 =	vld [tilespmem:s11+$0x19030]  }
0x114: {  	v4 =	vld [tilespmem:s11+$0x19040]  }
0x115: {  	v3 =	vld [tilespmem:s11+$0x19050]  }
0x116: {  	v2 =	vld [tilespmem:s11+$0x19060]  }
0x117: {  	v1 =	vld [tilespmem:s11+$0x19070]  }
0x118: {  	v13 =	vld [tilespmem:s11+$0x14000]  }
0x119: {  	v14 =	vld [tilespmem:s11+$0x14010]  }
0x11a: {  	v11 =	vld [tilespmem:s11+$0x14020]  }
0x11b: {  	v10 =	vld [tilespmem:s11+$0x14030]  }
0x11c: {  	v9 =	vld [tilespmem:s11+$0x14040]  }
0x11d: {  	v7 =	vld [tilespmem:s11+$0x14050];
	v13 =	vmul.f32 v8, v13  }
0x11e: {  	s20 =	simm.s32 $0x200;
	v12 =	vmul.f32 v12, v14;
	v8 =	vld [tilespmem:s11+$0x14060]  }
.LBB2_9:
0x11f: {  	s8 =	sshra.s32 s20, $0x2;
	p1 =	sne.s32 s20, $0x9E00;
	[tilespmem:s11+$0x14000] =	vst v13;
	v6 =	vmul.f32 v6, v11;
	v11 =	vld [tilespmem:s11+$0x14070]  }
0x120: {  	v13 =	vld [tilespmem:s8+$0x19000];
	[tilespmem:s11+$0x14010] =	vst v12;
	v5 =	vmul.f32 v5, v10  }
0x121: {  	v12 =	vld [tilespmem:s8+$0x19010];
	[tilespmem:s11+$0x14020] =	vst v6;
	v4 =	vmul.f32 v4, v9  }
0x122: {  	v6 =	vld [tilespmem:s8+$0x19020];
	[tilespmem:s11+$0x14030] =	vst v5;
	v3 =	vmul.f32 v3, v7  }
0x123: {  	v5 =	vld [tilespmem:s8+$0x19030];
	[tilespmem:s11+$0x14040] =	vst v4;
	v2 =	vmul.f32 v2, v8  }
0x124: {  	v4 =	vld [tilespmem:s8+$0x19040];
	[tilespmem:s11+$0x14050] =	vst v3;
	v1 =	vmul.f32 v1, v11  }
0x125: {  	v3 =	vld [tilespmem:s8+$0x19050];
	[tilespmem:s11+$0x14060] =	vst v2  }
0x126: {  	v2 =	vld [tilespmem:s8+$0x19060];
	[tilespmem:s11+$0x14070] =	vst v1;
	s11 =	smov.u32 s8  }
0x127: {  	v1 =	vld [tilespmem:s11+$0x19070]  }
0x128: {  	v7 =	vld [tilespmem:s11+$0x14000]  }
0x129: {  	v8 =	vld [tilespmem:s11+$0x14010]  }
.Ltmp5:
0x12a: {  	v11 =	vld [tilespmem:s11+$0x14020];
	(pc) =	sbr.rel @p1 .LBB2_9-.Ltmp5, $4  }
0x12b: {  	v10 =	vld [tilespmem:s11+$0x14030]  }
0x12c: {  	v9 =	vld [tilespmem:s11+$0x14040]  }
0x12d: {  	v13 =	vmul.f32 v13, v7;
	v7 =	vld [tilespmem:s11+$0x14050]  }
0x12e: {  	s20 =	sadd.s32 $0x200, s20;
	v12 =	vmul.f32 v12, v8;
	v8 =	vld [tilespmem:s11+$0x14060]  }
0x12f: {  	[tilespmem:s11+$0x14000] =	vst v13;
	v6 =	vmul.f32 v6, v11;
	v63 =	vld [tilespmem:s11+$0x14070]  }
0x130: {  	[tilespmem:s11+$0x14010] =	vst v12;
	v5 =	vmul.f32 v5, v10  }
0x131: {  	[tilespmem:s11+$0x14020] =	vst v6;
	v4 =	vmul.f32 v4, v9  }
0x132: {  	[tilespmem:s11+$0x14030] =	vst v5;
	v3 =	vmul.f32 v3, v7  }
0x133: {  	[tilespmem:s11+$0x14040] =	vst v4;
	v2 =	vmul.f32 v2, v8  }
0x134: {  	[tilespmem:s11+$0x14050] =	vst v3;
	v1 =	vmul.f32 v1, v63  }
0x135: {  	[tilespmem:s11+$0x14060] =	vst v2  }
.Ltmp6:
0x136: {  	[tilespmem:s11+$0x14070] =	vst v1;
	(pc) =	sbr.rel @p0 .LBB2_12-.Ltmp6, $4  }
0x137: {  	[spmem:s1] =	stream.indirect.scatter.add.f32 [tilespmem:s19], [sflag:$0x7], $0x80, s16, s18, $0xb8;
	[tilespmem:$0x1E200] =	vst v63  }
0x138: {  	_ =	swait.ge [sflag:s14], $0x2800  }
0x139: {  	[sflag:s14] =	ssyncset.done $0x0  }
0x13a: {  	[sflag:s14] =	ssyncadd.s32 $0xFFFFD800  }
0x13b: {  	s8 =	sadd.s32 s10, s24  }
.Ltmp7:
0x13c: {  	s8 =	sshrl.u32 s8, $0x3;
	(pc) =	sbr.rel .LBB2_6-.Ltmp7, $4  }
0x13d: {  	s22 =	sadd.s32 s6, s8  }
0x13e: {  	[tilespmem:s15], [sflag:$0x5] =	stream.linear.gather [hbm4b:s22+s3], $0x50, $0x38;
	[tilespmem:$0x1E200] =	vst v63  }
0x13f: {  	s9 =	sadd.s32 $0x1, s9;
	s8 =	sadd.s32 s7, s8  }
0x140: {  	[tilespmem:s16], [sflag:$0x5] =	stream.linear.gather [hbm4b:s8+s3], $0x50, $0x38;
	[tilespmem:$0x1E200] =	vst v63  }
.LBB2_13:
0x141: {  	_ =	sfence.sel $0x180000  }
0x142: {  	[bflag:$0x0] =	sbarrier.arrive $0xFFFF  }
0x143: {  	_ =	strace $0x9000004A  }
0x144: {  	s0 =	stileid.u32;
	[bflag:$0x2] =	sbarrier.arrive $0xFFFF  }
0x145: {  	p0 =	sne.s32 s0, $0x0;
	s0 =	rddreg [dreg:$0x2]  }
0x146: {  	s0 =	sadd.s32 @!p0 $0x100000, s0  }
0x147: {  	[sflag:s0] =	ssyncadd.tile.s32 @!p0 $0x1;
	_ =	shalt  }
.Lfunc_end2:
_tile_overlayer_lowered:
.L_overlay_start_2:
0x148: {  	(tag) =	ssettag $0x2  }
0x149: {  	s0 =	rddreg [dreg:$0x0];
	s2 =	stileid.u32  }
0x14a: {  	s1 =	rddreg [dreg:$0x1];
	p0 =	sne.s32 s2, $0x0  }
0x14b: {  	s3 =	rddreg [dreg:$0x2];
	[bflag:$0x3] =	sbarrier.arrive $0xFFFF;
	s2 =	simm.s32 @!p0 $0x1C07  }
0x14c: {  	[timem:s3], [sflag:s2] =	dma.local @!p0 [hbm:s0], s1  }
0x14d: {  	s0 =	simm.s32 @!p0 $0x7  }
0x14e: {  	_ =	swait.ge @!p0 [sflag:s0], s1  }
0x14f: {  	s1 =	ssub.s32 @!p0 $0x0, s1;
	[sflag:s0] =	ssyncset.done @!p0 $0x0  }
0x150: {  	[sflag:s0] =	ssyncadd.s32 @!p0 s1  }
0x151: {  	[bflag:$0x3] =	sbarrier.arrive $0xFFFF  }
0x152: {  	_ =	shalt  }

// kernel: kernel.19.cloned.1.call-start
scs
__scs_entry_jumppad:
0x0: {  	(pc) =	sbr.rel $0x88, $3  }
0x1: {  	(tag) =	ssettag $0x0;
	lr =	simm.s32 $0x1  }
0x2: {  	[smem:$0x3F81] =	sst lr;
	_ =	strace $0xD0000000  }
0x3: {  	_ = 	snop  }
0x4: {  	_ = 	snop  }
0x5: {  	_ = 	snop  }
0x6: {  	_ = 	snop  }
0x7: {  	_ = 	snop  }
__scs_overlays_trampoline_lowered:
0x8: {  	[smem:$0x3F90] =	sst s0  }
0x9: {  	[smem:$0x3F91] =	sst s1  }
0xa: {  	[smem:$0x3F92] =	sst s2  }
0xb: {  	[smem:$0x3F93] =	sst s3  }
0xc: {  	[smem:$0x3F94] =	sst s4  }
0xd: {  	[smem:$0x3F95] =	sst s5  }
0xe: {  	[smem:$0x3F96] =	sst s6  }
0xf: {  	[smem:$0x3F97] =	sst s7  }
0x10: {  	[smem:$0x3F98] =	sst s8  }
0x11: {  	[smem:$0x3F99] =	sst s9;
	s0 =	simm.s32 @!p0 $0x0  }
0x12: {  	s1 =	sld [smem:$0x3F7F];
	s0 =	simm.s32 @p0 $0x1  }
0x13: {  	[smem:$0x3F9A] =	sst s0;
	s0 =	simm.s32 @!p1 $0x0  }
0x14: {  	s2 =	sld [smem:$0x3F7E];
	s0 =	simm.s32 @p1 $0x1  }
0x15: {  	[smem:$0x3F9B] =	sst s0;
	s0 =	simm.s32 @!p2 $0x0  }
0x16: {  	s3 =	sld [smem:$0x3FDB];
	s0 =	simm.s32 @p2 $0x1  }
0x17: {  	s4 =	simm.s32 $0x1BF5;
	[smem:$0x3F9D] =	sst s0  }
0x18: {  	s0 =	sld [smem:$0x3F80];
	_ =	swait.ge [sflag:s4], $0x0  }
0x19: {  	s7 =	sld [smem:$0x3F81]  }
0x1a: {  	s8 =	sadd.s32 $0xFFFFE003, lr  }
0x1b: {  	s9 =	sadd.s32 $0xFFFFFEF7, lr;
	s5 =	simm.s32 $0xFFFFFFFF;
	p2 =	slt.u32 s8, $0xFFFFF086  }
0x1c: {  	p1 =	slt.u32 s9, $0xF7A;
	s5 =	simm.s32 @!p2 $0x0  }
0x1d: {  	s5 =	simm.s32 @p1 $0x1;
	p0 =	seq.s32 s7, s2  }
0x1e: {  	s7 =	smul.u32 @!p0 $0xF7A, s2;
	p2 =	seq.s32 @!p0 s5, $0x0  }
0x1f: {  	s9 =	smul.u32 $0xF7A, s1;
	s8 =	simm.s32 @!p0 $0x1BF5;
	p2 =	por !p2, p0  }
0x20: {  	[sflag:s8] =	ssyncset.s32 @!p0 $0xFFFFF086;
	s6 =	sadd.s32 @!p0 s3, s7;
	s7 =	simm.s32 @!p0 $0x108  }
0x21: {  	s3 =	sadd.s32 s3, s9;
	s6 =	sadd.s32 @!p0 $0x88, s6;
	s7 =	simm.s32 @p2 $0x1082  }
0x22: {  	[simem:s7], [sflag:s8] =	dma.local @!p0 [hbm:s6], $0xF7A  }
0x23: {  	s9 =	sor.u32 $0xD0000000, s2;
	s6 =	simm.s32 $0x108;
	_ =	swait.ge @!p0 [sflag:s8], $0x0  }
0x24: {  	s3 =	sadd.s32 $0x88, s3;
	s6 =	simm.s32 @!p1 $0x1082;
	[sflag:s4] =	ssyncset.s32 $0xFFFFF086  }
0x25: {  	[simem:s6], [sflag:s4] =	dma.local [hbm:s3], $0xF7A  }
0x26: {  	[smem:$0x3F81] =	sst s1;
	(tag) =	ssettag s2;
	_ =	strace s9  }
0x27: {  	s1 =	sld [smem:$0x3F91]  }
0x28: {  	s2 =	sld [smem:$0x3F92]  }
0x29: {  	s4 =	sld [smem:$0x3F94]  }
0x2a: {  	p0 =	seq.s32 s5, $0x0;
	s5 =	sld [smem:$0x3F95]  }
0x2b: {  	s6 =	sld [smem:$0x3F96]  }
0x2c: {  	s7 =	sld [smem:$0x3F97]  }
0x2d: {  	s3 =	simm.s32 $0x108;
	s8 =	sld [smem:$0x3F98]  }
0x2e: {  	s3 =	simm.s32 @!p0 $0x1082;
	s9 =	sld [smem:$0x3F99]  }
0x2f: {  	lr =	sadd.s32 s0, s3;
	s0 =	sld [smem:$0x3F90]  }
0x30: {  	s3 =	sld [smem:$0x3F93]  }
0x31: {  	[smem:$0x3F9C] =	sst s10  }
0x32: {  	s10 =	sld [smem:$0x3F9A];
	_ =	sdelay $0x3  }
0x33: {  	p0 =	seq.s32 s10, $0x1;
	s10 =	sld [smem:$0x3F9C];
	_ =	sdelay $0x3  }
0x34: {  	[smem:$0x3F9C] =	sst s10  }
0x35: {  	s10 =	sld [smem:$0x3F9B];
	_ =	sdelay $0x3  }
0x36: {  	p1 =	seq.s32 s10, $0x1;
	s10 =	sld [smem:$0x3F9C];
	_ =	sdelay $0x3  }
0x37: {  	[smem:$0x3F9C] =	sst s10  }
0x38: {  	s10 =	sld [smem:$0x3F9D]  }
0x39: {  	_ = 	snop;
	(pc) =	sbr.ind lr, $3  }
0x3a: {  	_ = 	snop  }
0x3b: {  	_ = 	snop  }
0x3c: {  	p2 =	seq.s32 s10, $0x1;
	s10 =	sld [smem:$0x3F9C]  }
0x3d: {  	_ =	shalt  }
0x3e: {  	_ =	shalt  }
0x3f: {  	_ =	shalt  }
0x40: {  	_ =	shalt  }
0x41: {  	_ =	shalt  }
0x42: {  	_ =	shalt  }
0x43: {  	_ =	shalt  }
0x44: {  	_ =	shalt  }
0x45: {  	_ =	shalt  }
0x46: {  	_ =	shalt  }
0x47: {  	_ =	shalt  }
0x48: {  	_ =	shalt  }
0x49: {  	_ =	shalt  }
0x4a: {  	_ =	shalt  }
0x4b: {  	_ =	shalt  }
0x4c: {  	_ =	shalt  }
0x4d: {  	_ =	shalt  }
0x4e: {  	_ =	shalt  }
0x4f: {  	_ =	shalt  }
0x50: {  	_ =	shalt  }
0x51: {  	_ =	shalt  }
0x52: {  	_ =	shalt  }
0x53: {  	_ =	shalt  }
0x54: {  	_ =	shalt  }
0x55: {  	_ =	shalt  }
0x56: {  	_ =	shalt  }
0x57: {  	_ =	shalt  }
0x58: {  	_ =	shalt  }
0x59: {  	_ =	shalt  }
0x5a: {  	_ =	shalt  }
0x5b: {  	_ =	shalt  }
0x5c: {  	_ =	shalt  }
0x5d: {  	_ =	shalt  }
0x5e: {  	_ =	shalt  }
0x5f: {  	_ =	shalt  }
0x60: {  	_ =	shalt  }
0x61: {  	_ =	shalt  }
0x62: {  	_ =	shalt  }
0x63: {  	_ =	shalt  }
0x64: {  	_ =	shalt  }
0x65: {  	_ =	shalt  }
0x66: {  	_ =	shalt  }
0x67: {  	_ =	shalt  }
0x68: {  	_ =	shalt  }
0x69: {  	_ =	shalt  }
0x6a: {  	_ =	shalt  }
0x6b: {  	_ =	shalt  }
0x6c: {  	_ =	shalt  }
0x6d: {  	_ =	shalt  }
0x6e: {  	_ =	shalt  }
0x6f: {  	_ =	shalt  }
0x70: {  	_ =	shalt  }
0x71: {  	_ =	shalt  }
0x72: {  	_ =	shalt  }
0x73: {  	_ =	shalt  }
0x74: {  	_ =	shalt  }
0x75: {  	_ =	shalt  }
0x76: {  	_ =	shalt  }
0x77: {  	_ =	shalt  }
0x78: {  	_ =	shalt  }
0x79: {  	_ =	shalt  }
0x7a: {  	_ =	shalt  }
0x7b: {  	_ =	shalt  }
0x7c: {  	_ =	shalt  }
0x7d: {  	_ =	shalt  }
0x7e: {  	_ =	shalt  }
0x7f: {  	_ =	shalt  }
0x80: {  	_ =	shalt  }
0x81: {  	_ =	shalt  }
0x82: {  	_ =	shalt  }
0x83: {  	_ =	shalt  }
0x84: {  	_ =	shalt  }
0x85: {  	_ =	shalt  }
0x86: {  	_ =	shalt  }
0x87: {  	_ =	shalt  }
.Lfunc_end0:
.L_simem_size_0:
called_computation.2_lowered:
.L_overlay_start_0:
0x88: {  	s2 =	sld [smem:$0x3FD9]  }
0x89: {  	s3 =	sld [smem:$0x3FFE];
	_ =	sdelay $0x1  }
0x8a: {  	s1 =	srdreg.scid  }
0x8b: {  	s0 =	sand.u32 $0x1, s1  }
0x8c: {  	s16 =	sshll.u32 s0, $0xA;
	s2 =	sadd.s32 s3, s2  }
0x8d: {  	s2 =	sadd.s32 s2, s16  }
0x8e: {  	[smem:$0x3FA8] =	sst s2  }
0x8f: {  	_ = 	snop  }
0x90: {  	(tm) =	ssettm $0x1  }
0x91: {  	s17 =	sld [smem:$0x3FFB];
	_ =	sdelay $0x3  }
0x92: {  	_ =	strace s17  }
0x93: {  	s2 =	sld [smem:$0x3FFC];
	_ =	sdelay $0x3  }
0x94: {  	_ =	strace s2  }
0x95: {  	s2 =	sld [smem:$0x3FFD];
	_ =	sdelay $0x3  }
0x96: {  	_ =	strace s2  }
0x97: {  	_ =	strace $0x8FFFFFFF  }
0x98: {  	s18 =	sld [smem:$0x3FDB];
	_ =	sdelay $0x1  }
0x99: {  	s19 =	simm.s32 $_scs_section_size  }
0x9a: {  	s4 =	simm.s32 $_size__tile_overlayer_lowered;
	s5 =	simm.s32 $_tile_overlayer_lowered  }
0x9b: {  	s22 =	simm.s32 $0x1BFF;
	s21 =	sshll.u32 s5, $0x1;
	s2 =	sadd.s32 s19, s18  }
0x9c: {  	s6 =	simm.s32 $0x0;
	s20 =	sshll.u32 s4, $0x1;
	s4 =	sadd.s32 s21, s2  }
0x9d: {  	[timem:s6], [sflag:s22] =	dma.local [hbm:s4], s20  }
0x9e: {  	_ =	swait.ge [sflag:s22], s20  }
0x9f: {  	s3 =	ssub.s32 $0x0, s20;
	[sflag:s22] =	ssyncset.done $0x0  }
0xa0: {  	[sflag:s22] =	ssyncadd.s32 s3;
	_ =	sdelay $0x1  }
0xa1: {  	s23 =	simm.s32 $0x1B8B  }
0xa2: {  	_ =	swait.ge [sflag:s23], $0x1  }
0xa3: {  	[sflag:s23] =	ssyncset.done $0x0  }
0xa4: {  	s25 =	simm.s32 $0x1B8E;
	s24 =	sld [smem:$0x3FFE];
	[sflag:s23] =	ssyncadd.s32 $0xFFFFFFFF  }
0xa5: {  	s26 =	simm.s32 $execute0_lowered;
	[smem:$0x3FD2] =	sst s25  }
0xa6: {  	s4 =	sshll.u32 s26, $0x1;
	_ =	strace $0x8000004C;
	[dreg:$0x1] =	wrdreg $0xFFFFFFFF  }
0xa7: {  	s28 =	simm.s32 $_size_execute0_lowered;
	s2 =	sadd.s32 s2, s4;
	[dreg:$0x0] =	wrdreg $0x0  }
0xa8: {  	s4 =	sshll.u32 s28, $0x1;
	[dreg:$0x2] =	wrdreg s2  }
0xa9: {  	[dreg:$0x3] =	wrdreg s4  }
0xaa: {  	[dreg:$0x4] =	wrdreg $0xC0  }
0xab: {  	_ =	task [dreg:s6], $0x5FFFF  }
0xac: {  	[dreg:$0x1] =	wrdreg $0xFFFFFFFF  }
0xad: {  	[dreg:$0x0] =	wrdreg $0x60  }
0xae: {  	[dreg:$0x2] =	wrdreg s24  }
0xaf: {  	[dreg:$0x3] =	wrdreg $0x0  }
0xb0: {  	[dreg:$0x4] =	wrdreg $0x9  }
0xb1: {  	_ =	task.clear_ibuf [dreg:s6], $0x5FFFF;
	_ =	strace $0x9000004C  }
0xb2: {  	s29 =	simm.s32 $0x9;
	_ =	strace $0x8000004E  }
0xb3: {  	_ =	swait.ge [sflag:s29], $0x1  }
0xb4: {  	[sflag:s29] =	ssyncadd.s32 $0xFFFFFFFF  }
0xb5: {  	_ =	strace $0x9000004E  }
0xb6: {  	_ =	sfence  }
0xb7: {  	s30 =	sld [smem:$0x0];
	_ =	sdelay $0x2  }
0xb8: {  	s31 =	sshll.u32 s1, $0xD;
	s1 =	sshrl.u32 s1, $0x2  }
0xb9: {  	s3 =	sand.u32 $0x4000, s31;
	s1 =	sadd.s32 s1, s30  }
0xba: {  	s0 =	sor.u32 s3, s0;
	s1 =	sshll.u32 s1, $0x11  }
0xbb: {  	s0 =	sor.u32 s1, s0  }
0xbc: {  	s0 =	sadd.s32 $0x8F2B, s0  }
0xbd: {  	[sflag:s0] =	ssyncadd.remote.s32 $0x1  }
0xbe: {  	_ =	sfence.sel $0xFFFF  }
0xbf: {  	[dreg:$0x0] =	wrdreg $0xFFFFFFFF;
	(pc) =	sbr.abs _section_cstart, $3  }
0xc0: {  	[dreg:$0x1] =	wrdreg $0xFFFFFFFF  }
0xc1: {  	_ =	task.clear_ibuf [dreg:s6], $0x2FFFF;
	_ =	strace $0x9FFFFFFF  }
0xc2: {  	(tm) =	ssettm $0x7FFFFFFF  }
0xc3: {  	_ =	shalt  }
tec
execute0_lowered:
.L_overlay_start_1:
0x0: {  	(tag) =	ssettag $0x1  }
0x1: {  	s0 =	rddreg [dreg:$0x0]  }
0x2: {  	s1 =	rddreg [dreg:$0x1];
	s3 =	simm.s32 $0x0  }
0x3: {  	s2 =	srdreg.scid;
	s13 =	stileid.u32;
	s28 =	simm.s32 $0x3  }
0x4: {  	s29 =	simm.s32 $0x5;
	[smem:$0x7FF] =	sst s3;
	s2 =	sand.u32 $0x1, s2  }
0x5: {  	s6 =	sshll.u32 s13, $0x1;
	s4 =	sadd.s32 $0x4DA00, s0;
	s12 =	smul.u32 $0x50000, s13  }
0x6: {  	s5 =	sadd.s32 $0x57FA00, s0;
	s7 =	sadd.s32 $0x8800, s0;
	s13 =	smul.u32 $0x14000, s13  }
0x7: {  	s8 =	sor.u32 s2, s6;
	s9 =	ssub.s32 $0x2, s2;
	s2 =	smul.u32 $0x140000, s2  }
0x8: {  	_ =	strace $0x8000004D;
	s6 =	sadd.s32 $0x12600, s0;
	s10 =	smul.u32 $0x2710, s8  }
0x9: {  	s0 =	sadd.s32 $0x9DA00, s0;
	s11 =	sshrl.u32 s9, $0x1;
	s19 =	smul.u32 $0x27100, s8  }
0xa: {  	s21 =	sshrl.u32 s12, $0x2;
	s18 =	sadd.s32 $0xC000, s13;
	s9 =	ssub.s32 s9, s11  }
0xb: {  	s20 =	sadd.s32 s21, s1;
	s11 =	sadd.s32 $0x4000, s13;
	s14 =	sadd.s32 s13, s2  }
0xc: {  	s17 =	sadd.s32 s2, s18;
	s22 =	sshrl.u32 s10, $0x3;
	s25 =	sadd.s32 s5, s19  }
0xd: {  	s26 =	sadd.s32 $0x50, s10;
	s15 =	sadd.s32 s2, s11;
	[dreg:$0x3] =	wrdreg s20  }
0xe: {  	s14 =	sshrl.u32 s14, $0x3;
	s23 =	sadd.s32 s6, s22;
	[dreg:$0x6] =	wrdreg s25  }
0xf: {  	s24 =	sadd.s32 s7, s22;
	s16 =	sshrl.u32 s26, $0x3;
	[dreg:$0x4] =	wrdreg s23  }
0x10: {  	s15 =	sshrl.u32 s15, $0x3;
	s19 =	sadd.s32 s0, s14;
	[dreg:$0x5] =	wrdreg s24  }
0x11: {  	s14 =	sadd.s32 $0x8000, s13;
	s13 =	sadd.s32 $0x10000, s13;
	[dreg:$0x7] =	wrdreg s19  }
0x12: {  	s21 =	sadd.s32 s0, s15;
	s22 =	sadd.s32 s2, s14;
	s2 =	sadd.s32 s2, s13  }
0x13: {  	s24 =	sshrl.u32 s17, $0x3;
	s8 =	sadd.s32 s6, s16;
	[dreg:$0x8] =	wrdreg s21  }
0x14: {  	s15 =	sshrl.u32 s22, $0x3;
	s25 =	sadd.s32 s0, s24;
	[dreg:$0xc] =	wrdreg s8  }
0x15: {  	s2 =	sshrl.u32 s2, $0x3;
	s23 =	sadd.s32 s0, s15;
	[dreg:$0xa] =	wrdreg s25  }
0x16: {  	s17 =	sadd.s32 $0xA0, s10;
	s0 =	sadd.s32 s0, s2;
	[dreg:$0x9] =	wrdreg s23  }
0x17: {  	s12 =	sshrl.u32 s17, $0x3;
	s15 =	sadd.s32 s7, s16;
	[dreg:$0xb] =	wrdreg s0  }
0x18: {  	s30 =	simm.s32 $0x2;
	s16 =	sadd.s32 s6, s12;
	[dreg:$0xd] =	wrdreg s15  }
0x19: {  	s31 =	simm.s32 $0x4;
	s19 =	sadd.s32 s7, s12;
	[dreg:$0xf] =	wrdreg s16  }
0x1a: {  	s26 =	sshll.u32 s26, $0x4;
	s12 =	smax.u32 s9, $0x1;
	[dreg:$0x10] =	wrdreg s19  }
0x1b: {  	s25 =	sadd.s32 s18, s1;
	s18 =	sadd.s32 $0x5000, s20;
	[dreg:$0x11] =	wrdreg s12  }
0x1c: {  	s22 =	sadd.s32 s14, s1;
	s0 =	sadd.s32 s5, s26;
	[dreg:$0x17] =	wrdreg s18  }
0x1d: {  	s26 =	sadd.s32 s13, s1;
	s13 =	sshrl.u32 s22, $0x3;
	[dreg:$0xe] =	wrdreg s0  }
0x1e: {  	s24 =	sadd.s32 $0x140, s10;
	s14 =	sshrl.u32 s25, $0x3;
	[dreg:$0x13] =	wrdreg s13  }
0x1f: {  	s21 =	sadd.s32 s11, s1;
	s16 =	sadd.s32 $0x2800, s20;
	[dreg:$0x14] =	wrdreg s14  }
0x20: {  	s23 =	sadd.s32 $0xF0, s10;
	s19 =	sadd.s32 $0x7800, s20;
	[dreg:$0x16] =	wrdreg s16  }
0x21: {  	s22 =	sadd.s32 $0xC800, s20;
	s25 =	sadd.s32 $0xF000, s20;
	[dreg:$0x18] =	wrdreg s19  }
0x22: {  	s18 =	simm.s32 $0x50;
	s0 =	sshrl.u32 s21, $0x3;
	[dreg:$0x1a] =	wrdreg s22  }
0x23: {  	s15 =	sshrl.u32 s26, $0x3;
	s21 =	sadd.s32 $0xA000, s20;
	[dreg:$0x1b] =	wrdreg s25  }
.Ltmp0:
0x24: {  	s26 =	sadd.s32 $0x11800, s20;
	[dreg:$0x12] =	wrdreg s0;
	(pc) =	sbr.rel .LBB2_1-.Ltmp0, $4  }
0x25: {  	s13 =	simm.s32 $0x19000;
	s14 =	simm.s32 $0x7;
	[dreg:$0x15] =	wrdreg s15  }
0x26: {  	s16 =	simm.s32 $0x1E100;
	s19 =	simm.s32 $0x14000;
	[dreg:$0x19] =	wrdreg s21  }
0x27: {  	s25 =	simm.s32 $0x16800;
	[dreg:$0x1c] =	wrdreg s26;
	s15 =	simm.s32 $0x1E000  }
0x28: {  	v0 =	vimm.f32 $0.0e+00;
	s21 =	simm.s32 $0x1E180;
	s26 =	simm.s32 $0x1;
	s0 =	simm.s32 $0x0  }
.LBB2_12:
0x29: {  	s2 =	stileid.u32;
	[bflag:$0x0] =	sbarrier.arrive $0xFFFF  }
0x2a: {  	s2 =	sshll.u32 s2, $0x6;
	s20 =	rddreg [dreg:$0x3]  }
0x2b: {  	s9 =	rddreg [dreg:$0x7];
	s2 =	sor.u32 $0x1C07, s2;
	s8 =	sshrl.u32 s20, $0x3  }
0x2c: {  	[hbm:s9], [sflag:s2] =	dma.local [spmem:s8], $0x800  }
0x2d: {  	_ =	swait.ge [sflag:s14], $0x800  }
0x2e: {  	[sflag:s14] =	ssyncset.done $0x0;
	s10 =	rddreg [dreg:$0x8]  }
0x2f: {  	s11 =	rddreg [dreg:$0x12];
	[sflag:s14] =	ssyncadd.s32 $0xFFFFF800  }
0x30: {  	[hbm:s10], [sflag:s2] =	dma.local [spmem:s11], $0x800  }
0x31: {  	_ =	swait.ge [sflag:s14], $0x800  }
0x32: {  	[sflag:s14] =	ssyncset.done $0x0;
	s12 =	rddreg [dreg:$0x9]  }
0x33: {  	s22 =	rddreg [dreg:$0x13];
	[sflag:s14] =	ssyncadd.s32 $0xFFFFF800  }
0x34: {  	[hbm:s12], [sflag:s2] =	dma.local [spmem:s22], $0x800  }
0x35: {  	_ =	swait.ge [sflag:s14], $0x800  }
0x36: {  	[sflag:s14] =	ssyncset.done $0x0;
	s9 =	rddreg [dreg:$0xa]  }
0x37: {  	s10 =	rddreg [dreg:$0x14];
	[sflag:s14] =	ssyncadd.s32 $0xFFFFF800  }
0x38: {  	[hbm:s9], [sflag:s2] =	dma.local [spmem:s10], $0x800  }
0x39: {  	_ =	swait.ge [sflag:s14], $0x800  }
0x3a: {  	[sflag:s14] =	ssyncset.done $0x0;
	s11 =	rddreg [dreg:$0xb]  }
0x3b: {  	s12 =	rddreg [dreg:$0x15];
	[sflag:s14] =	ssyncadd.s32 $0xFFFFF800  }
0x3c: {  	[hbm:s11], [sflag:s2] =	dma.local [spmem:s12], $0x800  }
0x3d: {  	_ =	swait.ge [sflag:s14], $0x800  }
0x3e: {  	s0 =	sadd.s32 $0x1, s0;
	s22 =	rddreg [dreg:$0x11]  }
0x3f: {  	p0 =	sne.s32 s0, s22  }
.Ltmp1:
0x40: {  	_ = 	snop;
	(pc) =	sbr.rel @!p0 .LBB2_13-.Ltmp1, $3  }
0x41: {  	_ =	sdelay $0x1  }
0x42: {  	[sflag:s14] =	ssyncset.done $0x0  }
0x43: {  	[sflag:s14] =	ssyncadd.s32 $0xFFFFF800  }
.LBB2_1:
0x44: {  	s2 =	simm.s32 $0x0;
	s9 =	simm.s32 $0x200  }
.LBB2_2:
0x45: {  	p0 =	sne.s32 s9, $0x9E00;
	[tilespmem:s2+$0x19070] =	vst v0  }
0x46: {  	[tilespmem:s2+$0x19000] =	vst v0  }
0x47: {  	[tilespmem:s2+$0x19010] =	vst v0  }
.Ltmp2:
0x48: {  	[tilespmem:s2+$0x19020] =	vst v0;
	(pc) =	sbr.rel @p0 .LBB2_2-.Ltmp2, $4  }
0x49: {  	[tilespmem:s2+$0x19030] =	vst v0  }
0x4a: {  	[tilespmem:s2+$0x19040] =	vst v0  }
0x4b: {  	[tilespmem:s2+$0x19050] =	vst v0  }
0x4c: {  	[tilespmem:s2+$0x19060] =	vst v0;
	s2 =	sshra.s32 s9, $0x2;
	s9 =	sadd.s32 $0x200, s9  }
0x4d: {  	[tilespmem:s2+$0x19070] =	vst v0  }
0x4e: {  	[tilespmem:s2+$0x19000] =	vst v0  }
0x4f: {  	[tilespmem:s2+$0x19010] =	vst v0  }
0x50: {  	[tilespmem:s2+$0x19020] =	vst v0  }
0x51: {  	[tilespmem:s2+$0x19030] =	vst v0  }
0x52: {  	[tilespmem:s2+$0x19040] =	vst v0  }
0x53: {  	[tilespmem:s2+$0x19050] =	vst v0  }
0x54: {  	[tilespmem:s2+$0x19060] =	vst v0  }
0x55: {  	[spmem:s20] =	stream.linear.scatter [tilespmem:s13], [sflag:$0x7], $0x2800, $0x38;
	[tilespmem:$0x1E200] =	vst v63  }
0x56: {  	_ =	swait.ge [sflag:s14], $0x2800  }
0x57: {  	[sflag:s14] =	ssyncset.done $0x0  }
0x58: {  	s22 =	rddreg [dreg:$0x16];
	[sflag:s14] =	ssyncadd.s32 $0xFFFFD800  }
0x59: {  	[spmem:s22] =	stream.linear.scatter [tilespmem:s13], [sflag:$0x7], $0x2800, $0x38;
	[tilespmem:$0x1E200] =	vst v63  }
0x5a: {  	_ =	swait.ge [sflag:s14], $0x2800  }
0x5b: {  	[sflag:s14] =	ssyncset.done $0x0  }
0x5c: {  	s8 =	rddreg [dreg:$0x17];
	[sflag:s14] =	ssyncadd.s32 $0xFFFFD800  }
0x5d: {  	[spmem:s8] =	stream.linear.scatter [tilespmem:s13], [sflag:$0x7], $0x2800, $0x38;
	[tilespmem:$0x1E200] =	vst v63  }
0x5e: {  	_ =	swait.ge [sflag:s14], $0x2800  }
0x5f: {  	[sflag:s14] =	ssyncset.done $0x0  }
0x60: {  	s9 =	rddreg [dreg:$0x18];
	[sflag:s14] =	ssyncadd.s32 $0xFFFFD800  }
0x61: {  	[spmem:s9] =	stream.linear.scatter [tilespmem:s13], [sflag:$0x7], $0x2800, $0x38;
	[tilespmem:$0x1E200] =	vst v63  }
0x62: {  	_ =	swait.ge [sflag:s14], $0x2800  }
0x63: {  	[sflag:s14] =	ssyncset.done $0x0  }
0x64: {  	s10 =	rddreg [dreg:$0x19];
	[sflag:s14] =	ssyncadd.s32 $0xFFFFD800  }
0x65: {  	[spmem:s10] =	stream.linear.scatter [tilespmem:s13], [sflag:$0x7], $0x2800, $0x38;
	[tilespmem:$0x1E200] =	vst v63  }
0x66: {  	_ =	swait.ge [sflag:s14], $0x2800  }
0x67: {  	[sflag:s14] =	ssyncset.done $0x0  }
0x68: {  	s11 =	rddreg [dreg:$0x1a];
	[sflag:s14] =	ssyncadd.s32 $0xFFFFD800  }
0x69: {  	[spmem:s11] =	stream.linear.scatter [tilespmem:s13], [sflag:$0x7], $0x2800, $0x38;
	[tilespmem:$0x1E200] =	vst v63  }
0x6a: {  	_ =	swait.ge [sflag:s14], $0x2800  }
0x6b: {  	[sflag:s14] =	ssyncset.done $0x0  }
0x6c: {  	s12 =	rddreg [dreg:$0x1b];
	[sflag:s14] =	ssyncadd.s32 $0xFFFFD800  }
0x6d: {  	[spmem:s12] =	stream.linear.scatter [tilespmem:s13], [sflag:$0x7], $0x2800, $0x38;
	[tilespmem:$0x1E200] =	vst v63  }
0x6e: {  	_ =	swait.ge [sflag:s14], $0x2800  }
0x6f: {  	[sflag:s14] =	ssyncset.done $0x0  }
0x70: {  	s20 =	rddreg [dreg:$0x1c];
	[sflag:s14] =	ssyncadd.s32 $0xFFFFD800  }
0x71: {  	[spmem:s20] =	stream.linear.scatter [tilespmem:s13], [sflag:$0x7], $0x2800, $0x38;
	[tilespmem:$0x1E200] =	vst v63  }
0x72: {  	_ =	swait.ge [sflag:s14], $0x2800  }
0x73: {  	[sflag:s14] =	ssyncset.done $0x0  }
0x74: {  	[sflag:s14] =	ssyncadd.s32 $0xFFFFD800  }
0x75: {  	[bflag:$0x0] =	sbarrier.arrive $0xFFFF  }
0x76: {  	s2 =	simm.s32 $0x0;
	s8 =	rddreg [dreg:$0x4]  }
0x77: {  	[tilespmem:s15], [sflag:$0x7] =	stream.linear.gather [hbm4b:s8+s2], $0x50, $0x38;
	[tilespmem:$0x1E200] =	vst v63  }
0x78: {  	_ =	swait.ge [sflag:s14], $0x50  }
0x79: {  	[sflag:s14] =	ssyncset.done $0x0  }
0x7a: {  	s22 =	rddreg [dreg:$0x5];
	[sflag:s14] =	ssyncadd.s32 $0xFFFFFFB0  }
0x7b: {  	[tilespmem:s16], [sflag:$0x7] =	stream.linear.gather [hbm4b:s22+s2], $0x50, $0x38;
	[tilespmem:$0x1E200] =	vst v63  }
0x7c: {  	_ =	swait.ge [sflag:s14], $0x50  }
0x7d: {  	[sflag:s14] =	ssyncset.done $0x0  }
0x7e: {  	[sflag:s14] =	ssyncadd.s32 $0xFFFFFFB0  }
0x7f: {  	[tilespmem:s19], [sflag:$0x1] =	stream.indirect.gather [hbm4b:s4+s18], $0x80, s15, s18, $0xb8;
	[tilespmem:$0x1E200] =	vst v63  }
0x80: {  	s9 =	rddreg [dreg:$0x6]  }
0x81: {  	[tilespmem:s13], [sflag:$0x3] =	stream.linear.gather [hbm4b:s9+s2], $0x2800, $0x38;
	[tilespmem:$0x1E200] =	vst v63  }
0x82: {  	s10 =	rddreg [dreg:$0xc];
	s9 =	simm.s32 $0x1E080  }
0x83: {  	[tilespmem:s9], [sflag:$0x6] =	stream.linear.gather [hbm4b:s10+s2], $0x50, $0x38;
	[tilespmem:$0x1E200] =	vst v63  }
0x84: {  	s12 =	simm.s32 $0x6;
	s11 =	rddreg [dreg:$0xd]  }
0x85: {  	[tilespmem:s21], [sflag:$0x6] =	stream.linear.gather [hbm4b:s11+s2], $0x50, $0x38;
	[tilespmem:$0x1E200] =	vst v63  }
0x86: {  	_ =	swait.ge [sflag:s12], $0x50  }
0x87: {  	[sflag:s12] =	ssyncset.done $0x0  }
0x88: {  	[sflag:s12] =	ssyncadd.s32 $0xFFFFFFB0  }
0x89: {  	_ =	swait.ge [sflag:s12], $0x50  }
0x8a: {  	[sflag:s12] =	ssyncset.done $0x0  }
0x8b: {  	[sflag:s12] =	ssyncadd.s32 $0xFFFFFFB0  }
0x8c: {  	[tilespmem:s25], [sflag:$0x2] =	stream.indirect.gather [hbm4b:s4+s18], $0x80, s9, s18, $0xb8;
	[tilespmem:$0x1E200] =	vst v63  }
0x8d: {  	s22 =	simm.s32 $0x1B800;
	s20 =	rddreg [dreg:$0xe]  }
0x8e: {  	[tilespmem:s22], [sflag:$0x4] =	stream.linear.gather [hbm4b:s20+s2], $0x2800, $0x38;
	[tilespmem:$0x1E200] =	vst v63  }
0x8f: {  	_ =	swait.ge [sflag:s26], $0x2800  }
0x90: {  	[sflag:s26] =	ssyncset.done $0x0  }
0x91: {  	[sflag:s26] =	ssyncadd.s32 $0xFFFFD800  }
0x92: {  	_ =	swait.ge [sflag:s28], $0x2800  }
0x93: {  	[sflag:s28] =	ssyncset.done $0x0  }
0x94: {  	s2 =	simm.s32 $0x0;
	[sflag:s28] =	ssyncadd.s32 $0xFFFFD800  }
0x95: {  	v8 =	vld [tilespmem:s2+$0x19000]  }
0x96: {  	v12 =	vld [tilespmem:s2+$0x19010]  }
0x97: {  	v6 =	vld [tilespmem:s2+$0x19020]  }
0x98: {  	v5 =	vld [tilespmem:s2+$0x19030]  }
0x99: {  	v4 =	vld [tilespmem:s2+$0x19040]  }
0x9a: {  	v3 =	vld [tilespmem:s2+$0x19050]  }
0x9b: {  	v2 =	vld [tilespmem:s2+$0x19060]  }
0x9c: {  	v1 =	vld [tilespmem:s2+$0x19070]  }
0x9d: {  	v13 =	vld [tilespmem:s2+$0x14000]  }
0x9e: {  	v14 =	vld [tilespmem:s2+$0x14010]  }
0x9f: {  	v11 =	vld [tilespmem:s2+$0x14020]  }
0xa0: {  	v10 =	vld [tilespmem:s2+$0x14030]  }
0xa1: {  	v9 =	vld [tilespmem:s2+$0x14040]  }
0xa2: {  	v7 =	vld [tilespmem:s2+$0x14050];
	v13 =	vmul.f32 v8, v13  }
0xa3: {  	s9 =	simm.s32 $0x200;
	v12 =	vmul.f32 v12, v14;
	v8 =	vld [tilespmem:s2+$0x14060]  }
.LBB2_4:
0xa4: {  	s10 =	sshra.s32 s9, $0x2;
	p0 =	sne.s32 s9, $0x9E00;
	[tilespmem:s2+$0x14000] =	vst v13;
	v6 =	vmul.f32 v6, v11;
	v11 =	vld [tilespmem:s2+$0x14070]  }
0xa5: {  	v13 =	vld [tilespmem:s10+$0x19000];
	[tilespmem:s2+$0x14010] =	vst v12;
	v5 =	vmul.f32 v5, v10  }
0xa6: {  	v12 =	vld [tilespmem:s10+$0x19010];
	[tilespmem:s2+$0x14020] =	vst v6;
	v4 =	vmul.f32 v4, v9  }
0xa7: {  	v6 =	vld [tilespmem:s10+$0x19020];
	[tilespmem:s2+$0x14030] =	vst v5;
	v3 =	vmul.f32 v3, v7  }
0xa8: {  	v5 =	vld [tilespmem:s10+$0x19030];
	[tilespmem:s2+$0x14040] =	vst v4;
	v2 =	vmul.f32 v2, v8  }
0xa9: {  	v4 =	vld [tilespmem:s10+$0x19040];
	[tilespmem:s2+$0x14050] =	vst v3;
	v1 =	vmul.f32 v1, v11  }
0xaa: {  	v3 =	vld [tilespmem:s10+$0x19050];
	[tilespmem:s2+$0x14060] =	vst v2  }
0xab: {  	v2 =	vld [tilespmem:s10+$0x19060];
	[tilespmem:s2+$0x14070] =	vst v1;
	s2 =	smov.u32 s10  }
0xac: {  	v1 =	vld [tilespmem:s2+$0x19070]  }
0xad: {  	v7 =	vld [tilespmem:s2+$0x14000]  }
0xae: {  	v8 =	vld [tilespmem:s2+$0x14010]  }
.Ltmp3:
0xaf: {  	v11 =	vld [tilespmem:s2+$0x14020];
	(pc) =	sbr.rel @p0 .LBB2_4-.Ltmp3, $4  }
0xb0: {  	v10 =	vld [tilespmem:s2+$0x14030]  }
0xb1: {  	v9 =	vld [tilespmem:s2+$0x14040]  }
0xb2: {  	v13 =	vmul.f32 v13, v7;
	v7 =	vld [tilespmem:s2+$0x14050]  }
0xb3: {  	s9 =	sadd.s32 $0x200, s9;
	v12 =	vmul.f32 v12, v8;
	v8 =	vld [tilespmem:s2+$0x14060]  }
0xb4: {  	[tilespmem:s2+$0x14000] =	vst v13;
	v6 =	vmul.f32 v6, v11;
	v63 =	vld [tilespmem:s2+$0x14070]  }
0xb5: {  	[tilespmem:s2+$0x14010] =	vst v12;
	v5 =	vmul.f32 v5, v10  }
0xb6: {  	[tilespmem:s2+$0x14020] =	vst v6;
	v4 =	vmul.f32 v4, v9  }
0xb7: {  	[tilespmem:s2+$0x14030] =	vst v5;
	v3 =	vmul.f32 v3, v7  }
0xb8: {  	[tilespmem:s2+$0x14040] =	vst v4;
	v2 =	vmul.f32 v2, v8  }
0xb9: {  	[tilespmem:s2+$0x14050] =	vst v3;
	v1 =	vmul.f32 v1, v63  }
0xba: {  	[tilespmem:s2+$0x14060] =	vst v2  }
0xbb: {  	[tilespmem:s2+$0x14070] =	vst v1  }
0xbc: {  	[spmem:s1] =	stream.indirect.scatter.add.f32 [tilespmem:s19], [sflag:$0x7], $0x80, s16, s18, $0xb8;
	[tilespmem:$0x1E200] =	vst v63  }
0xbd: {  	_ =	swait.ge [sflag:s14], $0x2800  }
0xbe: {  	[sflag:s14] =	ssyncset.done $0x0  }
0xbf: {  	s2 =	simm.s32 $0x0;
	s8 =	rddreg [dreg:$0xf];
	[sflag:s14] =	ssyncadd.s32 $0xFFFFD800  }
0xc0: {  	[tilespmem:s15], [sflag:$0x5] =	stream.linear.gather [hbm4b:s8+s2], $0x50, $0x38;
	[tilespmem:$0x1E200] =	vst v63  }
0xc1: {  	s9 =	simm.s32 $0x0;
	s22 =	rddreg [dreg:$0x10]  }
0xc2: {  	[tilespmem:s16], [sflag:$0x5] =	stream.linear.gather [hbm4b:s22+s2], $0x50, $0x38;
	[tilespmem:$0x1E200] =	vst v63  }
.LBB2_6:
0xc3: {  	_ =	swait.ge [sflag:s29], $0x50  }
0xc4: {  	[sflag:s29] =	ssyncset.done $0x0  }
0xc5: {  	s10 =	smul.u32 $0xA0, s9;
	[sflag:s29] =	ssyncadd.s32 $0xFFFFFFB0  }
0xc6: {  	_ =	swait.ge [sflag:s29], $0x50  }
0xc7: {  	s11 =	sadd.s32 s10, s17;
	[sflag:s29] =	ssyncset.done $0x0  }
0xc8: {  	s11 =	sshll.u32 s11, $0x4;
	[sflag:s29] =	ssyncadd.s32 $0xFFFFFFB0  }
0xc9: {  	[tilespmem:s19], [sflag:$0x1] =	stream.indirect.gather [hbm4b:s4+s18], $0x80, s15, s18, $0xb8;
	[tilespmem:$0x1E200] =	vst v63  }
0xca: {  	s11 =	sadd.s32 s5, s11  }
0xcb: {  	[tilespmem:s13], [sflag:$0x3] =	stream.linear.gather [hbm4b:s11+s2], $0x2800, $0x38;
	[tilespmem:$0x1E200] =	vst v63  }
0xcc: {  	_ =	swait.ge [sflag:s30], $0x2800  }
0xcd: {  	[sflag:s30] =	ssyncset.done $0x0  }
0xce: {  	[sflag:s30] =	ssyncadd.s32 $0xFFFFD800  }
0xcf: {  	_ =	swait.ge [sflag:s31], $0x2800  }
0xd0: {  	[sflag:s31] =	ssyncset.done $0x0  }
0xd1: {  	s11 =	simm.s32 $0x0;
	[sflag:s31] =	ssyncadd.s32 $0xFFFFD800  }
0xd2: {  	v8 =	vld [tilespmem:s11+$0x1B800]  }
0xd3: {  	v12 =	vld [tilespmem:s11+$0x1B810]  }
0xd4: {  	v6 =	vld [tilespmem:s11+$0x1B820]  }
0xd5: {  	v5 =	vld [tilespmem:s11+$0x1B830]  }
0xd6: {  	v4 =	vld [tilespmem:s11+$0x1B840]  }
0xd7: {  	v3 =	vld [tilespmem:s11+$0x1B850]  }
0xd8: {  	v2 =	vld [tilespmem:s11+$0x1B860]  }
0xd9: {  	v1 =	vld [tilespmem:s11+$0x1B870]  }
0xda: {  	v13 =	vld [tilespmem:s11+$0x16800]  }
0xdb: {  	v14 =	vld [tilespmem:s11+$0x16810]  }
0xdc: {  	v11 =	vld [tilespmem:s11+$0x16820]  }
0xdd: {  	v10 =	vld [tilespmem:s11+$0x16830]  }
0xde: {  	v9 =	vld [tilespmem:s11+$0x16840]  }
0xdf: {  	v7 =	vld [tilespmem:s11+$0x16850];
	v13 =	vmul.f32 v8, v13  }
0xe0: {  	s20 =	simm.s32 $0x200;
	v12 =	vmul.f32 v12, v14;
	v8 =	vld [tilespmem:s11+$0x16860]  }
.LBB2_7:
0xe1: {  	s12 =	sshra.s32 s20, $0x2;
	p0 =	sne.s32 s20, $0x9E00;
	[tilespmem:s11+$0x16800] =	vst v13;
	v6 =	vmul.f32 v6, v11;
	v11 =	vld [tilespmem:s11+$0x16870]  }
0xe2: {  	v13 =	vld [tilespmem:s12+$0x1B800];
	[tilespmem:s11+$0x16810] =	vst v12;
	v5 =	vmul.f32 v5, v10  }
0xe3: {  	v12 =	vld [tilespmem:s12+$0x1B810];
	[tilespmem:s11+$0x16820] =	vst v6;
	v4 =	vmul.f32 v4, v9  }
0xe4: {  	v6 =	vld [tilespmem:s12+$0x1B820];
	[tilespmem:s11+$0x16830] =	vst v5;
	v3 =	vmul.f32 v3, v7  }
0xe5: {  	v5 =	vld [tilespmem:s12+$0x1B830];
	[tilespmem:s11+$0x16840] =	vst v4;
	v2 =	vmul.f32 v2, v8  }
0xe6: {  	v4 =	vld [tilespmem:s12+$0x1B840];
	[tilespmem:s11+$0x16850] =	vst v3;
	v1 =	vmul.f32 v1, v11  }
0xe7: {  	v3 =	vld [tilespmem:s12+$0x1B850];
	[tilespmem:s11+$0x16860] =	vst v2  }
0xe8: {  	v2 =	vld [tilespmem:s12+$0x1B860];
	[tilespmem:s11+$0x16870] =	vst v1;
	s11 =	smov.u32 s12  }
0xe9: {  	v1 =	vld [tilespmem:s11+$0x1B870]  }
0xea: {  	v7 =	vld [tilespmem:s11+$0x16800]  }
0xeb: {  	v8 =	vld [tilespmem:s11+$0x16810]  }
.Ltmp4:
0xec: {  	v11 =	vld [tilespmem:s11+$0x16820];
	(pc) =	sbr.rel @p0 .LBB2_7-.Ltmp4, $4  }
0xed: {  	v10 =	vld [tilespmem:s11+$0x16830]  }
0xee: {  	v9 =	vld [tilespmem:s11+$0x16840]  }
0xef: {  	v13 =	vmul.f32 v13, v7;
	v7 =	vld [tilespmem:s11+$0x16850]  }
0xf0: {  	s20 =	sadd.s32 $0x200, s20;
	v12 =	vmul.f32 v12, v8;
	v8 =	vld [tilespmem:s11+$0x16860]  }
0xf1: {  	[tilespmem:s11+$0x16800] =	vst v13;
	v6 =	vmul.f32 v6, v11;
	v11 =	vld [tilespmem:s11+$0x16870]  }
0xf2: {  	[tilespmem:s11+$0x16810] =	vst v12;
	v5 =	vmul.f32 v5, v10  }
0xf3: {  	[tilespmem:s11+$0x16820] =	vst v6;
	v4 =	vmul.f32 v4, v9  }
0xf4: {  	[tilespmem:s11+$0x16830] =	vst v5;
	v3 =	vmul.f32 v3, v7  }
0xf5: {  	[tilespmem:s11+$0x16840] =	vst v4;
	v2 =	vmul.f32 v2, v8  }
0xf6: {  	[tilespmem:s11+$0x16850] =	vst v3;
	v1 =	vmul.f32 v1, v11  }
0xf7: {  	[tilespmem:s11+$0x16860] =	vst v2  }
0xf8: {  	p0 =	seq.s32 s9, $0x3D;
	[tilespmem:s11+$0x16870] =	vst v1  }
0xf9: {  	[spmem:s1] =	stream.indirect.scatter.add.f32 [tilespmem:s25], [sflag:$0x7], $0x80, s21, s18, $0xb8;
	[tilespmem:$0x1E200] =	vst v63  }
0xfa: {  	s11 =	sadd.s32 @!p0 s10, s23;
	_ =	swait.ge [sflag:s14], $0x2800  }
0xfb: {  	s8 =	simm.s32 @!p0 $0x0;
	s12 =	sshrl.u32 @!p0 s11, $0x3;
	[sflag:s14] =	ssyncset.done $0x0  }
0xfc: {  	s22 =	simm.s32 @!p0 $0x1E080;
	s20 =	sadd.s32 @!p0 s6, s12;
	[sflag:s14] =	ssyncadd.s32 $0xFFFFD800  }
0xfd: {  	[tilespmem:s22], [sflag:$0x6] =	stream.linear.gather @!p0 [hbm4b:s20+s8], $0x50, $0x38;
	[tilespmem:$0x1E200] =	vst v63  }
0xfe: {  	s12 =	sadd.s32 @!p0 s7, s12;
	s20 =	simm.s32 @!p0 $0x1E180  }
0xff: {  	[tilespmem:s20], [sflag:$0x6] =	stream.linear.gather @!p0 [hbm4b:s12+s8], $0x50, $0x38;
	[tilespmem:$0x1E200] =	vst v63  }
0x100: {  	s12 =	simm.s32 @!p0 $0x6  }
0x101: {  	_ =	swait.ge @!p0 [sflag:s12], $0x50  }
0x102: {  	[sflag:s12] =	ssyncset.done @!p0 $0x0  }
0x103: {  	[sflag:s12] =	ssyncadd.s32 @!p0 $0xFFFFFFB0  }
0x104: {  	_ =	swait.ge @!p0 [sflag:s12], $0x50  }
0x105: {  	s11 =	sshll.u32 @!p0 s11, $0x4;
	[sflag:s12] =	ssyncset.done @!p0 $0x0  }
0x106: {  	s20 =	simm.s32 @!p0 $0x16800;
	[sflag:s12] =	ssyncadd.s32 @!p0 $0xFFFFFFB0;
	s12 =	simm.s32 @!p0 $0x50  }
0x107: {  	[tilespmem:s20], [sflag:$0x2] =	stream.indirect.gather @!p0 [hbm4b:s4+s12], $0x80, s22, s12, $0xb8;
	[tilespmem:$0x1E200] =	vst v63  }
0x108: {  	s11 =	sadd.s32 @!p0 s5, s11;
	s12 =	simm.s32 @!p0 $0x1B800  }
0x109: {  	[tilespmem:s12], [sflag:$0x4] =	stream.linear.gather @!p0 [hbm4b:s11+s8], $0x2800, $0x38;
	[tilespmem:$0x1E200] =	vst v63  }
0x10a: {  	_ =	swait.ge [sflag:s26], $0x2800  }
0x10b: {  	[sflag:s26] =	ssyncset.done $0x0  }
0x10c: {  	[sflag:s26] =	ssyncadd.s32 $0xFFFFD800  }
0x10d: {  	_ =	swait.ge [sflag:s28], $0x2800  }
0x10e: {  	[sflag:s28] =	ssyncset.done $0x0  }
0x10f: {  	s11 =	simm.s32 $0x0;
	[sflag:s28] =	ssyncadd.s32 $0xFFFFD800  }
0x110: {  	v8 =	vld [tilespmem:s11+$0x19000]  }
0x111: {  	v12 =	vld [tilespmem:s11+$0x19010]  }
0x112: {  	v6 =	vld [tilespmem:s11+$0x19020]  }
0x113: {  	v5 =	vld [tilespmem:s11+$0x19030]  }
0x114: {  	v4 =	vld [tilespmem:s11+$0x19040]  }
0x115: {  	v3 =	vld [tilespmem:s11+$0x19050]  }
0x116: {  	v2 =	vld [tilespmem:s11+$0x19060]  }
0x117: {  	v1 =	vld [tilespmem:s11+$0x19070]  }
0x118: {  	v13 =	vld [tilespmem:s11+$0x14000]  }
0x119: {  	v14 =	vld [tilespmem:s11+$0x14010]  }
0x11a: {  	v11 =	vld [tilespmem:s11+$0x14020]  }
0x11b: {  	v10 =	vld [tilespmem:s11+$0x14030]  }
0x11c: {  	v9 =	vld [tilespmem:s11+$0x14040]  }
0x11d: {  	v7 =	vld [tilespmem:s11+$0x14050];
	v13 =	vmul.f32 v8, v13  }
0x11e: {  	s20 =	simm.s32 $0x200;
	v12 =	vmul.f32 v12, v14;
	v8 =	vld [tilespmem:s11+$0x14060]  }
.LBB2_9:
0x11f: {  	s8 =	sshra.s32 s20, $0x2;
	p1 =	sne.s32 s20, $0x9E00;
	[tilespmem:s11+$0x14000] =	vst v13;
	v6 =	vmul.f32 v6, v11;
	v11 =	vld [tilespmem:s11+$0x14070]  }
0x120: {  	v13 =	vld [tilespmem:s8+$0x19000];
	[tilespmem:s11+$0x14010] =	vst v12;
	v5 =	vmul.f32 v5, v10  }
0x121: {  	v12 =	vld [tilespmem:s8+$0x19010];
	[tilespmem:s11+$0x14020] =	vst v6;
	v4 =	vmul.f32 v4, v9  }
0x122: {  	v6 =	vld [tilespmem:s8+$0x19020];
	[tilespmem:s11+$0x14030] =	vst v5;
	v3 =	vmul.f32 v3, v7  }
0x123: {  	v5 =	vld [tilespmem:s8+$0x19030];
	[tilespmem:s11+$0x14040] =	vst v4;
	v2 =	vmul.f32 v2, v8  }
0x124: {  	v4 =	vld [tilespmem:s8+$0x19040];
	[tilespmem:s11+$0x14050] =	vst v3;
	v1 =	vmul.f32 v1, v11  }
0x125: {  	v3 =	vld [tilespmem:s8+$0x19050];
	[tilespmem:s11+$0x14060] =	vst v2  }
0x126: {  	v2 =	vld [tilespmem:s8+$0x19060];
	[tilespmem:s11+$0x14070] =	vst v1;
	s11 =	smov.u32 s8  }
0x127: {  	v1 =	vld [tilespmem:s11+$0x19070]  }
0x128: {  	v7 =	vld [tilespmem:s11+$0x14000]  }
0x129: {  	v8 =	vld [tilespmem:s11+$0x14010]  }
.Ltmp5:
0x12a: {  	v11 =	vld [tilespmem:s11+$0x14020];
	(pc) =	sbr.rel @p1 .LBB2_9-.Ltmp5, $4  }
0x12b: {  	v10 =	vld [tilespmem:s11+$0x14030]  }
0x12c: {  	v9 =	vld [tilespmem:s11+$0x14040]  }
0x12d: {  	v13 =	vmul.f32 v13, v7;
	v7 =	vld [tilespmem:s11+$0x14050]  }
0x12e: {  	s20 =	sadd.s32 $0x200, s20;
	v12 =	vmul.f32 v12, v8;
	v8 =	vld [tilespmem:s11+$0x14060]  }
0x12f: {  	[tilespmem:s11+$0x14000] =	vst v13;
	v6 =	vmul.f32 v6, v11;
	v63 =	vld [tilespmem:s11+$0x14070]  }
0x130: {  	[tilespmem:s11+$0x14010] =	vst v12;
	v5 =	vmul.f32 v5, v10  }
0x131: {  	[tilespmem:s11+$0x14020] =	vst v6;
	v4 =	vmul.f32 v4, v9  }
0x132: {  	[tilespmem:s11+$0x14030] =	vst v5;
	v3 =	vmul.f32 v3, v7  }
0x133: {  	[tilespmem:s11+$0x14040] =	vst v4;
	v2 =	vmul.f32 v2, v8  }
0x134: {  	[tilespmem:s11+$0x14050] =	vst v3;
	v1 =	vmul.f32 v1, v63  }
0x135: {  	[tilespmem:s11+$0x14060] =	vst v2  }
.Ltmp6:
0x136: {  	[tilespmem:s11+$0x14070] =	vst v1;
	(pc) =	sbr.rel @p0 .LBB2_12-.Ltmp6, $4  }
0x137: {  	[spmem:s1] =	stream.indirect.scatter.add.f32 [tilespmem:s19], [sflag:$0x7], $0x80, s16, s18, $0xb8;
	[tilespmem:$0x1E200] =	vst v63  }
0x138: {  	_ =	swait.ge [sflag:s14], $0x2800  }
0x139: {  	[sflag:s14] =	ssyncset.done $0x0  }
0x13a: {  	[sflag:s14] =	ssyncadd.s32 $0xFFFFD800  }
0x13b: {  	s8 =	sadd.s32 s10, s24  }
.Ltmp7:
0x13c: {  	s8 =	sshrl.u32 s8, $0x3;
	(pc) =	sbr.rel .LBB2_6-.Ltmp7, $4  }
0x13d: {  	s22 =	sadd.s32 s6, s8  }
0x13e: {  	[tilespmem:s15], [sflag:$0x5] =	stream.linear.gather [hbm4b:s22+s3], $0x50, $0x38;
	[tilespmem:$0x1E200] =	vst v63  }
0x13f: {  	s9 =	sadd.s32 $0x1, s9;
	s8 =	sadd.s32 s7, s8  }
0x140: {  	[tilespmem:s16], [sflag:$0x5] =	stream.linear.gather [hbm4b:s8+s3], $0x50, $0x38;
	[tilespmem:$0x1E200] =	vst v63  }
.LBB2_13:
0x141: {  	_ =	sfence.sel $0x180000  }
0x142: {  	[bflag:$0x0] =	sbarrier.arrive $0xFFFF  }
0x143: {  	_ =	strace $0x9000004D  }
0x144: {  	s0 =	stileid.u32;
	[bflag:$0x2] =	sbarrier.arrive $0xFFFF  }
0x145: {  	p0 =	sne.s32 s0, $0x0;
	s0 =	rddreg [dreg:$0x2]  }
0x146: {  	s0 =	sadd.s32 @!p0 $0x100000, s0  }
0x147: {  	[sflag:s0] =	ssyncadd.tile.s32 @!p0 $0x1;
	_ =	shalt  }
.Lfunc_end2:
_tile_overlayer_lowered:
.L_overlay_start_2:
0x148: {  	(tag) =	ssettag $0x2  }
0x149: {  	s0 =	rddreg [dreg:$0x0];
	s2 =	stileid.u32  }
0x14a: {  	s1 =	rddreg [dreg:$0x1];
	p0 =	sne.s32 s2, $0x0  }
0x14b: {  	s3 =	rddreg [dreg:$0x2];
	[bflag:$0x3] =	sbarrier.arrive $0xFFFF;
	s2 =	simm.s32 @!p0 $0x1C07  }
0x14c: {  	[timem:s3], [sflag:s2] =	dma.local @!p0 [hbm:s0], s1  }
0x14d: {  	s0 =	simm.s32 @!p0 $0x7  }
0x14e: {  	_ =	swait.ge @!p0 [sflag:s0], s1  }
0x14f: {  	s1 =	ssub.s32 @!p0 $0x0, s1;
	[sflag:s0] =	ssyncset.done @!p0 $0x0  }
0x150: {  	[sflag:s0] =	ssyncadd.s32 @!p0 s1  }
0x151: {  	[bflag:$0x3] =	sbarrier.arrive $0xFFFF  }
0x152: {  	_ =	shalt  }

// kernel: kernel.22.cloned.1.call-start
scs
__scs_entry_jumppad:
0x0: {  	(pc) =	sbr.rel $0x88, $3  }
0x1: {  	(tag) =	ssettag $0x0;
	lr =	simm.s32 $0x1  }
0x2: {  	[smem:$0x3F81] =	sst lr;
	_ =	strace $0xD0000000  }
0x3: {  	_ = 	snop  }
0x4: {  	_ = 	snop  }
0x5: {  	_ = 	snop  }
0x6: {  	_ = 	snop  }
0x7: {  	_ = 	snop  }
__scs_overlays_trampoline_lowered:
0x8: {  	[smem:$0x3F90] =	sst s0  }
0x9: {  	[smem:$0x3F91] =	sst s1  }
0xa: {  	[smem:$0x3F92] =	sst s2  }
0xb: {  	[smem:$0x3F93] =	sst s3  }
0xc: {  	[smem:$0x3F94] =	sst s4  }
0xd: {  	[smem:$0x3F95] =	sst s5  }
0xe: {  	[smem:$0x3F96] =	sst s6  }
0xf: {  	[smem:$0x3F97] =	sst s7  }
0x10: {  	[smem:$0x3F98] =	sst s8  }
0x11: {  	[smem:$0x3F99] =	sst s9;
	s0 =	simm.s32 @!p0 $0x0  }
0x12: {  	s1 =	sld [smem:$0x3F7F];
	s0 =	simm.s32 @p0 $0x1  }
0x13: {  	[smem:$0x3F9A] =	sst s0;
	s0 =	simm.s32 @!p1 $0x0  }
0x14: {  	s2 =	sld [smem:$0x3F7E];
	s0 =	simm.s32 @p1 $0x1  }
0x15: {  	[smem:$0x3F9B] =	sst s0;
	s0 =	simm.s32 @!p2 $0x0  }
0x16: {  	s3 =	sld [smem:$0x3FDB];
	s0 =	simm.s32 @p2 $0x1  }
0x17: {  	s4 =	simm.s32 $0x1BF5;
	[smem:$0x3F9D] =	sst s0  }
0x18: {  	s0 =	sld [smem:$0x3F80];
	_ =	swait.ge [sflag:s4], $0x0  }
0x19: {  	s7 =	sld [smem:$0x3F81]  }
0x1a: {  	s8 =	sadd.s32 $0xFFFFE003, lr  }
0x1b: {  	s9 =	sadd.s32 $0xFFFFFEF7, lr;
	s5 =	simm.s32 $0xFFFFFFFF;
	p2 =	slt.u32 s8, $0xFFFFF086  }
0x1c: {  	p1 =	slt.u32 s9, $0xF7A;
	s5 =	simm.s32 @!p2 $0x0  }
0x1d: {  	s5 =	simm.s32 @p1 $0x1;
	p0 =	seq.s32 s7, s2  }
0x1e: {  	s7 =	smul.u32 @!p0 $0xF7A, s2;
	p2 =	seq.s32 @!p0 s5, $0x0  }
0x1f: {  	s9 =	smul.u32 $0xF7A, s1;
	s8 =	simm.s32 @!p0 $0x1BF5;
	p2 =	por !p2, p0  }
0x20: {  	[sflag:s8] =	ssyncset.s32 @!p0 $0xFFFFF086;
	s6 =	sadd.s32 @!p0 s3, s7;
	s7 =	simm.s32 @!p0 $0x108  }
0x21: {  	s3 =	sadd.s32 s3, s9;
	s6 =	sadd.s32 @!p0 $0x88, s6;
	s7 =	simm.s32 @p2 $0x1082  }
0x22: {  	[simem:s7], [sflag:s8] =	dma.local @!p0 [hbm:s6], $0xF7A  }
0x23: {  	s9 =	sor.u32 $0xD0000000, s2;
	s6 =	simm.s32 $0x108;
	_ =	swait.ge @!p0 [sflag:s8], $0x0  }
0x24: {  	s3 =	sadd.s32 $0x88, s3;
	s6 =	simm.s32 @!p1 $0x1082;
	[sflag:s4] =	ssyncset.s32 $0xFFFFF086  }
0x25: {  	[simem:s6], [sflag:s4] =	dma.local [hbm:s3], $0xF7A  }
0x26: {  	[smem:$0x3F81] =	sst s1;
	(tag) =	ssettag s2;
	_ =	strace s9  }
0x27: {  	s1 =	sld [smem:$0x3F91]  }
0x28: {  	s2 =	sld [smem:$0x3F92]  }
0x29: {  	s4 =	sld [smem:$0x3F94]  }
0x2a: {  	p0 =	seq.s32 s5, $0x0;
	s5 =	sld [smem:$0x3F95]  }
0x2b: {  	s6 =	sld [smem:$0x3F96]  }
0x2c: {  	s7 =	sld [smem:$0x3F97]  }
0x2d: {  	s3 =	simm.s32 $0x108;
	s8 =	sld [smem:$0x3F98]  }
0x2e: {  	s3 =	simm.s32 @!p0 $0x1082;
	s9 =	sld [smem:$0x3F99]  }
0x2f: {  	lr =	sadd.s32 s0, s3;
	s0 =	sld [smem:$0x3F90]  }
0x30: {  	s3 =	sld [smem:$0x3F93]  }
0x31: {  	[smem:$0x3F9C] =	sst s10  }
0x32: {  	s10 =	sld [smem:$0x3F9A];
	_ =	sdelay $0x3  }
0x33: {  	p0 =	seq.s32 s10, $0x1;
	s10 =	sld [smem:$0x3F9C];
	_ =	sdelay $0x3  }
0x34: {  	[smem:$0x3F9C] =	sst s10  }
0x35: {  	s10 =	sld [smem:$0x3F9B];
	_ =	sdelay $0x3  }
0x36: {  	p1 =	seq.s32 s10, $0x1;
	s10 =	sld [smem:$0x3F9C];
	_ =	sdelay $0x3  }
0x37: {  	[smem:$0x3F9C] =	sst s10  }
0x38: {  	s10 =	sld [smem:$0x3F9D]  }
0x39: {  	_ = 	snop;
	(pc) =	sbr.ind lr, $3  }
0x3a: {  	_ = 	snop  }
0x3b: {  	_ = 	snop  }
0x3c: {  	p2 =	seq.s32 s10, $0x1;
	s10 =	sld [smem:$0x3F9C]  }
0x3d: {  	_ =	shalt  }
0x3e: {  	_ =	shalt  }
0x3f: {  	_ =	shalt  }
0x40: {  	_ =	shalt  }
0x41: {  	_ =	shalt  }
0x42: {  	_ =	shalt  }
0x43: {  	_ =	shalt  }
0x44: {  	_ =	shalt  }
0x45: {  	_ =	shalt  }
0x46: {  	_ =	shalt  }
0x47: {  	_ =	shalt  }
0x48: {  	_ =	shalt  }
0x49: {  	_ =	shalt  }
0x4a: {  	_ =	shalt  }
0x4b: {  	_ =	shalt  }
0x4c: {  	_ =	shalt  }
0x4d: {  	_ =	shalt  }
0x4e: {  	_ =	shalt  }
0x4f: {  	_ =	shalt  }
0x50: {  	_ =	shalt  }
0x51: {  	_ =	shalt  }
0x52: {  	_ =	shalt  }
0x53: {  	_ =	shalt  }
0x54: {  	_ =	shalt  }
0x55: {  	_ =	shalt  }
0x56: {  	_ =	shalt  }
0x57: {  	_ =	shalt  }
0x58: {  	_ =	shalt  }
0x59: {  	_ =	shalt  }
0x5a: {  	_ =	shalt  }
0x5b: {  	_ =	shalt  }
0x5c: {  	_ =	shalt  }
0x5d: {  	_ =	shalt  }
0x5e: {  	_ =	shalt  }
0x5f: {  	_ =	shalt  }
0x60: {  	_ =	shalt  }
0x61: {  	_ =	shalt  }
0x62: {  	_ =	shalt  }
0x63: {  	_ =	shalt  }
0x64: {  	_ =	shalt  }
0x65: {  	_ =	shalt  }
0x66: {  	_ =	shalt  }
0x67: {  	_ =	shalt  }
0x68: {  	_ =	shalt  }
0x69: {  	_ =	shalt  }
0x6a: {  	_ =	shalt  }
0x6b: {  	_ =	shalt  }
0x6c: {  	_ =	shalt  }
0x6d: {  	_ =	shalt  }
0x6e: {  	_ =	shalt  }
0x6f: {  	_ =	shalt  }
0x70: {  	_ =	shalt  }
0x71: {  	_ =	shalt  }
0x72: {  	_ =	shalt  }
0x73: {  	_ =	shalt  }
0x74: {  	_ =	shalt  }
0x75: {  	_ =	shalt  }
0x76: {  	_ =	shalt  }
0x77: {  	_ =	shalt  }
0x78: {  	_ =	shalt  }
0x79: {  	_ =	shalt  }
0x7a: {  	_ =	shalt  }
0x7b: {  	_ =	shalt  }
0x7c: {  	_ =	shalt  }
0x7d: {  	_ =	shalt  }
0x7e: {  	_ =	shalt  }
0x7f: {  	_ =	shalt  }
0x80: {  	_ =	shalt  }
0x81: {  	_ =	shalt  }
0x82: {  	_ =	shalt  }
0x83: {  	_ =	shalt  }
0x84: {  	_ =	shalt  }
0x85: {  	_ =	shalt  }
0x86: {  	_ =	shalt  }
0x87: {  	_ =	shalt  }
.Lfunc_end0:
.L_simem_size_0:
called_computation.3_lowered:
.L_overlay_start_0:
0x88: {  	s2 =	sld [smem:$0x3FD9]  }
0x89: {  	s3 =	sld [smem:$0x3FFE];
	_ =	sdelay $0x1  }
0x8a: {  	s1 =	srdreg.scid  }
0x8b: {  	s0 =	sand.u32 $0x1, s1  }
0x8c: {  	s16 =	sshll.u32 s0, $0xA;
	s2 =	sadd.s32 s3, s2  }
0x8d: {  	s2 =	sadd.s32 s2, s16  }
0x8e: {  	[smem:$0x3FA8] =	sst s2  }
0x8f: {  	_ = 	snop  }
0x90: {  	(tm) =	ssettm $0x1  }
0x91: {  	s17 =	sld [smem:$0x3FFB];
	_ =	sdelay $0x3  }
0x92: {  	_ =	strace s17  }
0x93: {  	s2 =	sld [smem:$0x3FFC];
	_ =	sdelay $0x3  }
0x94: {  	_ =	strace s2  }
0x95: {  	s2 =	sld [smem:$0x3FFD];
	_ =	sdelay $0x3  }
0x96: {  	_ =	strace s2  }
0x97: {  	_ =	strace $0x8FFFFFFF  }
0x98: {  	s18 =	sld [smem:$0x3FDB];
	_ =	sdelay $0x1  }
0x99: {  	s19 =	simm.s32 $_scs_section_size  }
0x9a: {  	s4 =	simm.s32 $_size__tile_overlayer_lowered;
	s5 =	simm.s32 $_tile_overlayer_lowered  }
0x9b: {  	s22 =	simm.s32 $0x1BFF;
	s21 =	sshll.u32 s5, $0x1;
	s2 =	sadd.s32 s19, s18  }
0x9c: {  	s6 =	simm.s32 $0x0;
	s20 =	sshll.u32 s4, $0x1;
	s4 =	sadd.s32 s21, s2  }
0x9d: {  	[timem:s6], [sflag:s22] =	dma.local [hbm:s4], s20  }
0x9e: {  	_ =	swait.ge [sflag:s22], s20  }
0x9f: {  	s3 =	ssub.s32 $0x0, s20;
	[sflag:s22] =	ssyncset.done $0x0  }
0xa0: {  	[sflag:s22] =	ssyncadd.s32 s3;
	_ =	sdelay $0x1  }
0xa1: {  	s23 =	simm.s32 $0x1B8B  }
0xa2: {  	_ =	swait.ge [sflag:s23], $0x1  }
0xa3: {  	[sflag:s23] =	ssyncset.done $0x0  }
0xa4: {  	s25 =	simm.s32 $0x1B8E;
	s24 =	sld [smem:$0x3FFE];
	[sflag:s23] =	ssyncadd.s32 $0xFFFFFFFF  }
0xa5: {  	s26 =	simm.s32 $execute0_lowered;
	[smem:$0x3FD2] =	sst s25  }
0xa6: {  	s4 =	sshll.u32 s26, $0x1;
	_ =	strace $0x8000004F;
	[dreg:$0x1] =	wrdreg $0xFFFFFFFF  }
0xa7: {  	s28 =	simm.s32 $_size_execute0_lowered;
	s2 =	sadd.s32 s2, s4;
	[dreg:$0x0] =	wrdreg $0x0  }
0xa8: {  	s4 =	sshll.u32 s28, $0x1;
	[dreg:$0x2] =	wrdreg s2  }
0xa9: {  	[dreg:$0x3] =	wrdreg s4  }
0xaa: {  	[dreg:$0x4] =	wrdreg $0xC0  }
0xab: {  	_ =	task [dreg:s6], $0x5FFFF  }
0xac: {  	[dreg:$0x1] =	wrdreg $0xFFFFFFFF  }
0xad: {  	[dreg:$0x0] =	wrdreg $0x60  }
0xae: {  	[dreg:$0x2] =	wrdreg s24  }
0xaf: {  	[dreg:$0x3] =	wrdreg $0x9  }
0xb0: {  	_ =	task.clear_ibuf [dreg:s6], $0x4FFFF;
	_ =	strace $0x9000004F  }
0xb1: {  	s29 =	simm.s32 $0x9;
	_ =	strace $0x80000051  }
0xb2: {  	_ =	swait.ge [sflag:s29], $0x1  }
0xb3: {  	[sflag:s29] =	ssyncadd.s32 $0xFFFFFFFF  }
0xb4: {  	_ =	strace $0x90000051  }
0xb5: {  	_ =	sfence  }
0xb6: {  	s30 =	sld [smem:$0x0];
	_ =	sdelay $0x2  }
0xb7: {  	s31 =	sshll.u32 s1, $0xD;
	s1 =	sshrl.u32 s1, $0x2  }
0xb8: {  	s3 =	sand.u32 $0x4000, s31;
	s1 =	sadd.s32 s1, s30  }
0xb9: {  	s0 =	sor.u32 s3, s0;
	s1 =	sshll.u32 s1, $0x11  }
0xba: {  	s0 =	sor.u32 s1, s0  }
0xbb: {  	s0 =	sadd.s32 $0x8F2B, s0  }
0xbc: {  	[sflag:s0] =	ssyncadd.remote.s32 $0x1  }
0xbd: {  	_ =	sfence.sel $0xFFFF  }
0xbe: {  	[dreg:$0x0] =	wrdreg $0xFFFFFFFF;
	(pc) =	sbr.abs _section_cstart, $3  }
0xbf: {  	[dreg:$0x1] =	wrdreg $0xFFFFFFFF  }
0xc0: {  	_ =	task.clear_ibuf [dreg:s6], $0x2FFFF;
	_ =	strace $0x9FFFFFFF  }
0xc1: {  	(tm) =	ssettm $0x7FFFFFFF  }
tec
execute0_lowered:
.L_overlay_start_1:
0x0: {  	(tag) =	ssettag $0x1  }
0x1: {  	s0 =	rddreg [dreg:$0x0];
	s1 =	srdreg.scid  }
0x2: {  	s3 =	stileid.u32;
	s2 =	simm.s32 $0x0;
	s28 =	simm.s32 $0x6  }
0x3: {  	s29 =	simm.s32 $0x6400;
	s30 =	simm.s32 $0x12C00;
	s31 =	simm.s32 $0x1  }
0x4: {  	s1 =	sand.u32 $0x1, s1;
	s3 =	sshll.u32 s3, $0x1;
	[smem:$0x7FF] =	sst s2  }
0x5: {  	s4 =	sadd.s32 $0x12600, s0;
	s5 =	sadd.s32 $0x8800, s0;
	s7 =	sor.u32 s1, s3  }
0x6: {  	s6 =	sadd.s32 $0x75A00, s0;
	s1 =	ssub.s32 $0x2, s1;
	s9 =	smul.u32 $0x2710, s7  }
0x7: {  	_ =	strace $0x80000050;
	s18 =	sshrl.u32 s1, $0x1;
	s22 =	smul.u32 $0x27100, s7  }
0x8: {  	s3 =	sadd.s32 $0x4DA00, s0;
	s7 =	smul.u32 $0x138800, s7;
	s0 =	ssub.s32 s1, s18  }
0x9: {  	s10 =	sshrl.u32 s9, $0x3;
	s8 =	sadd.s32 $0xC8, s9;
	s23 =	sadd.s32 s6, s22  }
0xa: {  	s26 =	sshrl.u32 s7, $0x3;
	s16 =	sadd.s32 $0x258, s9;
	s17 =	sadd.s32 $0x320, s9  }
0xb: {  	s0 =	smax.u32 s0, $0x1;
	s22 =	simm.s32 $0x19200;
	s7 =	simm.s32 $0x2  }
0xc: {  	s19 =	sadd.s32 s4, s10;
	s20 =	sadd.s32 s5, s10;
	[dreg:$0x6] =	wrdreg s23  }
0xd: {  	s21 =	sshrl.u32 s8, $0x3;
	[dreg:$0xa] =	wrdreg s0;
	s23 =	simm.s32 $0xC8  }
0xe: {  	s0 =	simm.s32 $0x3;
	s10 =	simm.s32 $0x0;
	[dreg:$0x2] =	wrdreg s19  }
0xf: {  	[dreg:$0x3] =	wrdreg s20;
	s11 =	sadd.s32 s4, s21;
	s1 =	sadd.s32 s5, s21  }
0x10: {  	s20 =	simm.s32 $0x19000;
	[dreg:$0x4] =	wrdreg s11;
	s11 =	sadd.s32 $0x190, s9  }
0x11: {  	s21 =	simm.s32 $0x7;
	[dreg:$0x5] =	wrdreg s1;
	s24 =	sshrl.u32 s11, $0x3  }
0x12: {  	s9 =	simm.s32 $0x4;
	s25 =	sadd.s32 s4, s24;
	s1 =	sadd.s32 s5, s24  }
0x13: {  	s24 =	simm.s32 $0xC800;
	[dreg:$0x8] =	wrdreg s1;
	s1 =	sadd.s32 s6, s26  }
0x14: {  	[dreg:$0x7] =	wrdreg s25;
	s25 =	simm.s32 $0x19100;
	s1 =	sadd.s32 $0x26480, s1  }
0x15: {  	s26 =	simm.s32 $0x19300;
	[dreg:$0x9] =	wrdreg s1;
	s1 =	simm.s32 $0x5  }
.LBB2_1:
0x16: {  	s12 =	rddreg [dreg:$0x2]  }
0x17: {  	[tilespmem:s20], [sflag:$0x7] =	stream.linear.gather [hbm4b:s12+s2], $0xC8, $0x38;
	[tilespmem:$0x19400] =	vst v63  }
0x18: {  	_ =	swait.ge [sflag:s21], $0xC8  }
0x19: {  	[sflag:s21] =	ssyncset.done $0x0  }
0x1a: {  	s15 =	rddreg [dreg:$0x3];
	[sflag:s21] =	ssyncadd.s32 $0xFFFFFF38  }
0x1b: {  	[tilespmem:s22], [sflag:$0x7] =	stream.linear.gather [hbm4b:s15+s2], $0xC8, $0x38;
	[tilespmem:$0x19400] =	vst v63  }
0x1c: {  	_ =	swait.ge [sflag:s21], $0xC8  }
0x1d: {  	[sflag:s21] =	ssyncset.done $0x0  }
0x1e: {  	[sflag:s21] =	ssyncadd.s32 $0xFFFFFF38  }
0x1f: {  	[tilespmem:s2], [sflag:$0x1] =	stream.indirect.gather [hbm4b:s3+s23], $0x80, s20, s23, $0xb8;
	[tilespmem:$0x19400] =	vst v63  }
0x20: {  	_ = 	snop  }
0x21: {  	[tilespmem:s24], [sflag:$0x3] =	stream.indirect.gather [hbm4b:s3+s23], $0x80, s22, s23, $0xb8;
	[tilespmem:$0x19400] =	vst v63  }
0x22: {  	s18 =	rddreg [dreg:$0x4]  }
0x23: {  	[tilespmem:s25], [sflag:$0x6] =	stream.linear.gather [hbm4b:s18+s2], $0xC8, $0x38;
	[tilespmem:$0x19400] =	vst v63  }
0x24: {  	s19 =	rddreg [dreg:$0x5]  }
0x25: {  	[tilespmem:s26], [sflag:$0x6] =	stream.linear.gather [hbm4b:s19+s2], $0xC8, $0x38;
	[tilespmem:$0x19400] =	vst v63  }
0x26: {  	_ =	swait.ge [sflag:s28], $0xC8  }
0x27: {  	[sflag:s28] =	ssyncset.done $0x0  }
0x28: {  	[sflag:s28] =	ssyncadd.s32 $0xFFFFFF38  }
0x29: {  	_ =	swait.ge [sflag:s28], $0xC8  }
0x2a: {  	[sflag:s28] =	ssyncset.done $0x0  }
0x2b: {  	[sflag:s28] =	ssyncadd.s32 $0xFFFFFF38  }
0x2c: {  	[tilespmem:s29], [sflag:$0x2] =	stream.indirect.gather [hbm4b:s3+s23], $0x80, s25, s23, $0xb8;
	[tilespmem:$0x19400] =	vst v63  }
0x2d: {  	_ = 	snop  }
0x2e: {  	[tilespmem:s30], [sflag:$0x4] =	stream.indirect.gather [hbm4b:s3+s23], $0x80, s26, s23, $0xb8;
	[tilespmem:$0x19400] =	vst v63  }
0x2f: {  	_ =	swait.ge [sflag:s31], $0x6400  }
0x30: {  	[sflag:s31] =	ssyncset.done $0x0  }
0x31: {  	[sflag:s31] =	ssyncadd.s32 $0xFFFF9C00  }
0x32: {  	_ =	swait.ge [sflag:s0], $0x6400  }
0x33: {  	[sflag:s0] =	ssyncset.done $0x0  }
0x34: {  	s12 =	simm.s32 $0x0;
	[sflag:s0] =	ssyncadd.s32 $0xFFFF9C00  }
0x35: {  	v7 =	vld [tilespmem:s12+$0xC800]  }
0x36: {  	v11 =	vld [tilespmem:s12+$0xC810]  }
0x37: {  	v5 =	vld [tilespmem:s12+$0xC820]  }
0x38: {  	v4 =	vld [tilespmem:s12+$0xC830]  }
0x39: {  	v3 =	vld [tilespmem:s12+$0xC840]  }
0x3a: {  	v2 =	vld [tilespmem:s12+$0xC850]  }
0x3b: {  	v1 =	vld [tilespmem:s12+$0xC860]  }
0x3c: {  	v0 =	vld [tilespmem:s12+$0xC870]  }
0x3d: {  	v12 =	vld [tilespmem:s12+$0x0]  }
0x3e: {  	v13 =	vld [tilespmem:s12+$0x10]  }
0x3f: {  	v10 =	vld [tilespmem:s12+$0x20]  }
0x40: {  	v9 =	vld [tilespmem:s12+$0x30]  }
0x41: {  	v8 =	vld [tilespmem:s12+$0x40]  }
0x42: {  	v6 =	vld [tilespmem:s12+$0x50];
	v12 =	vmul.f32 v7, v12  }
0x43: {  	s13 =	simm.s32 $0x200;
	v11 =	vmul.f32 v11, v13;
	v7 =	vld [tilespmem:s12+$0x60]  }
.LBB2_2:
0x44: {  	s14 =	sshra.s32 s13, $0x2;
	p0 =	sne.s32 s13, $0x18E00;
	[tilespmem:s12+$0x0] =	vst v12;
	v5 =	vmul.f32 v5, v10;
	v10 =	vld [tilespmem:s12+$0x70]  }
0x45: {  	v12 =	vld [tilespmem:s14+$0xC800];
	[tilespmem:s12+$0x10] =	vst v11;
	v4 =	vmul.f32 v4, v9  }
0x46: {  	v11 =	vld [tilespmem:s14+$0xC810];
	[tilespmem:s12+$0x20] =	vst v5;
	v3 =	vmul.f32 v3, v8  }
0x47: {  	v5 =	vld [tilespmem:s14+$0xC820];
	[tilespmem:s12+$0x30] =	vst v4;
	v2 =	vmul.f32 v2, v6  }
0x48: {  	v4 =	vld [tilespmem:s14+$0xC830];
	[tilespmem:s12+$0x40] =	vst v3;
	v1 =	vmul.f32 v1, v7  }
0x49: {  	v3 =	vld [tilespmem:s14+$0xC840];
	[tilespmem:s12+$0x50] =	vst v2;
	v0 =	vmul.f32 v0, v10  }
0x4a: {  	v2 =	vld [tilespmem:s14+$0xC850];
	[tilespmem:s12+$0x60] =	vst v1  }
0x4b: {  	v1 =	vld [tilespmem:s14+$0xC860];
	[tilespmem:s12+$0x70] =	vst v0;
	s12 =	smov.u32 s14  }
0x4c: {  	v0 =	vld [tilespmem:s12+$0xC870]  }
0x4d: {  	v6 =	vld [tilespmem:s12+$0x0]  }
0x4e: {  	v7 =	vld [tilespmem:s12+$0x10]  }
.Ltmp0:
0x4f: {  	v10 =	vld [tilespmem:s12+$0x20];
	(pc) =	sbr.rel @p0 .LBB2_2-.Ltmp0, $4  }
0x50: {  	v9 =	vld [tilespmem:s12+$0x30]  }
0x51: {  	v8 =	vld [tilespmem:s12+$0x40]  }
0x52: {  	v12 =	vmul.f32 v12, v6;
	v6 =	vld [tilespmem:s12+$0x50]  }
0x53: {  	s13 =	sadd.s32 $0x200, s13;
	v11 =	vmul.f32 v11, v7;
	v7 =	vld [tilespmem:s12+$0x60]  }
0x54: {  	[tilespmem:s12+$0x0] =	vst v12;
	v5 =	vmul.f32 v5, v10;
	v63 =	vld [tilespmem:s12+$0x70]  }
0x55: {  	[tilespmem:s12+$0x10] =	vst v11;
	v4 =	vmul.f32 v4, v9  }
0x56: {  	[tilespmem:s12+$0x20] =	vst v5;
	v3 =	vmul.f32 v3, v8  }
0x57: {  	[tilespmem:s12+$0x30] =	vst v4;
	v2 =	vmul.f32 v2, v6  }
0x58: {  	[tilespmem:s12+$0x40] =	vst v3;
	v1 =	vmul.f32 v1, v7  }
0x59: {  	[tilespmem:s12+$0x50] =	vst v2;
	v0 =	vmul.f32 v0, v63  }
0x5a: {  	[tilespmem:s12+$0x60] =	vst v1  }
0x5b: {  	s13 =	rddreg [dreg:$0x6];
	[tilespmem:s12+$0x70] =	vst v0;
	s12 =	simm.s32 $0x0  }
0x5c: {  	[hbm4b:s13+s12] =	stream.linear.scatter [tilespmem:s12], [sflag:$0x7], $0x6400, $0x38;
	[tilespmem:$0x19400] =	vst v63  }
0x5d: {  	_ =	swait.ge [sflag:s21], $0x6400  }
0x5e: {  	[sflag:s21] =	ssyncset.done $0x0  }
0x5f: {  	s18 =	rddreg [dreg:$0x7];
	[sflag:s21] =	ssyncadd.s32 $0xFFFF9C00  }
0x60: {  	[tilespmem:s20], [sflag:$0x5] =	stream.linear.gather [hbm4b:s18+s12], $0xC8, $0x38;
	[tilespmem:$0x19400] =	vst v63  }
0x61: {  	s13 =	simm.s32 $0x0;
	s19 =	rddreg [dreg:$0x8]  }
0x62: {  	[tilespmem:s22], [sflag:$0x5] =	stream.linear.gather [hbm4b:s19+s12], $0xC8, $0x38;
	[tilespmem:$0x19400] =	vst v63  }
.LBB2_4:
0x63: {  	_ =	swait.ge [sflag:s1], $0xC8  }
0x64: {  	[sflag:s1] =	ssyncset.done $0x0  }
0x65: {  	[sflag:s1] =	ssyncadd.s32 $0xFFFFFF38  }
0x66: {  	_ =	swait.ge [sflag:s1], $0xC8  }
0x67: {  	[sflag:s1] =	ssyncset.done $0x0  }
0x68: {  	[sflag:s1] =	ssyncadd.s32 $0xFFFFFF38  }
0x69: {  	[tilespmem:s12], [sflag:$0x1] =	stream.indirect.gather [hbm4b:s3+s23], $0x80, s20, s23, $0xb8;
	[tilespmem:$0x19400] =	vst v63  }
0x6a: {  	_ = 	snop  }
0x6b: {  	[tilespmem:s24], [sflag:$0x3] =	stream.indirect.gather [hbm4b:s3+s23], $0x80, s22, s23, $0xb8;
	[tilespmem:$0x19400] =	vst v63  }
0x6c: {  	_ =	swait.ge [sflag:s7], $0x6400  }
0x6d: {  	[sflag:s7] =	ssyncset.done $0x0  }
0x6e: {  	[sflag:s7] =	ssyncadd.s32 $0xFFFF9C00  }
0x6f: {  	_ =	swait.ge [sflag:s9], $0x6400  }
0x70: {  	[sflag:s9] =	ssyncset.done $0x0  }
0x71: {  	s15 =	simm.s32 $0x0;
	[sflag:s9] =	ssyncadd.s32 $0xFFFF9C00  }
0x72: {  	v6 =	vld [tilespmem:s15+$0x12C00]  }
0x73: {  	v11 =	vld [tilespmem:s15+$0x12C10]  }
0x74: {  	v5 =	vld [tilespmem:s15+$0x12C20]  }
0x75: {  	v4 =	vld [tilespmem:s15+$0x12C30]  }
0x76: {  	v3 =	vld [tilespmem:s15+$0x12C40]  }
0x77: {  	v2 =	vld [tilespmem:s15+$0x12C50]  }
0x78: {  	v1 =	vld [tilespmem:s15+$0x12C60]  }
0x79: {  	v0 =	vld [tilespmem:s15+$0x12C70]  }
0x7a: {  	v12 =	vld [tilespmem:s15+$0x6400]  }
0x7b: {  	v13 =	vld [tilespmem:s15+$0x6410]  }
0x7c: {  	v10 =	vld [tilespmem:s15+$0x6420]  }
0x7d: {  	v9 =	vld [tilespmem:s15+$0x6430]  }
0x7e: {  	v8 =	vld [tilespmem:s15+$0x6440]  }
0x7f: {  	v7 =	vld [tilespmem:s15+$0x6450];
	v12 =	vmul.f32 v6, v12  }
0x80: {  	s14 =	simm.s32 $0x200;
	v11 =	vmul.f32 v11, v13;
	v6 =	vld [tilespmem:s15+$0x6460]  }
.LBB2_5:
0x81: {  	s18 =	sshra.s32 s14, $0x2;
	p0 =	sne.s32 s14, $0x18E00;
	[tilespmem:s15+$0x6400] =	vst v12;
	v5 =	vmul.f32 v5, v10;
	v10 =	vld [tilespmem:s15+$0x6470]  }
0x82: {  	v12 =	vld [tilespmem:s18+$0x12C00];
	[tilespmem:s15+$0x6410] =	vst v11;
	v4 =	vmul.f32 v4, v9  }
0x83: {  	v11 =	vld [tilespmem:s18+$0x12C10];
	[tilespmem:s15+$0x6420] =	vst v5;
	v3 =	vmul.f32 v3, v8  }
0x84: {  	v5 =	vld [tilespmem:s18+$0x12C20];
	[tilespmem:s15+$0x6430] =	vst v4;
	v2 =	vmul.f32 v2, v7  }
0x85: {  	v4 =	vld [tilespmem:s18+$0x12C30];
	[tilespmem:s15+$0x6440] =	vst v3;
	v1 =	vmul.f32 v1, v6  }
0x86: {  	v3 =	vld [tilespmem:s18+$0x12C40];
	[tilespmem:s15+$0x6450] =	vst v2;
	v0 =	vmul.f32 v0, v10  }
0x87: {  	v2 =	vld [tilespmem:s18+$0x12C50];
	[tilespmem:s15+$0x6460] =	vst v1  }
0x88: {  	v1 =	vld [tilespmem:s18+$0x12C60];
	[tilespmem:s15+$0x6470] =	vst v0;
	s15 =	smov.u32 s18  }
0x89: {  	v0 =	vld [tilespmem:s15+$0x12C70]  }
0x8a: {  	v6 =	vld [tilespmem:s15+$0x6400]  }
0x8b: {  	v13 =	vld [tilespmem:s15+$0x6410]  }
.Ltmp1:
0x8c: {  	v10 =	vld [tilespmem:s15+$0x6420];
	(pc) =	sbr.rel @p0 .LBB2_5-.Ltmp1, $4  }
0x8d: {  	v9 =	vld [tilespmem:s15+$0x6430]  }
0x8e: {  	v8 =	vld [tilespmem:s15+$0x6440]  }
0x8f: {  	v12 =	vmul.f32 v12, v6;
	v7 =	vld [tilespmem:s15+$0x6450]  }
0x90: {  	s14 =	sadd.s32 $0x200, s14;
	v11 =	vmul.f32 v11, v13;
	v6 =	vld [tilespmem:s15+$0x6460]  }
0x91: {  	[tilespmem:s15+$0x6400] =	vst v12;
	v5 =	vmul.f32 v5, v10;
	v10 =	vld [tilespmem:s15+$0x6470]  }
0x92: {  	[tilespmem:s15+$0x6410] =	vst v11;
	v4 =	vmul.f32 v4, v9  }
0x93: {  	[tilespmem:s15+$0x6420] =	vst v5;
	v3 =	vmul.f32 v3, v8  }
0x94: {  	s14 =	smul.u32 $0x190, s13;
	[tilespmem:s15+$0x6430] =	vst v4;
	v2 =	vmul.f32 v2, v7  }
0x95: {  	[tilespmem:s15+$0x6440] =	vst v3;
	v1 =	vmul.f32 v1, v6  }
0x96: {  	s18 =	sadd.s32 s14, s8;
	[tilespmem:s15+$0x6450] =	vst v2;
	v0 =	vmul.f32 v0, v10  }
0x97: {  	s18 =	sshll.u32 s18, $0x4;
	[tilespmem:s15+$0x6460] =	vst v1  }
0x98: {  	s19 =	sadd.s32 s6, s18;
	s18 =	simm.s32 $0x0;
	[tilespmem:s15+$0x6470] =	vst v0  }
0x99: {  	[hbm4b:s19+s18] =	stream.linear.scatter [tilespmem:s29], [sflag:$0x7], $0x6400, $0x38;
	[tilespmem:$0x19400] =	vst v63  }
0x9a: {  	s19 =	sadd.s32 s14, s16;
	_ =	swait.ge [sflag:s21], $0x6400  }
0x9b: {  	s15 =	sshrl.u32 s19, $0x3;
	[sflag:s21] =	ssyncset.done $0x0  }
0x9c: {  	s19 =	sadd.s32 s4, s15;
	[sflag:s21] =	ssyncadd.s32 $0xFFFF9C00  }
0x9d: {  	[tilespmem:s25], [sflag:$0x6] =	stream.linear.gather [hbm4b:s19+s18], $0xC8, $0x38;
	[tilespmem:$0x19400] =	vst v63  }
0x9e: {  	s15 =	sadd.s32 s5, s15  }
0x9f: {  	[tilespmem:s26], [sflag:$0x6] =	stream.linear.gather [hbm4b:s15+s18], $0xC8, $0x38;
	[tilespmem:$0x19400] =	vst v63  }
0xa0: {  	_ =	swait.ge [sflag:s28], $0xC8  }
0xa1: {  	[sflag:s28] =	ssyncset.done $0x0  }
0xa2: {  	[sflag:s28] =	ssyncadd.s32 $0xFFFFFF38  }
0xa3: {  	_ =	swait.ge [sflag:s28], $0xC8  }
0xa4: {  	[sflag:s28] =	ssyncset.done $0x0  }
0xa5: {  	[sflag:s28] =	ssyncadd.s32 $0xFFFFFF38  }
0xa6: {  	[tilespmem:s29], [sflag:$0x2] =	stream.indirect.gather [hbm4b:s3+s23], $0x80, s25, s23, $0xb8;
	[tilespmem:$0x19400] =	vst v63  }
0xa7: {  	_ = 	snop  }
0xa8: {  	[tilespmem:s30], [sflag:$0x4] =	stream.indirect.gather [hbm4b:s3+s23], $0x80, s26, s23, $0xb8;
	[tilespmem:$0x19400] =	vst v63  }
0xa9: {  	_ =	swait.ge [sflag:s31], $0x6400  }
0xaa: {  	[sflag:s31] =	ssyncset.done $0x0  }
0xab: {  	[sflag:s31] =	ssyncadd.s32 $0xFFFF9C00  }
0xac: {  	_ =	swait.ge [sflag:s0], $0x6400  }
0xad: {  	[sflag:s0] =	ssyncset.done $0x0  }
0xae: {  	s15 =	simm.s32 $0x0;
	[sflag:s0] =	ssyncadd.s32 $0xFFFF9C00  }
0xaf: {  	v7 =	vld [tilespmem:s15+$0xC800]  }
0xb0: {  	v11 =	vld [tilespmem:s15+$0xC810]  }
0xb1: {  	v5 =	vld [tilespmem:s15+$0xC820]  }
0xb2: {  	v4 =	vld [tilespmem:s15+$0xC830]  }
0xb3: {  	v3 =	vld [tilespmem:s15+$0xC840]  }
0xb4: {  	v2 =	vld [tilespmem:s15+$0xC850]  }
0xb5: {  	v1 =	vld [tilespmem:s15+$0xC860]  }
0xb6: {  	v0 =	vld [tilespmem:s15+$0xC870]  }
0xb7: {  	v12 =	vld [tilespmem:s15+$0x0]  }
0xb8: {  	v13 =	vld [tilespmem:s15+$0x10]  }
0xb9: {  	v10 =	vld [tilespmem:s15+$0x20]  }
0xba: {  	v9 =	vld [tilespmem:s15+$0x30]  }
0xbb: {  	v8 =	vld [tilespmem:s15+$0x40]  }
0xbc: {  	v6 =	vld [tilespmem:s15+$0x50];
	v12 =	vmul.f32 v7, v12  }
0xbd: {  	s18 =	simm.s32 $0x200;
	v11 =	vmul.f32 v11, v13;
	v7 =	vld [tilespmem:s15+$0x60]  }
.LBB2_7:
0xbe: {  	s19 =	sshra.s32 s18, $0x2;
	p0 =	sne.s32 s18, $0x18E00;
	[tilespmem:s15+$0x0] =	vst v12;
	v5 =	vmul.f32 v5, v10;
	v10 =	vld [tilespmem:s15+$0x70]  }
0xbf: {  	v12 =	vld [tilespmem:s19+$0xC800];
	[tilespmem:s15+$0x10] =	vst v11;
	v4 =	vmul.f32 v4, v9  }
0xc0: {  	v11 =	vld [tilespmem:s19+$0xC810];
	[tilespmem:s15+$0x20] =	vst v5;
	v3 =	vmul.f32 v3, v8  }
0xc1: {  	v5 =	vld [tilespmem:s19+$0xC820];
	[tilespmem:s15+$0x30] =	vst v4;
	v2 =	vmul.f32 v2, v6  }
0xc2: {  	v4 =	vld [tilespmem:s19+$0xC830];
	[tilespmem:s15+$0x40] =	vst v3;
	v1 =	vmul.f32 v1, v7  }
0xc3: {  	v3 =	vld [tilespmem:s19+$0xC840];
	[tilespmem:s15+$0x50] =	vst v2;
	v0 =	vmul.f32 v0, v10  }
0xc4: {  	v2 =	vld [tilespmem:s19+$0xC850];
	[tilespmem:s15+$0x60] =	vst v1  }
0xc5: {  	v1 =	vld [tilespmem:s19+$0xC860];
	[tilespmem:s15+$0x70] =	vst v0;
	s15 =	smov.u32 s19  }
0xc6: {  	v0 =	vld [tilespmem:s15+$0xC870]  }
0xc7: {  	v6 =	vld [tilespmem:s15+$0x0]  }
0xc8: {  	v7 =	vld [tilespmem:s15+$0x10]  }
.Ltmp2:
0xc9: {  	v10 =	vld [tilespmem:s15+$0x20];
	(pc) =	sbr.rel @p0 .LBB2_7-.Ltmp2, $4  }
0xca: {  	v9 =	vld [tilespmem:s15+$0x30]  }
0xcb: {  	v8 =	vld [tilespmem:s15+$0x40]  }
0xcc: {  	v12 =	vmul.f32 v12, v6;
	v6 =	vld [tilespmem:s15+$0x50]  }
0xcd: {  	s18 =	sadd.s32 $0x200, s18;
	v11 =	vmul.f32 v11, v7;
	v7 =	vld [tilespmem:s15+$0x60]  }
0xce: {  	[tilespmem:s15+$0x0] =	vst v12;
	v5 =	vmul.f32 v5, v10;
	v63 =	vld [tilespmem:s15+$0x70]  }
0xcf: {  	[tilespmem:s15+$0x10] =	vst v11;
	v4 =	vmul.f32 v4, v9  }
0xd0: {  	[tilespmem:s15+$0x20] =	vst v5;
	v3 =	vmul.f32 v3, v8  }
0xd1: {  	[tilespmem:s15+$0x30] =	vst v4;
	v2 =	vmul.f32 v2, v6  }
0xd2: {  	[tilespmem:s15+$0x40] =	vst v3;
	v1 =	vmul.f32 v1, v7  }
0xd3: {  	s18 =	sadd.s32 s14, s11;
	[tilespmem:s15+$0x50] =	vst v2;
	v0 =	vmul.f32 v0, v63  }
0xd4: {  	p0 =	seq.s32 s13, $0x17;
	s18 =	sshll.u32 s18, $0x4;
	[tilespmem:s15+$0x60] =	vst v1  }
.Ltmp3:
0xd5: {  	s19 =	sadd.s32 s6, s18;
	[tilespmem:s15+$0x70] =	vst v0;
	(pc) =	sbr.rel @p0 .LBB2_10-.Ltmp3, $4  }
0xd6: {  	[hbm4b:s19+s2] =	stream.linear.scatter [tilespmem:s2], [sflag:$0x7], $0x6400, $0x38;
	[tilespmem:$0x19400] =	vst v63  }
0xd7: {  	_ =	swait.ge [sflag:s21], $0x6400  }
0xd8: {  	[sflag:s21] =	ssyncset.done $0x0  }
0xd9: {  	[sflag:s21] =	ssyncadd.s32 $0xFFFF9C00  }
0xda: {  	s14 =	sadd.s32 s14, s17  }
.Ltmp4:
0xdb: {  	s14 =	sshrl.u32 s14, $0x3;
	(pc) =	sbr.rel .LBB2_4-.Ltmp4, $4  }
0xdc: {  	s15 =	sadd.s32 s4, s14  }
0xdd: {  	[tilespmem:s20], [sflag:$0x5] =	stream.linear.gather [hbm4b:s15+s2], $0xC8, $0x38;
	[tilespmem:$0x19400] =	vst v63  }
0xde: {  	s13 =	sadd.s32 $0x1, s13;
	s14 =	sadd.s32 s5, s14  }
0xdf: {  	[tilespmem:s22], [sflag:$0x5] =	stream.linear.gather [hbm4b:s14+s2], $0xC8, $0x38;
	[tilespmem:$0x19400] =	vst v63  }
.LBB2_10:
0xe0: {  	_ =	swait.ge [sflag:s7], $0x6400  }
0xe1: {  	[sflag:s7] =	ssyncset.done $0x0  }
0xe2: {  	[sflag:s7] =	ssyncadd.s32 $0xFFFF9C00  }
0xe3: {  	_ =	swait.ge [sflag:s9], $0x6400  }
0xe4: {  	[sflag:s9] =	ssyncset.done $0x0  }
0xe5: {  	s12 =	simm.s32 $0x0;
	[sflag:s9] =	ssyncadd.s32 $0xFFFF9C00  }
0xe6: {  	v7 =	vld [tilespmem:s12+$0x12C00]  }
0xe7: {  	v11 =	vld [tilespmem:s12+$0x12C10]  }
0xe8: {  	v5 =	vld [tilespmem:s12+$0x12C20]  }
0xe9: {  	v4 =	vld [tilespmem:s12+$0x12C30]  }
0xea: {  	v3 =	vld [tilespmem:s12+$0x12C40]  }
0xeb: {  	v2 =	vld [tilespmem:s12+$0x12C50]  }
0xec: {  	v1 =	vld [tilespmem:s12+$0x12C60]  }
0xed: {  	v0 =	vld [tilespmem:s12+$0x12C70]  }
0xee: {  	v12 =	vld [tilespmem:s12+$0x6400]  }
0xef: {  	v13 =	vld [tilespmem:s12+$0x6410]  }
0xf0: {  	v10 =	vld [tilespmem:s12+$0x6420]  }
0xf1: {  	v9 =	vld [tilespmem:s12+$0x6430]  }
0xf2: {  	v8 =	vld [tilespmem:s12+$0x6440]  }
0xf3: {  	v6 =	vld [tilespmem:s12+$0x6450];
	v12 =	vmul.f32 v7, v12  }
0xf4: {  	s13 =	simm.s32 $0x200;
	v11 =	vmul.f32 v11, v13;
	v7 =	vld [tilespmem:s12+$0x6460]  }
.LBB2_11:
0xf5: {  	s14 =	sshra.s32 s13, $0x2;
	p0 =	sne.s32 s13, $0x18E00;
	[tilespmem:s12+$0x6400] =	vst v12;
	v5 =	vmul.f32 v5, v10;
	v10 =	vld [tilespmem:s12+$0x6470]  }
0xf6: {  	v12 =	vld [tilespmem:s14+$0x12C00];
	[tilespmem:s12+$0x6410] =	vst v11;
	v4 =	vmul.f32 v4, v9  }
0xf7: {  	v11 =	vld [tilespmem:s14+$0x12C10];
	[tilespmem:s12+$0x6420] =	vst v5;
	v3 =	vmul.f32 v3, v8  }
0xf8: {  	v5 =	vld [tilespmem:s14+$0x12C20];
	[tilespmem:s12+$0x6430] =	vst v4;
	v2 =	vmul.f32 v2, v6  }
0xf9: {  	v4 =	vld [tilespmem:s14+$0x12C30];
	[tilespmem:s12+$0x6440] =	vst v3;
	v1 =	vmul.f32 v1, v7  }
0xfa: {  	v3 =	vld [tilespmem:s14+$0x12C40];
	[tilespmem:s12+$0x6450] =	vst v2;
	v0 =	vmul.f32 v0, v10  }
0xfb: {  	v2 =	vld [tilespmem:s14+$0x12C50];
	[tilespmem:s12+$0x6460] =	vst v1  }
0xfc: {  	v1 =	vld [tilespmem:s14+$0x12C60];
	[tilespmem:s12+$0x6470] =	vst v0;
	s12 =	smov.u32 s14  }
0xfd: {  	v0 =	vld [tilespmem:s12+$0x12C70]  }
0xfe: {  	v6 =	vld [tilespmem:s12+$0x6400]  }
0xff: {  	v7 =	vld [tilespmem:s12+$0x6410]  }
.Ltmp5:
0x100: {  	v10 =	vld [tilespmem:s12+$0x6420];
	(pc) =	sbr.rel @p0 .LBB2_11-.Ltmp5, $4  }
0x101: {  	v9 =	vld [tilespmem:s12+$0x6430]  }
0x102: {  	v8 =	vld [tilespmem:s12+$0x6440]  }
0x103: {  	v12 =	vmul.f32 v12, v6;
	v6 =	vld [tilespmem:s12+$0x6450]  }
0x104: {  	s13 =	sadd.s32 $0x200, s13;
	v11 =	vmul.f32 v11, v7;
	v7 =	vld [tilespmem:s12+$0x6460]  }
0x105: {  	[tilespmem:s12+$0x6400] =	vst v12;
	v5 =	vmul.f32 v5, v10;
	v63 =	vld [tilespmem:s12+$0x6470]  }
0x106: {  	[tilespmem:s12+$0x6410] =	vst v11;
	v4 =	vmul.f32 v4, v9  }
0x107: {  	[tilespmem:s12+$0x6420] =	vst v5;
	v3 =	vmul.f32 v3, v8  }
0x108: {  	[tilespmem:s12+$0x6430] =	vst v4;
	v2 =	vmul.f32 v2, v6  }
0x109: {  	[tilespmem:s12+$0x6440] =	vst v3;
	v1 =	vmul.f32 v1, v7  }
0x10a: {  	[tilespmem:s12+$0x6450] =	vst v2;
	v0 =	vmul.f32 v0, v63  }
0x10b: {  	[tilespmem:s12+$0x6460] =	vst v1  }
0x10c: {  	s18 =	rddreg [dreg:$0x9];
	[tilespmem:s12+$0x6470] =	vst v0  }
0x10d: {  	[hbm4b:s18+s2] =	stream.linear.scatter [tilespmem:s29], [sflag:$0x7], $0x6400, $0x38;
	[tilespmem:$0x19400] =	vst v63  }
0x10e: {  	_ =	swait.ge [sflag:s21], $0x6400  }
0x10f: {  	s10 =	sadd.s32 $0x1, s10;
	s19 =	rddreg [dreg:$0xa]  }
0x110: {  	p0 =	sne.s32 s10, s19  }
.Ltmp6:
0x111: {  	_ = 	snop;
	(pc) =	sbr.rel @p0 .LBB2_1-.Ltmp6, $3  }
0x112: {  	_ =	sdelay $0x1  }
0x113: {  	[sflag:s21] =	ssyncset.done $0x0  }
0x114: {  	[sflag:s21] =	ssyncadd.s32 $0xFFFF9C00  }
0x115: {  	_ =	sfence.sel $0x180000  }
0x116: {  	[bflag:$0x0] =	sbarrier.arrive $0xFFFF  }
0x117: {  	_ =	strace $0x90000050  }
0x118: {  	s0 =	stileid.u32;
	[bflag:$0x2] =	sbarrier.arrive $0xFFFF  }
0x119: {  	p0 =	sne.s32 s0, $0x0;
	s0 =	rddreg [dreg:$0x1]  }
0x11a: {  	s0 =	sadd.s32 @!p0 $0x100000, s0  }
0x11b: {  	[sflag:s0] =	ssyncadd.tile.s32 @!p0 $0x1;
	_ =	shalt  }
.Lfunc_end2:
_tile_overlayer_lowered:
.L_overlay_start_2:
0x11c: {  	(tag) =	ssettag $0x2  }
0x11d: {  	s0 =	rddreg [dreg:$0x0];
	s2 =	stileid.u32  }
0x11e: {  	s1 =	rddreg [dreg:$0x1];
	p0 =	sne.s32 s2, $0x0  }
0x11f: {  	s3 =	rddreg [dreg:$0x2];
	[bflag:$0x3] =	sbarrier.arrive $0xFFFF;
	s2 =	simm.s32 @!p0 $0x1C07  }
0x120: {  	[timem:s3], [sflag:s2] =	dma.local @!p0 [hbm:s0], s1  }
0x121: {  	s0 =	simm.s32 @!p0 $0x7  }
0x122: {  	_ =	swait.ge @!p0 [sflag:s0], s1  }
0x123: {  	s1 =	ssub.s32 @!p0 $0x0, s1;
	[sflag:s0] =	ssyncset.done @!p0 $0x0  }
0x124: {  	[sflag:s0] =	ssyncadd.s32 @!p0 s1  }
0x125: {  	[bflag:$0x3] =	sbarrier.arrive $0xFFFF  }
0x126: {  	_ =	shalt  }

// kernel: kernel.25.cloned.1.call-start
scs
__scs_entry_jumppad:
0x0: {  	(pc) =	sbr.rel $0x88, $3  }
0x1: {  	(tag) =	ssettag $0x0;
	lr =	simm.s32 $0x1  }
0x2: {  	[smem:$0x3F81] =	sst lr;
	_ =	strace $0xD0000000  }
0x3: {  	_ = 	snop  }
0x4: {  	_ = 	snop  }
0x5: {  	_ = 	snop  }
0x6: {  	_ = 	snop  }
0x7: {  	_ = 	snop  }
__scs_overlays_trampoline_lowered:
0x8: {  	[smem:$0x3F90] =	sst s0  }
0x9: {  	[smem:$0x3F91] =	sst s1  }
0xa: {  	[smem:$0x3F92] =	sst s2  }
0xb: {  	[smem:$0x3F93] =	sst s3  }
0xc: {  	[smem:$0x3F94] =	sst s4  }
0xd: {  	[smem:$0x3F95] =	sst s5  }
0xe: {  	[smem:$0x3F96] =	sst s6  }
0xf: {  	[smem:$0x3F97] =	sst s7  }
0x10: {  	[smem:$0x3F98] =	sst s8  }
0x11: {  	[smem:$0x3F99] =	sst s9;
	s0 =	simm.s32 @!p0 $0x0  }
0x12: {  	s1 =	sld [smem:$0x3F7F];
	s0 =	simm.s32 @p0 $0x1  }
0x13: {  	[smem:$0x3F9A] =	sst s0;
	s0 =	simm.s32 @!p1 $0x0  }
0x14: {  	s2 =	sld [smem:$0x3F7E];
	s0 =	simm.s32 @p1 $0x1  }
0x15: {  	[smem:$0x3F9B] =	sst s0;
	s0 =	simm.s32 @!p2 $0x0  }
0x16: {  	s3 =	sld [smem:$0x3FDB];
	s0 =	simm.s32 @p2 $0x1  }
0x17: {  	s4 =	simm.s32 $0x1BF5;
	[smem:$0x3F9D] =	sst s0  }
0x18: {  	s0 =	sld [smem:$0x3F80];
	_ =	swait.ge [sflag:s4], $0x0  }
0x19: {  	s7 =	sld [smem:$0x3F81]  }
0x1a: {  	s8 =	sadd.s32 $0xFFFFE003, lr  }
0x1b: {  	s9 =	sadd.s32 $0xFFFFFEF7, lr;
	s5 =	simm.s32 $0xFFFFFFFF;
	p2 =	slt.u32 s8, $0xFFFFF086  }
0x1c: {  	p1 =	slt.u32 s9, $0xF7A;
	s5 =	simm.s32 @!p2 $0x0  }
0x1d: {  	s5 =	simm.s32 @p1 $0x1;
	p0 =	seq.s32 s7, s2  }
0x1e: {  	s7 =	smul.u32 @!p0 $0xF7A, s2;
	p2 =	seq.s32 @!p0 s5, $0x0  }
0x1f: {  	s9 =	smul.u32 $0xF7A, s1;
	s8 =	simm.s32 @!p0 $0x1BF5;
	p2 =	por !p2, p0  }
0x20: {  	[sflag:s8] =	ssyncset.s32 @!p0 $0xFFFFF086;
	s6 =	sadd.s32 @!p0 s3, s7;
	s7 =	simm.s32 @!p0 $0x108  }
0x21: {  	s3 =	sadd.s32 s3, s9;
	s6 =	sadd.s32 @!p0 $0x88, s6;
	s7 =	simm.s32 @p2 $0x1082  }
0x22: {  	[simem:s7], [sflag:s8] =	dma.local @!p0 [hbm:s6], $0xF7A  }
0x23: {  	s9 =	sor.u32 $0xD0000000, s2;
	s6 =	simm.s32 $0x108;
	_ =	swait.ge @!p0 [sflag:s8], $0x0  }
0x24: {  	s3 =	sadd.s32 $0x88, s3;
	s6 =	simm.s32 @!p1 $0x1082;
	[sflag:s4] =	ssyncset.s32 $0xFFFFF086  }
0x25: {  	[simem:s6], [sflag:s4] =	dma.local [hbm:s3], $0xF7A  }
0x26: {  	[smem:$0x3F81] =	sst s1;
	(tag) =	ssettag s2;
	_ =	strace s9  }
0x27: {  	s1 =	sld [smem:$0x3F91]  }
0x28: {  	s2 =	sld [smem:$0x3F92]  }
0x29: {  	s4 =	sld [smem:$0x3F94]  }
0x2a: {  	p0 =	seq.s32 s5, $0x0;
	s5 =	sld [smem:$0x3F95]  }
0x2b: {  	s6 =	sld [smem:$0x3F96]  }
0x2c: {  	s7 =	sld [smem:$0x3F97]  }
0x2d: {  	s3 =	simm.s32 $0x108;
	s8 =	sld [smem:$0x3F98]  }
0x2e: {  	s3 =	simm.s32 @!p0 $0x1082;
	s9 =	sld [smem:$0x3F99]  }
0x2f: {  	lr =	sadd.s32 s0, s3;
	s0 =	sld [smem:$0x3F90]  }
0x30: {  	s3 =	sld [smem:$0x3F93]  }
0x31: {  	[smem:$0x3F9C] =	sst s10  }
0x32: {  	s10 =	sld [smem:$0x3F9A];
	_ =	sdelay $0x3  }
0x33: {  	p0 =	seq.s32 s10, $0x1;
	s10 =	sld [smem:$0x3F9C];
	_ =	sdelay $0x3  }
0x34: {  	[smem:$0x3F9C] =	sst s10  }
0x35: {  	s10 =	sld [smem:$0x3F9B];
	_ =	sdelay $0x3  }
0x36: {  	p1 =	seq.s32 s10, $0x1;
	s10 =	sld [smem:$0x3F9C];
	_ =	sdelay $0x3  }
0x37: {  	[smem:$0x3F9C] =	sst s10  }
0x38: {  	s10 =	sld [smem:$0x3F9D]  }
0x39: {  	_ = 	snop;
	(pc) =	sbr.ind lr, $3  }
0x3a: {  	_ = 	snop  }
0x3b: {  	_ = 	snop  }
0x3c: {  	p2 =	seq.s32 s10, $0x1;
	s10 =	sld [smem:$0x3F9C]  }
0x3d: {  	_ =	shalt  }
0x3e: {  	_ =	shalt  }
0x3f: {  	_ =	shalt  }
0x40: {  	_ =	shalt  }
0x41: {  	_ =	shalt  }
0x42: {  	_ =	shalt  }
0x43: {  	_ =	shalt  }
0x44: {  	_ =	shalt  }
0x45: {  	_ =	shalt  }
0x46: {  	_ =	shalt  }
0x47: {  	_ =	shalt  }
0x48: {  	_ =	shalt  }
0x49: {  	_ =	shalt  }
0x4a: {  	_ =	shalt  }
0x4b: {  	_ =	shalt  }
0x4c: {  	_ =	shalt  }
0x4d: {  	_ =	shalt  }
0x4e: {  	_ =	shalt  }
0x4f: {  	_ =	shalt  }
0x50: {  	_ =	shalt  }
0x51: {  	_ =	shalt  }
0x52: {  	_ =	shalt  }
0x53: {  	_ =	shalt  }
0x54: {  	_ =	shalt  }
0x55: {  	_ =	shalt  }
0x56: {  	_ =	shalt  }
0x57: {  	_ =	shalt  }
0x58: {  	_ =	shalt  }
0x59: {  	_ =	shalt  }
0x5a: {  	_ =	shalt  }
0x5b: {  	_ =	shalt  }
0x5c: {  	_ =	shalt  }
0x5d: {  	_ =	shalt  }
0x5e: {  	_ =	shalt  }
0x5f: {  	_ =	shalt  }
0x60: {  	_ =	shalt  }
0x61: {  	_ =	shalt  }
0x62: {  	_ =	shalt  }
0x63: {  	_ =	shalt  }
0x64: {  	_ =	shalt  }
0x65: {  	_ =	shalt  }
0x66: {  	_ =	shalt  }
0x67: {  	_ =	shalt  }
0x68: {  	_ =	shalt  }
0x69: {  	_ =	shalt  }
0x6a: {  	_ =	shalt  }
0x6b: {  	_ =	shalt  }
0x6c: {  	_ =	shalt  }
0x6d: {  	_ =	shalt  }
0x6e: {  	_ =	shalt  }
0x6f: {  	_ =	shalt  }
0x70: {  	_ =	shalt  }
0x71: {  	_ =	shalt  }
0x72: {  	_ =	shalt  }
0x73: {  	_ =	shalt  }
0x74: {  	_ =	shalt  }
0x75: {  	_ =	shalt  }
0x76: {  	_ =	shalt  }
0x77: {  	_ =	shalt  }
0x78: {  	_ =	shalt  }
0x79: {  	_ =	shalt  }
0x7a: {  	_ =	shalt  }
0x7b: {  	_ =	shalt  }
0x7c: {  	_ =	shalt  }
0x7d: {  	_ =	shalt  }
0x7e: {  	_ =	shalt  }
0x7f: {  	_ =	shalt  }
0x80: {  	_ =	shalt  }
0x81: {  	_ =	shalt  }
0x82: {  	_ =	shalt  }
0x83: {  	_ =	shalt  }
0x84: {  	_ =	shalt  }
0x85: {  	_ =	shalt  }
0x86: {  	_ =	shalt  }
0x87: {  	_ =	shalt  }
.Lfunc_end0:
.L_simem_size_0:
called_computation.4_lowered:
.L_overlay_start_0:
0x88: {  	s2 =	sld [smem:$0x3FD9]  }
0x89: {  	s3 =	sld [smem:$0x3FFE];
	_ =	sdelay $0x1  }
0x8a: {  	s1 =	srdreg.scid  }
0x8b: {  	s0 =	sand.u32 $0x1, s1  }
0x8c: {  	s16 =	sshll.u32 s0, $0xA;
	s2 =	sadd.s32 s3, s2  }
0x8d: {  	s2 =	sadd.s32 s2, s16  }
0x8e: {  	[smem:$0x3FA8] =	sst s2  }
0x8f: {  	_ = 	snop  }
0x90: {  	(tm) =	ssettm $0x1  }
0x91: {  	s17 =	sld [smem:$0x3FFB];
	_ =	sdelay $0x3  }
0x92: {  	_ =	strace s17  }
0x93: {  	s2 =	sld [smem:$0x3FFC];
	_ =	sdelay $0x3  }
0x94: {  	_ =	strace s2  }
0x95: {  	s2 =	sld [smem:$0x3FFD];
	_ =	sdelay $0x3  }
0x96: {  	_ =	strace s2  }
0x97: {  	_ =	strace $0x8FFFFFFF  }
0x98: {  	s18 =	sld [smem:$0x3FDB];
	_ =	sdelay $0x1  }
0x99: {  	s19 =	simm.s32 $_scs_section_size  }
0x9a: {  	s4 =	simm.s32 $_size__tile_overlayer_lowered;
	s5 =	simm.s32 $_tile_overlayer_lowered  }
0x9b: {  	s22 =	simm.s32 $0x1BFF;
	s21 =	sshll.u32 s5, $0x1;
	s2 =	sadd.s32 s19, s18  }
0x9c: {  	s6 =	simm.s32 $0x0;
	s20 =	sshll.u32 s4, $0x1;
	s4 =	sadd.s32 s21, s2  }
0x9d: {  	[timem:s6], [sflag:s22] =	dma.local [hbm:s4], s20  }
0x9e: {  	_ =	swait.ge [sflag:s22], s20  }
0x9f: {  	s3 =	ssub.s32 $0x0, s20;
	[sflag:s22] =	ssyncset.done $0x0  }
0xa0: {  	[sflag:s22] =	ssyncadd.s32 s3;
	_ =	sdelay $0x1  }
0xa1: {  	s23 =	simm.s32 $0x1B8B  }
0xa2: {  	_ =	swait.ge [sflag:s23], $0x1  }
0xa3: {  	[sflag:s23] =	ssyncset.done $0x0  }
0xa4: {  	s25 =	simm.s32 $0x1B8E;
	s24 =	sld [smem:$0x3FFE];
	[sflag:s23] =	ssyncadd.s32 $0xFFFFFFFF  }
0xa5: {  	s26 =	simm.s32 $execute0_lowered;
	[smem:$0x3FD2] =	sst s25  }
0xa6: {  	s4 =	sshll.u32 s26, $0x1;
	_ =	strace $0x80000052;
	[dreg:$0x1] =	wrdreg $0xFFFFFFFF  }
0xa7: {  	s28 =	simm.s32 $_size_execute0_lowered;
	s2 =	sadd.s32 s2, s4;
	[dreg:$0x0] =	wrdreg $0x0  }
0xa8: {  	s4 =	sshll.u32 s28, $0x1;
	[dreg:$0x2] =	wrdreg s2  }
0xa9: {  	[dreg:$0x3] =	wrdreg s4  }
0xaa: {  	[dreg:$0x4] =	wrdreg $0xC0  }
0xab: {  	_ =	task [dreg:s6], $0x5FFFF  }
0xac: {  	[dreg:$0x1] =	wrdreg $0xFFFFFFFF  }
0xad: {  	[dreg:$0x0] =	wrdreg $0x60  }
0xae: {  	[dreg:$0x2] =	wrdreg s24  }
0xaf: {  	[dreg:$0x3] =	wrdreg $0x9  }
0xb0: {  	_ =	task.clear_ibuf [dreg:s6], $0x4FFFF;
	_ =	strace $0x90000052  }
0xb1: {  	s29 =	simm.s32 $0x9;
	_ =	strace $0x80000054  }
0xb2: {  	_ =	swait.ge [sflag:s29], $0x1  }
0xb3: {  	[sflag:s29] =	ssyncadd.s32 $0xFFFFFFFF  }
0xb4: {  	_ =	strace $0x90000054  }
0xb5: {  	_ =	sfence  }
0xb6: {  	s30 =	sld [smem:$0x0];
	_ =	sdelay $0x2  }
0xb7: {  	s31 =	sshll.u32 s1, $0xD;
	s1 =	sshrl.u32 s1, $0x2  }
0xb8: {  	s3 =	sand.u32 $0x4000, s31;
	s1 =	sadd.s32 s1, s30  }
0xb9: {  	s0 =	sor.u32 s3, s0;
	s1 =	sshll.u32 s1, $0x11  }
0xba: {  	s0 =	sor.u32 s1, s0  }
0xbb: {  	s0 =	sadd.s32 $0x8F2B, s0  }
0xbc: {  	[sflag:s0] =	ssyncadd.remote.s32 $0x1  }
0xbd: {  	_ =	sfence.sel $0xFFFF  }
0xbe: {  	[dreg:$0x0] =	wrdreg $0xFFFFFFFF;
	(pc) =	sbr.abs _section_cstart, $3  }
0xbf: {  	[dreg:$0x1] =	wrdreg $0xFFFFFFFF  }
0xc0: {  	_ =	task.clear_ibuf [dreg:s6], $0x2FFFF;
	_ =	strace $0x9FFFFFFF  }
0xc1: {  	(tm) =	ssettm $0x7FFFFFFF  }
tec
execute0_lowered:
.L_overlay_start_1:
0x0: {  	(tag) =	ssettag $0x1  }
0x1: {  	s8 =	rddreg [dreg:$0x0]  }
0x2: {  	s0 =	rddreg [dreg:$0x1]  }
0x3: {  	s3 =	srdreg.scid;
	s1 =	stileid.u32  }
0x4: {  	s2 =	simm.s32 $0x0;
	s13 =	simm.s32 $0xA200;
	s14 =	simm.s32 $0xA400  }
0x5: {  	s15 =	simm.s32 $0xA600;
	s16 =	simm.s32 $0xA800;
	s17 =	simm.s32 $0x80  }
0x6: {  	s18 =	simm.s32 $0x400;
	s19 =	simm.s32 $0x0;
	s6 =	sand.u32 $0x1, s3  }
0x7: {  	s29 =	sshll.u32 s1, $0x1;
	[smem:$0x7FF] =	sst s2;
	s30 =	sshrl.u32 s1, $0x2  }
0x8: {  	s3 =	sadd.s32 $0x6000, s8;
	s4 =	sadd.s32 $0x30000, s8;
	s9 =	sor.u32 s6, s29  }
0x9: {  	_ =	strace $0x80000053;
	s7 =	smul.u32 $0x50000, s30;
	s5 =	sshll.u32 s9, $0x7  }
0xa: {  	s31 =	ssub.s32 $0x2, s6;
	s6 =	sadd.s32 $0x43C00, s8;
	s10 =	sand.u32 $0x380, s5  }
0xb: {  	s12 =	sshrl.u32 s31, $0x1;
	s5 =	sadd.s32 $0x39E00, s8;
	s7 =	sor.u32 s7, s10  }
0xc: {  	s10 =	ssub.s32 s31, s12;
	s12 =	simm.s32 $0x1;
	s11 =	sshrl.u32 s7, $0x3  }
0xd: {  	s7 =	sadd.s32 $0x12600, s8;
	s10 =	smax.u32 s10, $0x1;
	s11 =	sadd.s32 s11, s8  }
0xe: {  	v0 =	vimm.f32 $0.0e+00;
	s8 =	smul.u32 $0x2710, s9;
	s9 =	sadd.s32 $0x4DA00, s11;
	s11 =	simm.s32 $0xA000  }
.LBB2_1:
0xf: {  	s20 =	simm.s32 $0x40;
	s21 =	simm.s32 $0x0  }
.LBB2_2:
0x10: {  	p0 =	sne.s32 s20, $0x27FC0;
	[tilespmem:s21+$0x0] =	vst v0;
	s21 =	smov.u32 s20;
	s20 =	sadd.s32 $0x40, s20  }
.Ltmp0:
0x11: {  	(pc) =	sbr.rel @p0 .LBB2_2-.Ltmp0, $2  }
0x12: {  	_ =	sdelay $0x2  }
0x13: {  	s21 =	sshra.s32 s21, $0x2  }
0x14: {  	[tilespmem:s21+$0x0] =	vst v0;
	s20 =	simm.s32 $0x0;
	s21 =	simm.s32 $0x0  }
.LBB2_4:
0x15: {  	s22 =	smul.u32 $0x190, s21;
	_ =	sdelay $0x1  }
0x16: {  	s22 =	sadd.s32 s8, s22  }
0x17: {  	s22 =	sshrl.u32 s22, $0x3  }
0x18: {  	s23 =	sadd.s32 s3, s22  }
0x19: {  	[tilespmem:s11], [sflag:$0x1] =	stream.linear.gather [hbm4b:s23+s20], $0x190, $0x38;
	[tilespmem:$0xAA00] =	vst v63  }
0x1a: {  	_ =	swait.ge [sflag:s12], $0x190  }
0x1b: {  	[sflag:s12] =	ssyncset.done $0x0  }
0x1c: {  	s28 =	sadd.s32 s4, s22;
	[sflag:s12] =	ssyncadd.s32 $0xFFFFFE70  }
0x1d: {  	[tilespmem:s13], [sflag:$0x1] =	stream.linear.gather [hbm4b:s28+s20], $0x190, $0x38;
	[tilespmem:$0xAA00] =	vst v63  }
0x1e: {  	_ =	swait.ge [sflag:s12], $0x190  }
0x1f: {  	[sflag:s12] =	ssyncset.done $0x0  }
0x20: {  	s29 =	sadd.s32 s5, s22;
	[sflag:s12] =	ssyncadd.s32 $0xFFFFFE70  }
0x21: {  	[tilespmem:s14], [sflag:$0x1] =	stream.linear.gather [hbm4b:s29+s20], $0x190, $0x38;
	[tilespmem:$0xAA00] =	vst v63  }
0x22: {  	_ =	swait.ge [sflag:s12], $0x190  }
0x23: {  	[sflag:s12] =	ssyncset.done $0x0  }
0x24: {  	s30 =	sadd.s32 s6, s22;
	[sflag:s12] =	ssyncadd.s32 $0xFFFFFE70  }
0x25: {  	[tilespmem:s15], [sflag:$0x1] =	stream.linear.gather [hbm4b:s30+s20], $0x190, $0x38;
	[tilespmem:$0xAA00] =	vst v63  }
0x26: {  	_ =	swait.ge [sflag:s12], $0x190  }
0x27: {  	[sflag:s12] =	ssyncset.done $0x0  }
0x28: {  	s22 =	sadd.s32 s7, s22;
	[sflag:s12] =	ssyncadd.s32 $0xFFFFFE70  }
0x29: {  	[tilespmem:s16], [sflag:$0x1] =	stream.linear.gather [hbm4b:s22+s20], $0x190, $0x38;
	[tilespmem:$0xAA00] =	vst v63  }
0x2a: {  	_ =	swait.ge [sflag:s12], $0x190  }
0x2b: {  	[sflag:s12] =	ssyncset.done $0x0  }
0x2c: {  	s31 =	simm.s32 $0x0;
	[sflag:s12] =	ssyncadd.s32 $0xFFFFFE70  }
0x2d: {  	v1 =	vld [tilespmem:s31+$0xA800];
	_ =	sdelay $0x1  }
0x2e: {  	v2 =	vld [tilespmem:s31+$0xA200]  }
0x2f: {  	v3 =	vld [tilespmem:s31+$0xA000];
	_ =	sdelay $0x1  }
0x30: {  	v1 =	vshll.u32 v1, $0x2;
	_ =	sdelay $0x2  }
0x31: {  	v2 =	vmul.f32 v2, v3;
	_ =	sdelay $0x1  }
0x32: {  	[tilespmem:v1+s2+$0x0] =	vst.idx.add.f32.msk $0xffff, v2  }
0x33: {  	v2 =	vld [tilespmem:s31+$0xA400];
	_ =	sdelay $0x1  }
0x34: {  	v4 =	vor.u32 $0x1, v1;
	_ =	sdelay $0x2  }
0x35: {  	v2 =	vmul.f32 v2, v3;
	_ =	sdelay $0x1  }
0x36: {  	[tilespmem:v4+s2+$0x0] =	vst.idx.add.f32.msk $0xffff, v2  }
0x37: {  	v2 =	vld [tilespmem:s31+$0xA600];
	_ =	sdelay $0x1  }
0x38: {  	v1 =	vor.u32 $0x2, v1;
	_ =	sdelay $0x2  }
0x39: {  	s23 =	simm.s32 $0x80;
	s22 =	simm.s32 $0x40;
	v2 =	vmul.f32 v2, v3  }
.LBB2_5:
0x3a: {  	p0 =	sne.s32 s23, $0x600  }
0x3b: {  	s24 =	sshra.s32 s22, $0x2;
	s22 =	smov.u32 s23;
	s23 =	sadd.s32 $0x40, s23;
	[tilespmem:v1+s2+$0x0] =	vst.idx.add.f32.msk $0xffff, v2  }
0x3c: {  	v1 =	vld [tilespmem:s24+$0xA800];
	_ =	sdelay $0x1  }
0x3d: {  	v2 =	vld [tilespmem:s24+$0xA200]  }
0x3e: {  	v3 =	vld [tilespmem:s24+$0xA000];
	_ =	sdelay $0x1  }
0x3f: {  	v1 =	vshll.u32 v1, $0x2;
	_ =	sdelay $0x2  }
0x40: {  	v2 =	vmul.f32 v2, v3;
	_ =	sdelay $0x1  }
0x41: {  	[tilespmem:v1+s2+$0x0] =	vst.idx.add.f32.msk $0xffff, v2  }
0x42: {  	v2 =	vld [tilespmem:s24+$0xA400];
	_ =	sdelay $0x1  }
0x43: {  	v4 =	vor.u32 $0x1, v1;
	_ =	sdelay $0x2  }
0x44: {  	v2 =	vmul.f32 v2, v3;
	_ =	sdelay $0x1  }
0x45: {  	[tilespmem:v4+s2+$0x0] =	vst.idx.add.f32.msk $0xffff, v2  }
0x46: {  	v2 =	vld [tilespmem:s24+$0xA600]  }
.Ltmp1:
0x47: {  	(pc) =	sbr.rel @p0 .LBB2_5-.Ltmp1, $2  }
0x48: {  	v1 =	vor.u32 $0x2, v1;
	_ =	sdelay $0x2  }
0x49: {  	v2 =	vmul.f32 v2, v3  }
0x4a: {  	_ =	sdelay $0x3  }
0x4b: {  	s22 =	sshra.s32 s22, $0x2;
	[tilespmem:v1+s2+$0x0] =	vst.idx.add.f32.msk $0xffff, v2  }
0x4c: {  	v1 =	vld [tilespmem:s22+$0xA800];
	_ =	sdelay $0x1  }
0x4d: {  	v2 =	vld [tilespmem:s22+$0xA200]  }
0x4e: {  	v3 =	vld [tilespmem:s22+$0xA000];
	_ =	sdelay $0x1  }
0x4f: {  	v1 =	vshll.u32 v1, $0x2;
	_ =	sdelay $0x2  }
0x50: {  	v2 =	vmul.f32 v2, v3;
	_ =	sdelay $0x1  }
0x51: {  	[tilespmem:v1+s2+$0x0] =	vst.idx.add.f32.msk $0xffff, v2  }
0x52: {  	v2 =	vld [tilespmem:s22+$0xA400];
	_ =	sdelay $0x1  }
0x53: {  	v4 =	vor.u32 $0x1, v1;
	_ =	sdelay $0x2  }
0x54: {  	v2 =	vmul.f32 v2, v3;
	_ =	sdelay $0x1  }
0x55: {  	[tilespmem:v4+s2+$0x0] =	vst.idx.add.f32.msk $0xffff, v2  }
0x56: {  	v2 =	vld [tilespmem:s22+$0xA600]  }
0x57: {  	s21 =	sadd.s32 $0x1, s21  }
0x58: {  	p0 =	sne.s32 s21, $0x19;
	v1 =	vor.u32 $0x2, v1  }
.Ltmp2:
0x59: {  	_ = 	snop;
	(pc) =	sbr.rel @p0 .LBB2_4-.Ltmp2, $3  }
0x5a: {  	_ = 	snop  }
0x5b: {  	v2 =	vmul.f32 v2, v3;
	_ =	sdelay $0x1  }
0x5c: {  	[tilespmem:v1+s2+$0x0] =	vst.idx.add.f32.msk $0xffff, v2  }
0x5d: {  	s19 =	sadd.s32 $0x1, s19  }
0x5e: {  	p0 =	sne.s32 s19, s10  }
.Ltmp3:
0x5f: {  	_ = 	snop;
	(pc) =	sbr.rel @p0 .LBB2_1-.Ltmp3, $4  }
0x60: {  	[hbm4b:s9+s17] =	stream.strided.scatter [tilespmem:s2], [sflag:$0x1], $0xA000, s18, s17, $0x38;
	[tilespmem:$0xAA00] =	vst v63  }
0x61: {  	_ =	swait.ge [sflag:s12], $0xA000  }
0x62: {  	[sflag:s12] =	ssyncset.done $0x0  }
0x63: {  	[sflag:s12] =	ssyncadd.s32 $0xFFFF6000  }
0x64: {  	_ =	sfence.sel $0x180000  }
0x65: {  	[bflag:$0x0] =	sbarrier.arrive $0xFFFF  }
0x66: {  	p0 =	sne.s32 s1, $0x0;
	_ =	strace $0x90000053  }
0x67: {  	s0 =	sadd.s32 @!p0 $0x100000, s0;
	[bflag:$0x2] =	sbarrier.arrive $0xFFFF  }
0x68: {  	[sflag:s0] =	ssyncadd.tile.s32 @!p0 $0x1;
	_ =	shalt  }
.Lfunc_end2:
_tile_overlayer_lowered:
.L_overlay_start_2:
0x69: {  	(tag) =	ssettag $0x2  }
0x6a: {  	s0 =	rddreg [dreg:$0x0];
	s2 =	stileid.u32  }
0x6b: {  	s1 =	rddreg [dreg:$0x1];
	p0 =	sne.s32 s2, $0x0  }
0x6c: {  	s3 =	rddreg [dreg:$0x2];
	[bflag:$0x3] =	sbarrier.arrive $0xFFFF;
	s2 =	simm.s32 @!p0 $0x1C01  }
0x6d: {  	[timem:s3], [sflag:s2] =	dma.local @!p0 [hbm:s0], s1  }
0x6e: {  	s0 =	simm.s32 @!p0 $0x1  }
0x6f: {  	_ =	swait.ge @!p0 [sflag:s0], s1  }
0x70: {  	s1 =	ssub.s32 @!p0 $0x0, s1;
	[sflag:s0] =	ssyncset.done @!p0 $0x0  }
0x71: {  	[sflag:s0] =	ssyncadd.s32 @!p0 s1  }
0x72: {  	[bflag:$0x3] =	sbarrier.arrive $0xFFFF  }
0x73: {  	_ =	shalt  }

</sc_bundles>
